<compile_context>
chip_gen: v7x
topology: tpu7x:2x2x1
jax: 0.10.2.dev20260603
libtpu: 0.0.44.dev20260713+nightly
codegen_flags: <defaults>
</compile_context>

<pallas_src>
import functools

import jax
import jax.numpy as jnp
from jax import lax
from jax.experimental import pallas as pl
from jax.experimental.pallas import tpu as pltpu
from jax.experimental.pallas import tpu_sc as plsc

N_NODES = 10000
N_EDGES = 320000
NDIM_IN = 128
EDIMS = 16
NDIM_OUT = 128

NUM_CORES = 2
NUM_SUBCORES = 16
NUM_WORKERS = NUM_CORES * NUM_SUBCORES
CHUNK = 80
CPW = N_EDGES // CHUNK // NUM_WORKERS
PAIRS = (CPW - 1) // 2
NPAD = 10240
ROWS_PER_TILE = NPAD // NUM_SUBCORES
ZROWS = 128
DEG_LANE = EDIMS


def _sc_segment_sums(nfeats, ef_flat, src, dst):
  mesh = plsc.VectorSubcoreMesh(core_axis_name="c", subcore_axis_name="s",
                                num_cores=NUM_CORES, num_subcores=NUM_SUBCORES)

  @functools.partial(
      pl.kernel,
      out_type=(
          jax.ShapeDtypeStruct((NUM_CORES, NPAD, NDIM_IN), jnp.float32),
          jax.ShapeDtypeStruct((NUM_CORES, NPAD, NDIM_IN), jnp.float32),
      ),
      mesh=mesh,
      scratch_types=[
          pltpu.VMEM_SHARED((NPAD, NDIM_IN), jnp.float32),
          pltpu.VMEM((CPW * CHUNK,), jnp.int32),
          pltpu.VMEM((CHUNK,), jnp.int32),
          pltpu.VMEM((CHUNK,), jnp.int32),
          pltpu.VMEM((CHUNK, NDIM_IN), jnp.float32),
          pltpu.VMEM((CHUNK, NDIM_IN), jnp.float32),
          pltpu.VMEM((CHUNK * EDIMS,), jnp.float32),
          pltpu.VMEM((CHUNK * EDIMS,), jnp.float32),
          pltpu.SemaphoreType.DMA,
          pltpu.SemaphoreType.DMA,
          pltpu.SemaphoreType.DMA,
          pltpu.SemaphoreType.DMA,
      ],
  )
  def seg(nf_hbm, ef_hbm, src_hbm, dst_hbm, a_out, b_out,
          acc, src_all, idx_d0, idx_d1, rows0, rows1, ebf0, ebf1,
          g0, g1, e0, e1):
    c = lax.axis_index("c")
    s = lax.axis_index("s")
    wid = c * NUM_SUBCORES + s
    zero16 = jnp.zeros((16,), jnp.float32)
    base_r = s * ROWS_PER_TILE
    base = wid * CPW
    CE = CHUNK * EDIMS

    def zero_rows0(i, _):
      for j in range(NDIM_IN // 16):
        rows0[i, pl.ds(j * 16, 16)] = zero16
      return 0

    def zero_acc():
      lax.fori_loop(0, CHUNK, zero_rows0, 0)
      for j in range(ROWS_PER_TILE // CHUNK):
        pltpu.sync_copy(rows0, acc.at[pl.ds(base_r + j * CHUNK, CHUNK)])

    def flush_acc(out_ref):
      for j in range(ROWS_PER_TILE // ZROWS):
        r0 = base_r + j * ZROWS
        pltpu.sync_copy(acc.at[pl.ds(r0, ZROWS)], out_ref.at[c, pl.ds(r0, ZROWS)])

    def wait_gather(dst_buf, sem):
      pltpu.make_async_copy(nf_hbm.at[pl.ds(0, CHUNK)], dst_buf, sem).wait()

    def wait_ef(dst_buf, sem):
      pltpu.make_async_copy(ef_hbm.at[pl.ds(0, CE)], dst_buf, sem).wait()

    def wait_didx(dst_buf, sem):
      pltpu.make_async_copy(dst_hbm.at[pl.ds(0, CHUNK)], dst_buf, sem).wait()

    def start_gather(k, rows_buf, sem):
      pltpu.async_copy(nf_hbm.at[src_all.at[pl.ds(k * CHUNK, CHUNK)]],
                       rows_buf, sem)

    def start_didx(k, idx_buf, sem):
      pltpu.async_copy(dst_hbm.at[pl.ds((base + k) * CHUNK, CHUNK)],
                       idx_buf, sem)

    zero_acc()
    pltpu.sync_copy(src_hbm.at[pl.ds(base * CHUNK, CPW * CHUNK)], src_all)
    plsc.subcore_barrier()

    start_didx(0, idx_d0, e0)
    start_gather(0, rows0, g0)

    def pair_a(p, _):
      k0 = 2 * p
      start_didx(k0 + 1, idx_d1, e1)
      start_gather(k0 + 1, rows1, g1)
      wait_didx(idx_d0, e0)
      wait_gather(rows0, g0)
      pltpu.sync_copy(rows0, acc.at[idx_d0], add=True)
      start_didx(k0 + 2, idx_d0, e0)
      start_gather(k0 + 2, rows0, g0)
      wait_didx(idx_d1, e1)
      wait_gather(rows1, g1)
      pltpu.sync_copy(rows1, acc.at[idx_d1], add=True)
      return 0
    lax.fori_loop(0, PAIRS, pair_a, 0)
    wait_didx(idx_d0, e0)
    wait_gather(rows0, g0)
    pltpu.sync_copy(rows0, acc.at[idx_d0], add=True)

    plsc.subcore_barrier()
    flush_acc(a_out)
    plsc.subcore_barrier()


    lane = lax.broadcasted_iota(jnp.int32, (16,), 0)
    degcol = jnp.where(lane == 0, 1.0, 0.0).astype(jnp.float32)

    def init_brow(i, _):
      rows0[i, pl.ds(DEG_LANE, 16)] = degcol
      for j in range(2, NDIM_IN // 16):
        rows0[i, pl.ds(j * 16, 16)] = zero16
      return 0
    lax.fori_loop(0, CHUNK, init_brow, 0)

    def start_ef(k, ebf, sem):
      pltpu.async_copy(ef_hbm.at[pl.ds((base + k) * CE, CE)], ebf, sem)

    start_ef(0, ebf0, e0)
    start_didx(0, idx_d0, g0)

    def consume_b(ebf, esem, idx_d, dsem):
      wait_didx(idx_d, dsem)
      wait_ef(ebf, esem)
      for i in range(CHUNK):
        rows0[i, pl.ds(0, EDIMS)] = ebf[pl.ds(i * EDIMS, EDIMS)]
      pltpu.sync_copy(rows0, acc.at[idx_d], add=True)

    def pair_b(p, _):
      k0 = 2 * p
      start_ef(k0 + 1, ebf1, e1)
      start_didx(k0 + 1, idx_d1, g1)
      consume_b(ebf0, e0, idx_d0, g0)
      start_ef(k0 + 2, ebf0, e0)
      start_didx(k0 + 2, idx_d0, g0)
      consume_b(ebf1, e1, idx_d1, g1)
      return 0
    lax.fori_loop(0, PAIRS, pair_b, 0)
    consume_b(ebf0, e0, idx_d0, g0)

    plsc.subcore_barrier()
    flush_acc(b_out)

  return seg(nfeats, ef_flat, src, dst)


def _prep_body(ei_ref, src_ref, dst_ref):
  src_ref[...] = ei_ref[0]
  dst_ref[...] = ei_ref[1]


def _tc_prep(edge_index):
  return pl.pallas_call(
      _prep_body,
      out_shape=(
          jax.ShapeDtypeStruct((N_EDGES,), jnp.int32),
          jax.ShapeDtypeStruct((N_EDGES,), jnp.int32),
      ),
  )(edge_index)


BN = 1000


def _tc_body(nf_ref, a_ref, b_ref, wm1_ref, wm2_ref, wa1_ref, wa2_ref,
             bias_ref, out_ref):
  asum = a_ref[0] + a_ref[1]
  bsum = (b_ref[0] + b_ref[1]) - asum
  msg = jnp.dot(asum, wm1_ref[...], preferred_element_type=jnp.float32)
  msg += jnp.dot(bsum, wm2_ref[...], preferred_element_type=jnp.float32)
  deg = bsum[:, DEG_LANE:DEG_LANE + 1]
  hn = msg / jnp.maximum(deg, 1.0)
  h = jnp.dot(nf_ref[...], wa1_ref[...], preferred_element_type=jnp.float32)
  h += jnp.dot(hn, wa2_ref[...], preferred_element_type=jnp.float32)
  h += bias_ref[...]
  out_ref[...] = jnp.maximum(h, 0.0)


def _tc_finish(nfeats, a_part, b_part, wm1, wm2, wa1, wa2, bias):
  grid = (N_NODES // BN,)
  return pl.pallas_call(
      _tc_body,
      grid=grid,
      in_specs=[
          pl.BlockSpec((BN, NDIM_IN), lambda i: (i, 0)),
          pl.BlockSpec((NUM_CORES, BN, NDIM_IN), lambda i: (0, i, 0)),
          pl.BlockSpec((NUM_CORES, BN, NDIM_IN), lambda i: (0, i, 0)),
          pl.BlockSpec((NDIM_IN, NDIM_OUT), lambda i: (0, 0)),
          pl.BlockSpec((NDIM_IN, NDIM_OUT), lambda i: (0, 0)),
          pl.BlockSpec((NDIM_IN, NDIM_OUT), lambda i: (0, 0)),
          pl.BlockSpec((NDIM_OUT, NDIM_OUT), lambda i: (0, 0)),
          pl.BlockSpec((1, NDIM_OUT), lambda i: (0, 0)),
      ],
      out_specs=pl.BlockSpec((BN, NDIM_OUT), lambda i: (i, 0)),
      out_shape=jax.ShapeDtypeStruct((N_NODES, NDIM_OUT), jnp.float32),
  )(nfeats, a_part, b_part, wm1, wm2, wa1, wa2, bias)


def kernel(nfeats, efeats, edge_index, W_msg_w, W_msg_b, W_apply_w, W_apply_b,
           W_edge_w, W_edge_b):
  del W_edge_w, W_edge_b
  edge_index = edge_index.astype(jnp.int32)
  src, dst = _tc_prep(edge_index)
  ef_flat = efeats.reshape(N_EDGES * EDIMS)
  a_part, b_part = _sc_segment_sums(nfeats, ef_flat, src, dst)
  wm1 = W_msg_w[:, :NDIM_IN].T
  wm2 = jnp.concatenate(
      [W_msg_w[:, NDIM_IN:].T, W_msg_b[None, :],
       jnp.zeros((NDIM_IN - EDIMS - 1, NDIM_OUT), jnp.float32)], axis=0)
  wa1 = W_apply_w[:, :NDIM_IN].T
  wa2 = W_apply_w[:, NDIM_IN:].T
  bias = W_apply_b[None, :]
  return _tc_finish(nfeats, a_part, b_part, wm1, wm2, wa1, wa2, bias)

# --- scband reference (transcript-rebuilt; emitter-appended) ---
"""Pipeline reference for scband-sagelayer-6528350290008 (READ-ONLY COPY).

The authoritative reference and input builder live on the scoring server;
editing this copy changes nothing except your own understanding.
"""

import jax, jax.numpy as jnp
import numpy as np

N_NODES = 10000
N_EDGES = 320000
NDIM_IN = 128
EDIMS = 16
NDIM_OUT = 128


def setup_inputs(seed: int = 0) -> dict:
    key = jax.random.key(seed)
    ks = jax.random.split(key, 10)
    nfeats = jax.random.normal(ks[0], (N_NODES, NDIM_IN), dtype=jnp.float32)
    efeats = jax.random.normal(ks[1], (N_EDGES, EDIMS), dtype=jnp.float32)
    edge_index = jax.random.randint(ks[2], (2, N_EDGES), 0, N_NODES, dtype=jnp.int64 if jax.config.read('jax_enable_x64') else jnp.int32)
    # Linear params (torch convention: weight [out, in])
    def xavier(k, out_f, in_f, gain=1.0):
        limit = gain * np.sqrt(6.0 / (in_f + out_f))
        return jax.random.uniform(k, (out_f, in_f), dtype=jnp.float32, minval=-limit, maxval=limit)
    gain_relu = np.sqrt(2.0)
    W_msg_w = xavier(ks[3], NDIM_OUT, NDIM_IN + EDIMS)
    W_msg_b = jnp.zeros((NDIM_OUT,), dtype=jnp.float32)
    W_apply_w = xavier(ks[4], NDIM_OUT, NDIM_IN + NDIM_OUT, gain=gain_relu)
    W_apply_b = jnp.zeros((NDIM_OUT,), dtype=jnp.float32)
    W_edge_w = xavier(ks[5], NDIM_OUT, NDIM_IN + NDIM_OUT)
    W_edge_b = jnp.zeros((NDIM_OUT,), dtype=jnp.float32)
    return {
        'nfeats': nfeats,
        'efeats': efeats,
        'edge_index': edge_index,
        'W_msg_w': W_msg_w, 'W_msg_b': W_msg_b,
        'W_apply_w': W_apply_w, 'W_apply_b': W_apply_b,
        'W_edge_w': W_edge_w, 'W_edge_b': W_edge_b,
    }


def reference(nfeats, efeats, edge_index, W_msg_w, W_msg_b, W_apply_w, W_apply_b, W_edge_w, W_edge_b):
    src = edge_index[0]
    dst = edge_index[1]
    # message_func: m = W_msg(cat([src_h, edge_h], 1))
    src_h = jnp.take(nfeats, src, axis=0)                    # gather [E, ndim_in]
    msg_in = jnp.concatenate([src_h, efeats], axis=1)        # [E, ndim_in+edims]
    m = msg_in @ W_msg_w.T + W_msg_b                         # [E, ndim_out]
    # fn.mean('m', 'h_neigh'): mean of incoming messages per dst node (0 if no in-edges)
    msg_sum = jax.ops.segment_sum(m, dst, num_segments=N_NODES)
    deg = jax.ops.segment_sum(jnp.ones((m.shape[0],), dtype=m.dtype), dst, num_segments=N_NODES)
    h_neigh = msg_sum / jnp.maximum(deg, 1.0)[:, None]       # [N, ndim_out]
    # h = relu(W_apply(cat([nfeats, h_neigh], 1)))
    apply_in = jnp.concatenate([nfeats, h_neigh], axis=1)
    h = jax.nn.relu(apply_in @ W_apply_w.T + W_apply_b)      # [N, ndim_out]
    # W_edge branch computed in original forward (result unused for the returned value)
    node_fin = jnp.concatenate([h, nfeats], axis=1)
    node = node_fin @ W_edge_w.T + W_edge_b
    del node
    return h

if __name__ == "__main__":
    import jax
    _d = setup_inputs()
    print(jax.jit(kernel)(*tuple(_d.values())))

</pallas_src>

<mosaic_0001>
#map = affine_map<(d0, d1) -> (0, 0)>
#map1 = affine_map<(d0, d1) -> (0)>
#map2 = affine_map<(d0, d1) -> (0, 0, 0)>
module attributes {stable_mosaic.version = 14 : i64} {
  func.func @seg(%arg0: i32, %arg1: i32, %arg2: memref<10000x128xf32, #tpu.memory_space<hbm>>, %arg3: memref<5120000xf32, #tpu.memory_space<hbm>>, %arg4: memref<320000xi32, #tpu.memory_space<hbm>>, %arg5: memref<320000xi32, #tpu.memory_space<hbm>>, %arg6: memref<2x10240x128xf32, #tpu.memory_space<hbm>>, %arg7: memref<2x10240x128xf32, #tpu.memory_space<hbm>>, %arg8: memref<10240x128xf32, #tpu.memory_space<vmem_shared>>, %arg9: memref<10000xi32, #tpu.memory_space<vmem>>, %arg10: memref<80xi32, #tpu.memory_space<vmem>>, %arg11: memref<80xi32, #tpu.memory_space<vmem>>, %arg12: memref<80x128xf32, #tpu.memory_space<vmem>>, %arg13: memref<80x128xf32, #tpu.memory_space<vmem>>, %arg14: memref<1280xf32, #tpu.memory_space<vmem>>, %arg15: memref<1280xf32, #tpu.memory_space<vmem>>, %arg16: memref<!tpu.dma_semaphore, #tpu.memory_space<semaphore_mem>>, %arg17: memref<!tpu.dma_semaphore, #tpu.memory_space<semaphore_mem>>, %arg18: memref<!tpu.dma_semaphore, #tpu.memory_space<semaphore_mem>>, %arg19: memref<!tpu.dma_semaphore, #tpu.memory_space<semaphore_mem>>) attributes {dimension_semantics = [#tpu.dimension_semantics<core_parallel>, #tpu.dimension_semantics<subcore_parallel>], iteration_bounds = array<i64: 2, 16>, scalar_prefetch = 0 : i64, scratch_operands = 12 : i64, tpu.core_type = #tpu.core_type<sc_vector_subcore>, window_params = [{transform_indices = #map}, {transform_indices = #map1}, {transform_indices = #map1}, {transform_indices = #map1}, {transform_indices = #map2}, {transform_indices = #map2}]} {
    %mul3A = arith.constant 16 : i32
    %mul3A_0 = arith.muli %arg0, %mul3A : i32
    %add3A = arith.addi %mul3A_0, %arg1 : i32
    %broadcast_in_dim3A = arith.constant 0.000000e+00 : f32
    %broadcast_in_dim3A_1 = vector.broadcast %broadcast_in_dim3A : f32 to vector<16xf32>
    %mul3A_2 = arith.constant 640 : i32
    %mul3A_3 = arith.muli %arg1, %mul3A_2 : i32
    %mul3A_4 = arith.constant 125 : i32
    %mul3A_5 = arith.muli %add3A, %mul3A_4 : i32
    %scan3A = arith.constant 0 : i32
    %scan3A_6 = arith.constant 0 : i32
    %scan3A_7 = arith.constant 80 : i32
    %scan3A_8 = arith.addi %scan3A_6, %scan3A_7 : i32
    %scan3A_9 = arith.constant 1 : i32
    %scan3A_10 = scf.for %scan3A_836 = %scan3A_6 to %scan3A_8 step %scan3A_9 iter_args(%scan3A_837 = %scan3A) -> (i32)  : i32 {
      %swap3A_838 = arith.index_cast %scan3A_836 : i32 to index
      %swap3A_839 = arith.constant 0 : index
      %swap3A_840 = tpu.vector_load %arg12[%swap3A_838, %swap3A_839] {strides = array<i32>} : memref<80x128xf32, #tpu.memory_space<vmem>>, vector<1x16xf32>,
      %swap3A_841 = vector.shape_cast %swap3A_840 : vector<1x16xf32> to vector<16xf32>
      %swap3A_842 = vector.shape_cast %broadcast_in_dim3A_1 : vector<16xf32> to vector<1x16xf32>
      tpu.vector_store %arg12[%swap3A_838, %swap3A_839], %swap3A_842 {strides = array<i32>} : memref<80x128xf32, #tpu.memory_space<vmem>>, vector<1x16xf32>,
      %swap3A_843 = arith.index_cast %scan3A_836 : i32 to index
      %swap3A_844 = arith.constant 16 : index
      %swap3A_845 = tpu.vector_load %arg12[%swap3A_843, %swap3A_844] {strides = array<i32>} : memref<80x128xf32, #tpu.memory_space<vmem>>, vector<1x16xf32>,
      %swap3A_846 = vector.shape_cast %swap3A_845 : vector<1x16xf32> to vector<16xf32>
      %swap3A_847 = vector.shape_cast %broadcast_in_dim3A_1 : vector<16xf32> to vector<1x16xf32>
      tpu.vector_store %arg12[%swap3A_843, %swap3A_844], %swap3A_847 {strides = array<i32>} : memref<80x128xf32, #tpu.memory_space<vmem>>, vector<1x16xf32>,
      %swap3A_848 = arith.index_cast %scan3A_836 : i32 to index
      %swap3A_849 = arith.constant 32 : index
      %swap3A_850 = tpu.vector_load %arg12[%swap3A_848, %swap3A_849] {strides = array<i32>} : memref<80x128xf32, #tpu.memory_space<vmem>>, vector<1x16xf32>,
      %swap3A_851 = vector.shape_cast %swap3A_850 : vector<1x16xf32> to vector<16xf32>
      %swap3A_852 = vector.shape_cast %broadcast_in_dim3A_1 : vector<16xf32> to vector<1x16xf32>
      tpu.vector_store %arg12[%swap3A_848, %swap3A_849], %swap3A_852 {strides = array<i32>} : memref<80x128xf32, #tpu.memory_space<vmem>>, vector<1x16xf32>,
      %swap3A_853 = arith.index_cast %scan3A_836 : i32 to index
      %swap3A_854 = arith.constant 48 : index
      %swap3A_855 = tpu.vector_load %arg12[%swap3A_853, %swap3A_854] {strides = array<i32>} : memref<80x128xf32, #tpu.memory_space<vmem>>, vector<1x16xf32>,
      %swap3A_856 = vector.shape_cast %swap3A_855 : vector<1x16xf32> to vector<16xf32>
      %swap3A_857 = vector.shape_cast %broadcast_in_dim3A_1 : vector<16xf32> to vector<1x16xf32>
      tpu.vector_store %arg12[%swap3A_853, %swap3A_854], %swap3A_857 {strides = array<i32>} : memref<80x128xf32, #tpu.memory_space<vmem>>, vector<1x16xf32>,
      %swap3A_858 = arith.index_cast %scan3A_836 : i32 to index
      %swap3A_859 = arith.constant 64 : index
      %swap3A_860 = tpu.vector_load %arg12[%swap3A_858, %swap3A_859] {strides = array<i32>} : memref<80x128xf32, #tpu.memory_space<vmem>>, vector<1x16xf32>,
      %swap3A_861 = vector.shape_cast %swap3A_860 : vector<1x16xf32> to vector<16xf32>
      %swap3A_862 = vector.shape_cast %broadcast_in_dim3A_1 : vector<16xf32> to vector<1x16xf32>
      tpu.vector_store %arg12[%swap3A_858, %swap3A_859], %swap3A_862 {strides = array<i32>} : memref<80x128xf32, #tpu.memory_space<vmem>>, vector<1x16xf32>,
      %swap3A_863 = arith.index_cast %scan3A_836 : i32 to index
      %swap3A_864 = arith.constant 80 : index
      %swap3A_865 = tpu.vector_load %arg12[%swap3A_863, %swap3A_864] {strides = array<i32>} : memref<80x128xf32, #tpu.memory_space<vmem>>, vector<1x16xf32>,
      %swap3A_866 = vector.shape_cast %swap3A_865 : vector<1x16xf32> to vector<16xf32>
      %swap3A_867 = vector.shape_cast %broadcast_in_dim3A_1 : vector<16xf32> to vector<1x16xf32>
      tpu.vector_store %arg12[%swap3A_863, %swap3A_864], %swap3A_867 {strides = array<i32>} : memref<80x128xf32, #tpu.memory_space<vmem>>, vector<1x16xf32>,
      %swap3A_868 = arith.index_cast %scan3A_836 : i32 to index
      %swap3A_869 = arith.constant 96 : index
      %swap3A_870 = tpu.vector_load %arg12[%swap3A_868, %swap3A_869] {strides = array<i32>} : memref<80x128xf32, #tpu.memory_space<vmem>>, vector<1x16xf32>,
      %swap3A_871 = vector.shape_cast %swap3A_870 : vector<1x16xf32> to vector<16xf32>
      %swap3A_872 = vector.shape_cast %broadcast_in_dim3A_1 : vector<16xf32> to vector<1x16xf32>
      tpu.vector_store %arg12[%swap3A_868, %swap3A_869], %swap3A_872 {strides = array<i32>} : memref<80x128xf32, #tpu.memory_space<vmem>>, vector<1x16xf32>,
      %swap3A_873 = arith.index_cast %scan3A_836 : i32 to index
      %swap3A_874 = arith.constant 112 : index
      %swap3A_875 = tpu.vector_load %arg12[%swap3A_873, %swap3A_874] {strides = array<i32>} : memref<80x128xf32, #tpu.memory_space<vmem>>, vector<1x16xf32>,
      %swap3A_876 = vector.shape_cast %swap3A_875 : vector<1x16xf32> to vector<16xf32>
      %swap3A_877 = vector.shape_cast %broadcast_in_dim3A_1 : vector<16xf32> to vector<1x16xf32>
      tpu.vector_store %arg12[%swap3A_873, %swap3A_874], %swap3A_877 {strides = array<i32>} : memref<80x128xf32, #tpu.memory_space<vmem>>, vector<1x16xf32>,
      %scan3A_878 = arith.constant 0 : i32
      scf.yield %scan3A_878 : i32
    }
    %scan3A_11 = arith.constant 80 : i32
    %add3A_12 = arith.constant 0 : i32
    %add3A_13 = arith.addi %mul3A_3, %add3A_12 : i32
    "tpu.region"() ({
      %run_scoped3A = tpu.sem_alloc : memref<!tpu.dma_semaphore, #tpu.memory_space<semaphore_mem>>
      %dma_start3A_836 = arith.constant 0 : i32
      %dma_start3A_837 = tpu.memref_slice %arg8[%add3A_13, %dma_start3A_836] : memref<10240x128xf32, #tpu.memory_space<vmem_shared>> -> memref<80x128xf32, #tpu.memory_space<vmem_shared>>
      %dma_start3A_838 = arith.constant 0 : i32
      %dma_start3A_839 = tpu.memref_slice %arg8[%add3A_13, %dma_start3A_838] : memref<10240x128xf32, #tpu.memory_space<vmem_shared>> -> memref<80x128xf32, #tpu.memory_space<vmem_shared>>
      tpu.enqueue_dma source(%arg12 : memref<80x128xf32, #tpu.memory_space<vmem>>) target(%dma_start3A_839 : memref<80x128xf32, #tpu.memory_space<vmem_shared>>) target_semaphore(%run_scoped3A : memref<!tpu.dma_semaphore, #tpu.memory_space<semaphore_mem>>)
      %dma_wait3A_840 = arith.constant 0 : i32
      %dma_wait3A_841 = tpu.memref_slice %arg8[%add3A_13, %dma_wait3A_840] : memref<10240x128xf32, #tpu.memory_space<vmem_shared>> -> memref<80x128xf32, #tpu.memory_space<vmem_shared>>
      %dma_wait3A_842 = arith.constant 0 : i32
      %dma_wait3A_843 = tpu.memref_slice %arg8[%add3A_13, %dma_wait3A_842] : memref<10240x128xf32, #tpu.memory_space<vmem_shared>> -> memref<80x128xf32, #tpu.memory_space<vmem_shared>>
      tpu.wait_dma2 semaphore(%run_scoped3A : memref<!tpu.dma_semaphore, #tpu.memory_space<semaphore_mem>>) src(%arg12 : memref<80x128xf32, #tpu.memory_space<vmem>>) dst(%dma_wait3A_843 : memref<80x128xf32, #tpu.memory_space<vmem_shared>>)
      tpu.yield
    }) : () -> ()
    %add3A_14 = arith.constant 80 : i32
    %add3A_15 = arith.addi %mul3A_3, %add3A_14 : i32
    "tpu.region"() ({
      %run_scoped3A = tpu.sem_alloc : memref<!tpu.dma_semaphore, #tpu.memory_space<semaphore_mem>>
      %dma_start3A_836 = arith.constant 0 : i32
      %dma_start3A_837 = tpu.memref_slice %arg8[%add3A_15, %dma_start3A_836] : memref<10240x128xf32, #tpu.memory_space<vmem_shared>> -> memref<80x128xf32, #tpu.memory_space<vmem_shared>>
      %dma_start3A_838 = arith.constant 0 : i32
      %dma_start3A_839 = tpu.memref_slice %arg8[%add3A_15, %dma_start3A_838] : memref<10240x128xf32, #tpu.memory_space<vmem_shared>> -> memref<80x128xf32, #tpu.memory_space<vmem_shared>>
      tpu.enqueue_dma source(%arg12 : memref<80x128xf32, #tpu.memory_space<vmem>>) target(%dma_start3A_839 : memref<80x128xf32, #tpu.memory_space<vmem_shared>>) target_semaphore(%run_scoped3A : memref<!tpu.dma_semaphore, #tpu.memory_space<semaphore_mem>>)
      %dma_wait3A_840 = arith.constant 0 : i32
      %dma_wait3A_841 = tpu.memref_slice %arg8[%add3A_15, %dma_wait3A_840] : memref<10240x128xf32, #tpu.memory_space<vmem_shared>> -> memref<80x128xf32, #tpu.memory_space<vmem_shared>>
      %dma_wait3A_842 = arith.constant 0 : i32
      %dma_wait3A_843 = tpu.memref_slice %arg8[%add3A_15, %dma_wait3A_842] : memref<10240x128xf32, #tpu.memory_space<vmem_shared>> -> memref<80x128xf32, #tpu.memory_space<vmem_shared>>
      tpu.wait_dma2 semaphore(%run_scoped3A : memref<!tpu.dma_semaphore, #tpu.memory_space<semaphore_mem>>) src(%arg12 : memref<80x128xf32, #tpu.memory_space<vmem>>) dst(%dma_wait3A_843 : memref<80x128xf32, #tpu.memory_space<vmem_shared>>)
      tpu.yield
    }) : () -> ()
    %add3A_16 = arith.constant 160 : i32
    %add3A_17 = arith.addi %mul3A_3, %add3A_16 : i32
    "tpu.region"() ({
      %run_scoped3A = tpu.sem_alloc : memref<!tpu.dma_semaphore, #tpu.memory_space<semaphore_mem>>
      %dma_start3A_836 = arith.constant 0 : i32
      %dma_start3A_837 = tpu.memref_slice %arg8[%add3A_17, %dma_start3A_836] : memref<10240x128xf32, #tpu.memory_space<vmem_shared>> -> memref<80x128xf32, #tpu.memory_space<vmem_shared>>
      %dma_start3A_838 = arith.constant 0 : i32
      %dma_start3A_839 = tpu.memref_slice %arg8[%add3A_17, %dma_start3A_838] : memref<10240x128xf32, #tpu.memory_space<vmem_shared>> -> memref<80x128xf32, #tpu.memory_space<vmem_shared>>
      tpu.enqueue_dma source(%arg12 : memref<80x128xf32, #tpu.memory_space<vmem>>) target(%dma_start3A_839 : memref<80x128xf32, #tpu.memory_space<vmem_shared>>) target_semaphore(%run_scoped3A : memref<!tpu.dma_semaphore, #tpu.memory_space<semaphore_mem>>)
      %dma_wait3A_840 = arith.constant 0 : i32
      %dma_wait3A_841 = tpu.memref_slice %arg8[%add3A_17, %dma_wait3A_840] : memref<10240x128xf32, #tpu.memory_space<vmem_shared>> -> memref<80x128xf32, #tpu.memory_space<vmem_shared>>
      %dma_wait3A_842 = arith.constant 0 : i32
      %dma_wait3A_843 = tpu.memref_slice %arg8[%add3A_17, %dma_wait3A_842] : memref<10240x128xf32, #tpu.memory_space<vmem_shared>> -> memref<80x128xf32, #tpu.memory_space<vmem_shared>>
      tpu.wait_dma2 semaphore(%run_scoped3A : memref<!tpu.dma_semaphore, #tpu.memory_space<semaphore_mem>>) src(%arg12 : memref<80x128xf32, #tpu.memory_space<vmem>>) dst(%dma_wait3A_843 : memref<80x128xf32, #tpu.memory_space<vmem_shared>>)
      tpu.yield
    }) : () -> ()
    %add3A_18 = arith.constant 240 : i32
    %add3A_19 = arith.addi %mul3A_3, %add3A_18 : i32
    "tpu.region"() ({
      %run_scoped3A = tpu.sem_alloc : memref<!tpu.dma_semaphore, #tpu.memory_space<semaphore_mem>>
      %dma_start3A_836 = arith.constant 0 : i32
      %dma_start3A_837 = tpu.memref_slice %arg8[%add3A_19, %dma_start3A_836] : memref<10240x128xf32, #tpu.memory_space<vmem_shared>> -> memref<80x128xf32, #tpu.memory_space<vmem_shared>>
      %dma_start3A_838 = arith.constant 0 : i32
      %dma_start3A_839 = tpu.memref_slice %arg8[%add3A_19, %dma_start3A_838] : memref<10240x128xf32, #tpu.memory_space<vmem_shared>> -> memref<80x128xf32, #tpu.memory_space<vmem_shared>>
      tpu.enqueue_dma source(%arg12 : memref<80x128xf32, #tpu.memory_space<vmem>>) target(%dma_start3A_839 : memref<80x128xf32, #tpu.memory_space<vmem_shared>>) target_semaphore(%run_scoped3A : memref<!tpu.dma_semaphore, #tpu.memory_space<semaphore_mem>>)
      %dma_wait3A_840 = arith.constant 0 : i32
      %dma_wait3A_841 = tpu.memref_slice %arg8[%add3A_19, %dma_wait3A_840] : memref<10240x128xf32, #tpu.memory_space<vmem_shared>> -> memref<80x128xf32, #tpu.memory_space<vmem_shared>>
      %dma_wait3A_842 = arith.constant 0 : i32
      %dma_wait3A_843 = tpu.memref_slice %arg8[%add3A_19, %dma_wait3A_842] : memref<10240x128xf32, #tpu.memory_space<vmem_shared>> -> memref<80x128xf32, #tpu.memory_space<vmem_shared>>
      tpu.wait_dma2 semaphore(%run_scoped3A : memref<!tpu.dma_semaphore, #tpu.memory_space<semaphore_mem>>) src(%arg12 : memref<80x128xf32, #tpu.memory_space<vmem>>) dst(%dma_wait3A_843 : memref<80x128xf32, #tpu.memory_space<vmem_shared>>)
      tpu.yield
    }) : () -> ()
    %add3A_20 = arith.constant 320 : i32
    %add3A_21 = arith.addi %mul3A_3, %add3A_20 : i32
    "tpu.region"() ({
      %run_scoped3A = tpu.sem_alloc : memref<!tpu.dma_semaphore, #tpu.memory_space<semaphore_mem>>
      %dma_start3A_836 = arith.constant 0 : i32
      %dma_start3A_837 = tpu.memref_slice %arg8[%add3A_21, %dma_start3A_836] : memref<10240x128xf32, #tpu.memory_space<vmem_shared>> -> memref<80x128xf32, #tpu.memory_space<vmem_shared>>
      %dma_start3A_838 = arith.constant 0 : i32
      %dma_start3A_839 = tpu.memref_slice %arg8[%add3A_21, %dma_start3A_838] : memref<10240x128xf32, #tpu.memory_space<vmem_shared>> -> memref<80x128xf32, #tpu.memory_space<vmem_shared>>
      tpu.enqueue_dma source(%arg12 : memref<80x128xf32, #tpu.memory_space<vmem>>) target(%dma_start3A_839 : memref<80x128xf32, #tpu.memory_space<vmem_shared>>) target_semaphore(%run_scoped3A : memref<!tpu.dma_semaphore, #tpu.memory_space<semaphore_mem>>)
      %dma_wait3A_840 = arith.constant 0 : i32
      %dma_wait3A_841 = tpu.memref_slice %arg8[%add3A_21, %dma_wait3A_840] : memref<10240x128xf32, #tpu.memory_space<vmem_shared>> -> memref<80x128xf32, #tpu.memory_space<vmem_shared>>
      %dma_wait3A_842 = arith.constant 0 : i32
      %dma_wait3A_843 = tpu.memref_slice %arg8[%add3A_21, %dma_wait3A_842] : memref<10240x128xf32, #tpu.memory_space<vmem_shared>> -> memref<80x128xf32, #tpu.memory_space<vmem_shared>>
      tpu.wait_dma2 semaphore(%run_scoped3A : memref<!tpu.dma_semaphore, #tpu.memory_space<semaphore_mem>>) src(%arg12 : memref<80x128xf32, #tpu.memory_space<vmem>>) dst(%dma_wait3A_843 : memref<80x128xf32, #tpu.memory_space<vmem_shared>>)
      tpu.yield
    }) : () -> ()
    %add3A_22 = arith.constant 400 : i32
    %add3A_23 = arith.addi %mul3A_3, %add3A_22 : i32
    "tpu.region"() ({
      %run_scoped3A = tpu.sem_alloc : memref<!tpu.dma_semaphore, #tpu.memory_space<semaphore_mem>>
      %dma_start3A_836 = arith.constant 0 : i32
      %dma_start3A_837 = tpu.memref_slice %arg8[%add3A_23, %dma_start3A_836] : memref<10240x128xf32, #tpu.memory_space<vmem_shared>> -> memref<80x128xf32, #tpu.memory_space<vmem_shared>>
      %dma_start3A_838 = arith.constant 0 : i32
      %dma_start3A_839 = tpu.memref_slice %arg8[%add3A_23, %dma_start3A_838] : memref<10240x128xf32, #tpu.memory_space<vmem_shared>> -> memref<80x128xf32, #tpu.memory_space<vmem_shared>>
      tpu.enqueue_dma source(%arg12 : memref<80x128xf32, #tpu.memory_space<vmem>>) target(%dma_start3A_839 : memref<80x128xf32, #tpu.memory_space<vmem_shared>>) target_semaphore(%run_scoped3A : memref<!tpu.dma_semaphore, #tpu.memory_space<semaphore_mem>>)
      %dma_wait3A_840 = arith.constant 0 : i32
      %dma_wait3A_841 = tpu.memref_slice %arg8[%add3A_23, %dma_wait3A_840] : memref<10240x128xf32, #tpu.memory_space<vmem_shared>> -> memref<80x128xf32, #tpu.memory_space<vmem_shared>>
      %dma_wait3A_842 = arith.constant 0 : i32
      %dma_wait3A_843 = tpu.memref_slice %arg8[%add3A_23, %dma_wait3A_842] : memref<10240x128xf32, #tpu.memory_space<vmem_shared>> -> memref<80x128xf32, #tpu.memory_space<vmem_shared>>
      tpu.wait_dma2 semaphore(%run_scoped3A : memref<!tpu.dma_semaphore, #tpu.memory_space<semaphore_mem>>) src(%arg12 : memref<80x128xf32, #tpu.memory_space<vmem>>) dst(%dma_wait3A_843 : memref<80x128xf32, #tpu.memory_space<vmem_shared>>)
      tpu.yield
    }) : () -> ()
    %add3A_24 = arith.constant 480 : i32
    %add3A_25 = arith.addi %mul3A_3, %add3A_24 : i32
    "tpu.region"() ({
      %run_scoped3A = tpu.sem_alloc : memref<!tpu.dma_semaphore, #tpu.memory_space<semaphore_mem>>
      %dma_start3A_836 = arith.constant 0 : i32
      %dma_start3A_837 = tpu.memref_slice %arg8[%add3A_25, %dma_start3A_836] : memref<10240x128xf32, #tpu.memory_space<vmem_shared>> -> memref<80x128xf32, #tpu.memory_space<vmem_shared>>
      %dma_start3A_838 = arith.constant 0 : i32
      %dma_start3A_839 = tpu.memref_slice %arg8[%add3A_25, %dma_start3A_838] : memref<10240x128xf32, #tpu.memory_space<vmem_shared>> -> memref<80x128xf32, #tpu.memory_space<vmem_shared>>
      tpu.enqueue_dma source(%arg12 : memref<80x128xf32, #tpu.memory_space<vmem>>) target(%dma_start3A_839 : memref<80x128xf32, #tpu.memory_space<vmem_shared>>) target_semaphore(%run_scoped3A : memref<!tpu.dma_semaphore, #tpu.memory_space<semaphore_mem>>)
      %dma_wait3A_840 = arith.constant 0 : i32
      %dma_wait3A_841 = tpu.memref_slice %arg8[%add3A_25, %dma_wait3A_840] : memref<10240x128xf32, #tpu.memory_space<vmem_shared>> -> memref<80x128xf32, #tpu.memory_space<vmem_shared>>
      %dma_wait3A_842 = arith.constant 0 : i32
      %dma_wait3A_843 = tpu.memref_slice %arg8[%add3A_25, %dma_wait3A_842] : memref<10240x128xf32, #tpu.memory_space<vmem_shared>> -> memref<80x128xf32, #tpu.memory_space<vmem_shared>>
      tpu.wait_dma2 semaphore(%run_scoped3A : memref<!tpu.dma_semaphore, #tpu.memory_space<semaphore_mem>>) src(%arg12 : memref<80x128xf32, #tpu.memory_space<vmem>>) dst(%dma_wait3A_843 : memref<80x128xf32, #tpu.memory_space<vmem_shared>>)
      tpu.yield
    }) : () -> ()
    %add3A_26 = arith.constant 560 : i32
    %add3A_27 = arith.addi %mul3A_3, %add3A_26 : i32
    "tpu.region"() ({
      %run_scoped3A = tpu.sem_alloc : memref<!tpu.dma_semaphore, #tpu.memory_space<semaphore_mem>>
      %dma_start3A_836 = arith.constant 0 : i32
      %dma_start3A_837 = tpu.memref_slice %arg8[%add3A_27, %dma_start3A_836] : memref<10240x128xf32, #tpu.memory_space<vmem_shared>> -> memref<80x128xf32, #tpu.memory_space<vmem_shared>>
      %dma_start3A_838 = arith.constant 0 : i32
      %dma_start3A_839 = tpu.memref_slice %arg8[%add3A_27, %dma_start3A_838] : memref<10240x128xf32, #tpu.memory_space<vmem_shared>> -> memref<80x128xf32, #tpu.memory_space<vmem_shared>>
      tpu.enqueue_dma source(%arg12 : memref<80x128xf32, #tpu.memory_space<vmem>>) target(%dma_start3A_839 : memref<80x128xf32, #tpu.memory_space<vmem_shared>>) target_semaphore(%run_scoped3A : memref<!tpu.dma_semaphore, #tpu.memory_space<semaphore_mem>>)
      %dma_wait3A_840 = arith.constant 0 : i32
      %dma_wait3A_841 = tpu.memref_slice %arg8[%add3A_27, %dma_wait3A_840] : memref<10240x128xf32, #tpu.memory_space<vmem_shared>> -> memref<80x128xf32, #tpu.memory_space<vmem_shared>>
      %dma_wait3A_842 = arith.constant 0 : i32
      %dma_wait3A_843 = tpu.memref_slice %arg8[%add3A_27, %dma_wait3A_842] : memref<10240x128xf32, #tpu.memory_space<vmem_shared>> -> memref<80x128xf32, #tpu.memory_space<vmem_shared>>
      tpu.wait_dma2 semaphore(%run_scoped3A : memref<!tpu.dma_semaphore, #tpu.memory_space<semaphore_mem>>) src(%arg12 : memref<80x128xf32, #tpu.memory_space<vmem>>) dst(%dma_wait3A_843 : memref<80x128xf32, #tpu.memory_space<vmem_shared>>)
      tpu.yield
    }) : () -> ()
    %mul3A_28 = arith.constant 80 : i32
    %mul3A_29 = arith.muli %mul3A_5, %mul3A_28 : i32
    "tpu.region"() ({
      %run_scoped3A = tpu.sem_alloc : memref<!tpu.dma_semaphore, #tpu.memory_space<semaphore_mem>>
      %dma_start3A_836 = tpu.memref_slice %arg4[%mul3A_29] : memref<320000xi32, #tpu.memory_space<hbm>> -> memref<10000xi32, #tpu.memory_space<hbm>>
      %dma_start3A_837 = tpu.memref_slice %arg4[%mul3A_29] : memref<320000xi32, #tpu.memory_space<hbm>> -> memref<10000xi32, #tpu.memory_space<hbm>>
      tpu.enqueue_dma source(%dma_start3A_837 : memref<10000xi32, #tpu.memory_space<hbm>>) target(%arg9 : memref<10000xi32, #tpu.memory_space<vmem>>) target_semaphore(%run_scoped3A : memref<!tpu.dma_semaphore, #tpu.memory_space<semaphore_mem>>)
      %dma_wait3A_838 = tpu.memref_slice %arg4[%mul3A_29] : memref<320000xi32, #tpu.memory_space<hbm>> -> memref<10000xi32, #tpu.memory_space<hbm>>
      %dma_wait3A_839 = tpu.memref_slice %arg4[%mul3A_29] : memref<320000xi32, #tpu.memory_space<hbm>> -> memref<10000xi32, #tpu.memory_space<hbm>>
      tpu.wait_dma2 semaphore(%run_scoped3A : memref<!tpu.dma_semaphore, #tpu.memory_space<semaphore_mem>>) src(%dma_wait3A_839 : memref<10000xi32, #tpu.memory_space<hbm>>) dst(%arg9 : memref<10000xi32, #tpu.memory_space<vmem>>)
      tpu.yield
    }) : () -> ()
    %barrier3A = arith.constant 0 : index
    tpu.barrier barrier_id(%barrier3A)
    %add3A_30 = arith.constant 0 : i32
    %add3A_31 = arith.addi %mul3A_5, %add3A_30 : i32
    %mul3A_32 = arith.constant 80 : i32
    %mul3A_33 = arith.muli %add3A_31, %mul3A_32 : i32
    %dma_start3A = tpu.memref_slice %arg5[%mul3A_33] : memref<320000xi32, #tpu.memory_space<hbm>> -> memref<80xi32, #tpu.memory_space<hbm>>
    %dma_start3A_34 = tpu.memref_slice %arg5[%mul3A_33] : memref<320000xi32, #tpu.memory_space<hbm>> -> memref<80xi32, #tpu.memory_space<hbm>>
    tpu.enqueue_dma source(%dma_start3A_34 : memref<80xi32, #tpu.memory_space<hbm>>) target(%arg10 : memref<80xi32, #tpu.memory_space<vmem>>) target_semaphore(%arg18 : memref<!tpu.dma_semaphore, #tpu.memory_space<semaphore_mem>>)
    %dma_start3A_35 = arith.constant 0 : i32
    %dma_start3A_36 = tpu.memref_slice %arg9[%dma_start3A_35] : memref<10000xi32, #tpu.memory_space<vmem>> -> memref<80xi32, #tpu.memory_space<vmem>>
    %dma_start3A_37 = arith.constant 0 : i32
    %dma_start3A_38 = arith.constant 0 : i32
    %dma_start3A_39 = tpu.memref_slice %arg2[%dma_start3A_37, %dma_start3A_38] : memref<10000x128xf32, #tpu.memory_space<hbm>> -> memref<10000x128xf32, #tpu.memory_space<hbm>>
    tpu.enqueue_indirect_dma source(%dma_start3A_39 : memref<10000x128xf32, #tpu.memory_space<hbm>>) target(%arg12 : memref<80x128xf32, #tpu.memory_space<vmem>>) offsets(%dma_start3A_36 : memref<80xi32, #tpu.memory_space<vmem>>) semaphore(%arg16 : memref<!tpu.dma_semaphore, #tpu.memory_space<semaphore_mem>>)
    %scan3A_40 = arith.constant 0 : i32
    %scan3A_41 = arith.constant 0 : i32
    %scan3A_42 = arith.constant 62 : i32
    %scan3A_43 = arith.addi %scan3A_41, %scan3A_42 : i32
    %scan3A_44 = arith.constant 1 : i32
    %scan3A_45 = scf.for %scan3A_836 = %scan3A_41 to %scan3A_43 step %scan3A_44 iter_args(%scan3A_837 = %scan3A_40) -> (i32)  : i32 {
      %mul3A_838 = arith.constant 2 : i32
      %mul3A_839 = arith.muli %mul3A_838, %scan3A_836 : i32
      %add3A_840 = arith.constant 1 : i32
      %add3A_841 = arith.addi %mul3A_839, %add3A_840 : i32
      %add3A_842 = arith.addi %mul3A_5, %add3A_841 : i32
      %mul3A_843 = arith.constant 80 : i32
      %mul3A_844 = arith.muli %add3A_842, %mul3A_843 : i32
      %dma_start3A_845 = tpu.memref_slice %arg5[%mul3A_844] : memref<320000xi32, #tpu.memory_space<hbm>> -> memref<80xi32, #tpu.memory_space<hbm>>
      %dma_start3A_846 = tpu.memref_slice %arg5[%mul3A_844] : memref<320000xi32, #tpu.memory_space<hbm>> -> memref<80xi32, #tpu.memory_space<hbm>>
      tpu.enqueue_dma source(%dma_start3A_846 : memref<80xi32, #tpu.memory_space<hbm>>) target(%arg11 : memref<80xi32, #tpu.memory_space<vmem>>) target_semaphore(%arg19 : memref<!tpu.dma_semaphore, #tpu.memory_space<semaphore_mem>>)
      %add3A_847 = arith.constant 1 : i32
      %add3A_848 = arith.addi %mul3A_839, %add3A_847 : i32
      %mul3A_849 = arith.constant 80 : i32
      %mul3A_850 = arith.muli %add3A_848, %mul3A_849 : i32
      %dma_start3A_851 = tpu.memref_slice %arg9[%mul3A_850] : memref<10000xi32, #tpu.memory_space<vmem>> -> memref<80xi32, #tpu.memory_space<vmem>>
      %dma_start3A_852 = arith.constant 0 : i32
      %dma_start3A_853 = arith.constant 0 : i32
      %dma_start3A_854 = tpu.memref_slice %arg2[%dma_start3A_852, %dma_start3A_853] : memref<10000x128xf32, #tpu.memory_space<hbm>> -> memref<10000x128xf32, #tpu.memory_space<hbm>>
      tpu.enqueue_indirect_dma source(%dma_start3A_854 : memref<10000x128xf32, #tpu.memory_space<hbm>>) target(%arg13 : memref<80x128xf32, #tpu.memory_space<vmem>>) offsets(%dma_start3A_851 : memref<80xi32, #tpu.memory_space<vmem>>) semaphore(%arg17 : memref<!tpu.dma_semaphore, #tpu.memory_space<semaphore_mem>>)
      %dma_wait3A_855 = arith.constant 0 : i32
      %dma_wait3A_856 = tpu.memref_slice %arg5[%dma_wait3A_855] : memref<320000xi32, #tpu.memory_space<hbm>> -> memref<80xi32, #tpu.memory_space<hbm>>
      %dma_wait3A_857 = arith.constant 0 : i32
      %dma_wait3A_858 = tpu.memref_slice %arg5[%dma_wait3A_857] : memref<320000xi32, #tpu.memory_space<hbm>> -> memref<80xi32, #tpu.memory_space<hbm>>
      tpu.wait_dma2 semaphore(%arg18 : memref<!tpu.dma_semaphore, #tpu.memory_space<semaphore_mem>>) src(%dma_wait3A_858 : memref<80xi32, #tpu.memory_space<hbm>>) dst(%arg10 : memref<80xi32, #tpu.memory_space<vmem>>)
      %dma_wait3A_859 = arith.constant 0 : i32
      %dma_wait3A_860 = arith.constant 0 : i32
      %dma_wait3A_861 = tpu.memref_slice %arg2[%dma_wait3A_859, %dma_wait3A_860] : memref<10000x128xf32, #tpu.memory_space<hbm>> -> memref<80x128xf32, #tpu.memory_space<hbm>>
      %dma_wait3A_862 = arith.constant 0 : i32
      %dma_wait3A_863 = arith.constant 0 : i32
      %dma_wait3A_864 = tpu.memref_slice %arg2[%dma_wait3A_862, %dma_wait3A_863] : memref<10000x128xf32, #tpu.memory_space<hbm>> -> memref<80x128xf32, #tpu.memory_space<hbm>>
      tpu.wait_dma2 semaphore(%arg16 : memref<!tpu.dma_semaphore, #tpu.memory_space<semaphore_mem>>) src(%dma_wait3A_864 : memref<80x128xf32, #tpu.memory_space<hbm>>) dst(%arg12 : memref<80x128xf32, #tpu.memory_space<vmem>>)
      "tpu.region"() ({
        %run_scoped3A = tpu.sem_alloc : memref<!tpu.dma_semaphore, #tpu.memory_space<semaphore_mem>>
        %dma_start3A_891 = arith.constant 0 : i32
        %dma_start3A_892 = arith.constant 0 : i32
        %dma_start3A_893 = tpu.memref_slice %arg8[%dma_start3A_891, %dma_start3A_892] : memref<10240x128xf32, #tpu.memory_space<vmem_shared>> -> memref<10240x128xf32, #tpu.memory_space<vmem_shared>>
        tpu.enqueue_indirect_dma source(%arg12 : memref<80x128xf32, #tpu.memory_space<vmem>>) target(%dma_start3A_893 : memref<10240x128xf32, #tpu.memory_space<vmem_shared>>) offsets(%arg10 : memref<80xi32, #tpu.memory_space<vmem>>) semaphore(%run_scoped3A : memref<!tpu.dma_semaphore, #tpu.memory_space<semaphore_mem>>) {add = true}
        %dma_wait3A_894 = arith.constant 0 : i32
        %dma_wait3A_895 = arith.constant 0 : i32
        %dma_wait3A_896 = tpu.memref_slice %arg8[%dma_wait3A_894, %dma_wait3A_895] : memref<10240x128xf32, #tpu.memory_space<vmem_shared>> -> memref<10240x128xf32, #tpu.memory_space<vmem_shared>>
        tpu.wait_indirect_dma semaphore(%run_scoped3A : memref<!tpu.dma_semaphore, #tpu.memory_space<semaphore_mem>>) src(%arg12 : memref<80x128xf32, #tpu.memory_space<vmem>>) dst(%dma_wait3A_896 : memref<10240x128xf32, #tpu.memory_space<vmem_shared>>)
        tpu.yield
      }) : () -> ()
      %add3A_865 = arith.constant 2 : i32
      %add3A_866 = arith.addi %mul3A_839, %add3A_865 : i32
      %add3A_867 = arith.addi %mul3A_5, %add3A_866 : i32
      %mul3A_868 = arith.constant 80 : i32
      %mul3A_869 = arith.muli %add3A_867, %mul3A_868 : i32
      %dma_start3A_870 = tpu.memref_slice %arg5[%mul3A_869] : memref<320000xi32, #tpu.memory_space<hbm>> -> memref<80xi32, #tpu.memory_space<hbm>>
      %dma_start3A_871 = tpu.memref_slice %arg5[%mul3A_869] : memref<320000xi32, #tpu.memory_space<hbm>> -> memref<80xi32, #tpu.memory_space<hbm>>
      tpu.enqueue_dma source(%dma_start3A_871 : memref<80xi32, #tpu.memory_space<hbm>>) target(%arg10 : memref<80xi32, #tpu.memory_space<vmem>>) target_semaphore(%arg18 : memref<!tpu.dma_semaphore, #tpu.memory_space<semaphore_mem>>)
      %add3A_872 = arith.constant 2 : i32
      %add3A_873 = arith.addi %mul3A_839, %add3A_872 : i32
      %mul3A_874 = arith.constant 80 : i32
      %mul3A_875 = arith.muli %add3A_873, %mul3A_874 : i32
      %dma_start3A_876 = tpu.memref_slice %arg9[%mul3A_875] : memref<10000xi32, #tpu.memory_space<vmem>> -> memref<80xi32, #tpu.memory_space<vmem>>
      %dma_start3A_877 = arith.constant 0 : i32
      %dma_start3A_878 = arith.constant 0 : i32
      %dma_start3A_879 = tpu.memref_slice %arg2[%dma_start3A_877, %dma_start3A_878] : memref<10000x128xf32, #tpu.memory_space<hbm>> -> memref<10000x128xf32, #tpu.memory_space<hbm>>
      tpu.enqueue_indirect_dma source(%dma_start3A_879 : memref<10000x128xf32, #tpu.memory_space<hbm>>) target(%arg12 : memref<80x128xf32, #tpu.memory_space<vmem>>) offsets(%dma_start3A_876 : memref<80xi32, #tpu.memory_space<vmem>>) semaphore(%arg16 : memref<!tpu.dma_semaphore, #tpu.memory_space<semaphore_mem>>)
      %dma_wait3A_880 = arith.constant 0 : i32
      %dma_wait3A_881 = tpu.memref_slice %arg5[%dma_wait3A_880] : memref<320000xi32, #tpu.memory_space<hbm>> -> memref<80xi32, #tpu.memory_space<hbm>>
      %dma_wait3A_882 = arith.constant 0 : i32
      %dma_wait3A_883 = tpu.memref_slice %arg5[%dma_wait3A_882] : memref<320000xi32, #tpu.memory_space<hbm>> -> memref<80xi32, #tpu.memory_space<hbm>>
      tpu.wait_dma2 semaphore(%arg19 : memref<!tpu.dma_semaphore, #tpu.memory_space<semaphore_mem>>) src(%dma_wait3A_883 : memref<80xi32, #tpu.memory_space<hbm>>) dst(%arg11 : memref<80xi32, #tpu.memory_space<vmem>>)
      %dma_wait3A_884 = arith.constant 0 : i32
      %dma_wait3A_885 = arith.constant 0 : i32
      %dma_wait3A_886 = tpu.memref_slice %arg2[%dma_wait3A_884, %dma_wait3A_885] : memref<10000x128xf32, #tpu.memory_space<hbm>> -> memref<80x128xf32, #tpu.memory_space<hbm>>
      %dma_wait3A_887 = arith.constant 0 : i32
      %dma_wait3A_888 = arith.constant 0 : i32
      %dma_wait3A_889 = tpu.memref_slice %arg2[%dma_wait3A_887, %dma_wait3A_888] : memref<10000x128xf32, #tpu.memory_space<hbm>> -> memref<80x128xf32, #tpu.memory_space<hbm>>
      tpu.wait_dma2 semaphore(%arg17 : memref<!tpu.dma_semaphore, #tpu.memory_space<semaphore_mem>>) src(%dma_wait3A_889 : memref<80x128xf32, #tpu.memory_space<hbm>>) dst(%arg13 : memref<80x128xf32, #tpu.memory_space<vmem>>)
      "tpu.region"() ({
        %run_scoped3A = tpu.sem_alloc : memref<!tpu.dma_semaphore, #tpu.memory_space<semaphore_mem>>
        %dma_start3A_891 = arith.constant 0 : i32
        %dma_start3A_892 = arith.constant 0 : i32
        %dma_start3A_893 = tpu.memref_slice %arg8[%dma_start3A_891, %dma_start3A_892] : memref<10240x128xf32, #tpu.memory_space<vmem_shared>> -> memref<10240x128xf32, #tpu.memory_space<vmem_shared>>
        tpu.enqueue_indirect_dma source(%arg13 : memref<80x128xf32, #tpu.memory_space<vmem>>) target(%dma_start3A_893 : memref<10240x128xf32, #tpu.memory_space<vmem_shared>>) offsets(%arg11 : memref<80xi32, #tpu.memory_space<vmem>>) semaphore(%run_scoped3A : memref<!tpu.dma_semaphore, #tpu.memory_space<semaphore_mem>>) {add = true}
        %dma_wait3A_894 = arith.constant 0 : i32
        %dma_wait3A_895 = arith.constant 0 : i32
        %dma_wait3A_896 = tpu.memref_slice %arg8[%dma_wait3A_894, %dma_wait3A_895] : memref<10240x128xf32, #tpu.memory_space<vmem_shared>> -> memref<10240x128xf32, #tpu.memory_space<vmem_shared>>
        tpu.wait_indirect_dma semaphore(%run_scoped3A : memref<!tpu.dma_semaphore, #tpu.memory_space<semaphore_mem>>) src(%arg13 : memref<80x128xf32, #tpu.memory_space<vmem>>) dst(%dma_wait3A_896 : memref<10240x128xf32, #tpu.memory_space<vmem_shared>>)
        tpu.yield
      }) : () -> ()
      %scan3A_890 = arith.constant 0 : i32
      scf.yield %scan3A_890 : i32
    }
    %scan3A_46 = arith.constant 62 : i32
    %dma_wait3A = arith.constant 0 : i32
    %dma_wait3A_47 = tpu.memref_slice %arg5[%dma_wait3A] : memref<320000xi32, #tpu.memory_space<hbm>> -> memref<80xi32, #tpu.memory_space<hbm>>
    %dma_wait3A_48 = arith.constant 0 : i32
    %dma_wait3A_49 = tpu.memref_slice %arg5[%dma_wait3A_48] : memref<320000xi32, #tpu.memory_space<hbm>> -> memref<80xi32, #tpu.memory_space<hbm>>
    tpu.wait_dma2 semaphore(%arg18 : memref<!tpu.dma_semaphore, #tpu.memory_space<semaphore_mem>>) src(%dma_wait3A_49 : memref<80xi32, #tpu.memory_space<hbm>>) dst(%arg10 : memref<80xi32, #tpu.memory_space<vmem>>)
    %dma_wait3A_50 = arith.constant 0 : i32
    %dma_wait3A_51 = arith.constant 0 : i32
    %dma_wait3A_52 = tpu.memref_slice %arg2[%dma_wait3A_50, %dma_wait3A_51] : memref<10000x128xf32, #tpu.memory_space<hbm>> -> memref<80x128xf32, #tpu.memory_space<hbm>>
    %dma_wait3A_53 = arith.constant 0 : i32
    %dma_wait3A_54 = arith.constant 0 : i32
    %dma_wait3A_55 = tpu.memref_slice %arg2[%dma_wait3A_53, %dma_wait3A_54] : memref<10000x128xf32, #tpu.memory_space<hbm>> -> memref<80x128xf32, #tpu.memory_space<hbm>>
    tpu.wait_dma2 semaphore(%arg16 : memref<!tpu.dma_semaphore, #tpu.memory_space<semaphore_mem>>) src(%dma_wait3A_55 : memref<80x128xf32, #tpu.memory_space<hbm>>) dst(%arg12 : memref<80x128xf32, #tpu.memory_space<vmem>>)
    "tpu.region"() ({
      %run_scoped3A = tpu.sem_alloc : memref<!tpu.dma_semaphore, #tpu.memory_space<semaphore_mem>>
      %dma_start3A_836 = arith.constant 0 : i32
      %dma_start3A_837 = arith.constant 0 : i32
      %dma_start3A_838 = tpu.memref_slice %arg8[%dma_start3A_836, %dma_start3A_837] : memref<10240x128xf32, #tpu.memory_space<vmem_shared>> -> memref<10240x128xf32, #tpu.memory_space<vmem_shared>>
      tpu.enqueue_indirect_dma source(%arg12 : memref<80x128xf32, #tpu.memory_space<vmem>>) target(%dma_start3A_838 : memref<10240x128xf32, #tpu.memory_space<vmem_shared>>) offsets(%arg10 : memref<80xi32, #tpu.memory_space<vmem>>) semaphore(%run_scoped3A : memref<!tpu.dma_semaphore, #tpu.memory_space<semaphore_mem>>) {add = true}
      %dma_wait3A_839 = arith.constant 0 : i32
      %dma_wait3A_840 = arith.constant 0 : i32
      %dma_wait3A_841 = tpu.memref_slice %arg8[%dma_wait3A_839, %dma_wait3A_840] : memref<10240x128xf32, #tpu.memory_space<vmem_shared>> -> memref<10240x128xf32, #tpu.memory_space<vmem_shared>>
      tpu.wait_indirect_dma semaphore(%run_scoped3A : memref<!tpu.dma_semaphore, #tpu.memory_space<semaphore_mem>>) src(%arg12 : memref<80x128xf32, #tpu.memory_space<vmem>>) dst(%dma_wait3A_841 : memref<10240x128xf32, #tpu.memory_space<vmem_shared>>)
      tpu.yield
    }) : () -> ()
    %barrier3A_56 = arith.constant 0 : index
    tpu.barrier barrier_id(%barrier3A_56)
    %add3A_57 = arith.constant 0 : i32
    %add3A_58 = arith.addi %mul3A_3, %add3A_57 : i32
    "tpu.region"() ({
      %run_scoped3A = tpu.sem_alloc : memref<!tpu.dma_semaphore, #tpu.memory_space<semaphore_mem>>
      %dma_start3A_836 = arith.constant 0 : i32
      %dma_start3A_837 = tpu.memref_slice %arg6[%arg0, %add3A_58, %dma_start3A_836] : memref<2x10240x128xf32, #tpu.memory_space<hbm>> -> memref<1x128x128xf32, #tpu.memory_space<hbm>>
      %dma_start3A_838 = tpu.memref_squeeze %dma_start3A_837 : memref<1x128x128xf32, #tpu.memory_space<hbm>> -> memref<128x128xf32, #tpu.memory_space<hbm>>
      %dma_start3A_839 = arith.constant 0 : i32
      %dma_start3A_840 = tpu.memref_slice %arg8[%add3A_58, %dma_start3A_839] : memref<10240x128xf32, #tpu.memory_space<vmem_shared>> -> memref<128x128xf32, #tpu.memory_space<vmem_shared>>
      tpu.enqueue_dma source(%dma_start3A_840 : memref<128x128xf32, #tpu.memory_space<vmem_shared>>) target(%dma_start3A_838 : memref<128x128xf32, #tpu.memory_space<hbm>>) target_semaphore(%run_scoped3A : memref<!tpu.dma_semaphore, #tpu.memory_space<semaphore_mem>>)
      %dma_wait3A_841 = arith.constant 0 : i32
      %dma_wait3A_842 = tpu.memref_slice %arg6[%arg0, %add3A_58, %dma_wait3A_841] : memref<2x10240x128xf32, #tpu.memory_space<hbm>> -> memref<1x128x128xf32, #tpu.memory_space<hbm>>
      %dma_wait3A_843 = tpu.memref_squeeze %dma_wait3A_842 : memref<1x128x128xf32, #tpu.memory_space<hbm>> -> memref<128x128xf32, #tpu.memory_space<hbm>>
      %dma_wait3A_844 = arith.constant 0 : i32
      %dma_wait3A_845 = tpu.memref_slice %arg8[%add3A_58, %dma_wait3A_844] : memref<10240x128xf32, #tpu.memory_space<vmem_shared>> -> memref<128x128xf32, #tpu.memory_space<vmem_shared>>
      tpu.wait_dma2 semaphore(%run_scoped3A : memref<!tpu.dma_semaphore, #tpu.memory_space<semaphore_mem>>) src(%dma_wait3A_845 : memref<128x128xf32, #tpu.memory_space<vmem_shared>>) dst(%dma_wait3A_843 : memref<128x128xf32, #tpu.memory_space<hbm>>)
      tpu.yield
    }) : () -> ()
    %add3A_59 = arith.constant 128 : i32
    %add3A_60 = arith.addi %mul3A_3, %add3A_59 : i32
    "tpu.region"() ({
      %run_scoped3A = tpu.sem_alloc : memref<!tpu.dma_semaphore, #tpu.memory_space<semaphore_mem>>
      %dma_start3A_836 = arith.constant 0 : i32
      %dma_start3A_837 = tpu.memref_slice %arg6[%arg0, %add3A_60, %dma_start3A_836] : memref<2x10240x128xf32, #tpu.memory_space<hbm>> -> memref<1x128x128xf32, #tpu.memory_space<hbm>>
      %dma_start3A_838 = tpu.memref_squeeze %dma_start3A_837 : memref<1x128x128xf32, #tpu.memory_space<hbm>> -> memref<128x128xf32, #tpu.memory_space<hbm>>
      %dma_start3A_839 = arith.constant 0 : i32
      %dma_start3A_840 = tpu.memref_slice %arg8[%add3A_60, %dma_start3A_839] : memref<10240x128xf32, #tpu.memory_space<vmem_shared>> -> memref<128x128xf32, #tpu.memory_space<vmem_shared>>
      tpu.enqueue_dma source(%dma_start3A_840 : memref<128x128xf32, #tpu.memory_space<vmem_shared>>) target(%dma_start3A_838 : memref<128x128xf32, #tpu.memory_space<hbm>>) target_semaphore(%run_scoped3A : memref<!tpu.dma_semaphore, #tpu.memory_space<semaphore_mem>>)
      %dma_wait3A_841 = arith.constant 0 : i32
      %dma_wait3A_842 = tpu.memref_slice %arg6[%arg0, %add3A_60, %dma_wait3A_841] : memref<2x10240x128xf32, #tpu.memory_space<hbm>> -> memref<1x128x128xf32, #tpu.memory_space<hbm>>
      %dma_wait3A_843 = tpu.memref_squeeze %dma_wait3A_842 : memref<1x128x128xf32, #tpu.memory_space<hbm>> -> memref<128x128xf32, #tpu.memory_space<hbm>>
      %dma_wait3A_844 = arith.constant 0 : i32
      %dma_wait3A_845 = tpu.memref_slice %arg8[%add3A_60, %dma_wait3A_844] : memref<10240x128xf32, #tpu.memory_space<vmem_shared>> -> memref<128x128xf32, #tpu.memory_space<vmem_shared>>
      tpu.wait_dma2 semaphore(%run_scoped3A : memref<!tpu.dma_semaphore, #tpu.memory_space<semaphore_mem>>) src(%dma_wait3A_845 : memref<128x128xf32, #tpu.memory_space<vmem_shared>>) dst(%dma_wait3A_843 : memref<128x128xf32, #tpu.memory_space<hbm>>)
      tpu.yield
    }) : () -> ()
    %add3A_61 = arith.constant 256 : i32
    %add3A_62 = arith.addi %mul3A_3, %add3A_61 : i32
    "tpu.region"() ({
      %run_scoped3A = tpu.sem_alloc : memref<!tpu.dma_semaphore, #tpu.memory_space<semaphore_mem>>
      %dma_start3A_836 = arith.constant 0 : i32
      %dma_start3A_837 = tpu.memref_slice %arg6[%arg0, %add3A_62, %dma_start3A_836] : memref<2x10240x128xf32, #tpu.memory_space<hbm>> -> memref<1x128x128xf32, #tpu.memory_space<hbm>>
      %dma_start3A_838 = tpu.memref_squeeze %dma_start3A_837 : memref<1x128x128xf32, #tpu.memory_space<hbm>> -> memref<128x128xf32, #tpu.memory_space<hbm>>
      %dma_start3A_839 = arith.constant 0 : i32
      %dma_start3A_840 = tpu.memref_slice %arg8[%add3A_62, %dma_start3A_839] : memref<10240x128xf32, #tpu.memory_space<vmem_shared>> -> memref<128x128xf32, #tpu.memory_space<vmem_shared>>
      tpu.enqueue_dma source(%dma_start3A_840 : memref<128x128xf32, #tpu.memory_space<vmem_shared>>) target(%dma_start3A_838 : memref<128x128xf32, #tpu.memory_space<hbm>>) target_semaphore(%run_scoped3A : memref<!tpu.dma_semaphore, #tpu.memory_space<semaphore_mem>>)
      %dma_wait3A_841 = arith.constant 0 : i32
      %dma_wait3A_842 = tpu.memref_slice %arg6[%arg0, %add3A_62, %dma_wait3A_841] : memref<2x10240x128xf32, #tpu.memory_space<hbm>> -> memref<1x128x128xf32, #tpu.memory_space<hbm>>
      %dma_wait3A_843 = tpu.memref_squeeze %dma_wait3A_842 : memref<1x128x128xf32, #tpu.memory_space<hbm>> -> memref<128x128xf32, #tpu.memory_space<hbm>>
      %dma_wait3A_844 = arith.constant 0 : i32
      %dma_wait3A_845 = tpu.memref_slice %arg8[%add3A_62, %dma_wait3A_844] : memref<10240x128xf32, #tpu.memory_space<vmem_shared>> -> memref<128x128xf32, #tpu.memory_space<vmem_shared>>
      tpu.wait_dma2 semaphore(%run_scoped3A : memref<!tpu.dma_semaphore, #tpu.memory_space<semaphore_mem>>) src(%dma_wait3A_845 : memref<128x128xf32, #tpu.memory_space<vmem_shared>>) dst(%dma_wait3A_843 : memref<128x128xf32, #tpu.memory_space<hbm>>)
      tpu.yield
    }) : () -> ()
    %add3A_63 = arith.constant 384 : i32
    %add3A_64 = arith.addi %mul3A_3, %add3A_63 : i32
    "tpu.region"() ({
      %run_scoped3A = tpu.sem_alloc : memref<!tpu.dma_semaphore, #tpu.memory_space<semaphore_mem>>
      %dma_start3A_836 = arith.constant 0 : i32
      %dma_start3A_837 = tpu.memref_slice %arg6[%arg0, %add3A_64, %dma_start3A_836] : memref<2x10240x128xf32, #tpu.memory_space<hbm>> -> memref<1x128x128xf32, #tpu.memory_space<hbm>>
      %dma_start3A_838 = tpu.memref_squeeze %dma_start3A_837 : memref<1x128x128xf32, #tpu.memory_space<hbm>> -> memref<128x128xf32, #tpu.memory_space<hbm>>
      %dma_start3A_839 = arith.constant 0 : i32
      %dma_start3A_840 = tpu.memref_slice %arg8[%add3A_64, %dma_start3A_839] : memref<10240x128xf32, #tpu.memory_space<vmem_shared>> -> memref<128x128xf32, #tpu.memory_space<vmem_shared>>
      tpu.enqueue_dma source(%dma_start3A_840 : memref<128x128xf32, #tpu.memory_space<vmem_shared>>) target(%dma_start3A_838 : memref<128x128xf32, #tpu.memory_space<hbm>>) target_semaphore(%run_scoped3A : memref<!tpu.dma_semaphore, #tpu.memory_space<semaphore_mem>>)
      %dma_wait3A_841 = arith.constant 0 : i32
      %dma_wait3A_842 = tpu.memref_slice %arg6[%arg0, %add3A_64, %dma_wait3A_841] : memref<2x10240x128xf32, #tpu.memory_space<hbm>> -> memref<1x128x128xf32, #tpu.memory_space<hbm>>
      %dma_wait3A_843 = tpu.memref_squeeze %dma_wait3A_842 : memref<1x128x128xf32, #tpu.memory_space<hbm>> -> memref<128x128xf32, #tpu.memory_space<hbm>>
      %dma_wait3A_844 = arith.constant 0 : i32
      %dma_wait3A_845 = tpu.memref_slice %arg8[%add3A_64, %dma_wait3A_844] : memref<10240x128xf32, #tpu.memory_space<vmem_shared>> -> memref<128x128xf32, #tpu.memory_space<vmem_shared>>
      tpu.wait_dma2 semaphore(%run_scoped3A : memref<!tpu.dma_semaphore, #tpu.memory_space<semaphore_mem>>) src(%dma_wait3A_845 : memref<128x128xf32, #tpu.memory_space<vmem_shared>>) dst(%dma_wait3A_843 : memref<128x128xf32, #tpu.memory_space<hbm>>)
      tpu.yield
    }) : () -> ()
    %add3A_65 = arith.constant 512 : i32
    %add3A_66 = arith.addi %mul3A_3, %add3A_65 : i32
    "tpu.region"() ({
      %run_scoped3A = tpu.sem_alloc : memref<!tpu.dma_semaphore, #tpu.memory_space<semaphore_mem>>
      %dma_start3A_836 = arith.constant 0 : i32
      %dma_start3A_837 = tpu.memref_slice %arg6[%arg0, %add3A_66, %dma_start3A_836] : memref<2x10240x128xf32, #tpu.memory_space<hbm>> -> memref<1x128x128xf32, #tpu.memory_space<hbm>>
      %dma_start3A_838 = tpu.memref_squeeze %dma_start3A_837 : memref<1x128x128xf32, #tpu.memory_space<hbm>> -> memref<128x128xf32, #tpu.memory_space<hbm>>
      %dma_start3A_839 = arith.constant 0 : i32
      %dma_start3A_840 = tpu.memref_slice %arg8[%add3A_66, %dma_start3A_839] : memref<10240x128xf32, #tpu.memory_space<vmem_shared>> -> memref<128x128xf32, #tpu.memory_space<vmem_shared>>
      tpu.enqueue_dma source(%dma_start3A_840 : memref<128x128xf32, #tpu.memory_space<vmem_shared>>) target(%dma_start3A_838 : memref<128x128xf32, #tpu.memory_space<hbm>>) target_semaphore(%run_scoped3A : memref<!tpu.dma_semaphore, #tpu.memory_space<semaphore_mem>>)
      %dma_wait3A_841 = arith.constant 0 : i32
      %dma_wait3A_842 = tpu.memref_slice %arg6[%arg0, %add3A_66, %dma_wait3A_841] : memref<2x10240x128xf32, #tpu.memory_space<hbm>> -> memref<1x128x128xf32, #tpu.memory_space<hbm>>
      %dma_wait3A_843 = tpu.memref_squeeze %dma_wait3A_842 : memref<1x128x128xf32, #tpu.memory_space<hbm>> -> memref<128x128xf32, #tpu.memory_space<hbm>>
      %dma_wait3A_844 = arith.constant 0 : i32
      %dma_wait3A_845 = tpu.memref_slice %arg8[%add3A_66, %dma_wait3A_844] : memref<10240x128xf32, #tpu.memory_space<vmem_shared>> -> memref<128x128xf32, #tpu.memory_space<vmem_shared>>
      tpu.wait_dma2 semaphore(%run_scoped3A : memref<!tpu.dma_semaphore, #tpu.memory_space<semaphore_mem>>) src(%dma_wait3A_845 : memref<128x128xf32, #tpu.memory_space<vmem_shared>>) dst(%dma_wait3A_843 : memref<128x128xf32, #tpu.memory_space<hbm>>)
      tpu.yield
    }) : () -> ()
    %barrier3A_67 = arith.constant 0 : index
    tpu.barrier barrier_id(%barrier3A_67)
    %iota3A = tpu.iota {dimensions = array<i32: 0>} : vector<16xi32>
    %eq3A = arith.constant 0 : i32
    %eq3A_68 = vector.broadcast %eq3A : i32 to vector<16xi32>
    %eq3A_69 = arith.cmpi eq, %iota3A, %eq3A_68 : vector<16xi32>
    %jit3A = arith.constant 1.000000e+00 : f32
    %jit3A_70 = arith.constant 0.000000e+00 : f32
    %broadcast_in_dim3A_71 = vector.broadcast %jit3A : f32 to vector<16xf32>
    %broadcast_in_dim3A_72 = vector.broadcast %jit3A_70 : f32 to vector<16xf32>
    %select_n3A = arith.select %eq3A_69, %broadcast_in_dim3A_71, %broadcast_in_dim3A_72 : vector<16xi1>, vector<16xf32>
    %scan3A_73 = arith.constant 0 : i32
    %scan3A_74 = arith.constant 0 : i32
    %scan3A_75 = arith.constant 80 : i32
    %scan3A_76 = arith.addi %scan3A_74, %scan3A_75 : i32
    %scan3A_77 = arith.constant 1 : i32
    %scan3A_78 = scf.for %scan3A_836 = %scan3A_74 to %scan3A_76 step %scan3A_77 iter_args(%scan3A_837 = %scan3A_73) -> (i32)  : i32 {
      %swap3A_838 = arith.index_cast %scan3A_836 : i32 to index
      %swap3A_839 = arith.constant 16 : index
      %swap3A_840 = tpu.vector_load %arg12[%swap3A_838, %swap3A_839] {strides = array<i32>} : memref<80x128xf32, #tpu.memory_space<vmem>>, vector<1x16xf32>,
      %swap3A_841 = vector.shape_cast %swap3A_840 : vector<1x16xf32> to vector<16xf32>
      %swap3A_842 = vector.shape_cast %select_n3A : vector<16xf32> to vector<1x16xf32>
      tpu.vector_store %arg12[%swap3A_838, %swap3A_839], %swap3A_842 {strides = array<i32>} : memref<80x128xf32, #tpu.memory_space<vmem>>, vector<1x16xf32>,
      %swap3A_843 = arith.index_cast %scan3A_836 : i32 to index
      %swap3A_844 = arith.constant 32 : index
      %swap3A_845 = tpu.vector_load %arg12[%swap3A_843, %swap3A_844] {strides = array<i32>} : memref<80x128xf32, #tpu.memory_space<vmem>>, vector<1x16xf32>,
      %swap3A_846 = vector.shape_cast %swap3A_845 : vector<1x16xf32> to vector<16xf32>
      %swap3A_847 = vector.shape_cast %broadcast_in_dim3A_1 : vector<16xf32> to vector<1x16xf32>
      tpu.vector_store %arg12[%swap3A_843, %swap3A_844], %swap3A_847 {strides = array<i32>} : memref<80x128xf32, #tpu.memory_space<vmem>>, vector<1x16xf32>,
      %swap3A_848 = arith.index_cast %scan3A_836 : i32 to index
      %swap3A_849 = arith.constant 48 : index
      %swap3A_850 = tpu.vector_load %arg12[%swap3A_848, %swap3A_849] {strides = array<i32>} : memref<80x128xf32, #tpu.memory_space<vmem>>, vector<1x16xf32>,
      %swap3A_851 = vector.shape_cast %swap3A_850 : vector<1x16xf32> to vector<16xf32>
      %swap3A_852 = vector.shape_cast %broadcast_in_dim3A_1 : vector<16xf32> to vector<1x16xf32>
      tpu.vector_store %arg12[%swap3A_848, %swap3A_849], %swap3A_852 {strides = array<i32>} : memref<80x128xf32, #tpu.memory_space<vmem>>, vector<1x16xf32>,
      %swap3A_853 = arith.index_cast %scan3A_836 : i32 to index
      %swap3A_854 = arith.constant 64 : index
      %swap3A_855 = tpu.vector_load %arg12[%swap3A_853, %swap3A_854] {strides = array<i32>} : memref<80x128xf32, #tpu.memory_space<vmem>>, vector<1x16xf32>,
      %swap3A_856 = vector.shape_cast %swap3A_855 : vector<1x16xf32> to vector<16xf32>
      %swap3A_857 = vector.shape_cast %broadcast_in_dim3A_1 : vector<16xf32> to vector<1x16xf32>
      tpu.vector_store %arg12[%swap3A_853, %swap3A_854], %swap3A_857 {strides = array<i32>} : memref<80x128xf32, #tpu.memory_space<vmem>>, vector<1x16xf32>,
      %swap3A_858 = arith.index_cast %scan3A_836 : i32 to index
      %swap3A_859 = arith.constant 80 : index
      %swap3A_860 = tpu.vector_load %arg12[%swap3A_858, %swap3A_859] {strides = array<i32>} : memref<80x128xf32, #tpu.memory_space<vmem>>, vector<1x16xf32>,
      %swap3A_861 = vector.shape_cast %swap3A_860 : vector<1x16xf32> to vector<16xf32>
      %swap3A_862 = vector.shape_cast %broadcast_in_dim3A_1 : vector<16xf32> to vector<1x16xf32>
      tpu.vector_store %arg12[%swap3A_858, %swap3A_859], %swap3A_862 {strides = array<i32>} : memref<80x128xf32, #tpu.memory_space<vmem>>, vector<1x16xf32>,
      %swap3A_863 = arith.index_cast %scan3A_836 : i32 to index
      %swap3A_864 = arith.constant 96 : index
      %swap3A_865 = tpu.vector_load %arg12[%swap3A_863, %swap3A_864] {strides = array<i32>} : memref<80x128xf32, #tpu.memory_space<vmem>>, vector<1x16xf32>,
      %swap3A_866 = vector.shape_cast %swap3A_865 : vector<1x16xf32> to vector<16xf32>
      %swap3A_867 = vector.shape_cast %broadcast_in_dim3A_1 : vector<16xf32> to vector<1x16xf32>
      tpu.vector_store %arg12[%swap3A_863, %swap3A_864], %swap3A_867 {strides = array<i32>} : memref<80x128xf32, #tpu.memory_space<vmem>>, vector<1x16xf32>,
      %swap3A_868 = arith.index_cast %scan3A_836 : i32 to index
      %swap3A_869 = arith.constant 112 : index
      %swap3A_870 = tpu.vector_load %arg12[%swap3A_868, %swap3A_869] {strides = array<i32>} : memref<80x128xf32, #tpu.memory_space<vmem>>, vector<1x16xf32>,
      %swap3A_871 = vector.shape_cast %swap3A_870 : vector<1x16xf32> to vector<16xf32>
      %swap3A_872 = vector.shape_cast %broadcast_in_dim3A_1 : vector<16xf32> to vector<1x16xf32>
      tpu.vector_store %arg12[%swap3A_868, %swap3A_869], %swap3A_872 {strides = array<i32>} : memref<80x128xf32, #tpu.memory_space<vmem>>, vector<1x16xf32>,
      %scan3A_873 = arith.constant 0 : i32
      scf.yield %scan3A_873 : i32
    }
    %scan3A_79 = arith.constant 80 : i32
    %add3A_80 = arith.constant 0 : i32
    %add3A_81 = arith.addi %mul3A_5, %add3A_80 : i32
    %mul3A_82 = arith.constant 1280 : i32
    %mul3A_83 = arith.muli %add3A_81, %mul3A_82 : i32
    %dma_start3A_84 = tpu.memref_slice %arg3[%mul3A_83] : memref<5120000xf32, #tpu.memory_space<hbm>> -> memref<1280xf32, #tpu.memory_space<hbm>>
    %dma_start3A_85 = tpu.memref_slice %arg3[%mul3A_83] : memref<5120000xf32, #tpu.memory_space<hbm>> -> memref<1280xf32, #tpu.memory_space<hbm>>
    tpu.enqueue_dma source(%dma_start3A_85 : memref<1280xf32, #tpu.memory_space<hbm>>) target(%arg14 : memref<1280xf32, #tpu.memory_space<vmem>>) target_semaphore(%arg18 : memref<!tpu.dma_semaphore, #tpu.memory_space<semaphore_mem>>)
    %add3A_86 = arith.constant 0 : i32
    %add3A_87 = arith.addi %mul3A_5, %add3A_86 : i32
    %mul3A_88 = arith.constant 80 : i32
    %mul3A_89 = arith.muli %add3A_87, %mul3A_88 : i32
    %dma_start3A_90 = tpu.memref_slice %arg5[%mul3A_89] : memref<320000xi32, #tpu.memory_space<hbm>> -> memref<80xi32, #tpu.memory_space<hbm>>
    %dma_start3A_91 = tpu.memref_slice %arg5[%mul3A_89] : memref<320000xi32, #tpu.memory_space<hbm>> -> memref<80xi32, #tpu.memory_space<hbm>>
    tpu.enqueue_dma source(%dma_start3A_91 : memref<80xi32, #tpu.memory_space<hbm>>) target(%arg10 : memref<80xi32, #tpu.memory_space<vmem>>) target_semaphore(%arg16 : memref<!tpu.dma_semaphore, #tpu.memory_space<semaphore_mem>>)
    %scan3A_92 = arith.constant 0 : i32
    %scan3A_93 = arith.constant 0 : i32
    %scan3A_94 = arith.constant 62 : i32
    %scan3A_95 = arith.addi %scan3A_93, %scan3A_94 : i32
    %scan3A_96 = arith.constant 1 : i32
    %scan3A_97 = scf.for %scan3A_836 = %scan3A_93 to %scan3A_95 step %scan3A_96 iter_args(%scan3A_837 = %scan3A_92) -> (i32)  : i32 {
      %mul3A_838 = arith.constant 2 : i32
      %mul3A_839 = arith.muli %mul3A_838, %scan3A_836 : i32
      %add3A_840 = arith.constant 1 : i32
      %add3A_841 = arith.addi %mul3A_839, %add3A_840 : i32
      %add3A_842 = arith.addi %mul3A_5, %add3A_841 : i32
      %mul3A_843 = arith.constant 1280 : i32
      %mul3A_844 = arith.muli %add3A_842, %mul3A_843 : i32
      %dma_start3A_845 = tpu.memref_slice %arg3[%mul3A_844] : memref<5120000xf32, #tpu.memory_space<hbm>> -> memref<1280xf32, #tpu.memory_space<hbm>>
      %dma_start3A_846 = tpu.memref_slice %arg3[%mul3A_844] : memref<5120000xf32, #tpu.memory_space<hbm>> -> memref<1280xf32, #tpu.memory_space<hbm>>
      tpu.enqueue_dma source(%dma_start3A_846 : memref<1280xf32, #tpu.memory_space<hbm>>) target(%arg15 : memref<1280xf32, #tpu.memory_space<vmem>>) target_semaphore(%arg19 : memref<!tpu.dma_semaphore, #tpu.memory_space<semaphore_mem>>)
      %add3A_847 = arith.constant 1 : i32
      %add3A_848 = arith.addi %mul3A_839, %add3A_847 : i32
      %add3A_849 = arith.addi %mul3A_5, %add3A_848 : i32
      %mul3A_850 = arith.constant 80 : i32
      %mul3A_851 = arith.muli %add3A_849, %mul3A_850 : i32
      %dma_start3A_852 = tpu.memref_slice %arg5[%mul3A_851] : memref<320000xi32, #tpu.memory_space<hbm>> -> memref<80xi32, #tpu.memory_space<hbm>>
      %dma_start3A_853 = tpu.memref_slice %arg5[%mul3A_851] : memref<320000xi32, #tpu.memory_space<hbm>> -> memref<80xi32, #tpu.memory_space<hbm>>
      tpu.enqueue_dma source(%dma_start3A_853 : memref<80xi32, #tpu.memory_space<hbm>>) target(%arg11 : memref<80xi32, #tpu.memory_space<vmem>>) target_semaphore(%arg17 : memref<!tpu.dma_semaphore, #tpu.memory_space<semaphore_mem>>)
      %dma_wait3A_854 = arith.constant 0 : i32
      %dma_wait3A_855 = tpu.memref_slice %arg5[%dma_wait3A_854] : memref<320000xi32, #tpu.memory_space<hbm>> -> memref<80xi32, #tpu.memory_space<hbm>>
      %dma_wait3A_856 = arith.constant 0 : i32
      %dma_wait3A_857 = tpu.memref_slice %arg5[%dma_wait3A_856] : memref<320000xi32, #tpu.memory_space<hbm>> -> memref<80xi32, #tpu.memory_space<hbm>>
      tpu.wait_dma2 semaphore(%arg16 : memref<!tpu.dma_semaphore, #tpu.memory_space<semaphore_mem>>) src(%dma_wait3A_857 : memref<80xi32, #tpu.memory_space<hbm>>) dst(%arg10 : memref<80xi32, #tpu.memory_space<vmem>>)
      %dma_wait3A_858 = arith.constant 0 : i32
      %dma_wait3A_859 = tpu.memref_slice %arg3[%dma_wait3A_858] : memref<5120000xf32, #tpu.memory_space<hbm>> -> memref<1280xf32, #tpu.memory_space<hbm>>
      %dma_wait3A_860 = arith.constant 0 : i32
      %dma_wait3A_861 = tpu.memref_slice %arg3[%dma_wait3A_860] : memref<5120000xf32, #tpu.memory_space<hbm>> -> memref<1280xf32, #tpu.memory_space<hbm>>
      tpu.wait_dma2 semaphore(%arg18 : memref<!tpu.dma_semaphore, #tpu.memory_space<semaphore_mem>>) src(%dma_wait3A_861 : memref<1280xf32, #tpu.memory_space<hbm>>) dst(%arg14 : memref<1280xf32, #tpu.memory_space<vmem>>)
      %get3A_862 = arith.constant 0 : index
      %get3A_863 = tpu.vector_load %arg14[%get3A_862] {strides = array<i32>} : memref<1280xf32, #tpu.memory_space<vmem>>, vector<16xf32>,
      %get3A_864 = vector.shape_cast %get3A_863 : vector<16xf32> to vector<16xf32>
      %swap3A_865 = arith.constant 0 : i32
      %swap3A_866 = arith.index_cast %swap3A_865 : i32 to index
      %swap3A_867 = arith.constant 0 : index
      %swap3A_868 = tpu.vector_load %arg12[%swap3A_866, %swap3A_867] {strides = array<i32>} : memref<80x128xf32, #tpu.memory_space<vmem>>, vector<1x16xf32>,
      %swap3A_869 = vector.shape_cast %swap3A_868 : vector<1x16xf32> to vector<16xf32>
      %swap3A_870 = vector.shape_cast %get3A_864 : vector<16xf32> to vector<1x16xf32>
      tpu.vector_store %arg12[%swap3A_866, %swap3A_867], %swap3A_870 {strides = array<i32>} : memref<80x128xf32, #tpu.memory_space<vmem>>, vector<1x16xf32>,
      %get3A_871 = arith.constant 16 : index
      %get3A_872 = tpu.vector_load %arg14[%get3A_871] {strides = array<i32>} : memref<1280xf32, #tpu.memory_space<vmem>>, vector<16xf32>,
      %get3A_873 = vector.shape_cast %get3A_872 : vector<16xf32> to vector<16xf32>
      %swap3A_874 = arith.constant 1 : i32
      %swap3A_875 = arith.index_cast %swap3A_874 : i32 to index
      %swap3A_876 = arith.constant 0 : index
      %swap3A_877 = tpu.vector_load %arg12[%swap3A_875, %swap3A_876] {strides = array<i32>} : memref<80x128xf32, #tpu.memory_space<vmem>>, vector<1x16xf32>,
      %swap3A_878 = vector.shape_cast %swap3A_877 : vector<1x16xf32> to vector<16xf32>
      %swap3A_879 = vector.shape_cast %get3A_873 : vector<16xf32> to vector<1x16xf32>
      tpu.vector_store %arg12[%swap3A_875, %swap3A_876], %swap3A_879 {strides = array<i32>} : memref<80x128xf32, #tpu.memory_space<vmem>>, vector<1x16xf32>,
      %get3A_880 = arith.constant 32 : index
      %get3A_881 = tpu.vector_load %arg14[%get3A_880] {strides = array<i32>} : memref<1280xf32, #tpu.memory_space<vmem>>, vector<16xf32>,
      %get3A_882 = vector.shape_cast %get3A_881 : vector<16xf32> to vector<16xf32>
      %swap3A_883 = arith.constant 2 : i32
      %swap3A_884 = arith.index_cast %swap3A_883 : i32 to index
      %swap3A_885 = arith.constant 0 : index
      %swap3A_886 = tpu.vector_load %arg12[%swap3A_884, %swap3A_885] {strides = array<i32>} : memref<80x128xf32, #tpu.memory_space<vmem>>, vector<1x16xf32>,
      %swap3A_887 = vector.shape_cast %swap3A_886 : vector<1x16xf32> to vector<16xf32>
      %swap3A_888 = vector.shape_cast %get3A_882 : vector<16xf32> to vector<1x16xf32>
      tpu.vector_store %arg12[%swap3A_884, %swap3A_885], %swap3A_888 {strides = array<i32>} : memref<80x128xf32, #tpu.memory_space<vmem>>, vector<1x16xf32>,
      %get3A_889 = arith.constant 48 : index
      %get3A_890 = tpu.vector_load %arg14[%get3A_889] {strides = array<i32>} : memref<1280xf32, #tpu.memory_space<vmem>>, vector<16xf32>,
      %get3A_891 = vector.shape_cast %get3A_890 : vector<16xf32> to vector<16xf32>
      %swap3A_892 = arith.constant 3 : i32
      %swap3A_893 = arith.index_cast %swap3A_892 : i32 to index
      %swap3A_894 = arith.constant 0 : index
      %swap3A_895 = tpu.vector_load %arg12[%swap3A_893, %swap3A_894] {strides = array<i32>} : memref<80x128xf32, #tpu.memory_space<vmem>>, vector<1x16xf32>,
      %swap3A_896 = vector.shape_cast %swap3A_895 : vector<1x16xf32> to vector<16xf32>
      %swap3A_897 = vector.shape_cast %get3A_891 : vector<16xf32> to vector<1x16xf32>
      tpu.vector_store %arg12[%swap3A_893, %swap3A_894], %swap3A_897 {strides = array<i32>} : memref<80x128xf32, #tpu.memory_space<vmem>>, vector<1x16xf32>,
      %get3A_898 = arith.constant 64 : index
      %get3A_899 = tpu.vector_load %arg14[%get3A_898] {strides = array<i32>} : memref<1280xf32, #tpu.memory_space<vmem>>, vector<16xf32>,
      %get3A_900 = vector.shape_cast %get3A_899 : vector<16xf32> to vector<16xf32>
      %swap3A_901 = arith.constant 4 : i32
      %swap3A_902 = arith.index_cast %swap3A_901 : i32 to index
      %swap3A_903 = arith.constant 0 : index
      %swap3A_904 = tpu.vector_load %arg12[%swap3A_902, %swap3A_903] {strides = array<i32>} : memref<80x128xf32, #tpu.memory_space<vmem>>, vector<1x16xf32>,
      %swap3A_905 = vector.shape_cast %swap3A_904 : vector<1x16xf32> to vector<16xf32>
      %swap3A_906 = vector.shape_cast %get3A_900 : vector<16xf32> to vector<1x16xf32>
      tpu.vector_store %arg12[%swap3A_902, %swap3A_903], %swap3A_906 {strides = array<i32>} : memref<80x128xf32, #tpu.memory_space<vmem>>, vector<1x16xf32>,
      %get3A_907 = arith.constant 80 : index
      %get3A_908 = tpu.vector_load %arg14[%get3A_907] {strides = array<i32>} : memref<1280xf32, #tpu.memory_space<vmem>>, vector<16xf32>,
      %get3A_909 = vector.shape_cast %get3A_908 : vector<16xf32> to vector<16xf32>
      %swap3A_910 = arith.constant 5 : i32
      %swap3A_911 = arith.index_cast %swap3A_910 : i32 to index
      %swap3A_912 = arith.constant 0 : index
      %swap3A_913 = tpu.vector_load %arg12[%swap3A_911, %swap3A_912] {strides = array<i32>} : memref<80x128xf32, #tpu.memory_space<vmem>>, vector<1x16xf32>,
      %swap3A_914 = vector.shape_cast %swap3A_913 : vector<1x16xf32> to vector<16xf32>
      %swap3A_915 = vector.shape_cast %get3A_909 : vector<16xf32> to vector<1x16xf32>
      tpu.vector_store %arg12[%swap3A_911, %swap3A_912], %swap3A_915 {strides = array<i32>} : memref<80x128xf32, #tpu.memory_space<vmem>>, vector<1x16xf32>,
      %get3A_916 = arith.constant 96 : index
      %get3A_917 = tpu.vector_load %arg14[%get3A_916] {strides = array<i32>} : memref<1280xf32, #tpu.memory_space<vmem>>, vector<16xf32>,
      %get3A_918 = vector.shape_cast %get3A_917 : vector<16xf32> to vector<16xf32>
      %swap3A_919 = arith.constant 6 : i32
      %swap3A_920 = arith.index_cast %swap3A_919 : i32 to index
      %swap3A_921 = arith.constant 0 : index
      %swap3A_922 = tpu.vector_load %arg12[%swap3A_920, %swap3A_921] {strides = array<i32>} : memref<80x128xf32, #tpu.memory_space<vmem>>, vector<1x16xf32>,
      %swap3A_923 = vector.shape_cast %swap3A_922 : vector<1x16xf32> to vector<16xf32>
      %swap3A_924 = vector.shape_cast %get3A_918 : vector<16xf32> to vector<1x16xf32>
      tpu.vector_store %arg12[%swap3A_920, %swap3A_921], %swap3A_924 {strides = array<i32>} : memref<80x128xf32, #tpu.memory_space<vmem>>, vector<1x16xf32>,
      %get3A_925 = arith.constant 112 : index
      %get3A_926 = tpu.vector_load %arg14[%get3A_925] {strides = array<i32>} : memref<1280xf32, #tpu.memory_space<vmem>>, vector<16xf32>,
      %get3A_927 = vector.shape_cast %get3A_926 : vector<16xf32> to vector<16xf32>
      %swap3A_928 = arith.constant 7 : i32
      %swap3A_929 = arith.index_cast %swap3A_928 : i32 to index
      %swap3A_930 = arith.constant 0 : index
      %swap3A_931 = tpu.vector_load %arg12[%swap3A_929, %swap3A_930] {strides = array<i32>} : memref<80x128xf32, #tpu.memory_space<vmem>>, vector<1x16xf32>,
      %swap3A_932 = vector.shape_cast %swap3A_931 : vector<1x16xf32> to vector<16xf32>
      %swap3A_933 = vector.shape_cast %get3A_927 : vector<16xf32> to vector<1x16xf32>
      tpu.vector_store %arg12[%swap3A_929, %swap3A_930], %swap3A_933 {strides = array<i32>} : memref<80x128xf32, #tpu.memory_space<vmem>>, vector<1x16xf32>,
      %get3A_934 = arith.constant 128 : index
      %get3A_935 = tpu.vector_load %arg14[%get3A_934] {strides = array<i32>} : memref<1280xf32, #tpu.memory_space<vmem>>, vector<16xf32>,
      %get3A_936 = vector.shape_cast %get3A_935 : vector<16xf32> to vector<16xf32>
      %swap3A_937 = arith.constant 8 : i32
      %swap3A_938 = arith.index_cast %swap3A_937 : i32 to index
      %swap3A_939 = arith.constant 0 : index
      %swap3A_940 = tpu.vector_load %arg12[%swap3A_938, %swap3A_939] {strides = array<i32>} : memref<80x128xf32, #tpu.memory_space<vmem>>, vector<1x16xf32>,
      %swap3A_941 = vector.shape_cast %swap3A_940 : vector<1x16xf32> to vector<16xf32>
      %swap3A_942 = vector.shape_cast %get3A_936 : vector<16xf32> to vector<1x16xf32>
      tpu.vector_store %arg12[%swap3A_938, %swap3A_939], %swap3A_942 {strides = array<i32>} : memref<80x128xf32, #tpu.memory_space<vmem>>, vector<1x16xf32>,
      %get3A_943 = arith.constant 144 : index
      %get3A_944 = tpu.vector_load %arg14[%get3A_943] {strides = array<i32>} : memref<1280xf32, #tpu.memory_space<vmem>>, vector<16xf32>,
      %get3A_945 = vector.shape_cast %get3A_944 : vector<16xf32> to vector<16xf32>
      %swap3A_946 = arith.constant 9 : i32
      %swap3A_947 = arith.index_cast %swap3A_946 : i32 to index
      %swap3A_948 = arith.constant 0 : index
      %swap3A_949 = tpu.vector_load %arg12[%swap3A_947, %swap3A_948] {strides = array<i32>} : memref<80x128xf32, #tpu.memory_space<vmem>>, vector<1x16xf32>,
      %swap3A_950 = vector.shape_cast %swap3A_949 : vector<1x16xf32> to vector<16xf32>
      %swap3A_951 = vector.shape_cast %get3A_945 : vector<16xf32> to vector<1x16xf32>
      tpu.vector_store %arg12[%swap3A_947, %swap3A_948], %swap3A_951 {strides = array<i32>} : memref<80x128xf32, #tpu.memory_space<vmem>>, vector<1x16xf32>,
      %get3A_952 = arith.constant 160 : index
      %get3A_953 = tpu.vector_load %arg14[%get3A_952] {strides = array<i32>} : memref<1280xf32, #tpu.memory_space<vmem>>, vector<16xf32>,
      %get3A_954 = vector.shape_cast %get3A_953 : vector<16xf32> to vector<16xf32>
      %swap3A_955 = arith.constant 10 : i32
      %swap3A_956 = arith.index_cast %swap3A_955 : i32 to index
      %swap3A_957 = arith.constant 0 : index
      %swap3A_958 = tpu.vector_load %arg12[%swap3A_956, %swap3A_957] {strides = array<i32>} : memref<80x128xf32, #tpu.memory_space<vmem>>, vector<1x16xf32>,
      %swap3A_959 = vector.shape_cast %swap3A_958 : vector<1x16xf32> to vector<16xf32>
      %swap3A_960 = vector.shape_cast %get3A_954 : vector<16xf32> to vector<1x16xf32>
      tpu.vector_store %arg12[%swap3A_956, %swap3A_957], %swap3A_960 {strides = array<i32>} : memref<80x128xf32, #tpu.memory_space<vmem>>, vector<1x16xf32>,
      %get3A_961 = arith.constant 176 : index
      %get3A_962 = tpu.vector_load %arg14[%get3A_961] {strides = array<i32>} : memref<1280xf32, #tpu.memory_space<vmem>>, vector<16xf32>,
      %get3A_963 = vector.shape_cast %get3A_962 : vector<16xf32> to vector<16xf32>
      %swap3A_964 = arith.constant 11 : i32
      %swap3A_965 = arith.index_cast %swap3A_964 : i32 to index
      %swap3A_966 = arith.constant 0 : index
      %swap3A_967 = tpu.vector_load %arg12[%swap3A_965, %swap3A_966] {strides = array<i32>} : memref<80x128xf32, #tpu.memory_space<vmem>>, vector<1x16xf32>,
      %swap3A_968 = vector.shape_cast %swap3A_967 : vector<1x16xf32> to vector<16xf32>
      %swap3A_969 = vector.shape_cast %get3A_963 : vector<16xf32> to vector<1x16xf32>
      tpu.vector_store %arg12[%swap3A_965, %swap3A_966], %swap3A_969 {strides = array<i32>} : memref<80x128xf32, #tpu.memory_space<vmem>>, vector<1x16xf32>,
      %get3A_970 = arith.constant 192 : index
      %get3A_971 = tpu.vector_load %arg14[%get3A_970] {strides = array<i32>} : memref<1280xf32, #tpu.memory_space<vmem>>, vector<16xf32>,
      %get3A_972 = vector.shape_cast %get3A_971 : vector<16xf32> to vector<16xf32>
      %swap3A_973 = arith.constant 12 : i32
      %swap3A_974 = arith.index_cast %swap3A_973 : i32 to index
      %swap3A_975 = arith.constant 0 : index
      %swap3A_976 = tpu.vector_load %arg12[%swap3A_974, %swap3A_975] {strides = array<i32>} : memref<80x128xf32, #tpu.memory_space<vmem>>, vector<1x16xf32>,
      %swap3A_977 = vector.shape_cast %swap3A_976 : vector<1x16xf32> to vector<16xf32>
      %swap3A_978 = vector.shape_cast %get3A_972 : vector<16xf32> to vector<1x16xf32>
      tpu.vector_store %arg12[%swap3A_974, %swap3A_975], %swap3A_978 {strides = array<i32>} : memref<80x128xf32, #tpu.memory_space<vmem>>, vector<1x16xf32>,
      %get3A_979 = arith.constant 208 : index
      %get3A_980 = tpu.vector_load %arg14[%get3A_979] {strides = array<i32>} : memref<1280xf32, #tpu.memory_space<vmem>>, vector<16xf32>,
      %get3A_981 = vector.shape_cast %get3A_980 : vector<16xf32> to vector<16xf32>
      %swap3A_982 = arith.constant 13 : i32
      %swap3A_983 = arith.index_cast %swap3A_982 : i32 to index
      %swap3A_984 = arith.constant 0 : index
      %swap3A_985 = tpu.vector_load %arg12[%swap3A_983, %swap3A_984] {strides = array<i32>} : memref<80x128xf32, #tpu.memory_space<vmem>>, vector<1x16xf32>,
      %swap3A_986 = vector.shape_cast %swap3A_985 : vector<1x16xf32> to vector<16xf32>
      %swap3A_987 = vector.shape_cast %get3A_981 : vector<16xf32> to vector<1x16xf32>
      tpu.vector_store %arg12[%swap3A_983, %swap3A_984], %swap3A_987 {strides = array<i32>} : memref<80x128xf32, #tpu.memory_space<vmem>>, vector<1x16xf32>,
      %get3A_988 = arith.constant 224 : index
      %get3A_989 = tpu.vector_load %arg14[%get3A_988] {strides = array<i32>} : memref<1280xf32, #tpu.memory_space<vmem>>, vector<16xf32>,
      %get3A_990 = vector.shape_cast %get3A_989 : vector<16xf32> to vector<16xf32>
      %swap3A_991 = arith.constant 14 : i32
      %swap3A_992 = arith.index_cast %swap3A_991 : i32 to index
      %swap3A_993 = arith.constant 0 : index
      %swap3A_994 = tpu.vector_load %arg12[%swap3A_992, %swap3A_993] {strides = array<i32>} : memref<80x128xf32, #tpu.memory_space<vmem>>, vector<1x16xf32>,
      %swap3A_995 = vector.shape_cast %swap3A_994 : vector<1x16xf32> to vector<16xf32>
      %swap3A_996 = vector.shape_cast %get3A_990 : vector<16xf32> to vector<1x16xf32>
      tpu.vector_store %arg12[%swap3A_992, %swap3A_993], %swap3A_996 {strides = array<i32>} : memref<80x128xf32, #tpu.memory_space<vmem>>, vector<1x16xf32>,
      %get3A_997 = arith.constant 240 : index
      %get3A_998 = tpu.vector_load %arg14[%get3A_997] {strides = array<i32>} : memref<1280xf32, #tpu.memory_space<vmem>>, vector<16xf32>,
      %get3A_999 = vector.shape_cast %get3A_998 : vector<16xf32> to vector<16xf32>
      %swap3A_1000 = arith.constant 15 : i32
      %swap3A_1001 = arith.index_cast %swap3A_1000 : i32 to index
      %swap3A_1002 = arith.constant 0 : index
      %swap3A_1003 = tpu.vector_load %arg12[%swap3A_1001, %swap3A_1002] {strides = array<i32>} : memref<80x128xf32, #tpu.memory_space<vmem>>, vector<1x16xf32>,
      %swap3A_1004 = vector.shape_cast %swap3A_1003 : vector<1x16xf32> to vector<16xf32>
      %swap3A_1005 = vector.shape_cast %get3A_999 : vector<16xf32> to vector<1x16xf32>
      tpu.vector_store %arg12[%swap3A_1001, %swap3A_1002], %swap3A_1005 {strides = array<i32>} : memref<80x128xf32, #tpu.memory_space<vmem>>, vector<1x16xf32>,
      %get3A_1006 = arith.constant 256 : index
      %get3A_1007 = tpu.vector_load %arg14[%get3A_1006] {strides = array<i32>} : memref<1280xf32, #tpu.memory_space<vmem>>, vector<16xf32>,
      %get3A_1008 = vector.shape_cast %get3A_1007 : vector<16xf32> to vector<16xf32>
      %swap3A_1009 = arith.constant 16 : i32
      %swap3A_1010 = arith.index_cast %swap3A_1009 : i32 to index
      %swap3A_1011 = arith.constant 0 : index
      %swap3A_1012 = tpu.vector_load %arg12[%swap3A_1010, %swap3A_1011] {strides = array<i32>} : memref<80x128xf32, #tpu.memory_space<vmem>>, vector<1x16xf32>,
      %swap3A_1013 = vector.shape_cast %swap3A_1012 : vector<1x16xf32> to vector<16xf32>
      %swap3A_1014 = vector.shape_cast %get3A_1008 : vector<16xf32> to vector<1x16xf32>
      tpu.vector_store %arg12[%swap3A_1010, %swap3A_1011], %swap3A_1014 {strides = array<i32>} : memref<80x128xf32, #tpu.memory_space<vmem>>, vector<1x16xf32>,
      %get3A_1015 = arith.constant 272 : index
      %get3A_1016 = tpu.vector_load %arg14[%get3A_1015] {strides = array<i32>} : memref<1280xf32, #tpu.memory_space<vmem>>, vector<16xf32>,
      %get3A_1017 = vector.shape_cast %get3A_1016 : vector<16xf32> to vector<16xf32>
      %swap3A_1018 = arith.constant 17 : i32
      %swap3A_1019 = arith.index_cast %swap3A_1018 : i32 to index
      %swap3A_1020 = arith.constant 0 : index
      %swap3A_1021 = tpu.vector_load %arg12[%swap3A_1019, %swap3A_1020] {strides = array<i32>} : memref<80x128xf32, #tpu.memory_space<vmem>>, vector<1x16xf32>,
      %swap3A_1022 = vector.shape_cast %swap3A_1021 : vector<1x16xf32> to vector<16xf32>
      %swap3A_1023 = vector.shape_cast %get3A_1017 : vector<16xf32> to vector<1x16xf32>
      tpu.vector_store %arg12[%swap3A_1019, %swap3A_1020], %swap3A_1023 {strides = array<i32>} : memref<80x128xf32, #tpu.memory_space<vmem>>, vector<1x16xf32>,
      %get3A_1024 = arith.constant 288 : index
      %get3A_1025 = tpu.vector_load %arg14[%get3A_1024] {strides = array<i32>} : memref<1280xf32, #tpu.memory_space<vmem>>, vector<16xf32>,
      %get3A_1026 = vector.shape_cast %get3A_1025 : vector<16xf32> to vector<16xf32>
      %swap3A_1027 = arith.constant 18 : i32
      %swap3A_1028 = arith.index_cast %swap3A_1027 : i32 to index
      %swap3A_1029 = arith.constant 0 : index
      %swap3A_1030 = tpu.vector_load %arg12[%swap3A_1028, %swap3A_1029] {strides = array<i32>} : memref<80x128xf32, #tpu.memory_space<vmem>>, vector<1x16xf32>,
      %swap3A_1031 = vector.shape_cast %swap3A_1030 : vector<1x16xf32> to vector<16xf32>
      %swap3A_1032 = vector.shape_cast %get3A_1026 : vector<16xf32> to vector<1x16xf32>
      tpu.vector_store %arg12[%swap3A_1028, %swap3A_1029], %swap3A_1032 {strides = array<i32>} : memref<80x128xf32, #tpu.memory_space<vmem>>, vector<1x16xf32>,
      %get3A_1033 = arith.constant 304 : index
      %get3A_1034 = tpu.vector_load %arg14[%get3A_1033] {strides = array<i32>} : memref<1280xf32, #tpu.memory_space<vmem>>, vector<16xf32>,
      %get3A_1035 = vector.shape_cast %get3A_1034 : vector<16xf32> to vector<16xf32>
      %swap3A_1036 = arith.constant 19 : i32
      %swap3A_1037 = arith.index_cast %swap3A_1036 : i32 to index
      %swap3A_1038 = arith.constant 0 : index
      %swap3A_1039 = tpu.vector_load %arg12[%swap3A_1037, %swap3A_1038] {strides = array<i32>} : memref<80x128xf32, #tpu.memory_space<vmem>>, vector<1x16xf32>,
      %swap3A_1040 = vector.shape_cast %swap3A_1039 : vector<1x16xf32> to vector<16xf32>
      %swap3A_1041 = vector.shape_cast %get3A_1035 : vector<16xf32> to vector<1x16xf32>
      tpu.vector_store %arg12[%swap3A_1037, %swap3A_1038], %swap3A_1041 {strides = array<i32>} : memref<80x128xf32, #tpu.memory_space<vmem>>, vector<1x16xf32>,
      %get3A_1042 = arith.constant 320 : index
      %get3A_1043 = tpu.vector_load %arg14[%get3A_1042] {strides = array<i32>} : memref<1280xf32, #tpu.memory_space<vmem>>, vector<16xf32>,
      %get3A_1044 = vector.shape_cast %get3A_1043 : vector<16xf32> to vector<16xf32>
      %swap3A_1045 = arith.constant 20 : i32
      %swap3A_1046 = arith.index_cast %swap3A_1045 : i32 to index
      %swap3A_1047 = arith.constant 0 : index
      %swap3A_1048 = tpu.vector_load %arg12[%swap3A_1046, %swap3A_1047] {strides = array<i32>} : memref<80x128xf32, #tpu.memory_space<vmem>>, vector<1x16xf32>,
      %swap3A_1049 = vector.shape_cast %swap3A_1048 : vector<1x16xf32> to vector<16xf32>
      %swap3A_1050 = vector.shape_cast %get3A_1044 : vector<16xf32> to vector<1x16xf32>
      tpu.vector_store %arg12[%swap3A_1046, %swap3A_1047], %swap3A_1050 {strides = array<i32>} : memref<80x128xf32, #tpu.memory_space<vmem>>, vector<1x16xf32>,
      %get3A_1051 = arith.constant 336 : index
      %get3A_1052 = tpu.vector_load %arg14[%get3A_1051] {strides = array<i32>} : memref<1280xf32, #tpu.memory_space<vmem>>, vector<16xf32>,
      %get3A_1053 = vector.shape_cast %get3A_1052 : vector<16xf32> to vector<16xf32>
      %swap3A_1054 = arith.constant 21 : i32
      %swap3A_1055 = arith.index_cast %swap3A_1054 : i32 to index
      %swap3A_1056 = arith.constant 0 : index
      %swap3A_1057 = tpu.vector_load %arg12[%swap3A_1055, %swap3A_1056] {strides = array<i32>} : memref<80x128xf32, #tpu.memory_space<vmem>>, vector<1x16xf32>,
      %swap3A_1058 = vector.shape_cast %swap3A_1057 : vector<1x16xf32> to vector<16xf32>
      %swap3A_1059 = vector.shape_cast %get3A_1053 : vector<16xf32> to vector<1x16xf32>
      tpu.vector_store %arg12[%swap3A_1055, %swap3A_1056], %swap3A_1059 {strides = array<i32>} : memref<80x128xf32, #tpu.memory_space<vmem>>, vector<1x16xf32>,
      %get3A_1060 = arith.constant 352 : index
      %get3A_1061 = tpu.vector_load %arg14[%get3A_1060] {strides = array<i32>} : memref<1280xf32, #tpu.memory_space<vmem>>, vector<16xf32>,
      %get3A_1062 = vector.shape_cast %get3A_1061 : vector<16xf32> to vector<16xf32>
      %swap3A_1063 = arith.constant 22 : i32
      %swap3A_1064 = arith.index_cast %swap3A_1063 : i32 to index
      %swap3A_1065 = arith.constant 0 : index
      %swap3A_1066 = tpu.vector_load %arg12[%swap3A_1064, %swap3A_1065] {strides = array<i32>} : memref<80x128xf32, #tpu.memory_space<vmem>>, vector<1x16xf32>,
      %swap3A_1067 = vector.shape_cast %swap3A_1066 : vector<1x16xf32> to vector<16xf32>
      %swap3A_1068 = vector.shape_cast %get3A_1062 : vector<16xf32> to vector<1x16xf32>
      tpu.vector_store %arg12[%swap3A_1064, %swap3A_1065], %swap3A_1068 {strides = array<i32>} : memref<80x128xf32, #tpu.memory_space<vmem>>, vector<1x16xf32>,
      %get3A_1069 = arith.constant 368 : index
      %get3A_1070 = tpu.vector_load %arg14[%get3A_1069] {strides = array<i32>} : memref<1280xf32, #tpu.memory_space<vmem>>, vector<16xf32>,
      %get3A_1071 = vector.shape_cast %get3A_1070 : vector<16xf32> to vector<16xf32>
      %swap3A_1072 = arith.constant 23 : i32
      %swap3A_1073 = arith.index_cast %swap3A_1072 : i32 to index
      %swap3A_1074 = arith.constant 0 : index
      %swap3A_1075 = tpu.vector_load %arg12[%swap3A_1073, %swap3A_1074] {strides = array<i32>} : memref<80x128xf32, #tpu.memory_space<vmem>>, vector<1x16xf32>,
      %swap3A_1076 = vector.shape_cast %swap3A_1075 : vector<1x16xf32> to vector<16xf32>
      %swap3A_1077 = vector.shape_cast %get3A_1071 : vector<16xf32> to vector<1x16xf32>
      tpu.vector_store %arg12[%swap3A_1073, %swap3A_1074], %swap3A_1077 {strides = array<i32>} : memref<80x128xf32, #tpu.memory_space<vmem>>, vector<1x16xf32>,
      %get3A_1078 = arith.constant 384 : index
      %get3A_1079 = tpu.vector_load %arg14[%get3A_1078] {strides = array<i32>} : memref<1280xf32, #tpu.memory_space<vmem>>, vector<16xf32>,
      %get3A_1080 = vector.shape_cast %get3A_1079 : vector<16xf32> to vector<16xf32>
      %swap3A_1081 = arith.constant 24 : i32
      %swap3A_1082 = arith.index_cast %swap3A_1081 : i32 to index
      %swap3A_1083 = arith.constant 0 : index
      %swap3A_1084 = tpu.vector_load %arg12[%swap3A_1082, %swap3A_1083] {strides = array<i32>} : memref<80x128xf32, #tpu.memory_space<vmem>>, vector<1x16xf32>,
      %swap3A_1085 = vector.shape_cast %swap3A_1084 : vector<1x16xf32> to vector<16xf32>
      %swap3A_1086 = vector.shape_cast %get3A_1080 : vector<16xf32> to vector<1x16xf32>
      tpu.vector_store %arg12[%swap3A_1082, %swap3A_1083], %swap3A_1086 {strides = array<i32>} : memref<80x128xf32, #tpu.memory_space<vmem>>, vector<1x16xf32>,
      %get3A_1087 = arith.constant 400 : index
      %get3A_1088 = tpu.vector_load %arg14[%get3A_1087] {strides = array<i32>} : memref<1280xf32, #tpu.memory_space<vmem>>, vector<16xf32>,
      %get3A_1089 = vector.shape_cast %get3A_1088 : vector<16xf32> to vector<16xf32>
      %swap3A_1090 = arith.constant 25 : i32
      %swap3A_1091 = arith.index_cast %swap3A_1090 : i32 to index
      %swap3A_1092 = arith.constant 0 : index
      %swap3A_1093 = tpu.vector_load %arg12[%swap3A_1091, %swap3A_1092] {strides = array<i32>} : memref<80x128xf32, #tpu.memory_space<vmem>>, vector<1x16xf32>,
      %swap3A_1094 = vector.shape_cast %swap3A_1093 : vector<1x16xf32> to vector<16xf32>
      %swap3A_1095 = vector.shape_cast %get3A_1089 : vector<16xf32> to vector<1x16xf32>
      tpu.vector_store %arg12[%swap3A_1091, %swap3A_1092], %swap3A_1095 {strides = array<i32>} : memref<80x128xf32, #tpu.memory_space<vmem>>, vector<1x16xf32>,
      %get3A_1096 = arith.constant 416 : index
      %get3A_1097 = tpu.vector_load %arg14[%get3A_1096] {strides = array<i32>} : memref<1280xf32, #tpu.memory_space<vmem>>, vector<16xf32>,
      %get3A_1098 = vector.shape_cast %get3A_1097 : vector<16xf32> to vector<16xf32>
      %swap3A_1099 = arith.constant 26 : i32
      %swap3A_1100 = arith.index_cast %swap3A_1099 : i32 to index
      %swap3A_1101 = arith.constant 0 : index
      %swap3A_1102 = tpu.vector_load %arg12[%swap3A_1100, %swap3A_1101] {strides = array<i32>} : memref<80x128xf32, #tpu.memory_space<vmem>>, vector<1x16xf32>,
      %swap3A_1103 = vector.shape_cast %swap3A_1102 : vector<1x16xf32> to vector<16xf32>
      %swap3A_1104 = vector.shape_cast %get3A_1098 : vector<16xf32> to vector<1x16xf32>
      tpu.vector_store %arg12[%swap3A_1100, %swap3A_1101], %swap3A_1104 {strides = array<i32>} : memref<80x128xf32, #tpu.memory_space<vmem>>, vector<1x16xf32>,
      %get3A_1105 = arith.constant 432 : index
      %get3A_1106 = tpu.vector_load %arg14[%get3A_1105] {strides = array<i32>} : memref<1280xf32, #tpu.memory_space<vmem>>, vector<16xf32>,
      %get3A_1107 = vector.shape_cast %get3A_1106 : vector<16xf32> to vector<16xf32>
      %swap3A_1108 = arith.constant 27 : i32
      %swap3A_1109 = arith.index_cast %swap3A_1108 : i32 to index
      %swap3A_1110 = arith.constant 0 : index
      %swap3A_1111 = tpu.vector_load %arg12[%swap3A_1109, %swap3A_1110] {strides = array<i32>} : memref<80x128xf32, #tpu.memory_space<vmem>>, vector<1x16xf32>,
      %swap3A_1112 = vector.shape_cast %swap3A_1111 : vector<1x16xf32> to vector<16xf32>
      %swap3A_1113 = vector.shape_cast %get3A_1107 : vector<16xf32> to vector<1x16xf32>
      tpu.vector_store %arg12[%swap3A_1109, %swap3A_1110], %swap3A_1113 {strides = array<i32>} : memref<80x128xf32, #tpu.memory_space<vmem>>, vector<1x16xf32>,
      %get3A_1114 = arith.constant 448 : index
      %get3A_1115 = tpu.vector_load %arg14[%get3A_1114] {strides = array<i32>} : memref<1280xf32, #tpu.memory_space<vmem>>, vector<16xf32>,
      %get3A_1116 = vector.shape_cast %get3A_1115 : vector<16xf32> to vector<16xf32>
      %swap3A_1117 = arith.constant 28 : i32
      %swap3A_1118 = arith.index_cast %swap3A_1117 : i32 to index
      %swap3A_1119 = arith.constant 0 : index
      %swap3A_1120 = tpu.vector_load %arg12[%swap3A_1118, %swap3A_1119] {strides = array<i32>} : memref<80x128xf32, #tpu.memory_space<vmem>>, vector<1x16xf32>,
      %swap3A_1121 = vector.shape_cast %swap3A_1120 : vector<1x16xf32> to vector<16xf32>
      %swap3A_1122 = vector.shape_cast %get3A_1116 : vector<16xf32> to vector<1x16xf32>
      tpu.vector_store %arg12[%swap3A_1118, %swap3A_1119], %swap3A_1122 {strides = array<i32>} : memref<80x128xf32, #tpu.memory_space<vmem>>, vector<1x16xf32>,
      %get3A_1123 = arith.constant 464 : index
      %get3A_1124 = tpu.vector_load %arg14[%get3A_1123] {strides = array<i32>} : memref<1280xf32, #tpu.memory_space<vmem>>, vector<16xf32>,
      %get3A_1125 = vector.shape_cast %get3A_1124 : vector<16xf32> to vector<16xf32>
      %swap3A_1126 = arith.constant 29 : i32
      %swap3A_1127 = arith.index_cast %swap3A_1126 : i32 to index
      %swap3A_1128 = arith.constant 0 : index
      %swap3A_1129 = tpu.vector_load %arg12[%swap3A_1127, %swap3A_1128] {strides = array<i32>} : memref<80x128xf32, #tpu.memory_space<vmem>>, vector<1x16xf32>,
      %swap3A_1130 = vector.shape_cast %swap3A_1129 : vector<1x16xf32> to vector<16xf32>
      %swap3A_1131 = vector.shape_cast %get3A_1125 : vector<16xf32> to vector<1x16xf32>
      tpu.vector_store %arg12[%swap3A_1127, %swap3A_1128], %swap3A_1131 {strides = array<i32>} : memref<80x128xf32, #tpu.memory_space<vmem>>, vector<1x16xf32>,
      %get3A_1132 = arith.constant 480 : index
      %get3A_1133 = tpu.vector_load %arg14[%get3A_1132] {strides = array<i32>} : memref<1280xf32, #tpu.memory_space<vmem>>, vector<16xf32>,
      %get3A_1134 = vector.shape_cast %get3A_1133 : vector<16xf32> to vector<16xf32>
      %swap3A_1135 = arith.constant 30 : i32
      %swap3A_1136 = arith.index_cast %swap3A_1135 : i32 to index
      %swap3A_1137 = arith.constant 0 : index
      %swap3A_1138 = tpu.vector_load %arg12[%swap3A_1136, %swap3A_1137] {strides = array<i32>} : memref<80x128xf32, #tpu.memory_space<vmem>>, vector<1x16xf32>,
      %swap3A_1139 = vector.shape_cast %swap3A_1138 : vector<1x16xf32> to vector<16xf32>
      %swap3A_1140 = vector.shape_cast %get3A_1134 : vector<16xf32> to vector<1x16xf32>
      tpu.vector_store %arg12[%swap3A_1136, %swap3A_1137], %swap3A_1140 {strides = array<i32>} : memref<80x128xf32, #tpu.memory_space<vmem>>, vector<1x16xf32>,
      %get3A_1141 = arith.constant 496 : index
      %get3A_1142 = tpu.vector_load %arg14[%get3A_1141] {strides = array<i32>} : memref<1280xf32, #tpu.memory_space<vmem>>, vector<16xf32>,
      %get3A_1143 = vector.shape_cast %get3A_1142 : vector<16xf32> to vector<16xf32>
      %swap3A_1144 = arith.constant 31 : i32
      %swap3A_1145 = arith.index_cast %swap3A_1144 : i32 to index
      %swap3A_1146 = arith.constant 0 : index
      %swap3A_1147 = tpu.vector_load %arg12[%swap3A_1145, %swap3A_1146] {strides = array<i32>} : memref<80x128xf32, #tpu.memory_space<vmem>>, vector<1x16xf32>,
      %swap3A_1148 = vector.shape_cast %swap3A_1147 : vector<1x16xf32> to vector<16xf32>
      %swap3A_1149 = vector.shape_cast %get3A_1143 : vector<16xf32> to vector<1x16xf32>
      tpu.vector_store %arg12[%swap3A_1145, %swap3A_1146], %swap3A_1149 {strides = array<i32>} : memref<80x128xf32, #tpu.memory_space<vmem>>, vector<1x16xf32>,
      %get3A_1150 = arith.constant 512 : index
      %get3A_1151 = tpu.vector_load %arg14[%get3A_1150] {strides = array<i32>} : memref<1280xf32, #tpu.memory_space<vmem>>, vector<16xf32>,
      %get3A_1152 = vector.shape_cast %get3A_1151 : vector<16xf32> to vector<16xf32>
      %swap3A_1153 = arith.constant 32 : i32
      %swap3A_1154 = arith.index_cast %swap3A_1153 : i32 to index
      %swap3A_1155 = arith.constant 0 : index
      %swap3A_1156 = tpu.vector_load %arg12[%swap3A_1154, %swap3A_1155] {strides = array<i32>} : memref<80x128xf32, #tpu.memory_space<vmem>>, vector<1x16xf32>,
      %swap3A_1157 = vector.shape_cast %swap3A_1156 : vector<1x16xf32> to vector<16xf32>
      %swap3A_1158 = vector.shape_cast %get3A_1152 : vector<16xf32> to vector<1x16xf32>
      tpu.vector_store %arg12[%swap3A_1154, %swap3A_1155], %swap3A_1158 {strides = array<i32>} : memref<80x128xf32, #tpu.memory_space<vmem>>, vector<1x16xf32>,
      %get3A_1159 = arith.constant 528 : index
      %get3A_1160 = tpu.vector_load %arg14[%get3A_1159] {strides = array<i32>} : memref<1280xf32, #tpu.memory_space<vmem>>, vector<16xf32>,
      %get3A_1161 = vector.shape_cast %get3A_1160 : vector<16xf32> to vector<16xf32>
      %swap3A_1162 = arith.constant 33 : i32
      %swap3A_1163 = arith.index_cast %swap3A_1162 : i32 to index
      %swap3A_1164 = arith.constant 0 : index
      %swap3A_1165 = tpu.vector_load %arg12[%swap3A_1163, %swap3A_1164] {strides = array<i32>} : memref<80x128xf32, #tpu.memory_space<vmem>>, vector<1x16xf32>,
      %swap3A_1166 = vector.shape_cast %swap3A_1165 : vector<1x16xf32> to vector<16xf32>
      %swap3A_1167 = vector.shape_cast %get3A_1161 : vector<16xf32> to vector<1x16xf32>
      tpu.vector_store %arg12[%swap3A_1163, %swap3A_1164], %swap3A_1167 {strides = array<i32>} : memref<80x128xf32, #tpu.memory_space<vmem>>, vector<1x16xf32>,
      %get3A_1168 = arith.constant 544 : index
      %get3A_1169 = tpu.vector_load %arg14[%get3A_1168] {strides = array<i32>} : memref<1280xf32, #tpu.memory_space<vmem>>, vector<16xf32>,
      %get3A_1170 = vector.shape_cast %get3A_1169 : vector<16xf32> to vector<16xf32>
      %swap3A_1171 = arith.constant 34 : i32
      %swap3A_1172 = arith.index_cast %swap3A_1171 : i32 to index
      %swap3A_1173 = arith.constant 0 : index
      %swap3A_1174 = tpu.vector_load %arg12[%swap3A_1172, %swap3A_1173] {strides = array<i32>} : memref<80x128xf32, #tpu.memory_space<vmem>>, vector<1x16xf32>,
      %swap3A_1175 = vector.shape_cast %swap3A_1174 : vector<1x16xf32> to vector<16xf32>
      %swap3A_1176 = vector.shape_cast %get3A_1170 : vector<16xf32> to vector<1x16xf32>
      tpu.vector_store %arg12[%swap3A_1172, %swap3A_1173], %swap3A_1176 {strides = array<i32>} : memref<80x128xf32, #tpu.memory_space<vmem>>, vector<1x16xf32>,
      %get3A_1177 = arith.constant 560 : index
      %get3A_1178 = tpu.vector_load %arg14[%get3A_1177] {strides = array<i32>} : memref<1280xf32, #tpu.memory_space<vmem>>, vector<16xf32>,
      %get3A_1179 = vector.shape_cast %get3A_1178 : vector<16xf32> to vector<16xf32>
      %swap3A_1180 = arith.constant 35 : i32
      %swap3A_1181 = arith.index_cast %swap3A_1180 : i32 to index
      %swap3A_1182 = arith.constant 0 : index
      %swap3A_1183 = tpu.vector_load %arg12[%swap3A_1181, %swap3A_1182] {strides = array<i32>} : memref<80x128xf32, #tpu.memory_space<vmem>>, vector<1x16xf32>,
      %swap3A_1184 = vector.shape_cast %swap3A_1183 : vector<1x16xf32> to vector<16xf32>
      %swap3A_1185 = vector.shape_cast %get3A_1179 : vector<16xf32> to vector<1x16xf32>
      tpu.vector_store %arg12[%swap3A_1181, %swap3A_1182], %swap3A_1185 {strides = array<i32>} : memref<80x128xf32, #tpu.memory_space<vmem>>, vector<1x16xf32>,
      %get3A_1186 = arith.constant 576 : index
      %get3A_1187 = tpu.vector_load %arg14[%get3A_1186] {strides = array<i32>} : memref<1280xf32, #tpu.memory_space<vmem>>, vector<16xf32>,
      %get3A_1188 = vector.shape_cast %get3A_1187 : vector<16xf32> to vector<16xf32>
      %swap3A_1189 = arith.constant 36 : i32
      %swap3A_1190 = arith.index_cast %swap3A_1189 : i32 to index
      %swap3A_1191 = arith.constant 0 : index
      %swap3A_1192 = tpu.vector_load %arg12[%swap3A_1190, %swap3A_1191] {strides = array<i32>} : memref<80x128xf32, #tpu.memory_space<vmem>>, vector<1x16xf32>,
      %swap3A_1193 = vector.shape_cast %swap3A_1192 : vector<1x16xf32> to vector<16xf32>
      %swap3A_1194 = vector.shape_cast %get3A_1188 : vector<16xf32> to vector<1x16xf32>
      tpu.vector_store %arg12[%swap3A_1190, %swap3A_1191], %swap3A_1194 {strides = array<i32>} : memref<80x128xf32, #tpu.memory_space<vmem>>, vector<1x16xf32>,
      %get3A_1195 = arith.constant 592 : index
      %get3A_1196 = tpu.vector_load %arg14[%get3A_1195] {strides = array<i32>} : memref<1280xf32, #tpu.memory_space<vmem>>, vector<16xf32>,
      %get3A_1197 = vector.shape_cast %get3A_1196 : vector<16xf32> to vector<16xf32>
      %swap3A_1198 = arith.constant 37 : i32
      %swap3A_1199 = arith.index_cast %swap3A_1198 : i32 to index
      %swap3A_1200 = arith.constant 0 : index
      %swap3A_1201 = tpu.vector_load %arg12[%swap3A_1199, %swap3A_1200] {strides = array<i32>} : memref<80x128xf32, #tpu.memory_space<vmem>>, vector<1x16xf32>,
      %swap3A_1202 = vector.shape_cast %swap3A_1201 : vector<1x16xf32> to vector<16xf32>
      %swap3A_1203 = vector.shape_cast %get3A_1197 : vector<16xf32> to vector<1x16xf32>
      tpu.vector_store %arg12[%swap3A_1199, %swap3A_1200], %swap3A_1203 {strides = array<i32>} : memref<80x128xf32, #tpu.memory_space<vmem>>, vector<1x16xf32>,
      %get3A_1204 = arith.constant 608 : index
      %get3A_1205 = tpu.vector_load %arg14[%get3A_1204] {strides = array<i32>} : memref<1280xf32, #tpu.memory_space<vmem>>, vector<16xf32>,
      %get3A_1206 = vector.shape_cast %get3A_1205 : vector<16xf32> to vector<16xf32>
      %swap3A_1207 = arith.constant 38 : i32
      %swap3A_1208 = arith.index_cast %swap3A_1207 : i32 to index
      %swap3A_1209 = arith.constant 0 : index
      %swap3A_1210 = tpu.vector_load %arg12[%swap3A_1208, %swap3A_1209] {strides = array<i32>} : memref<80x128xf32, #tpu.memory_space<vmem>>, vector<1x16xf32>,
      %swap3A_1211 = vector.shape_cast %swap3A_1210 : vector<1x16xf32> to vector<16xf32>
      %swap3A_1212 = vector.shape_cast %get3A_1206 : vector<16xf32> to vector<1x16xf32>
      tpu.vector_store %arg12[%swap3A_1208, %swap3A_1209], %swap3A_1212 {strides = array<i32>} : memref<80x128xf32, #tpu.memory_space<vmem>>, vector<1x16xf32>,
      %get3A_1213 = arith.constant 624 : index
      %get3A_1214 = tpu.vector_load %arg14[%get3A_1213] {strides = array<i32>} : memref<1280xf32, #tpu.memory_space<vmem>>, vector<16xf32>,
      %get3A_1215 = vector.shape_cast %get3A_1214 : vector<16xf32> to vector<16xf32>
      %swap3A_1216 = arith.constant 39 : i32
      %swap3A_1217 = arith.index_cast %swap3A_1216 : i32 to index
      %swap3A_1218 = arith.constant 0 : index
      %swap3A_1219 = tpu.vector_load %arg12[%swap3A_1217, %swap3A_1218] {strides = array<i32>} : memref<80x128xf32, #tpu.memory_space<vmem>>, vector<1x16xf32>,
      %swap3A_1220 = vector.shape_cast %swap3A_1219 : vector<1x16xf32> to vector<16xf32>
      %swap3A_1221 = vector.shape_cast %get3A_1215 : vector<16xf32> to vector<1x16xf32>
      tpu.vector_store %arg12[%swap3A_1217, %swap3A_1218], %swap3A_1221 {strides = array<i32>} : memref<80x128xf32, #tpu.memory_space<vmem>>, vector<1x16xf32>,
      %get3A_1222 = arith.constant 640 : index
      %get3A_1223 = tpu.vector_load %arg14[%get3A_1222] {strides = array<i32>} : memref<1280xf32, #tpu.memory_space<vmem>>, vector<16xf32>,
      %get3A_1224 = vector.shape_cast %get3A_1223 : vector<16xf32> to vector<16xf32>
      %swap3A_1225 = arith.constant 40 : i32
      %swap3A_1226 = arith.index_cast %swap3A_1225 : i32 to index
      %swap3A_1227 = arith.constant 0 : index
      %swap3A_1228 = tpu.vector_load %arg12[%swap3A_1226, %swap3A_1227] {strides = array<i32>} : memref<80x128xf32, #tpu.memory_space<vmem>>, vector<1x16xf32>,
      %swap3A_1229 = vector.shape_cast %swap3A_1228 : vector<1x16xf32> to vector<16xf32>
      %swap3A_1230 = vector.shape_cast %get3A_1224 : vector<16xf32> to vector<1x16xf32>
      tpu.vector_store %arg12[%swap3A_1226, %swap3A_1227], %swap3A_1230 {strides = array<i32>} : memref<80x128xf32, #tpu.memory_space<vmem>>, vector<1x16xf32>,
      %get3A_1231 = arith.constant 656 : index
      %get3A_1232 = tpu.vector_load %arg14[%get3A_1231] {strides = array<i32>} : memref<1280xf32, #tpu.memory_space<vmem>>, vector<16xf32>,
      %get3A_1233 = vector.shape_cast %get3A_1232 : vector<16xf32> to vector<16xf32>
      %swap3A_1234 = arith.constant 41 : i32
      %swap3A_1235 = arith.index_cast %swap3A_1234 : i32 to index
      %swap3A_1236 = arith.constant 0 : index
      %swap3A_1237 = tpu.vector_load %arg12[%swap3A_1235, %swap3A_1236] {strides = array<i32>} : memref<80x128xf32, #tpu.memory_space<vmem>>, vector<1x16xf32>,
      %swap3A_1238 = vector.shape_cast %swap3A_1237 : vector<1x16xf32> to vector<16xf32>
      %swap3A_1239 = vector.shape_cast %get3A_1233 : vector<16xf32> to vector<1x16xf32>
      tpu.vector_store %arg12[%swap3A_1235, %swap3A_1236], %swap3A_1239 {strides = array<i32>} : memref<80x128xf32, #tpu.memory_space<vmem>>, vector<1x16xf32>,
      %get3A_1240 = arith.constant 672 : index
      %get3A_1241 = tpu.vector_load %arg14[%get3A_1240] {strides = array<i32>} : memref<1280xf32, #tpu.memory_space<vmem>>, vector<16xf32>,
      %get3A_1242 = vector.shape_cast %get3A_1241 : vector<16xf32> to vector<16xf32>
      %swap3A_1243 = arith.constant 42 : i32
      %swap3A_1244 = arith.index_cast %swap3A_1243 : i32 to index
      %swap3A_1245 = arith.constant 0 : index
      %swap3A_1246 = tpu.vector_load %arg12[%swap3A_1244, %swap3A_1245] {strides = array<i32>} : memref<80x128xf32, #tpu.memory_space<vmem>>, vector<1x16xf32>,
      %swap3A_1247 = vector.shape_cast %swap3A_1246 : vector<1x16xf32> to vector<16xf32>
      %swap3A_1248 = vector.shape_cast %get3A_1242 : vector<16xf32> to vector<1x16xf32>
      tpu.vector_store %arg12[%swap3A_1244, %swap3A_1245], %swap3A_1248 {strides = array<i32>} : memref<80x128xf32, #tpu.memory_space<vmem>>, vector<1x16xf32>,
      %get3A_1249 = arith.constant 688 : index
      %get3A_1250 = tpu.vector_load %arg14[%get3A_1249] {strides = array<i32>} : memref<1280xf32, #tpu.memory_space<vmem>>, vector<16xf32>,
      %get3A_1251 = vector.shape_cast %get3A_1250 : vector<16xf32> to vector<16xf32>
      %swap3A_1252 = arith.constant 43 : i32
      %swap3A_1253 = arith.index_cast %swap3A_1252 : i32 to index
      %swap3A_1254 = arith.constant 0 : index
      %swap3A_1255 = tpu.vector_load %arg12[%swap3A_1253, %swap3A_1254] {strides = array<i32>} : memref<80x128xf32, #tpu.memory_space<vmem>>, vector<1x16xf32>,
      %swap3A_1256 = vector.shape_cast %swap3A_1255 : vector<1x16xf32> to vector<16xf32>
      %swap3A_1257 = vector.shape_cast %get3A_1251 : vector<16xf32> to vector<1x16xf32>
      tpu.vector_store %arg12[%swap3A_1253, %swap3A_1254], %swap3A_1257 {strides = array<i32>} : memref<80x128xf32, #tpu.memory_space<vmem>>, vector<1x16xf32>,
      %get3A_1258 = arith.constant 704 : index
      %get3A_1259 = tpu.vector_load %arg14[%get3A_1258] {strides = array<i32>} : memref<1280xf32, #tpu.memory_space<vmem>>, vector<16xf32>,
      %get3A_1260 = vector.shape_cast %get3A_1259 : vector<16xf32> to vector<16xf32>
      %swap3A_1261 = arith.constant 44 : i32
      %swap3A_1262 = arith.index_cast %swap3A_1261 : i32 to index
      %swap3A_1263 = arith.constant 0 : index
      %swap3A_1264 = tpu.vector_load %arg12[%swap3A_1262, %swap3A_1263] {strides = array<i32>} : memref<80x128xf32, #tpu.memory_space<vmem>>, vector<1x16xf32>,
      %swap3A_1265 = vector.shape_cast %swap3A_1264 : vector<1x16xf32> to vector<16xf32>
      %swap3A_1266 = vector.shape_cast %get3A_1260 : vector<16xf32> to vector<1x16xf32>
      tpu.vector_store %arg12[%swap3A_1262, %swap3A_1263], %swap3A_1266 {strides = array<i32>} : memref<80x128xf32, #tpu.memory_space<vmem>>, vector<1x16xf32>,
      %get3A_1267 = arith.constant 720 : index
      %get3A_1268 = tpu.vector_load %arg14[%get3A_1267] {strides = array<i32>} : memref<1280xf32, #tpu.memory_space<vmem>>, vector<16xf32>,
      %get3A_1269 = vector.shape_cast %get3A_1268 : vector<16xf32> to vector<16xf32>
      %swap3A_1270 = arith.constant 45 : i32
      %swap3A_1271 = arith.index_cast %swap3A_1270 : i32 to index
      %swap3A_1272 = arith.constant 0 : index
      %swap3A_1273 = tpu.vector_load %arg12[%swap3A_1271, %swap3A_1272] {strides = array<i32>} : memref<80x128xf32, #tpu.memory_space<vmem>>, vector<1x16xf32>,
      %swap3A_1274 = vector.shape_cast %swap3A_1273 : vector<1x16xf32> to vector<16xf32>
      %swap3A_1275 = vector.shape_cast %get3A_1269 : vector<16xf32> to vector<1x16xf32>
      tpu.vector_store %arg12[%swap3A_1271, %swap3A_1272], %swap3A_1275 {strides = array<i32>} : memref<80x128xf32, #tpu.memory_space<vmem>>, vector<1x16xf32>,
      %get3A_1276 = arith.constant 736 : index
      %get3A_1277 = tpu.vector_load %arg14[%get3A_1276] {strides = array<i32>} : memref<1280xf32, #tpu.memory_space<vmem>>, vector<16xf32>,
      %get3A_1278 = vector.shape_cast %get3A_1277 : vector<16xf32> to vector<16xf32>
      %swap3A_1279 = arith.constant 46 : i32
      %swap3A_1280 = arith.index_cast %swap3A_1279 : i32 to index
      %swap3A_1281 = arith.constant 0 : index
      %swap3A_1282 = tpu.vector_load %arg12[%swap3A_1280, %swap3A_1281] {strides = array<i32>} : memref<80x128xf32, #tpu.memory_space<vmem>>, vector<1x16xf32>,
      %swap3A_1283 = vector.shape_cast %swap3A_1282 : vector<1x16xf32> to vector<16xf32>
      %swap3A_1284 = vector.shape_cast %get3A_1278 : vector<16xf32> to vector<1x16xf32>
      tpu.vector_store %arg12[%swap3A_1280, %swap3A_1281], %swap3A_1284 {strides = array<i32>} : memref<80x128xf32, #tpu.memory_space<vmem>>, vector<1x16xf32>,
      %get3A_1285 = arith.constant 752 : index
      %get3A_1286 = tpu.vector_load %arg14[%get3A_1285] {strides = array<i32>} : memref<1280xf32, #tpu.memory_space<vmem>>, vector<16xf32>,
      %get3A_1287 = vector.shape_cast %get3A_1286 : vector<16xf32> to vector<16xf32>
      %swap3A_1288 = arith.constant 47 : i32
      %swap3A_1289 = arith.index_cast %swap3A_1288 : i32 to index
      %swap3A_1290 = arith.constant 0 : index
      %swap3A_1291 = tpu.vector_load %arg12[%swap3A_1289, %swap3A_1290] {strides = array<i32>} : memref<80x128xf32, #tpu.memory_space<vmem>>, vector<1x16xf32>,
      %swap3A_1292 = vector.shape_cast %swap3A_1291 : vector<1x16xf32> to vector<16xf32>
      %swap3A_1293 = vector.shape_cast %get3A_1287 : vector<16xf32> to vector<1x16xf32>
      tpu.vector_store %arg12[%swap3A_1289, %swap3A_1290], %swap3A_1293 {strides = array<i32>} : memref<80x128xf32, #tpu.memory_space<vmem>>, vector<1x16xf32>,
      %get3A_1294 = arith.constant 768 : index
      %get3A_1295 = tpu.vector_load %arg14[%get3A_1294] {strides = array<i32>} : memref<1280xf32, #tpu.memory_space<vmem>>, vector<16xf32>,
      %get3A_1296 = vector.shape_cast %get3A_1295 : vector<16xf32> to vector<16xf32>
      %swap3A_1297 = arith.constant 48 : i32
      %swap3A_1298 = arith.index_cast %swap3A_1297 : i32 to index
      %swap3A_1299 = arith.constant 0 : index
      %swap3A_1300 = tpu.vector_load %arg12[%swap3A_1298, %swap3A_1299] {strides = array<i32>} : memref<80x128xf32, #tpu.memory_space<vmem>>, vector<1x16xf32>,
      %swap3A_1301 = vector.shape_cast %swap3A_1300 : vector<1x16xf32> to vector<16xf32>
      %swap3A_1302 = vector.shape_cast %get3A_1296 : vector<16xf32> to vector<1x16xf32>
      tpu.vector_store %arg12[%swap3A_1298, %swap3A_1299], %swap3A_1302 {strides = array<i32>} : memref<80x128xf32, #tpu.memory_space<vmem>>, vector<1x16xf32>,
      %get3A_1303 = arith.constant 784 : index
      %get3A_1304 = tpu.vector_load %arg14[%get3A_1303] {strides = array<i32>} : memref<1280xf32, #tpu.memory_space<vmem>>, vector<16xf32>,
      %get3A_1305 = vector.shape_cast %get3A_1304 : vector<16xf32> to vector<16xf32>
      %swap3A_1306 = arith.constant 49 : i32
      %swap3A_1307 = arith.index_cast %swap3A_1306 : i32 to index
      %swap3A_1308 = arith.constant 0 : index
      %swap3A_1309 = tpu.vector_load %arg12[%swap3A_1307, %swap3A_1308] {strides = array<i32>} : memref<80x128xf32, #tpu.memory_space<vmem>>, vector<1x16xf32>,
      %swap3A_1310 = vector.shape_cast %swap3A_1309 : vector<1x16xf32> to vector<16xf32>
      %swap3A_1311 = vector.shape_cast %get3A_1305 : vector<16xf32> to vector<1x16xf32>
      tpu.vector_store %arg12[%swap3A_1307, %swap3A_1308], %swap3A_1311 {strides = array<i32>} : memref<80x128xf32, #tpu.memory_space<vmem>>, vector<1x16xf32>,
      %get3A_1312 = arith.constant 800 : index
      %get3A_1313 = tpu.vector_load %arg14[%get3A_1312] {strides = array<i32>} : memref<1280xf32, #tpu.memory_space<vmem>>, vector<16xf32>,
      %get3A_1314 = vector.shape_cast %get3A_1313 : vector<16xf32> to vector<16xf32>
      %swap3A_1315 = arith.constant 50 : i32
      %swap3A_1316 = arith.index_cast %swap3A_1315 : i32 to index
      %swap3A_1317 = arith.constant 0 : index
      %swap3A_1318 = tpu.vector_load %arg12[%swap3A_1316, %swap3A_1317] {strides = array<i32>} : memref<80x128xf32, #tpu.memory_space<vmem>>, vector<1x16xf32>,
      %swap3A_1319 = vector.shape_cast %swap3A_1318 : vector<1x16xf32> to vector<16xf32>
      %swap3A_1320 = vector.shape_cast %get3A_1314 : vector<16xf32> to vector<1x16xf32>
      tpu.vector_store %arg12[%swap3A_1316, %swap3A_1317], %swap3A_1320 {strides = array<i32>} : memref<80x128xf32, #tpu.memory_space<vmem>>, vector<1x16xf32>,
      %get3A_1321 = arith.constant 816 : index
      %get3A_1322 = tpu.vector_load %arg14[%get3A_1321] {strides = array<i32>} : memref<1280xf32, #tpu.memory_space<vmem>>, vector<16xf32>,
      %get3A_1323 = vector.shape_cast %get3A_1322 : vector<16xf32> to vector<16xf32>
      %swap3A_1324 = arith.constant 51 : i32
      %swap3A_1325 = arith.index_cast %swap3A_1324 : i32 to index
      %swap3A_1326 = arith.constant 0 : index
      %swap3A_1327 = tpu.vector_load %arg12[%swap3A_1325, %swap3A_1326] {strides = array<i32>} : memref<80x128xf32, #tpu.memory_space<vmem>>, vector<1x16xf32>,
      %swap3A_1328 = vector.shape_cast %swap3A_1327 : vector<1x16xf32> to vector<16xf32>
      %swap3A_1329 = vector.shape_cast %get3A_1323 : vector<16xf32> to vector<1x16xf32>
      tpu.vector_store %arg12[%swap3A_1325, %swap3A_1326], %swap3A_1329 {strides = array<i32>} : memref<80x128xf32, #tpu.memory_space<vmem>>, vector<1x16xf32>,
      %get3A_1330 = arith.constant 832 : index
      %get3A_1331 = tpu.vector_load %arg14[%get3A_1330] {strides = array<i32>} : memref<1280xf32, #tpu.memory_space<vmem>>, vector<16xf32>,
      %get3A_1332 = vector.shape_cast %get3A_1331 : vector<16xf32> to vector<16xf32>
      %swap3A_1333 = arith.constant 52 : i32
      %swap3A_1334 = arith.index_cast %swap3A_1333 : i32 to index
      %swap3A_1335 = arith.constant 0 : index
      %swap3A_1336 = tpu.vector_load %arg12[%swap3A_1334, %swap3A_1335] {strides = array<i32>} : memref<80x128xf32, #tpu.memory_space<vmem>>, vector<1x16xf32>,
      %swap3A_1337 = vector.shape_cast %swap3A_1336 : vector<1x16xf32> to vector<16xf32>
      %swap3A_1338 = vector.shape_cast %get3A_1332 : vector<16xf32> to vector<1x16xf32>
      tpu.vector_store %arg12[%swap3A_1334, %swap3A_1335], %swap3A_1338 {strides = array<i32>} : memref<80x128xf32, #tpu.memory_space<vmem>>, vector<1x16xf32>,
      %get3A_1339 = arith.constant 848 : index
      %get3A_1340 = tpu.vector_load %arg14[%get3A_1339] {strides = array<i32>} : memref<1280xf32, #tpu.memory_space<vmem>>, vector<16xf32>,
      %get3A_1341 = vector.shape_cast %get3A_1340 : vector<16xf32> to vector<16xf32>
      %swap3A_1342 = arith.constant 53 : i32
      %swap3A_1343 = arith.index_cast %swap3A_1342 : i32 to index
      %swap3A_1344 = arith.constant 0 : index
      %swap3A_1345 = tpu.vector_load %arg12[%swap3A_1343, %swap3A_1344] {strides = array<i32>} : memref<80x128xf32, #tpu.memory_space<vmem>>, vector<1x16xf32>,
      %swap3A_1346 = vector.shape_cast %swap3A_1345 : vector<1x16xf32> to vector<16xf32>
      %swap3A_1347 = vector.shape_cast %get3A_1341 : vector<16xf32> to vector<1x16xf32>
      tpu.vector_store %arg12[%swap3A_1343, %swap3A_1344], %swap3A_1347 {strides = array<i32>} : memref<80x128xf32, #tpu.memory_space<vmem>>, vector<1x16xf32>,
      %get3A_1348 = arith.constant 864 : index
      %get3A_1349 = tpu.vector_load %arg14[%get3A_1348] {strides = array<i32>} : memref<1280xf32, #tpu.memory_space<vmem>>, vector<16xf32>,
      %get3A_1350 = vector.shape_cast %get3A_1349 : vector<16xf32> to vector<16xf32>
      %swap3A_1351 = arith.constant 54 : i32
      %swap3A_1352 = arith.index_cast %swap3A_1351 : i32 to index
      %swap3A_1353 = arith.constant 0 : index
      %swap3A_1354 = tpu.vector_load %arg12[%swap3A_1352, %swap3A_1353] {strides = array<i32>} : memref<80x128xf32, #tpu.memory_space<vmem>>, vector<1x16xf32>,
      %swap3A_1355 = vector.shape_cast %swap3A_1354 : vector<1x16xf32> to vector<16xf32>
      %swap3A_1356 = vector.shape_cast %get3A_1350 : vector<16xf32> to vector<1x16xf32>
      tpu.vector_store %arg12[%swap3A_1352, %swap3A_1353], %swap3A_1356 {strides = array<i32>} : memref<80x128xf32, #tpu.memory_space<vmem>>, vector<1x16xf32>,
      %get3A_1357 = arith.constant 880 : index
      %get3A_1358 = tpu.vector_load %arg14[%get3A_1357] {strides = array<i32>} : memref<1280xf32, #tpu.memory_space<vmem>>, vector<16xf32>,
      %get3A_1359 = vector.shape_cast %get3A_1358 : vector<16xf32> to vector<16xf32>
      %swap3A_1360 = arith.constant 55 : i32
      %swap3A_1361 = arith.index_cast %swap3A_1360 : i32 to index
      %swap3A_1362 = arith.constant 0 : index
      %swap3A_1363 = tpu.vector_load %arg12[%swap3A_1361, %swap3A_1362] {strides = array<i32>} : memref<80x128xf32, #tpu.memory_space<vmem>>, vector<1x16xf32>,
      %swap3A_1364 = vector.shape_cast %swap3A_1363 : vector<1x16xf32> to vector<16xf32>
      %swap3A_1365 = vector.shape_cast %get3A_1359 : vector<16xf32> to vector<1x16xf32>
      tpu.vector_store %arg12[%swap3A_1361, %swap3A_1362], %swap3A_1365 {strides = array<i32>} : memref<80x128xf32, #tpu.memory_space<vmem>>, vector<1x16xf32>,
      %get3A_1366 = arith.constant 896 : index
      %get3A_1367 = tpu.vector_load %arg14[%get3A_1366] {strides = array<i32>} : memref<1280xf32, #tpu.memory_space<vmem>>, vector<16xf32>,
      %get3A_1368 = vector.shape_cast %get3A_1367 : vector<16xf32> to vector<16xf32>
      %swap3A_1369 = arith.constant 56 : i32
      %swap3A_1370 = arith.index_cast %swap3A_1369 : i32 to index
      %swap3A_1371 = arith.constant 0 : index
      %swap3A_1372 = tpu.vector_load %arg12[%swap3A_1370, %swap3A_1371] {strides = array<i32>} : memref<80x128xf32, #tpu.memory_space<vmem>>, vector<1x16xf32>,
      %swap3A_1373 = vector.shape_cast %swap3A_1372 : vector<1x16xf32> to vector<16xf32>
      %swap3A_1374 = vector.shape_cast %get3A_1368 : vector<16xf32> to vector<1x16xf32>
      tpu.vector_store %arg12[%swap3A_1370, %swap3A_1371], %swap3A_1374 {strides = array<i32>} : memref<80x128xf32, #tpu.memory_space<vmem>>, vector<1x16xf32>,
      %get3A_1375 = arith.constant 912 : index
      %get3A_1376 = tpu.vector_load %arg14[%get3A_1375] {strides = array<i32>} : memref<1280xf32, #tpu.memory_space<vmem>>, vector<16xf32>,
      %get3A_1377 = vector.shape_cast %get3A_1376 : vector<16xf32> to vector<16xf32>
      %swap3A_1378 = arith.constant 57 : i32
      %swap3A_1379 = arith.index_cast %swap3A_1378 : i32 to index
      %swap3A_1380 = arith.constant 0 : index
      %swap3A_1381 = tpu.vector_load %arg12[%swap3A_1379, %swap3A_1380] {strides = array<i32>} : memref<80x128xf32, #tpu.memory_space<vmem>>, vector<1x16xf32>,
      %swap3A_1382 = vector.shape_cast %swap3A_1381 : vector<1x16xf32> to vector<16xf32>
      %swap3A_1383 = vector.shape_cast %get3A_1377 : vector<16xf32> to vector<1x16xf32>
      tpu.vector_store %arg12[%swap3A_1379, %swap3A_1380], %swap3A_1383 {strides = array<i32>} : memref<80x128xf32, #tpu.memory_space<vmem>>, vector<1x16xf32>,
      %get3A_1384 = arith.constant 928 : index
      %get3A_1385 = tpu.vector_load %arg14[%get3A_1384] {strides = array<i32>} : memref<1280xf32, #tpu.memory_space<vmem>>, vector<16xf32>,
      %get3A_1386 = vector.shape_cast %get3A_1385 : vector<16xf32> to vector<16xf32>
      %swap3A_1387 = arith.constant 58 : i32
      %swap3A_1388 = arith.index_cast %swap3A_1387 : i32 to index
      %swap3A_1389 = arith.constant 0 : index
      %swap3A_1390 = tpu.vector_load %arg12[%swap3A_1388, %swap3A_1389] {strides = array<i32>} : memref<80x128xf32, #tpu.memory_space<vmem>>, vector<1x16xf32>,
      %swap3A_1391 = vector.shape_cast %swap3A_1390 : vector<1x16xf32> to vector<16xf32>
      %swap3A_1392 = vector.shape_cast %get3A_1386 : vector<16xf32> to vector<1x16xf32>
      tpu.vector_store %arg12[%swap3A_1388, %swap3A_1389], %swap3A_1392 {strides = array<i32>} : memref<80x128xf32, #tpu.memory_space<vmem>>, vector<1x16xf32>,
      %get3A_1393 = arith.constant 944 : index
      %get3A_1394 = tpu.vector_load %arg14[%get3A_1393] {strides = array<i32>} : memref<1280xf32, #tpu.memory_space<vmem>>, vector<16xf32>,
      %get3A_1395 = vector.shape_cast %get3A_1394 : vector<16xf32> to vector<16xf32>
      %swap3A_1396 = arith.constant 59 : i32
      %swap3A_1397 = arith.index_cast %swap3A_1396 : i32 to index
      %swap3A_1398 = arith.constant 0 : index
      %swap3A_1399 = tpu.vector_load %arg12[%swap3A_1397, %swap3A_1398] {strides = array<i32>} : memref<80x128xf32, #tpu.memory_space<vmem>>, vector<1x16xf32>,
      %swap3A_1400 = vector.shape_cast %swap3A_1399 : vector<1x16xf32> to vector<16xf32>
      %swap3A_1401 = vector.shape_cast %get3A_1395 : vector<16xf32> to vector<1x16xf32>
      tpu.vector_store %arg12[%swap3A_1397, %swap3A_1398], %swap3A_1401 {strides = array<i32>} : memref<80x128xf32, #tpu.memory_space<vmem>>, vector<1x16xf32>,
      %get3A_1402 = arith.constant 960 : index
      %get3A_1403 = tpu.vector_load %arg14[%get3A_1402] {strides = array<i32>} : memref<1280xf32, #tpu.memory_space<vmem>>, vector<16xf32>,
      %get3A_1404 = vector.shape_cast %get3A_1403 : vector<16xf32> to vector<16xf32>
      %swap3A_1405 = arith.constant 60 : i32
      %swap3A_1406 = arith.index_cast %swap3A_1405 : i32 to index
      %swap3A_1407 = arith.constant 0 : index
      %swap3A_1408 = tpu.vector_load %arg12[%swap3A_1406, %swap3A_1407] {strides = array<i32>} : memref<80x128xf32, #tpu.memory_space<vmem>>, vector<1x16xf32>,
      %swap3A_1409 = vector.shape_cast %swap3A_1408 : vector<1x16xf32> to vector<16xf32>
      %swap3A_1410 = vector.shape_cast %get3A_1404 : vector<16xf32> to vector<1x16xf32>
      tpu.vector_store %arg12[%swap3A_1406, %swap3A_1407], %swap3A_1410 {strides = array<i32>} : memref<80x128xf32, #tpu.memory_space<vmem>>, vector<1x16xf32>,
      %get3A_1411 = arith.constant 976 : index
      %get3A_1412 = tpu.vector_load %arg14[%get3A_1411] {strides = array<i32>} : memref<1280xf32, #tpu.memory_space<vmem>>, vector<16xf32>,
      %get3A_1413 = vector.shape_cast %get3A_1412 : vector<16xf32> to vector<16xf32>
      %swap3A_1414 = arith.constant 61 : i32
      %swap3A_1415 = arith.index_cast %swap3A_1414 : i32 to index
      %swap3A_1416 = arith.constant 0 : index
      %swap3A_1417 = tpu.vector_load %arg12[%swap3A_1415, %swap3A_1416] {strides = array<i32>} : memref<80x128xf32, #tpu.memory_space<vmem>>, vector<1x16xf32>,
      %swap3A_1418 = vector.shape_cast %swap3A_1417 : vector<1x16xf32> to vector<16xf32>
      %swap3A_1419 = vector.shape_cast %get3A_1413 : vector<16xf32> to vector<1x16xf32>
      tpu.vector_store %arg12[%swap3A_1415, %swap3A_1416], %swap3A_1419 {strides = array<i32>} : memref<80x128xf32, #tpu.memory_space<vmem>>, vector<1x16xf32>,
      %get3A_1420 = arith.constant 992 : index
      %get3A_1421 = tpu.vector_load %arg14[%get3A_1420] {strides = array<i32>} : memref<1280xf32, #tpu.memory_space<vmem>>, vector<16xf32>,
      %get3A_1422 = vector.shape_cast %get3A_1421 : vector<16xf32> to vector<16xf32>
      %swap3A_1423 = arith.constant 62 : i32
      %swap3A_1424 = arith.index_cast %swap3A_1423 : i32 to index
      %swap3A_1425 = arith.constant 0 : index
      %swap3A_1426 = tpu.vector_load %arg12[%swap3A_1424, %swap3A_1425] {strides = array<i32>} : memref<80x128xf32, #tpu.memory_space<vmem>>, vector<1x16xf32>,
      %swap3A_1427 = vector.shape_cast %swap3A_1426 : vector<1x16xf32> to vector<16xf32>
      %swap3A_1428 = vector.shape_cast %get3A_1422 : vector<16xf32> to vector<1x16xf32>
      tpu.vector_store %arg12[%swap3A_1424, %swap3A_1425], %swap3A_1428 {strides = array<i32>} : memref<80x128xf32, #tpu.memory_space<vmem>>, vector<1x16xf32>,
      %get3A_1429 = arith.constant 1008 : index
      %get3A_1430 = tpu.vector_load %arg14[%get3A_1429] {strides = array<i32>} : memref<1280xf32, #tpu.memory_space<vmem>>, vector<16xf32>,
      %get3A_1431 = vector.shape_cast %get3A_1430 : vector<16xf32> to vector<16xf32>
      %swap3A_1432 = arith.constant 63 : i32
      %swap3A_1433 = arith.index_cast %swap3A_1432 : i32 to index
      %swap3A_1434 = arith.constant 0 : index
      %swap3A_1435 = tpu.vector_load %arg12[%swap3A_1433, %swap3A_1434] {strides = array<i32>} : memref<80x128xf32, #tpu.memory_space<vmem>>, vector<1x16xf32>,
      %swap3A_1436 = vector.shape_cast %swap3A_1435 : vector<1x16xf32> to vector<16xf32>
      %swap3A_1437 = vector.shape_cast %get3A_1431 : vector<16xf32> to vector<1x16xf32>
      tpu.vector_store %arg12[%swap3A_1433, %swap3A_1434], %swap3A_1437 {strides = array<i32>} : memref<80x128xf32, #tpu.memory_space<vmem>>, vector<1x16xf32>,
      %get3A_1438 = arith.constant 1024 : index
      %get3A_1439 = tpu.vector_load %arg14[%get3A_1438] {strides = array<i32>} : memref<1280xf32, #tpu.memory_space<vmem>>, vector<16xf32>,
      %get3A_1440 = vector.shape_cast %get3A_1439 : vector<16xf32> to vector<16xf32>
      %swap3A_1441 = arith.constant 64 : i32
      %swap3A_1442 = arith.index_cast %swap3A_1441 : i32 to index
      %swap3A_1443 = arith.constant 0 : index
      %swap3A_1444 = tpu.vector_load %arg12[%swap3A_1442, %swap3A_1443] {strides = array<i32>} : memref<80x128xf32, #tpu.memory_space<vmem>>, vector<1x16xf32>,
      %swap3A_1445 = vector.shape_cast %swap3A_1444 : vector<1x16xf32> to vector<16xf32>
      %swap3A_1446 = vector.shape_cast %get3A_1440 : vector<16xf32> to vector<1x16xf32>
      tpu.vector_store %arg12[%swap3A_1442, %swap3A_1443], %swap3A_1446 {strides = array<i32>} : memref<80x128xf32, #tpu.memory_space<vmem>>, vector<1x16xf32>,
      %get3A_1447 = arith.constant 1040 : index
      %get3A_1448 = tpu.vector_load %arg14[%get3A_1447] {strides = array<i32>} : memref<1280xf32, #tpu.memory_space<vmem>>, vector<16xf32>,
      %get3A_1449 = vector.shape_cast %get3A_1448 : vector<16xf32> to vector<16xf32>
      %swap3A_1450 = arith.constant 65 : i32
      %swap3A_1451 = arith.index_cast %swap3A_1450 : i32 to index
      %swap3A_1452 = arith.constant 0 : index
      %swap3A_1453 = tpu.vector_load %arg12[%swap3A_1451, %swap3A_1452] {strides = array<i32>} : memref<80x128xf32, #tpu.memory_space<vmem>>, vector<1x16xf32>,
      %swap3A_1454 = vector.shape_cast %swap3A_1453 : vector<1x16xf32> to vector<16xf32>
      %swap3A_1455 = vector.shape_cast %get3A_1449 : vector<16xf32> to vector<1x16xf32>
      tpu.vector_store %arg12[%swap3A_1451, %swap3A_1452], %swap3A_1455 {strides = array<i32>} : memref<80x128xf32, #tpu.memory_space<vmem>>, vector<1x16xf32>,
      %get3A_1456 = arith.constant 1056 : index
      %get3A_1457 = tpu.vector_load %arg14[%get3A_1456] {strides = array<i32>} : memref<1280xf32, #tpu.memory_space<vmem>>, vector<16xf32>,
      %get3A_1458 = vector.shape_cast %get3A_1457 : vector<16xf32> to vector<16xf32>
      %swap3A_1459 = arith.constant 66 : i32
      %swap3A_1460 = arith.index_cast %swap3A_1459 : i32 to index
      %swap3A_1461 = arith.constant 0 : index
      %swap3A_1462 = tpu.vector_load %arg12[%swap3A_1460, %swap3A_1461] {strides = array<i32>} : memref<80x128xf32, #tpu.memory_space<vmem>>, vector<1x16xf32>,
      %swap3A_1463 = vector.shape_cast %swap3A_1462 : vector<1x16xf32> to vector<16xf32>
      %swap3A_1464 = vector.shape_cast %get3A_1458 : vector<16xf32> to vector<1x16xf32>
      tpu.vector_store %arg12[%swap3A_1460, %swap3A_1461], %swap3A_1464 {strides = array<i32>} : memref<80x128xf32, #tpu.memory_space<vmem>>, vector<1x16xf32>,
      %get3A_1465 = arith.constant 1072 : index
      %get3A_1466 = tpu.vector_load %arg14[%get3A_1465] {strides = array<i32>} : memref<1280xf32, #tpu.memory_space<vmem>>, vector<16xf32>,
      %get3A_1467 = vector.shape_cast %get3A_1466 : vector<16xf32> to vector<16xf32>
      %swap3A_1468 = arith.constant 67 : i32
      %swap3A_1469 = arith.index_cast %swap3A_1468 : i32 to index
      %swap3A_1470 = arith.constant 0 : index
      %swap3A_1471 = tpu.vector_load %arg12[%swap3A_1469, %swap3A_1470] {strides = array<i32>} : memref<80x128xf32, #tpu.memory_space<vmem>>, vector<1x16xf32>,
      %swap3A_1472 = vector.shape_cast %swap3A_1471 : vector<1x16xf32> to vector<16xf32>
      %swap3A_1473 = vector.shape_cast %get3A_1467 : vector<16xf32> to vector<1x16xf32>
      tpu.vector_store %arg12[%swap3A_1469, %swap3A_1470], %swap3A_1473 {strides = array<i32>} : memref<80x128xf32, #tpu.memory_space<vmem>>, vector<1x16xf32>,
      %get3A_1474 = arith.constant 1088 : index
      %get3A_1475 = tpu.vector_load %arg14[%get3A_1474] {strides = array<i32>} : memref<1280xf32, #tpu.memory_space<vmem>>, vector<16xf32>,
      %get3A_1476 = vector.shape_cast %get3A_1475 : vector<16xf32> to vector<16xf32>
      %swap3A_1477 = arith.constant 68 : i32
      %swap3A_1478 = arith.index_cast %swap3A_1477 : i32 to index
      %swap3A_1479 = arith.constant 0 : index
      %swap3A_1480 = tpu.vector_load %arg12[%swap3A_1478, %swap3A_1479] {strides = array<i32>} : memref<80x128xf32, #tpu.memory_space<vmem>>, vector<1x16xf32>,
      %swap3A_1481 = vector.shape_cast %swap3A_1480 : vector<1x16xf32> to vector<16xf32>
      %swap3A_1482 = vector.shape_cast %get3A_1476 : vector<16xf32> to vector<1x16xf32>
      tpu.vector_store %arg12[%swap3A_1478, %swap3A_1479], %swap3A_1482 {strides = array<i32>} : memref<80x128xf32, #tpu.memory_space<vmem>>, vector<1x16xf32>,
      %get3A_1483 = arith.constant 1104 : index
      %get3A_1484 = tpu.vector_load %arg14[%get3A_1483] {strides = array<i32>} : memref<1280xf32, #tpu.memory_space<vmem>>, vector<16xf32>,
      %get3A_1485 = vector.shape_cast %get3A_1484 : vector<16xf32> to vector<16xf32>
      %swap3A_1486 = arith.constant 69 : i32
      %swap3A_1487 = arith.index_cast %swap3A_1486 : i32 to index
      %swap3A_1488 = arith.constant 0 : index
      %swap3A_1489 = tpu.vector_load %arg12[%swap3A_1487, %swap3A_1488] {strides = array<i32>} : memref<80x128xf32, #tpu.memory_space<vmem>>, vector<1x16xf32>,
      %swap3A_1490 = vector.shape_cast %swap3A_1489 : vector<1x16xf32> to vector<16xf32>
      %swap3A_1491 = vector.shape_cast %get3A_1485 : vector<16xf32> to vector<1x16xf32>
      tpu.vector_store %arg12[%swap3A_1487, %swap3A_1488], %swap3A_1491 {strides = array<i32>} : memref<80x128xf32, #tpu.memory_space<vmem>>, vector<1x16xf32>,
      %get3A_1492 = arith.constant 1120 : index
      %get3A_1493 = tpu.vector_load %arg14[%get3A_1492] {strides = array<i32>} : memref<1280xf32, #tpu.memory_space<vmem>>, vector<16xf32>,
      %get3A_1494 = vector.shape_cast %get3A_1493 : vector<16xf32> to vector<16xf32>
      %swap3A_1495 = arith.constant 70 : i32
      %swap3A_1496 = arith.index_cast %swap3A_1495 : i32 to index
      %swap3A_1497 = arith.constant 0 : index
      %swap3A_1498 = tpu.vector_load %arg12[%swap3A_1496, %swap3A_1497] {strides = array<i32>} : memref<80x128xf32, #tpu.memory_space<vmem>>, vector<1x16xf32>,
      %swap3A_1499 = vector.shape_cast %swap3A_1498 : vector<1x16xf32> to vector<16xf32>
      %swap3A_1500 = vector.shape_cast %get3A_1494 : vector<16xf32> to vector<1x16xf32>
      tpu.vector_store %arg12[%swap3A_1496, %swap3A_1497], %swap3A_1500 {strides = array<i32>} : memref<80x128xf32, #tpu.memory_space<vmem>>, vector<1x16xf32>,
      %get3A_1501 = arith.constant 1136 : index
      %get3A_1502 = tpu.vector_load %arg14[%get3A_1501] {strides = array<i32>} : memref<1280xf32, #tpu.memory_space<vmem>>, vector<16xf32>,
      %get3A_1503 = vector.shape_cast %get3A_1502 : vector<16xf32> to vector<16xf32>
      %swap3A_1504 = arith.constant 71 : i32
      %swap3A_1505 = arith.index_cast %swap3A_1504 : i32 to index
      %swap3A_1506 = arith.constant 0 : index
      %swap3A_1507 = tpu.vector_load %arg12[%swap3A_1505, %swap3A_1506] {strides = array<i32>} : memref<80x128xf32, #tpu.memory_space<vmem>>, vector<1x16xf32>,
      %swap3A_1508 = vector.shape_cast %swap3A_1507 : vector<1x16xf32> to vector<16xf32>
      %swap3A_1509 = vector.shape_cast %get3A_1503 : vector<16xf32> to vector<1x16xf32>
      tpu.vector_store %arg12[%swap3A_1505, %swap3A_1506], %swap3A_1509 {strides = array<i32>} : memref<80x128xf32, #tpu.memory_space<vmem>>, vector<1x16xf32>,
      %get3A_1510 = arith.constant 1152 : index
      %get3A_1511 = tpu.vector_load %arg14[%get3A_1510] {strides = array<i32>} : memref<1280xf32, #tpu.memory_space<vmem>>, vector<16xf32>,
      %get3A_1512 = vector.shape_cast %get3A_1511 : vector<16xf32> to vector<16xf32>
      %swap3A_1513 = arith.constant 72 : i32
      %swap3A_1514 = arith.index_cast %swap3A_1513 : i32 to index
      %swap3A_1515 = arith.constant 0 : index
      %swap3A_1516 = tpu.vector_load %arg12[%swap3A_1514, %swap3A_1515] {strides = array<i32>} : memref<80x128xf32, #tpu.memory_space<vmem>>, vector<1x16xf32>,
      %swap3A_1517 = vector.shape_cast %swap3A_1516 : vector<1x16xf32> to vector<16xf32>
      %swap3A_1518 = vector.shape_cast %get3A_1512 : vector<16xf32> to vector<1x16xf32>
      tpu.vector_store %arg12[%swap3A_1514, %swap3A_1515], %swap3A_1518 {strides = array<i32>} : memref<80x128xf32, #tpu.memory_space<vmem>>, vector<1x16xf32>,
      %get3A_1519 = arith.constant 1168 : index
      %get3A_1520 = tpu.vector_load %arg14[%get3A_1519] {strides = array<i32>} : memref<1280xf32, #tpu.memory_space<vmem>>, vector<16xf32>,
      %get3A_1521 = vector.shape_cast %get3A_1520 : vector<16xf32> to vector<16xf32>
      %swap3A_1522 = arith.constant 73 : i32
      %swap3A_1523 = arith.index_cast %swap3A_1522 : i32 to index
      %swap3A_1524 = arith.constant 0 : index
      %swap3A_1525 = tpu.vector_load %arg12[%swap3A_1523, %swap3A_1524] {strides = array<i32>} : memref<80x128xf32, #tpu.memory_space<vmem>>, vector<1x16xf32>,
      %swap3A_1526 = vector.shape_cast %swap3A_1525 : vector<1x16xf32> to vector<16xf32>
      %swap3A_1527 = vector.shape_cast %get3A_1521 : vector<16xf32> to vector<1x16xf32>
      tpu.vector_store %arg12[%swap3A_1523, %swap3A_1524], %swap3A_1527 {strides = array<i32>} : memref<80x128xf32, #tpu.memory_space<vmem>>, vector<1x16xf32>,
      %get3A_1528 = arith.constant 1184 : index
      %get3A_1529 = tpu.vector_load %arg14[%get3A_1528] {strides = array<i32>} : memref<1280xf32, #tpu.memory_space<vmem>>, vector<16xf32>,
      %get3A_1530 = vector.shape_cast %get3A_1529 : vector<16xf32> to vector<16xf32>
      %swap3A_1531 = arith.constant 74 : i32
      %swap3A_1532 = arith.index_cast %swap3A_1531 : i32 to index
      %swap3A_1533 = arith.constant 0 : index
      %swap3A_1534 = tpu.vector_load %arg12[%swap3A_1532, %swap3A_1533] {strides = array<i32>} : memref<80x128xf32, #tpu.memory_space<vmem>>, vector<1x16xf32>,
      %swap3A_1535 = vector.shape_cast %swap3A_1534 : vector<1x16xf32> to vector<16xf32>
      %swap3A_1536 = vector.shape_cast %get3A_1530 : vector<16xf32> to vector<1x16xf32>
      tpu.vector_store %arg12[%swap3A_1532, %swap3A_1533], %swap3A_1536 {strides = array<i32>} : memref<80x128xf32, #tpu.memory_space<vmem>>, vector<1x16xf32>,
      %get3A_1537 = arith.constant 1200 : index
      %get3A_1538 = tpu.vector_load %arg14[%get3A_1537] {strides = array<i32>} : memref<1280xf32, #tpu.memory_space<vmem>>, vector<16xf32>,
      %get3A_1539 = vector.shape_cast %get3A_1538 : vector<16xf32> to vector<16xf32>
      %swap3A_1540 = arith.constant 75 : i32
      %swap3A_1541 = arith.index_cast %swap3A_1540 : i32 to index
      %swap3A_1542 = arith.constant 0 : index
      %swap3A_1543 = tpu.vector_load %arg12[%swap3A_1541, %swap3A_1542] {strides = array<i32>} : memref<80x128xf32, #tpu.memory_space<vmem>>, vector<1x16xf32>,
      %swap3A_1544 = vector.shape_cast %swap3A_1543 : vector<1x16xf32> to vector<16xf32>
      %swap3A_1545 = vector.shape_cast %get3A_1539 : vector<16xf32> to vector<1x16xf32>
      tpu.vector_store %arg12[%swap3A_1541, %swap3A_1542], %swap3A_1545 {strides = array<i32>} : memref<80x128xf32, #tpu.memory_space<vmem>>, vector<1x16xf32>,
      %get3A_1546 = arith.constant 1216 : index
      %get3A_1547 = tpu.vector_load %arg14[%get3A_1546] {strides = array<i32>} : memref<1280xf32, #tpu.memory_space<vmem>>, vector<16xf32>,
      %get3A_1548 = vector.shape_cast %get3A_1547 : vector<16xf32> to vector<16xf32>
      %swap3A_1549 = arith.constant 76 : i32
      %swap3A_1550 = arith.index_cast %swap3A_1549 : i32 to index
      %swap3A_1551 = arith.constant 0 : index
      %swap3A_1552 = tpu.vector_load %arg12[%swap3A_1550, %swap3A_1551] {strides = array<i32>} : memref<80x128xf32, #tpu.memory_space<vmem>>, vector<1x16xf32>,
      %swap3A_1553 = vector.shape_cast %swap3A_1552 : vector<1x16xf32> to vector<16xf32>
      %swap3A_1554 = vector.shape_cast %get3A_1548 : vector<16xf32> to vector<1x16xf32>
      tpu.vector_store %arg12[%swap3A_1550, %swap3A_1551], %swap3A_1554 {strides = array<i32>} : memref<80x128xf32, #tpu.memory_space<vmem>>, vector<1x16xf32>,
      %get3A_1555 = arith.constant 1232 : index
      %get3A_1556 = tpu.vector_load %arg14[%get3A_1555] {strides = array<i32>} : memref<1280xf32, #tpu.memory_space<vmem>>, vector<16xf32>,
      %get3A_1557 = vector.shape_cast %get3A_1556 : vector<16xf32> to vector<16xf32>
      %swap3A_1558 = arith.constant 77 : i32
      %swap3A_1559 = arith.index_cast %swap3A_1558 : i32 to index
      %swap3A_1560 = arith.constant 0 : index
      %swap3A_1561 = tpu.vector_load %arg12[%swap3A_1559, %swap3A_1560] {strides = array<i32>} : memref<80x128xf32, #tpu.memory_space<vmem>>, vector<1x16xf32>,
      %swap3A_1562 = vector.shape_cast %swap3A_1561 : vector<1x16xf32> to vector<16xf32>
      %swap3A_1563 = vector.shape_cast %get3A_1557 : vector<16xf32> to vector<1x16xf32>
      tpu.vector_store %arg12[%swap3A_1559, %swap3A_1560], %swap3A_1563 {strides = array<i32>} : memref<80x128xf32, #tpu.memory_space<vmem>>, vector<1x16xf32>,
      %get3A_1564 = arith.constant 1248 : index
      %get3A_1565 = tpu.vector_load %arg14[%get3A_1564] {strides = array<i32>} : memref<1280xf32, #tpu.memory_space<vmem>>, vector<16xf32>,
      %get3A_1566 = vector.shape_cast %get3A_1565 : vector<16xf32> to vector<16xf32>
      %swap3A_1567 = arith.constant 78 : i32
      %swap3A_1568 = arith.index_cast %swap3A_1567 : i32 to index
      %swap3A_1569 = arith.constant 0 : index
      %swap3A_1570 = tpu.vector_load %arg12[%swap3A_1568, %swap3A_1569] {strides = array<i32>} : memref<80x128xf32, #tpu.memory_space<vmem>>, vector<1x16xf32>,
      %swap3A_1571 = vector.shape_cast %swap3A_1570 : vector<1x16xf32> to vector<16xf32>
      %swap3A_1572 = vector.shape_cast %get3A_1566 : vector<16xf32> to vector<1x16xf32>
      tpu.vector_store %arg12[%swap3A_1568, %swap3A_1569], %swap3A_1572 {strides = array<i32>} : memref<80x128xf32, #tpu.memory_space<vmem>>, vector<1x16xf32>,
      %get3A_1573 = arith.constant 1264 : index
      %get3A_1574 = tpu.vector_load %arg14[%get3A_1573] {strides = array<i32>} : memref<1280xf32, #tpu.memory_space<vmem>>, vector<16xf32>,
      %get3A_1575 = vector.shape_cast %get3A_1574 : vector<16xf32> to vector<16xf32>
      %swap3A_1576 = arith.constant 79 : i32
      %swap3A_1577 = arith.index_cast %swap3A_1576 : i32 to index
      %swap3A_1578 = arith.constant 0 : index
      %swap3A_1579 = tpu.vector_load %arg12[%swap3A_1577, %swap3A_1578] {strides = array<i32>} : memref<80x128xf32, #tpu.memory_space<vmem>>, vector<1x16xf32>,
      %swap3A_1580 = vector.shape_cast %swap3A_1579 : vector<1x16xf32> to vector<16xf32>
      %swap3A_1581 = vector.shape_cast %get3A_1575 : vector<16xf32> to vector<1x16xf32>
      tpu.vector_store %arg12[%swap3A_1577, %swap3A_1578], %swap3A_1581 {strides = array<i32>} : memref<80x128xf32, #tpu.memory_space<vmem>>, vector<1x16xf32>,
      "tpu.region"() ({
        %run_scoped3A = tpu.sem_alloc : memref<!tpu.dma_semaphore, #tpu.memory_space<semaphore_mem>>
        %dma_start3A_2325 = arith.constant 0 : i32
        %dma_start3A_2326 = arith.constant 0 : i32
        %dma_start3A_2327 = tpu.memref_slice %arg8[%dma_start3A_2325, %dma_start3A_2326] : memref<10240x128xf32, #tpu.memory_space<vmem_shared>> -> memref<10240x128xf32, #tpu.memory_space<vmem_shared>>
        tpu.enqueue_indirect_dma source(%arg12 : memref<80x128xf32, #tpu.memory_space<vmem>>) target(%dma_start3A_2327 : memref<10240x128xf32, #tpu.memory_space<vmem_shared>>) offsets(%arg10 : memref<80xi32, #tpu.memory_space<vmem>>) semaphore(%run_scoped3A : memref<!tpu.dma_semaphore, #tpu.memory_space<semaphore_mem>>) {add = true}
        %dma_wait3A_2328 = arith.constant 0 : i32
        %dma_wait3A_2329 = arith.constant 0 : i32
        %dma_wait3A_2330 = tpu.memref_slice %arg8[%dma_wait3A_2328, %dma_wait3A_2329] : memref<10240x128xf32, #tpu.memory_space<vmem_shared>> -> memref<10240x128xf32, #tpu.memory_space<vmem_shared>>
        tpu.wait_indirect_dma semaphore(%run_scoped3A : memref<!tpu.dma_semaphore, #tpu.memory_space<semaphore_mem>>) src(%arg12 : memref<80x128xf32, #tpu.memory_space<vmem>>) dst(%dma_wait3A_2330 : memref<10240x128xf32, #tpu.memory_space<vmem_shared>>)
        tpu.yield
      }) : () -> ()
      %add3A_1582 = arith.constant 2 : i32
      %add3A_1583 = arith.addi %mul3A_839, %add3A_1582 : i32
      %add3A_1584 = arith.addi %mul3A_5, %add3A_1583 : i32
      %mul3A_1585 = arith.constant 1280 : i32
      %mul3A_1586 = arith.muli %add3A_1584, %mul3A_1585 : i32
      %dma_start3A_1587 = tpu.memref_slice %arg3[%mul3A_1586] : memref<5120000xf32, #tpu.memory_space<hbm>> -> memref<1280xf32, #tpu.memory_space<hbm>>
      %dma_start3A_1588 = tpu.memref_slice %arg3[%mul3A_1586] : memref<5120000xf32, #tpu.memory_space<hbm>> -> memref<1280xf32, #tpu.memory_space<hbm>>
      tpu.enqueue_dma source(%dma_start3A_1588 : memref<1280xf32, #tpu.memory_space<hbm>>) target(%arg14 : memref<1280xf32, #tpu.memory_space<vmem>>) target_semaphore(%arg18 : memref<!tpu.dma_semaphore, #tpu.memory_space<semaphore_mem>>)
      %add3A_1589 = arith.constant 2 : i32
      %add3A_1590 = arith.addi %mul3A_839, %add3A_1589 : i32
      %add3A_1591 = arith.addi %mul3A_5, %add3A_1590 : i32
      %mul3A_1592 = arith.constant 80 : i32
      %mul3A_1593 = arith.muli %add3A_1591, %mul3A_1592 : i32
      %dma_start3A_1594 = tpu.memref_slice %arg5[%mul3A_1593] : memref<320000xi32, #tpu.memory_space<hbm>> -> memref<80xi32, #tpu.memory_space<hbm>>
      %dma_start3A_1595 = tpu.memref_slice %arg5[%mul3A_1593] : memref<320000xi32, #tpu.memory_space<hbm>> -> memref<80xi32, #tpu.memory_space<hbm>>
      tpu.enqueue_dma source(%dma_start3A_1595 : memref<80xi32, #tpu.memory_space<hbm>>) target(%arg10 : memref<80xi32, #tpu.memory_space<vmem>>) target_semaphore(%arg16 : memref<!tpu.dma_semaphore, #tpu.memory_space<semaphore_mem>>)
      %dma_wait3A_1596 = arith.constant 0 : i32
      %dma_wait3A_1597 = tpu.memref_slice %arg5[%dma_wait3A_1596] : memref<320000xi32, #tpu.memory_space<hbm>> -> memref<80xi32, #tpu.memory_space<hbm>>
      %dma_wait3A_1598 = arith.constant 0 : i32
      %dma_wait3A_1599 = tpu.memref_slice %arg5[%dma_wait3A_1598] : memref<320000xi32, #tpu.memory_space<hbm>> -> memref<80xi32, #tpu.memory_space<hbm>>
      tpu.wait_dma2 semaphore(%arg17 : memref<!tpu.dma_semaphore, #tpu.memory_space<semaphore_mem>>) src(%dma_wait3A_1599 : memref<80xi32, #tpu.memory_space<hbm>>) dst(%arg11 : memref<80xi32, #tpu.memory_space<vmem>>)
      %dma_wait3A_1600 = arith.constant 0 : i32
      %dma_wait3A_1601 = tpu.memref_slice %arg3[%dma_wait3A_1600] : memref<5120000xf32, #tpu.memory_space<hbm>> -> memref<1280xf32, #tpu.memory_space<hbm>>
      %dma_wait3A_1602 = arith.constant 0 : i32
      %dma_wait3A_1603 = tpu.memref_slice %arg3[%dma_wait3A_1602] : memref<5120000xf32, #tpu.memory_space<hbm>> -> memref<1280xf32, #tpu.memory_space<hbm>>
      tpu.wait_dma2 semaphore(%arg19 : memref<!tpu.dma_semaphore, #tpu.memory_space<semaphore_mem>>) src(%dma_wait3A_1603 : memref<1280xf32, #tpu.memory_space<hbm>>) dst(%arg15 : memref<1280xf32, #tpu.memory_space<vmem>>)
      %get3A_1604 = arith.constant 0 : index
      %get3A_1605 = tpu.vector_load %arg15[%get3A_1604] {strides = array<i32>} : memref<1280xf32, #tpu.memory_space<vmem>>, vector<16xf32>,
      %get3A_1606 = vector.shape_cast %get3A_1605 : vector<16xf32> to vector<16xf32>
      %swap3A_1607 = arith.constant 0 : i32
      %swap3A_1608 = arith.index_cast %swap3A_1607 : i32 to index
      %swap3A_1609 = arith.constant 0 : index
      %swap3A_1610 = tpu.vector_load %arg12[%swap3A_1608, %swap3A_1609] {strides = array<i32>} : memref<80x128xf32, #tpu.memory_space<vmem>>, vector<1x16xf32>,
      %swap3A_1611 = vector.shape_cast %swap3A_1610 : vector<1x16xf32> to vector<16xf32>
      %swap3A_1612 = vector.shape_cast %get3A_1606 : vector<16xf32> to vector<1x16xf32>
      tpu.vector_store %arg12[%swap3A_1608, %swap3A_1609], %swap3A_1612 {strides = array<i32>} : memref<80x128xf32, #tpu.memory_space<vmem>>, vector<1x16xf32>,
      %get3A_1613 = arith.constant 16 : index
      %get3A_1614 = tpu.vector_load %arg15[%get3A_1613] {strides = array<i32>} : memref<1280xf32, #tpu.memory_space<vmem>>, vector<16xf32>,
      %get3A_1615 = vector.shape_cast %get3A_1614 : vector<16xf32> to vector<16xf32>
      %swap3A_1616 = arith.constant 1 : i32
      %swap3A_1617 = arith.index_cast %swap3A_1616 : i32 to index
      %swap3A_1618 = arith.constant 0 : index
      %swap3A_1619 = tpu.vector_load %arg12[%swap3A_1617, %swap3A_1618] {strides = array<i32>} : memref<80x128xf32, #tpu.memory_space<vmem>>, vector<1x16xf32>,
      %swap3A_1620 = vector.shape_cast %swap3A_1619 : vector<1x16xf32> to vector<16xf32>
      %swap3A_1621 = vector.shape_cast %get3A_1615 : vector<16xf32> to vector<1x16xf32>
      tpu.vector_store %arg12[%swap3A_1617, %swap3A_1618], %swap3A_1621 {strides = array<i32>} : memref<80x128xf32, #tpu.memory_space<vmem>>, vector<1x16xf32>,
      %get3A_1622 = arith.constant 32 : index
      %get3A_1623 = tpu.vector_load %arg15[%get3A_1622] {strides = array<i32>} : memref<1280xf32, #tpu.memory_space<vmem>>, vector<16xf32>,
      %get3A_1624 = vector.shape_cast %get3A_1623 : vector<16xf32> to vector<16xf32>
      %swap3A_1625 = arith.constant 2 : i32
      %swap3A_1626 = arith.index_cast %swap3A_1625 : i32 to index
      %swap3A_1627 = arith.constant 0 : index
      %swap3A_1628 = tpu.vector_load %arg12[%swap3A_1626, %swap3A_1627] {strides = array<i32>} : memref<80x128xf32, #tpu.memory_space<vmem>>, vector<1x16xf32>,
      %swap3A_1629 = vector.shape_cast %swap3A_1628 : vector<1x16xf32> to vector<16xf32>
      %swap3A_1630 = vector.shape_cast %get3A_1624 : vector<16xf32> to vector<1x16xf32>
      tpu.vector_store %arg12[%swap3A_1626, %swap3A_1627], %swap3A_1630 {strides = array<i32>} : memref<80x128xf32, #tpu.memory_space<vmem>>, vector<1x16xf32>,
      %get3A_1631 = arith.constant 48 : index
      %get3A_1632 = tpu.vector_load %arg15[%get3A_1631] {strides = array<i32>} : memref<1280xf32, #tpu.memory_space<vmem>>, vector<16xf32>,
      %get3A_1633 = vector.shape_cast %get3A_1632 : vector<16xf32> to vector<16xf32>
      %swap3A_1634 = arith.constant 3 : i32
      %swap3A_1635 = arith.index_cast %swap3A_1634 : i32 to index
      %swap3A_1636 = arith.constant 0 : index
      %swap3A_1637 = tpu.vector_load %arg12[%swap3A_1635, %swap3A_1636] {strides = array<i32>} : memref<80x128xf32, #tpu.memory_space<vmem>>, vector<1x16xf32>,
      %swap3A_1638 = vector.shape_cast %swap3A_1637 : vector<1x16xf32> to vector<16xf32>
      %swap3A_1639 = vector.shape_cast %get3A_1633 : vector<16xf32> to vector<1x16xf32>
      tpu.vector_store %arg12[%swap3A_1635, %swap3A_1636], %swap3A_1639 {strides = array<i32>} : memref<80x128xf32, #tpu.memory_space<vmem>>, vector<1x16xf32>,
      %get3A_1640 = arith.constant 64 : index
      %get3A_1641 = tpu.vector_load %arg15[%get3A_1640] {strides = array<i32>} : memref<1280xf32, #tpu.memory_space<vmem>>, vector<16xf32>,
      %get3A_1642 = vector.shape_cast %get3A_1641 : vector<16xf32> to vector<16xf32>
      %swap3A_1643 = arith.constant 4 : i32
      %swap3A_1644 = arith.index_cast %swap3A_1643 : i32 to index
      %swap3A_1645 = arith.constant 0 : index
      %swap3A_1646 = tpu.vector_load %arg12[%swap3A_1644, %swap3A_1645] {strides = array<i32>} : memref<80x128xf32, #tpu.memory_space<vmem>>, vector<1x16xf32>,
      %swap3A_1647 = vector.shape_cast %swap3A_1646 : vector<1x16xf32> to vector<16xf32>
      %swap3A_1648 = vector.shape_cast %get3A_1642 : vector<16xf32> to vector<1x16xf32>
      tpu.vector_store %arg12[%swap3A_1644, %swap3A_1645], %swap3A_1648 {strides = array<i32>} : memref<80x128xf32, #tpu.memory_space<vmem>>, vector<1x16xf32>,
      %get3A_1649 = arith.constant 80 : index
      %get3A_1650 = tpu.vector_load %arg15[%get3A_1649] {strides = array<i32>} : memref<1280xf32, #tpu.memory_space<vmem>>, vector<16xf32>,
      %get3A_1651 = vector.shape_cast %get3A_1650 : vector<16xf32> to vector<16xf32>
      %swap3A_1652 = arith.constant 5 : i32
      %swap3A_1653 = arith.index_cast %swap3A_1652 : i32 to index
      %swap3A_1654 = arith.constant 0 : index
      %swap3A_1655 = tpu.vector_load %arg12[%swap3A_1653, %swap3A_1654] {strides = array<i32>} : memref<80x128xf32, #tpu.memory_space<vmem>>, vector<1x16xf32>,
      %swap3A_1656 = vector.shape_cast %swap3A_1655 : vector<1x16xf32> to vector<16xf32>
      %swap3A_1657 = vector.shape_cast %get3A_1651 : vector<16xf32> to vector<1x16xf32>
      tpu.vector_store %arg12[%swap3A_1653, %swap3A_1654], %swap3A_1657 {strides = array<i32>} : memref<80x128xf32, #tpu.memory_space<vmem>>, vector<1x16xf32>,
      %get3A_1658 = arith.constant 96 : index
      %get3A_1659 = tpu.vector_load %arg15[%get3A_1658] {strides = array<i32>} : memref<1280xf32, #tpu.memory_space<vmem>>, vector<16xf32>,
      %get3A_1660 = vector.shape_cast %get3A_1659 : vector<16xf32> to vector<16xf32>
      %swap3A_1661 = arith.constant 6 : i32
      %swap3A_1662 = arith.index_cast %swap3A_1661 : i32 to index
      %swap3A_1663 = arith.constant 0 : index
      %swap3A_1664 = tpu.vector_load %arg12[%swap3A_1662, %swap3A_1663] {strides = array<i32>} : memref<80x128xf32, #tpu.memory_space<vmem>>, vector<1x16xf32>,
      %swap3A_1665 = vector.shape_cast %swap3A_1664 : vector<1x16xf32> to vector<16xf32>
      %swap3A_1666 = vector.shape_cast %get3A_1660 : vector<16xf32> to vector<1x16xf32>
      tpu.vector_store %arg12[%swap3A_1662, %swap3A_1663], %swap3A_1666 {strides = array<i32>} : memref<80x128xf32, #tpu.memory_space<vmem>>, vector<1x16xf32>,
      %get3A_1667 = arith.constant 112 : index
      %get3A_1668 = tpu.vector_load %arg15[%get3A_1667] {strides = array<i32>} : memref<1280xf32, #tpu.memory_space<vmem>>, vector<16xf32>,
      %get3A_1669 = vector.shape_cast %get3A_1668 : vector<16xf32> to vector<16xf32>
      %swap3A_1670 = arith.constant 7 : i32
      %swap3A_1671 = arith.index_cast %swap3A_1670 : i32 to index
      %swap3A_1672 = arith.constant 0 : index
      %swap3A_1673 = tpu.vector_load %arg12[%swap3A_1671, %swap3A_1672] {strides = array<i32>} : memref<80x128xf32, #tpu.memory_space<vmem>>, vector<1x16xf32>,
      %swap3A_1674 = vector.shape_cast %swap3A_1673 : vector<1x16xf32> to vector<16xf32>
      %swap3A_1675 = vector.shape_cast %get3A_1669 : vector<16xf32> to vector<1x16xf32>
      tpu.vector_store %arg12[%swap3A_1671, %swap3A_1672], %swap3A_1675 {strides = array<i32>} : memref<80x128xf32, #tpu.memory_space<vmem>>, vector<1x16xf32>,
      %get3A_1676 = arith.constant 128 : index
      %get3A_1677 = tpu.vector_load %arg15[%get3A_1676] {strides = array<i32>} : memref<1280xf32, #tpu.memory_space<vmem>>, vector<16xf32>,
      %get3A_1678 = vector.shape_cast %get3A_1677 : vector<16xf32> to vector<16xf32>
      %swap3A_1679 = arith.constant 8 : i32
      %swap3A_1680 = arith.index_cast %swap3A_1679 : i32 to index
      %swap3A_1681 = arith.constant 0 : index
      %swap3A_1682 = tpu.vector_load %arg12[%swap3A_1680, %swap3A_1681] {strides = array<i32>} : memref<80x128xf32, #tpu.memory_space<vmem>>, vector<1x16xf32>,
      %swap3A_1683 = vector.shape_cast %swap3A_1682 : vector<1x16xf32> to vector<16xf32>
      %swap3A_1684 = vector.shape_cast %get3A_1678 : vector<16xf32> to vector<1x16xf32>
      tpu.vector_store %arg12[%swap3A_1680, %swap3A_1681], %swap3A_1684 {strides = array<i32>} : memref<80x128xf32, #tpu.memory_space<vmem>>, vector<1x16xf32>,
      %get3A_1685 = arith.constant 144 : index
      %get3A_1686 = tpu.vector_load %arg15[%get3A_1685] {strides = array<i32>} : memref<1280xf32, #tpu.memory_space<vmem>>, vector<16xf32>,
      %get3A_1687 = vector.shape_cast %get3A_1686 : vector<16xf32> to vector<16xf32>
      %swap3A_1688 = arith.constant 9 : i32
      %swap3A_1689 = arith.index_cast %swap3A_1688 : i32 to index
      %swap3A_1690 = arith.constant 0 : index
      %swap3A_1691 = tpu.vector_load %arg12[%swap3A_1689, %swap3A_1690] {strides = array<i32>} : memref<80x128xf32, #tpu.memory_space<vmem>>, vector<1x16xf32>,
      %swap3A_1692 = vector.shape_cast %swap3A_1691 : vector<1x16xf32> to vector<16xf32>
      %swap3A_1693 = vector.shape_cast %get3A_1687 : vector<16xf32> to vector<1x16xf32>
      tpu.vector_store %arg12[%swap3A_1689, %swap3A_1690], %swap3A_1693 {strides = array<i32>} : memref<80x128xf32, #tpu.memory_space<vmem>>, vector<1x16xf32>,
      %get3A_1694 = arith.constant 160 : index
      %get3A_1695 = tpu.vector_load %arg15[%get3A_1694] {strides = array<i32>} : memref<1280xf32, #tpu.memory_space<vmem>>, vector<16xf32>,
      %get3A_1696 = vector.shape_cast %get3A_1695 : vector<16xf32> to vector<16xf32>
      %swap3A_1697 = arith.constant 10 : i32
      %swap3A_1698 = arith.index_cast %swap3A_1697 : i32 to index
      %swap3A_1699 = arith.constant 0 : index
      %swap3A_1700 = tpu.vector_load %arg12[%swap3A_1698, %swap3A_1699] {strides = array<i32>} : memref<80x128xf32, #tpu.memory_space<vmem>>, vector<1x16xf32>,
      %swap3A_1701 = vector.shape_cast %swap3A_1700 : vector<1x16xf32> to vector<16xf32>
      %swap3A_1702 = vector.shape_cast %get3A_1696 : vector<16xf32> to vector<1x16xf32>
      tpu.vector_store %arg12[%swap3A_1698, %swap3A_1699], %swap3A_1702 {strides = array<i32>} : memref<80x128xf32, #tpu.memory_space<vmem>>, vector<1x16xf32>,
      %get3A_1703 = arith.constant 176 : index
      %get3A_1704 = tpu.vector_load %arg15[%get3A_1703] {strides = array<i32>} : memref<1280xf32, #tpu.memory_space<vmem>>, vector<16xf32>,
      %get3A_1705 = vector.shape_cast %get3A_1704 : vector<16xf32> to vector<16xf32>
      %swap3A_1706 = arith.constant 11 : i32
      %swap3A_1707 = arith.index_cast %swap3A_1706 : i32 to index
      %swap3A_1708 = arith.constant 0 : index
      %swap3A_1709 = tpu.vector_load %arg12[%swap3A_1707, %swap3A_1708] {strides = array<i32>} : memref<80x128xf32, #tpu.memory_space<vmem>>, vector<1x16xf32>,
      %swap3A_1710 = vector.shape_cast %swap3A_1709 : vector<1x16xf32> to vector<16xf32>
      %swap3A_1711 = vector.shape_cast %get3A_1705 : vector<16xf32> to vector<1x16xf32>
      tpu.vector_store %arg12[%swap3A_1707, %swap3A_1708], %swap3A_1711 {strides = array<i32>} : memref<80x128xf32, #tpu.memory_space<vmem>>, vector<1x16xf32>,
      %get3A_1712 = arith.constant 192 : index
      %get3A_1713 = tpu.vector_load %arg15[%get3A_1712] {strides = array<i32>} : memref<1280xf32, #tpu.memory_space<vmem>>, vector<16xf32>,
      %get3A_1714 = vector.shape_cast %get3A_1713 : vector<16xf32> to vector<16xf32>
      %swap3A_1715 = arith.constant 12 : i32
      %swap3A_1716 = arith.index_cast %swap3A_1715 : i32 to index
      %swap3A_1717 = arith.constant 0 : index
      %swap3A_1718 = tpu.vector_load %arg12[%swap3A_1716, %swap3A_1717] {strides = array<i32>} : memref<80x128xf32, #tpu.memory_space<vmem>>, vector<1x16xf32>,
      %swap3A_1719 = vector.shape_cast %swap3A_1718 : vector<1x16xf32> to vector<16xf32>
      %swap3A_1720 = vector.shape_cast %get3A_1714 : vector<16xf32> to vector<1x16xf32>
      tpu.vector_store %arg12[%swap3A_1716, %swap3A_1717], %swap3A_1720 {strides = array<i32>} : memref<80x128xf32, #tpu.memory_space<vmem>>, vector<1x16xf32>,
      %get3A_1721 = arith.constant 208 : index
      %get3A_1722 = tpu.vector_load %arg15[%get3A_1721] {strides = array<i32>} : memref<1280xf32, #tpu.memory_space<vmem>>, vector<16xf32>,
      %get3A_1723 = vector.shape_cast %get3A_1722 : vector<16xf32> to vector<16xf32>
      %swap3A_1724 = arith.constant 13 : i32
      %swap3A_1725 = arith.index_cast %swap3A_1724 : i32 to index
      %swap3A_1726 = arith.constant 0 : index
      %swap3A_1727 = tpu.vector_load %arg12[%swap3A_1725, %swap3A_1726] {strides = array<i32>} : memref<80x128xf32, #tpu.memory_space<vmem>>, vector<1x16xf32>,
      %swap3A_1728 = vector.shape_cast %swap3A_1727 : vector<1x16xf32> to vector<16xf32>
      %swap3A_1729 = vector.shape_cast %get3A_1723 : vector<16xf32> to vector<1x16xf32>
      tpu.vector_store %arg12[%swap3A_1725, %swap3A_1726], %swap3A_1729 {strides = array<i32>} : memref<80x128xf32, #tpu.memory_space<vmem>>, vector<1x16xf32>,
      %get3A_1730 = arith.constant 224 : index
      %get3A_1731 = tpu.vector_load %arg15[%get3A_1730] {strides = array<i32>} : memref<1280xf32, #tpu.memory_space<vmem>>, vector<16xf32>,
      %get3A_1732 = vector.shape_cast %get3A_1731 : vector<16xf32> to vector<16xf32>
      %swap3A_1733 = arith.constant 14 : i32
      %swap3A_1734 = arith.index_cast %swap3A_1733 : i32 to index
      %swap3A_1735 = arith.constant 0 : index
      %swap3A_1736 = tpu.vector_load %arg12[%swap3A_1734, %swap3A_1735] {strides = array<i32>} : memref<80x128xf32, #tpu.memory_space<vmem>>, vector<1x16xf32>,
      %swap3A_1737 = vector.shape_cast %swap3A_1736 : vector<1x16xf32> to vector<16xf32>
      %swap3A_1738 = vector.shape_cast %get3A_1732 : vector<16xf32> to vector<1x16xf32>
      tpu.vector_store %arg12[%swap3A_1734, %swap3A_1735], %swap3A_1738 {strides = array<i32>} : memref<80x128xf32, #tpu.memory_space<vmem>>, vector<1x16xf32>,
      %get3A_1739 = arith.constant 240 : index
      %get3A_1740 = tpu.vector_load %arg15[%get3A_1739] {strides = array<i32>} : memref<1280xf32, #tpu.memory_space<vmem>>, vector<16xf32>,
      %get3A_1741 = vector.shape_cast %get3A_1740 : vector<16xf32> to vector<16xf32>
      %swap3A_1742 = arith.constant 15 : i32
      %swap3A_1743 = arith.index_cast %swap3A_1742 : i32 to index
      %swap3A_1744 = arith.constant 0 : index
      %swap3A_1745 = tpu.vector_load %arg12[%swap3A_1743, %swap3A_1744] {strides = array<i32>} : memref<80x128xf32, #tpu.memory_space<vmem>>, vector<1x16xf32>,
      %swap3A_1746 = vector.shape_cast %swap3A_1745 : vector<1x16xf32> to vector<16xf32>
      %swap3A_1747 = vector.shape_cast %get3A_1741 : vector<16xf32> to vector<1x16xf32>
      tpu.vector_store %arg12[%swap3A_1743, %swap3A_1744], %swap3A_1747 {strides = array<i32>} : memref<80x128xf32, #tpu.memory_space<vmem>>, vector<1x16xf32>,
      %get3A_1748 = arith.constant 256 : index
      %get3A_1749 = tpu.vector_load %arg15[%get3A_1748] {strides = array<i32>} : memref<1280xf32, #tpu.memory_space<vmem>>, vector<16xf32>,
      %get3A_1750 = vector.shape_cast %get3A_1749 : vector<16xf32> to vector<16xf32>
      %swap3A_1751 = arith.constant 16 : i32
      %swap3A_1752 = arith.index_cast %swap3A_1751 : i32 to index
      %swap3A_1753 = arith.constant 0 : index
      %swap3A_1754 = tpu.vector_load %arg12[%swap3A_1752, %swap3A_1753] {strides = array<i32>} : memref<80x128xf32, #tpu.memory_space<vmem>>, vector<1x16xf32>,
      %swap3A_1755 = vector.shape_cast %swap3A_1754 : vector<1x16xf32> to vector<16xf32>
      %swap3A_1756 = vector.shape_cast %get3A_1750 : vector<16xf32> to vector<1x16xf32>
      tpu.vector_store %arg12[%swap3A_1752, %swap3A_1753], %swap3A_1756 {strides = array<i32>} : memref<80x128xf32, #tpu.memory_space<vmem>>, vector<1x16xf32>,
      %get3A_1757 = arith.constant 272 : index
      %get3A_1758 = tpu.vector_load %arg15[%get3A_1757] {strides = array<i32>} : memref<1280xf32, #tpu.memory_space<vmem>>, vector<16xf32>,
      %get3A_1759 = vector.shape_cast %get3A_1758 : vector<16xf32> to vector<16xf32>
      %swap3A_1760 = arith.constant 17 : i32
      %swap3A_1761 = arith.index_cast %swap3A_1760 : i32 to index
      %swap3A_1762 = arith.constant 0 : index
      %swap3A_1763 = tpu.vector_load %arg12[%swap3A_1761, %swap3A_1762] {strides = array<i32>} : memref<80x128xf32, #tpu.memory_space<vmem>>, vector<1x16xf32>,
      %swap3A_1764 = vector.shape_cast %swap3A_1763 : vector<1x16xf32> to vector<16xf32>
      %swap3A_1765 = vector.shape_cast %get3A_1759 : vector<16xf32> to vector<1x16xf32>
      tpu.vector_store %arg12[%swap3A_1761, %swap3A_1762], %swap3A_1765 {strides = array<i32>} : memref<80x128xf32, #tpu.memory_space<vmem>>, vector<1x16xf32>,
      %get3A_1766 = arith.constant 288 : index
      %get3A_1767 = tpu.vector_load %arg15[%get3A_1766] {strides = array<i32>} : memref<1280xf32, #tpu.memory_space<vmem>>, vector<16xf32>,
      %get3A_1768 = vector.shape_cast %get3A_1767 : vector<16xf32> to vector<16xf32>
      %swap3A_1769 = arith.constant 18 : i32
      %swap3A_1770 = arith.index_cast %swap3A_1769 : i32 to index
      %swap3A_1771 = arith.constant 0 : index
      %swap3A_1772 = tpu.vector_load %arg12[%swap3A_1770, %swap3A_1771] {strides = array<i32>} : memref<80x128xf32, #tpu.memory_space<vmem>>, vector<1x16xf32>,
      %swap3A_1773 = vector.shape_cast %swap3A_1772 : vector<1x16xf32> to vector<16xf32>
      %swap3A_1774 = vector.shape_cast %get3A_1768 : vector<16xf32> to vector<1x16xf32>
      tpu.vector_store %arg12[%swap3A_1770, %swap3A_1771], %swap3A_1774 {strides = array<i32>} : memref<80x128xf32, #tpu.memory_space<vmem>>, vector<1x16xf32>,
      %get3A_1775 = arith.constant 304 : index
      %get3A_1776 = tpu.vector_load %arg15[%get3A_1775] {strides = array<i32>} : memref<1280xf32, #tpu.memory_space<vmem>>, vector<16xf32>,
      %get3A_1777 = vector.shape_cast %get3A_1776 : vector<16xf32> to vector<16xf32>
      %swap3A_1778 = arith.constant 19 : i32
      %swap3A_1779 = arith.index_cast %swap3A_1778 : i32 to index
      %swap3A_1780 = arith.constant 0 : index
      %swap3A_1781 = tpu.vector_load %arg12[%swap3A_1779, %swap3A_1780] {strides = array<i32>} : memref<80x128xf32, #tpu.memory_space<vmem>>, vector<1x16xf32>,
      %swap3A_1782 = vector.shape_cast %swap3A_1781 : vector<1x16xf32> to vector<16xf32>
      %swap3A_1783 = vector.shape_cast %get3A_1777 : vector<16xf32> to vector<1x16xf32>
      tpu.vector_store %arg12[%swap3A_1779, %swap3A_1780], %swap3A_1783 {strides = array<i32>} : memref<80x128xf32, #tpu.memory_space<vmem>>, vector<1x16xf32>,
      %get3A_1784 = arith.constant 320 : index
      %get3A_1785 = tpu.vector_load %arg15[%get3A_1784] {strides = array<i32>} : memref<1280xf32, #tpu.memory_space<vmem>>, vector<16xf32>,
      %get3A_1786 = vector.shape_cast %get3A_1785 : vector<16xf32> to vector<16xf32>
      %swap3A_1787 = arith.constant 20 : i32
      %swap3A_1788 = arith.index_cast %swap3A_1787 : i32 to index
      %swap3A_1789 = arith.constant 0 : index
      %swap3A_1790 = tpu.vector_load %arg12[%swap3A_1788, %swap3A_1789] {strides = array<i32>} : memref<80x128xf32, #tpu.memory_space<vmem>>, vector<1x16xf32>,
      %swap3A_1791 = vector.shape_cast %swap3A_1790 : vector<1x16xf32> to vector<16xf32>
      %swap3A_1792 = vector.shape_cast %get3A_1786 : vector<16xf32> to vector<1x16xf32>
      tpu.vector_store %arg12[%swap3A_1788, %swap3A_1789], %swap3A_1792 {strides = array<i32>} : memref<80x128xf32, #tpu.memory_space<vmem>>, vector<1x16xf32>,
      %get3A_1793 = arith.constant 336 : index
      %get3A_1794 = tpu.vector_load %arg15[%get3A_1793] {strides = array<i32>} : memref<1280xf32, #tpu.memory_space<vmem>>, vector<16xf32>,
      %get3A_1795 = vector.shape_cast %get3A_1794 : vector<16xf32> to vector<16xf32>
      %swap3A_1796 = arith.constant 21 : i32
      %swap3A_1797 = arith.index_cast %swap3A_1796 : i32 to index
      %swap3A_1798 = arith.constant 0 : index
      %swap3A_1799 = tpu.vector_load %arg12[%swap3A_1797, %swap3A_1798] {strides = array<i32>} : memref<80x128xf32, #tpu.memory_space<vmem>>, vector<1x16xf32>,
      %swap3A_1800 = vector.shape_cast %swap3A_1799 : vector<1x16xf32> to vector<16xf32>
      %swap3A_1801 = vector.shape_cast %get3A_1795 : vector<16xf32> to vector<1x16xf32>
      tpu.vector_store %arg12[%swap3A_1797, %swap3A_1798], %swap3A_1801 {strides = array<i32>} : memref<80x128xf32, #tpu.memory_space<vmem>>, vector<1x16xf32>,
      %get3A_1802 = arith.constant 352 : index
      %get3A_1803 = tpu.vector_load %arg15[%get3A_1802] {strides = array<i32>} : memref<1280xf32, #tpu.memory_space<vmem>>, vector<16xf32>,
      %get3A_1804 = vector.shape_cast %get3A_1803 : vector<16xf32> to vector<16xf32>
      %swap3A_1805 = arith.constant 22 : i32
      %swap3A_1806 = arith.index_cast %swap3A_1805 : i32 to index
      %swap3A_1807 = arith.constant 0 : index
      %swap3A_1808 = tpu.vector_load %arg12[%swap3A_1806, %swap3A_1807] {strides = array<i32>} : memref<80x128xf32, #tpu.memory_space<vmem>>, vector<1x16xf32>,
      %swap3A_1809 = vector.shape_cast %swap3A_1808 : vector<1x16xf32> to vector<16xf32>
      %swap3A_1810 = vector.shape_cast %get3A_1804 : vector<16xf32> to vector<1x16xf32>
      tpu.vector_store %arg12[%swap3A_1806, %swap3A_1807], %swap3A_1810 {strides = array<i32>} : memref<80x128xf32, #tpu.memory_space<vmem>>, vector<1x16xf32>,
      %get3A_1811 = arith.constant 368 : index
      %get3A_1812 = tpu.vector_load %arg15[%get3A_1811] {strides = array<i32>} : memref<1280xf32, #tpu.memory_space<vmem>>, vector<16xf32>,
      %get3A_1813 = vector.shape_cast %get3A_1812 : vector<16xf32> to vector<16xf32>
      %swap3A_1814 = arith.constant 23 : i32
      %swap3A_1815 = arith.index_cast %swap3A_1814 : i32 to index
      %swap3A_1816 = arith.constant 0 : index
      %swap3A_1817 = tpu.vector_load %arg12[%swap3A_1815, %swap3A_1816] {strides = array<i32>} : memref<80x128xf32, #tpu.memory_space<vmem>>, vector<1x16xf32>,
      %swap3A_1818 = vector.shape_cast %swap3A_1817 : vector<1x16xf32> to vector<16xf32>
      %swap3A_1819 = vector.shape_cast %get3A_1813 : vector<16xf32> to vector<1x16xf32>
      tpu.vector_store %arg12[%swap3A_1815, %swap3A_1816], %swap3A_1819 {strides = array<i32>} : memref<80x128xf32, #tpu.memory_space<vmem>>, vector<1x16xf32>,
      %get3A_1820 = arith.constant 384 : index
      %get3A_1821 = tpu.vector_load %arg15[%get3A_1820] {strides = array<i32>} : memref<1280xf32, #tpu.memory_space<vmem>>, vector<16xf32>,
      %get3A_1822 = vector.shape_cast %get3A_1821 : vector<16xf32> to vector<16xf32>
      %swap3A_1823 = arith.constant 24 : i32
      %swap3A_1824 = arith.index_cast %swap3A_1823 : i32 to index
      %swap3A_1825 = arith.constant 0 : index
      %swap3A_1826 = tpu.vector_load %arg12[%swap3A_1824, %swap3A_1825] {strides = array<i32>} : memref<80x128xf32, #tpu.memory_space<vmem>>, vector<1x16xf32>,
      %swap3A_1827 = vector.shape_cast %swap3A_1826 : vector<1x16xf32> to vector<16xf32>
      %swap3A_1828 = vector.shape_cast %get3A_1822 : vector<16xf32> to vector<1x16xf32>
      tpu.vector_store %arg12[%swap3A_1824, %swap3A_1825], %swap3A_1828 {strides = array<i32>} : memref<80x128xf32, #tpu.memory_space<vmem>>, vector<1x16xf32>,
      %get3A_1829 = arith.constant 400 : index
      %get3A_1830 = tpu.vector_load %arg15[%get3A_1829] {strides = array<i32>} : memref<1280xf32, #tpu.memory_space<vmem>>, vector<16xf32>,
      %get3A_1831 = vector.shape_cast %get3A_1830 : vector<16xf32> to vector<16xf32>
      %swap3A_1832 = arith.constant 25 : i32
      %swap3A_1833 = arith.index_cast %swap3A_1832 : i32 to index
      %swap3A_1834 = arith.constant 0 : index
      %swap3A_1835 = tpu.vector_load %arg12[%swap3A_1833, %swap3A_1834] {strides = array<i32>} : memref<80x128xf32, #tpu.memory_space<vmem>>, vector<1x16xf32>,
      %swap3A_1836 = vector.shape_cast %swap3A_1835 : vector<1x16xf32> to vector<16xf32>
      %swap3A_1837 = vector.shape_cast %get3A_1831 : vector<16xf32> to vector<1x16xf32>
      tpu.vector_store %arg12[%swap3A_1833, %swap3A_1834], %swap3A_1837 {strides = array<i32>} : memref<80x128xf32, #tpu.memory_space<vmem>>, vector<1x16xf32>,
      %get3A_1838 = arith.constant 416 : index
      %get3A_1839 = tpu.vector_load %arg15[%get3A_1838] {strides = array<i32>} : memref<1280xf32, #tpu.memory_space<vmem>>, vector<16xf32>,
      %get3A_1840 = vector.shape_cast %get3A_1839 : vector<16xf32> to vector<16xf32>
      %swap3A_1841 = arith.constant 26 : i32
      %swap3A_1842 = arith.index_cast %swap3A_1841 : i32 to index
      %swap3A_1843 = arith.constant 0 : index
      %swap3A_1844 = tpu.vector_load %arg12[%swap3A_1842, %swap3A_1843] {strides = array<i32>} : memref<80x128xf32, #tpu.memory_space<vmem>>, vector<1x16xf32>,
      %swap3A_1845 = vector.shape_cast %swap3A_1844 : vector<1x16xf32> to vector<16xf32>
      %swap3A_1846 = vector.shape_cast %get3A_1840 : vector<16xf32> to vector<1x16xf32>
      tpu.vector_store %arg12[%swap3A_1842, %swap3A_1843], %swap3A_1846 {strides = array<i32>} : memref<80x128xf32, #tpu.memory_space<vmem>>, vector<1x16xf32>,
      %get3A_1847 = arith.constant 432 : index
      %get3A_1848 = tpu.vector_load %arg15[%get3A_1847] {strides = array<i32>} : memref<1280xf32, #tpu.memory_space<vmem>>, vector<16xf32>,
      %get3A_1849 = vector.shape_cast %get3A_1848 : vector<16xf32> to vector<16xf32>
      %swap3A_1850 = arith.constant 27 : i32
      %swap3A_1851 = arith.index_cast %swap3A_1850 : i32 to index
      %swap3A_1852 = arith.constant 0 : index
      %swap3A_1853 = tpu.vector_load %arg12[%swap3A_1851, %swap3A_1852] {strides = array<i32>} : memref<80x128xf32, #tpu.memory_space<vmem>>, vector<1x16xf32>,
      %swap3A_1854 = vector.shape_cast %swap3A_1853 : vector<1x16xf32> to vector<16xf32>
      %swap3A_1855 = vector.shape_cast %get3A_1849 : vector<16xf32> to vector<1x16xf32>
      tpu.vector_store %arg12[%swap3A_1851, %swap3A_1852], %swap3A_1855 {strides = array<i32>} : memref<80x128xf32, #tpu.memory_space<vmem>>, vector<1x16xf32>,
      %get3A_1856 = arith.constant 448 : index
      %get3A_1857 = tpu.vector_load %arg15[%get3A_1856] {strides = array<i32>} : memref<1280xf32, #tpu.memory_space<vmem>>, vector<16xf32>,
      %get3A_1858 = vector.shape_cast %get3A_1857 : vector<16xf32> to vector<16xf32>
      %swap3A_1859 = arith.constant 28 : i32
      %swap3A_1860 = arith.index_cast %swap3A_1859 : i32 to index
      %swap3A_1861 = arith.constant 0 : index
      %swap3A_1862 = tpu.vector_load %arg12[%swap3A_1860, %swap3A_1861] {strides = array<i32>} : memref<80x128xf32, #tpu.memory_space<vmem>>, vector<1x16xf32>,
      %swap3A_1863 = vector.shape_cast %swap3A_1862 : vector<1x16xf32> to vector<16xf32>
      %swap3A_1864 = vector.shape_cast %get3A_1858 : vector<16xf32> to vector<1x16xf32>
      tpu.vector_store %arg12[%swap3A_1860, %swap3A_1861], %swap3A_1864 {strides = array<i32>} : memref<80x128xf32, #tpu.memory_space<vmem>>, vector<1x16xf32>,
      %get3A_1865 = arith.constant 464 : index
      %get3A_1866 = tpu.vector_load %arg15[%get3A_1865] {strides = array<i32>} : memref<1280xf32, #tpu.memory_space<vmem>>, vector<16xf32>,
      %get3A_1867 = vector.shape_cast %get3A_1866 : vector<16xf32> to vector<16xf32>
      %swap3A_1868 = arith.constant 29 : i32
      %swap3A_1869 = arith.index_cast %swap3A_1868 : i32 to index
      %swap3A_1870 = arith.constant 0 : index
      %swap3A_1871 = tpu.vector_load %arg12[%swap3A_1869, %swap3A_1870] {strides = array<i32>} : memref<80x128xf32, #tpu.memory_space<vmem>>, vector<1x16xf32>,
      %swap3A_1872 = vector.shape_cast %swap3A_1871 : vector<1x16xf32> to vector<16xf32>
      %swap3A_1873 = vector.shape_cast %get3A_1867 : vector<16xf32> to vector<1x16xf32>
      tpu.vector_store %arg12[%swap3A_1869, %swap3A_1870], %swap3A_1873 {strides = array<i32>} : memref<80x128xf32, #tpu.memory_space<vmem>>, vector<1x16xf32>,
      %get3A_1874 = arith.constant 480 : index
      %get3A_1875 = tpu.vector_load %arg15[%get3A_1874] {strides = array<i32>} : memref<1280xf32, #tpu.memory_space<vmem>>, vector<16xf32>,
      %get3A_1876 = vector.shape_cast %get3A_1875 : vector<16xf32> to vector<16xf32>
      %swap3A_1877 = arith.constant 30 : i32
      %swap3A_1878 = arith.index_cast %swap3A_1877 : i32 to index
      %swap3A_1879 = arith.constant 0 : index
      %swap3A_1880 = tpu.vector_load %arg12[%swap3A_1878, %swap3A_1879] {strides = array<i32>} : memref<80x128xf32, #tpu.memory_space<vmem>>, vector<1x16xf32>,
      %swap3A_1881 = vector.shape_cast %swap3A_1880 : vector<1x16xf32> to vector<16xf32>
      %swap3A_1882 = vector.shape_cast %get3A_1876 : vector<16xf32> to vector<1x16xf32>
      tpu.vector_store %arg12[%swap3A_1878, %swap3A_1879], %swap3A_1882 {strides = array<i32>} : memref<80x128xf32, #tpu.memory_space<vmem>>, vector<1x16xf32>,
      %get3A_1883 = arith.constant 496 : index
      %get3A_1884 = tpu.vector_load %arg15[%get3A_1883] {strides = array<i32>} : memref<1280xf32, #tpu.memory_space<vmem>>, vector<16xf32>,
      %get3A_1885 = vector.shape_cast %get3A_1884 : vector<16xf32> to vector<16xf32>
      %swap3A_1886 = arith.constant 31 : i32
      %swap3A_1887 = arith.index_cast %swap3A_1886 : i32 to index
      %swap3A_1888 = arith.constant 0 : index
      %swap3A_1889 = tpu.vector_load %arg12[%swap3A_1887, %swap3A_1888] {strides = array<i32>} : memref<80x128xf32, #tpu.memory_space<vmem>>, vector<1x16xf32>,
      %swap3A_1890 = vector.shape_cast %swap3A_1889 : vector<1x16xf32> to vector<16xf32>
      %swap3A_1891 = vector.shape_cast %get3A_1885 : vector<16xf32> to vector<1x16xf32>
      tpu.vector_store %arg12[%swap3A_1887, %swap3A_1888], %swap3A_1891 {strides = array<i32>} : memref<80x128xf32, #tpu.memory_space<vmem>>, vector<1x16xf32>,
      %get3A_1892 = arith.constant 512 : index
      %get3A_1893 = tpu.vector_load %arg15[%get3A_1892] {strides = array<i32>} : memref<1280xf32, #tpu.memory_space<vmem>>, vector<16xf32>,
      %get3A_1894 = vector.shape_cast %get3A_1893 : vector<16xf32> to vector<16xf32>
      %swap3A_1895 = arith.constant 32 : i32
      %swap3A_1896 = arith.index_cast %swap3A_1895 : i32 to index
      %swap3A_1897 = arith.constant 0 : index
      %swap3A_1898 = tpu.vector_load %arg12[%swap3A_1896, %swap3A_1897] {strides = array<i32>} : memref<80x128xf32, #tpu.memory_space<vmem>>, vector<1x16xf32>,
      %swap3A_1899 = vector.shape_cast %swap3A_1898 : vector<1x16xf32> to vector<16xf32>
      %swap3A_1900 = vector.shape_cast %get3A_1894 : vector<16xf32> to vector<1x16xf32>
      tpu.vector_store %arg12[%swap3A_1896, %swap3A_1897], %swap3A_1900 {strides = array<i32>} : memref<80x128xf32, #tpu.memory_space<vmem>>, vector<1x16xf32>,
      %get3A_1901 = arith.constant 528 : index
      %get3A_1902 = tpu.vector_load %arg15[%get3A_1901] {strides = array<i32>} : memref<1280xf32, #tpu.memory_space<vmem>>, vector<16xf32>,
      %get3A_1903 = vector.shape_cast %get3A_1902 : vector<16xf32> to vector<16xf32>
      %swap3A_1904 = arith.constant 33 : i32
      %swap3A_1905 = arith.index_cast %swap3A_1904 : i32 to index
      %swap3A_1906 = arith.constant 0 : index
      %swap3A_1907 = tpu.vector_load %arg12[%swap3A_1905, %swap3A_1906] {strides = array<i32>} : memref<80x128xf32, #tpu.memory_space<vmem>>, vector<1x16xf32>,
      %swap3A_1908 = vector.shape_cast %swap3A_1907 : vector<1x16xf32> to vector<16xf32>
      %swap3A_1909 = vector.shape_cast %get3A_1903 : vector<16xf32> to vector<1x16xf32>
      tpu.vector_store %arg12[%swap3A_1905, %swap3A_1906], %swap3A_1909 {strides = array<i32>} : memref<80x128xf32, #tpu.memory_space<vmem>>, vector<1x16xf32>,
      %get3A_1910 = arith.constant 544 : index
      %get3A_1911 = tpu.vector_load %arg15[%get3A_1910] {strides = array<i32>} : memref<1280xf32, #tpu.memory_space<vmem>>, vector<16xf32>,
      %get3A_1912 = vector.shape_cast %get3A_1911 : vector<16xf32> to vector<16xf32>
      %swap3A_1913 = arith.constant 34 : i32
      %swap3A_1914 = arith.index_cast %swap3A_1913 : i32 to index
      %swap3A_1915 = arith.constant 0 : index
      %swap3A_1916 = tpu.vector_load %arg12[%swap3A_1914, %swap3A_1915] {strides = array<i32>} : memref<80x128xf32, #tpu.memory_space<vmem>>, vector<1x16xf32>,
      %swap3A_1917 = vector.shape_cast %swap3A_1916 : vector<1x16xf32> to vector<16xf32>
      %swap3A_1918 = vector.shape_cast %get3A_1912 : vector<16xf32> to vector<1x16xf32>
      tpu.vector_store %arg12[%swap3A_1914, %swap3A_1915], %swap3A_1918 {strides = array<i32>} : memref<80x128xf32, #tpu.memory_space<vmem>>, vector<1x16xf32>,
      %get3A_1919 = arith.constant 560 : index
      %get3A_1920 = tpu.vector_load %arg15[%get3A_1919] {strides = array<i32>} : memref<1280xf32, #tpu.memory_space<vmem>>, vector<16xf32>,
      %get3A_1921 = vector.shape_cast %get3A_1920 : vector<16xf32> to vector<16xf32>
      %swap3A_1922 = arith.constant 35 : i32
      %swap3A_1923 = arith.index_cast %swap3A_1922 : i32 to index
      %swap3A_1924 = arith.constant 0 : index
      %swap3A_1925 = tpu.vector_load %arg12[%swap3A_1923, %swap3A_1924] {strides = array<i32>} : memref<80x128xf32, #tpu.memory_space<vmem>>, vector<1x16xf32>,
      %swap3A_1926 = vector.shape_cast %swap3A_1925 : vector<1x16xf32> to vector<16xf32>
      %swap3A_1927 = vector.shape_cast %get3A_1921 : vector<16xf32> to vector<1x16xf32>
      tpu.vector_store %arg12[%swap3A_1923, %swap3A_1924], %swap3A_1927 {strides = array<i32>} : memref<80x128xf32, #tpu.memory_space<vmem>>, vector<1x16xf32>,
      %get3A_1928 = arith.constant 576 : index
      %get3A_1929 = tpu.vector_load %arg15[%get3A_1928] {strides = array<i32>} : memref<1280xf32, #tpu.memory_space<vmem>>, vector<16xf32>,
      %get3A_1930 = vector.shape_cast %get3A_1929 : vector<16xf32> to vector<16xf32>
      %swap3A_1931 = arith.constant 36 : i32
      %swap3A_1932 = arith.index_cast %swap3A_1931 : i32 to index
      %swap3A_1933 = arith.constant 0 : index
      %swap3A_1934 = tpu.vector_load %arg12[%swap3A_1932, %swap3A_1933] {strides = array<i32>} : memref<80x128xf32, #tpu.memory_space<vmem>>, vector<1x16xf32>,
      %swap3A_1935 = vector.shape_cast %swap3A_1934 : vector<1x16xf32> to vector<16xf32>
      %swap3A_1936 = vector.shape_cast %get3A_1930 : vector<16xf32> to vector<1x16xf32>
      tpu.vector_store %arg12[%swap3A_1932, %swap3A_1933], %swap3A_1936 {strides = array<i32>} : memref<80x128xf32, #tpu.memory_space<vmem>>, vector<1x16xf32>,
      %get3A_1937 = arith.constant 592 : index
      %get3A_1938 = tpu.vector_load %arg15[%get3A_1937] {strides = array<i32>} : memref<1280xf32, #tpu.memory_space<vmem>>, vector<16xf32>,
      %get3A_1939 = vector.shape_cast %get3A_1938 : vector<16xf32> to vector<16xf32>
      %swap3A_1940 = arith.constant 37 : i32
      %swap3A_1941 = arith.index_cast %swap3A_1940 : i32 to index
      %swap3A_1942 = arith.constant 0 : index
      %swap3A_1943 = tpu.vector_load %arg12[%swap3A_1941, %swap3A_1942] {strides = array<i32>} : memref<80x128xf32, #tpu.memory_space<vmem>>, vector<1x16xf32>,
      %swap3A_1944 = vector.shape_cast %swap3A_1943 : vector<1x16xf32> to vector<16xf32>
      %swap3A_1945 = vector.shape_cast %get3A_1939 : vector<16xf32> to vector<1x16xf32>
      tpu.vector_store %arg12[%swap3A_1941, %swap3A_1942], %swap3A_1945 {strides = array<i32>} : memref<80x128xf32, #tpu.memory_space<vmem>>, vector<1x16xf32>,
      %get3A_1946 = arith.constant 608 : index
      %get3A_1947 = tpu.vector_load %arg15[%get3A_1946] {strides = array<i32>} : memref<1280xf32, #tpu.memory_space<vmem>>, vector<16xf32>,
      %get3A_1948 = vector.shape_cast %get3A_1947 : vector<16xf32> to vector<16xf32>
      %swap3A_1949 = arith.constant 38 : i32
      %swap3A_1950 = arith.index_cast %swap3A_1949 : i32 to index
      %swap3A_1951 = arith.constant 0 : index
      %swap3A_1952 = tpu.vector_load %arg12[%swap3A_1950, %swap3A_1951] {strides = array<i32>} : memref<80x128xf32, #tpu.memory_space<vmem>>, vector<1x16xf32>,
      %swap3A_1953 = vector.shape_cast %swap3A_1952 : vector<1x16xf32> to vector<16xf32>
      %swap3A_1954 = vector.shape_cast %get3A_1948 : vector<16xf32> to vector<1x16xf32>
      tpu.vector_store %arg12[%swap3A_1950, %swap3A_1951], %swap3A_1954 {strides = array<i32>} : memref<80x128xf32, #tpu.memory_space<vmem>>, vector<1x16xf32>,
      %get3A_1955 = arith.constant 624 : index
      %get3A_1956 = tpu.vector_load %arg15[%get3A_1955] {strides = array<i32>} : memref<1280xf32, #tpu.memory_space<vmem>>, vector<16xf32>,
      %get3A_1957 = vector.shape_cast %get3A_1956 : vector<16xf32> to vector<16xf32>
      %swap3A_1958 = arith.constant 39 : i32
      %swap3A_1959 = arith.index_cast %swap3A_1958 : i32 to index
      %swap3A_1960 = arith.constant 0 : index
      %swap3A_1961 = tpu.vector_load %arg12[%swap3A_1959, %swap3A_1960] {strides = array<i32>} : memref<80x128xf32, #tpu.memory_space<vmem>>, vector<1x16xf32>,
      %swap3A_1962 = vector.shape_cast %swap3A_1961 : vector<1x16xf32> to vector<16xf32>
      %swap3A_1963 = vector.shape_cast %get3A_1957 : vector<16xf32> to vector<1x16xf32>
      tpu.vector_store %arg12[%swap3A_1959, %swap3A_1960], %swap3A_1963 {strides = array<i32>} : memref<80x128xf32, #tpu.memory_space<vmem>>, vector<1x16xf32>,
      %get3A_1964 = arith.constant 640 : index
      %get3A_1965 = tpu.vector_load %arg15[%get3A_1964] {strides = array<i32>} : memref<1280xf32, #tpu.memory_space<vmem>>, vector<16xf32>,
      %get3A_1966 = vector.shape_cast %get3A_1965 : vector<16xf32> to vector<16xf32>
      %swap3A_1967 = arith.constant 40 : i32
      %swap3A_1968 = arith.index_cast %swap3A_1967 : i32 to index
      %swap3A_1969 = arith.constant 0 : index
      %swap3A_1970 = tpu.vector_load %arg12[%swap3A_1968, %swap3A_1969] {strides = array<i32>} : memref<80x128xf32, #tpu.memory_space<vmem>>, vector<1x16xf32>,
      %swap3A_1971 = vector.shape_cast %swap3A_1970 : vector<1x16xf32> to vector<16xf32>
      %swap3A_1972 = vector.shape_cast %get3A_1966 : vector<16xf32> to vector<1x16xf32>
      tpu.vector_store %arg12[%swap3A_1968, %swap3A_1969], %swap3A_1972 {strides = array<i32>} : memref<80x128xf32, #tpu.memory_space<vmem>>, vector<1x16xf32>,
      %get3A_1973 = arith.constant 656 : index
      %get3A_1974 = tpu.vector_load %arg15[%get3A_1973] {strides = array<i32>} : memref<1280xf32, #tpu.memory_space<vmem>>, vector<16xf32>,
      %get3A_1975 = vector.shape_cast %get3A_1974 : vector<16xf32> to vector<16xf32>
      %swap3A_1976 = arith.constant 41 : i32
      %swap3A_1977 = arith.index_cast %swap3A_1976 : i32 to index
      %swap3A_1978 = arith.constant 0 : index
      %swap3A_1979 = tpu.vector_load %arg12[%swap3A_1977, %swap3A_1978] {strides = array<i32>} : memref<80x128xf32, #tpu.memory_space<vmem>>, vector<1x16xf32>,
      %swap3A_1980 = vector.shape_cast %swap3A_1979 : vector<1x16xf32> to vector<16xf32>
      %swap3A_1981 = vector.shape_cast %get3A_1975 : vector<16xf32> to vector<1x16xf32>
      tpu.vector_store %arg12[%swap3A_1977, %swap3A_1978], %swap3A_1981 {strides = array<i32>} : memref<80x128xf32, #tpu.memory_space<vmem>>, vector<1x16xf32>,
      %get3A_1982 = arith.constant 672 : index
      %get3A_1983 = tpu.vector_load %arg15[%get3A_1982] {strides = array<i32>} : memref<1280xf32, #tpu.memory_space<vmem>>, vector<16xf32>,
      %get3A_1984 = vector.shape_cast %get3A_1983 : vector<16xf32> to vector<16xf32>
      %swap3A_1985 = arith.constant 42 : i32
      %swap3A_1986 = arith.index_cast %swap3A_1985 : i32 to index
      %swap3A_1987 = arith.constant 0 : index
      %swap3A_1988 = tpu.vector_load %arg12[%swap3A_1986, %swap3A_1987] {strides = array<i32>} : memref<80x128xf32, #tpu.memory_space<vmem>>, vector<1x16xf32>,
      %swap3A_1989 = vector.shape_cast %swap3A_1988 : vector<1x16xf32> to vector<16xf32>
      %swap3A_1990 = vector.shape_cast %get3A_1984 : vector<16xf32> to vector<1x16xf32>
      tpu.vector_store %arg12[%swap3A_1986, %swap3A_1987], %swap3A_1990 {strides = array<i32>} : memref<80x128xf32, #tpu.memory_space<vmem>>, vector<1x16xf32>,
      %get3A_1991 = arith.constant 688 : index
      %get3A_1992 = tpu.vector_load %arg15[%get3A_1991] {strides = array<i32>} : memref<1280xf32, #tpu.memory_space<vmem>>, vector<16xf32>,
      %get3A_1993 = vector.shape_cast %get3A_1992 : vector<16xf32> to vector<16xf32>
      %swap3A_1994 = arith.constant 43 : i32
      %swap3A_1995 = arith.index_cast %swap3A_1994 : i32 to index
      %swap3A_1996 = arith.constant 0 : index
      %swap3A_1997 = tpu.vector_load %arg12[%swap3A_1995, %swap3A_1996] {strides = array<i32>} : memref<80x128xf32, #tpu.memory_space<vmem>>, vector<1x16xf32>,
      %swap3A_1998 = vector.shape_cast %swap3A_1997 : vector<1x16xf32> to vector<16xf32>
      %swap3A_1999 = vector.shape_cast %get3A_1993 : vector<16xf32> to vector<1x16xf32>
      tpu.vector_store %arg12[%swap3A_1995, %swap3A_1996], %swap3A_1999 {strides = array<i32>} : memref<80x128xf32, #tpu.memory_space<vmem>>, vector<1x16xf32>,
      %get3A_2000 = arith.constant 704 : index
      %get3A_2001 = tpu.vector_load %arg15[%get3A_2000] {strides = array<i32>} : memref<1280xf32, #tpu.memory_space<vmem>>, vector<16xf32>,
      %get3A_2002 = vector.shape_cast %get3A_2001 : vector<16xf32> to vector<16xf32>
      %swap3A_2003 = arith.constant 44 : i32
      %swap3A_2004 = arith.index_cast %swap3A_2003 : i32 to index
      %swap3A_2005 = arith.constant 0 : index
      %swap3A_2006 = tpu.vector_load %arg12[%swap3A_2004, %swap3A_2005] {strides = array<i32>} : memref<80x128xf32, #tpu.memory_space<vmem>>, vector<1x16xf32>,
      %swap3A_2007 = vector.shape_cast %swap3A_2006 : vector<1x16xf32> to vector<16xf32>
      %swap3A_2008 = vector.shape_cast %get3A_2002 : vector<16xf32> to vector<1x16xf32>
      tpu.vector_store %arg12[%swap3A_2004, %swap3A_2005], %swap3A_2008 {strides = array<i32>} : memref<80x128xf32, #tpu.memory_space<vmem>>, vector<1x16xf32>,
      %get3A_2009 = arith.constant 720 : index
      %get3A_2010 = tpu.vector_load %arg15[%get3A_2009] {strides = array<i32>} : memref<1280xf32, #tpu.memory_space<vmem>>, vector<16xf32>,
      %get3A_2011 = vector.shape_cast %get3A_2010 : vector<16xf32> to vector<16xf32>
      %swap3A_2012 = arith.constant 45 : i32
      %swap3A_2013 = arith.index_cast %swap3A_2012 : i32 to index
      %swap3A_2014 = arith.constant 0 : index
      %swap3A_2015 = tpu.vector_load %arg12[%swap3A_2013, %swap3A_2014] {strides = array<i32>} : memref<80x128xf32, #tpu.memory_space<vmem>>, vector<1x16xf32>,
      %swap3A_2016 = vector.shape_cast %swap3A_2015 : vector<1x16xf32> to vector<16xf32>
      %swap3A_2017 = vector.shape_cast %get3A_2011 : vector<16xf32> to vector<1x16xf32>
      tpu.vector_store %arg12[%swap3A_2013, %swap3A_2014], %swap3A_2017 {strides = array<i32>} : memref<80x128xf32, #tpu.memory_space<vmem>>, vector<1x16xf32>,
      %get3A_2018 = arith.constant 736 : index
      %get3A_2019 = tpu.vector_load %arg15[%get3A_2018] {strides = array<i32>} : memref<1280xf32, #tpu.memory_space<vmem>>, vector<16xf32>,
      %get3A_2020 = vector.shape_cast %get3A_2019 : vector<16xf32> to vector<16xf32>
      %swap3A_2021 = arith.constant 46 : i32
      %swap3A_2022 = arith.index_cast %swap3A_2021 : i32 to index
      %swap3A_2023 = arith.constant 0 : index
      %swap3A_2024 = tpu.vector_load %arg12[%swap3A_2022, %swap3A_2023] {strides = array<i32>} : memref<80x128xf32, #tpu.memory_space<vmem>>, vector<1x16xf32>,
      %swap3A_2025 = vector.shape_cast %swap3A_2024 : vector<1x16xf32> to vector<16xf32>
      %swap3A_2026 = vector.shape_cast %get3A_2020 : vector<16xf32> to vector<1x16xf32>
      tpu.vector_store %arg12[%swap3A_2022, %swap3A_2023], %swap3A_2026 {strides = array<i32>} : memref<80x128xf32, #tpu.memory_space<vmem>>, vector<1x16xf32>,
      %get3A_2027 = arith.constant 752 : index
      %get3A_2028 = tpu.vector_load %arg15[%get3A_2027] {strides = array<i32>} : memref<1280xf32, #tpu.memory_space<vmem>>, vector<16xf32>,
      %get3A_2029 = vector.shape_cast %get3A_2028 : vector<16xf32> to vector<16xf32>
      %swap3A_2030 = arith.constant 47 : i32
      %swap3A_2031 = arith.index_cast %swap3A_2030 : i32 to index
      %swap3A_2032 = arith.constant 0 : index
      %swap3A_2033 = tpu.vector_load %arg12[%swap3A_2031, %swap3A_2032] {strides = array<i32>} : memref<80x128xf32, #tpu.memory_space<vmem>>, vector<1x16xf32>,
      %swap3A_2034 = vector.shape_cast %swap3A_2033 : vector<1x16xf32> to vector<16xf32>
      %swap3A_2035 = vector.shape_cast %get3A_2029 : vector<16xf32> to vector<1x16xf32>
      tpu.vector_store %arg12[%swap3A_2031, %swap3A_2032], %swap3A_2035 {strides = array<i32>} : memref<80x128xf32, #tpu.memory_space<vmem>>, vector<1x16xf32>,
      %get3A_2036 = arith.constant 768 : index
      %get3A_2037 = tpu.vector_load %arg15[%get3A_2036] {strides = array<i32>} : memref<1280xf32, #tpu.memory_space<vmem>>, vector<16xf32>,
      %get3A_2038 = vector.shape_cast %get3A_2037 : vector<16xf32> to vector<16xf32>
      %swap3A_2039 = arith.constant 48 : i32
      %swap3A_2040 = arith.index_cast %swap3A_2039 : i32 to index
      %swap3A_2041 = arith.constant 0 : index
      %swap3A_2042 = tpu.vector_load %arg12[%swap3A_2040, %swap3A_2041] {strides = array<i32>} : memref<80x128xf32, #tpu.memory_space<vmem>>, vector<1x16xf32>,
      %swap3A_2043 = vector.shape_cast %swap3A_2042 : vector<1x16xf32> to vector<16xf32>
      %swap3A_2044 = vector.shape_cast %get3A_2038 : vector<16xf32> to vector<1x16xf32>
      tpu.vector_store %arg12[%swap3A_2040, %swap3A_2041], %swap3A_2044 {strides = array<i32>} : memref<80x128xf32, #tpu.memory_space<vmem>>, vector<1x16xf32>,
      %get3A_2045 = arith.constant 784 : index
      %get3A_2046 = tpu.vector_load %arg15[%get3A_2045] {strides = array<i32>} : memref<1280xf32, #tpu.memory_space<vmem>>, vector<16xf32>,
      %get3A_2047 = vector.shape_cast %get3A_2046 : vector<16xf32> to vector<16xf32>
      %swap3A_2048 = arith.constant 49 : i32
      %swap3A_2049 = arith.index_cast %swap3A_2048 : i32 to index
      %swap3A_2050 = arith.constant 0 : index
      %swap3A_2051 = tpu.vector_load %arg12[%swap3A_2049, %swap3A_2050] {strides = array<i32>} : memref<80x128xf32, #tpu.memory_space<vmem>>, vector<1x16xf32>,
      %swap3A_2052 = vector.shape_cast %swap3A_2051 : vector<1x16xf32> to vector<16xf32>
      %swap3A_2053 = vector.shape_cast %get3A_2047 : vector<16xf32> to vector<1x16xf32>
      tpu.vector_store %arg12[%swap3A_2049, %swap3A_2050], %swap3A_2053 {strides = array<i32>} : memref<80x128xf32, #tpu.memory_space<vmem>>, vector<1x16xf32>,
      %get3A_2054 = arith.constant 800 : index
      %get3A_2055 = tpu.vector_load %arg15[%get3A_2054] {strides = array<i32>} : memref<1280xf32, #tpu.memory_space<vmem>>, vector<16xf32>,
      %get3A_2056 = vector.shape_cast %get3A_2055 : vector<16xf32> to vector<16xf32>
      %swap3A_2057 = arith.constant 50 : i32
      %swap3A_2058 = arith.index_cast %swap3A_2057 : i32 to index
      %swap3A_2059 = arith.constant 0 : index
      %swap3A_2060 = tpu.vector_load %arg12[%swap3A_2058, %swap3A_2059] {strides = array<i32>} : memref<80x128xf32, #tpu.memory_space<vmem>>, vector<1x16xf32>,
      %swap3A_2061 = vector.shape_cast %swap3A_2060 : vector<1x16xf32> to vector<16xf32>
      %swap3A_2062 = vector.shape_cast %get3A_2056 : vector<16xf32> to vector<1x16xf32>
      tpu.vector_store %arg12[%swap3A_2058, %swap3A_2059], %swap3A_2062 {strides = array<i32>} : memref<80x128xf32, #tpu.memory_space<vmem>>, vector<1x16xf32>,
      %get3A_2063 = arith.constant 816 : index
      %get3A_2064 = tpu.vector_load %arg15[%get3A_2063] {strides = array<i32>} : memref<1280xf32, #tpu.memory_space<vmem>>, vector<16xf32>,
      %get3A_2065 = vector.shape_cast %get3A_2064 : vector<16xf32> to vector<16xf32>
      %swap3A_2066 = arith.constant 51 : i32
      %swap3A_2067 = arith.index_cast %swap3A_2066 : i32 to index
      %swap3A_2068 = arith.constant 0 : index
      %swap3A_2069 = tpu.vector_load %arg12[%swap3A_2067, %swap3A_2068] {strides = array<i32>} : memref<80x128xf32, #tpu.memory_space<vmem>>, vector<1x16xf32>,
      %swap3A_2070 = vector.shape_cast %swap3A_2069 : vector<1x16xf32> to vector<16xf32>
      %swap3A_2071 = vector.shape_cast %get3A_2065 : vector<16xf32> to vector<1x16xf32>
      tpu.vector_store %arg12[%swap3A_2067, %swap3A_2068], %swap3A_2071 {strides = array<i32>} : memref<80x128xf32, #tpu.memory_space<vmem>>, vector<1x16xf32>,
      %get3A_2072 = arith.constant 832 : index
      %get3A_2073 = tpu.vector_load %arg15[%get3A_2072] {strides = array<i32>} : memref<1280xf32, #tpu.memory_space<vmem>>, vector<16xf32>,
      %get3A_2074 = vector.shape_cast %get3A_2073 : vector<16xf32> to vector<16xf32>
      %swap3A_2075 = arith.constant 52 : i32
      %swap3A_2076 = arith.index_cast %swap3A_2075 : i32 to index
      %swap3A_2077 = arith.constant 0 : index
      %swap3A_2078 = tpu.vector_load %arg12[%swap3A_2076, %swap3A_2077] {strides = array<i32>} : memref<80x128xf32, #tpu.memory_space<vmem>>, vector<1x16xf32>,
      %swap3A_2079 = vector.shape_cast %swap3A_2078 : vector<1x16xf32> to vector<16xf32>
      %swap3A_2080 = vector.shape_cast %get3A_2074 : vector<16xf32> to vector<1x16xf32>
      tpu.vector_store %arg12[%swap3A_2076, %swap3A_2077], %swap3A_2080 {strides = array<i32>} : memref<80x128xf32, #tpu.memory_space<vmem>>, vector<1x16xf32>,
      %get3A_2081 = arith.constant 848 : index
      %get3A_2082 = tpu.vector_load %arg15[%get3A_2081] {strides = array<i32>} : memref<1280xf32, #tpu.memory_space<vmem>>, vector<16xf32>,
      %get3A_2083 = vector.shape_cast %get3A_2082 : vector<16xf32> to vector<16xf32>
      %swap3A_2084 = arith.constant 53 : i32
      %swap3A_2085 = arith.index_cast %swap3A_2084 : i32 to index
      %swap3A_2086 = arith.constant 0 : index
      %swap3A_2087 = tpu.vector_load %arg12[%swap3A_2085, %swap3A_2086] {strides = array<i32>} : memref<80x128xf32, #tpu.memory_space<vmem>>, vector<1x16xf32>,
      %swap3A_2088 = vector.shape_cast %swap3A_2087 : vector<1x16xf32> to vector<16xf32>
      %swap3A_2089 = vector.shape_cast %get3A_2083 : vector<16xf32> to vector<1x16xf32>
      tpu.vector_store %arg12[%swap3A_2085, %swap3A_2086], %swap3A_2089 {strides = array<i32>} : memref<80x128xf32, #tpu.memory_space<vmem>>, vector<1x16xf32>,
      %get3A_2090 = arith.constant 864 : index
      %get3A_2091 = tpu.vector_load %arg15[%get3A_2090] {strides = array<i32>} : memref<1280xf32, #tpu.memory_space<vmem>>, vector<16xf32>,
      %get3A_2092 = vector.shape_cast %get3A_2091 : vector<16xf32> to vector<16xf32>
      %swap3A_2093 = arith.constant 54 : i32
      %swap3A_2094 = arith.index_cast %swap3A_2093 : i32 to index
      %swap3A_2095 = arith.constant 0 : index
      %swap3A_2096 = tpu.vector_load %arg12[%swap3A_2094, %swap3A_2095] {strides = array<i32>} : memref<80x128xf32, #tpu.memory_space<vmem>>, vector<1x16xf32>,
      %swap3A_2097 = vector.shape_cast %swap3A_2096 : vector<1x16xf32> to vector<16xf32>
      %swap3A_2098 = vector.shape_cast %get3A_2092 : vector<16xf32> to vector<1x16xf32>
      tpu.vector_store %arg12[%swap3A_2094, %swap3A_2095], %swap3A_2098 {strides = array<i32>} : memref<80x128xf32, #tpu.memory_space<vmem>>, vector<1x16xf32>,
      %get3A_2099 = arith.constant 880 : index
      %get3A_2100 = tpu.vector_load %arg15[%get3A_2099] {strides = array<i32>} : memref<1280xf32, #tpu.memory_space<vmem>>, vector<16xf32>,
      %get3A_2101 = vector.shape_cast %get3A_2100 : vector<16xf32> to vector<16xf32>
      %swap3A_2102 = arith.constant 55 : i32
      %swap3A_2103 = arith.index_cast %swap3A_2102 : i32 to index
      %swap3A_2104 = arith.constant 0 : index
      %swap3A_2105 = tpu.vector_load %arg12[%swap3A_2103, %swap3A_2104] {strides = array<i32>} : memref<80x128xf32, #tpu.memory_space<vmem>>, vector<1x16xf32>,
      %swap3A_2106 = vector.shape_cast %swap3A_2105 : vector<1x16xf32> to vector<16xf32>
      %swap3A_2107 = vector.shape_cast %get3A_2101 : vector<16xf32> to vector<1x16xf32>
      tpu.vector_store %arg12[%swap3A_2103, %swap3A_2104], %swap3A_2107 {strides = array<i32>} : memref<80x128xf32, #tpu.memory_space<vmem>>, vector<1x16xf32>,
      %get3A_2108 = arith.constant 896 : index
      %get3A_2109 = tpu.vector_load %arg15[%get3A_2108] {strides = array<i32>} : memref<1280xf32, #tpu.memory_space<vmem>>, vector<16xf32>,
      %get3A_2110 = vector.shape_cast %get3A_2109 : vector<16xf32> to vector<16xf32>
      %swap3A_2111 = arith.constant 56 : i32
      %swap3A_2112 = arith.index_cast %swap3A_2111 : i32 to index
      %swap3A_2113 = arith.constant 0 : index
      %swap3A_2114 = tpu.vector_load %arg12[%swap3A_2112, %swap3A_2113] {strides = array<i32>} : memref<80x128xf32, #tpu.memory_space<vmem>>, vector<1x16xf32>,
      %swap3A_2115 = vector.shape_cast %swap3A_2114 : vector<1x16xf32> to vector<16xf32>
      %swap3A_2116 = vector.shape_cast %get3A_2110 : vector<16xf32> to vector<1x16xf32>
      tpu.vector_store %arg12[%swap3A_2112, %swap3A_2113], %swap3A_2116 {strides = array<i32>} : memref<80x128xf32, #tpu.memory_space<vmem>>, vector<1x16xf32>,
      %get3A_2117 = arith.constant 912 : index
      %get3A_2118 = tpu.vector_load %arg15[%get3A_2117] {strides = array<i32>} : memref<1280xf32, #tpu.memory_space<vmem>>, vector<16xf32>,
      %get3A_2119 = vector.shape_cast %get3A_2118 : vector<16xf32> to vector<16xf32>
      %swap3A_2120 = arith.constant 57 : i32
      %swap3A_2121 = arith.index_cast %swap3A_2120 : i32 to index
      %swap3A_2122 = arith.constant 0 : index
      %swap3A_2123 = tpu.vector_load %arg12[%swap3A_2121, %swap3A_2122] {strides = array<i32>} : memref<80x128xf32, #tpu.memory_space<vmem>>, vector<1x16xf32>,
      %swap3A_2124 = vector.shape_cast %swap3A_2123 : vector<1x16xf32> to vector<16xf32>
      %swap3A_2125 = vector.shape_cast %get3A_2119 : vector<16xf32> to vector<1x16xf32>
      tpu.vector_store %arg12[%swap3A_2121, %swap3A_2122], %swap3A_2125 {strides = array<i32>} : memref<80x128xf32, #tpu.memory_space<vmem>>, vector<1x16xf32>,
      %get3A_2126 = arith.constant 928 : index
      %get3A_2127 = tpu.vector_load %arg15[%get3A_2126] {strides = array<i32>} : memref<1280xf32, #tpu.memory_space<vmem>>, vector<16xf32>,
      %get3A_2128 = vector.shape_cast %get3A_2127 : vector<16xf32> to vector<16xf32>
      %swap3A_2129 = arith.constant 58 : i32
      %swap3A_2130 = arith.index_cast %swap3A_2129 : i32 to index
      %swap3A_2131 = arith.constant 0 : index
      %swap3A_2132 = tpu.vector_load %arg12[%swap3A_2130, %swap3A_2131] {strides = array<i32>} : memref<80x128xf32, #tpu.memory_space<vmem>>, vector<1x16xf32>,
      %swap3A_2133 = vector.shape_cast %swap3A_2132 : vector<1x16xf32> to vector<16xf32>
      %swap3A_2134 = vector.shape_cast %get3A_2128 : vector<16xf32> to vector<1x16xf32>
      tpu.vector_store %arg12[%swap3A_2130, %swap3A_2131], %swap3A_2134 {strides = array<i32>} : memref<80x128xf32, #tpu.memory_space<vmem>>, vector<1x16xf32>,
      %get3A_2135 = arith.constant 944 : index
      %get3A_2136 = tpu.vector_load %arg15[%get3A_2135] {strides = array<i32>} : memref<1280xf32, #tpu.memory_space<vmem>>, vector<16xf32>,
      %get3A_2137 = vector.shape_cast %get3A_2136 : vector<16xf32> to vector<16xf32>
      %swap3A_2138 = arith.constant 59 : i32
      %swap3A_2139 = arith.index_cast %swap3A_2138 : i32 to index
      %swap3A_2140 = arith.constant 0 : index
      %swap3A_2141 = tpu.vector_load %arg12[%swap3A_2139, %swap3A_2140] {strides = array<i32>} : memref<80x128xf32, #tpu.memory_space<vmem>>, vector<1x16xf32>,
      %swap3A_2142 = vector.shape_cast %swap3A_2141 : vector<1x16xf32> to vector<16xf32>
      %swap3A_2143 = vector.shape_cast %get3A_2137 : vector<16xf32> to vector<1x16xf32>
      tpu.vector_store %arg12[%swap3A_2139, %swap3A_2140], %swap3A_2143 {strides = array<i32>} : memref<80x128xf32, #tpu.memory_space<vmem>>, vector<1x16xf32>,
      %get3A_2144 = arith.constant 960 : index
      %get3A_2145 = tpu.vector_load %arg15[%get3A_2144] {strides = array<i32>} : memref<1280xf32, #tpu.memory_space<vmem>>, vector<16xf32>,
      %get3A_2146 = vector.shape_cast %get3A_2145 : vector<16xf32> to vector<16xf32>
      %swap3A_2147 = arith.constant 60 : i32
      %swap3A_2148 = arith.index_cast %swap3A_2147 : i32 to index
      %swap3A_2149 = arith.constant 0 : index
      %swap3A_2150 = tpu.vector_load %arg12[%swap3A_2148, %swap3A_2149] {strides = array<i32>} : memref<80x128xf32, #tpu.memory_space<vmem>>, vector<1x16xf32>,
      %swap3A_2151 = vector.shape_cast %swap3A_2150 : vector<1x16xf32> to vector<16xf32>
      %swap3A_2152 = vector.shape_cast %get3A_2146 : vector<16xf32> to vector<1x16xf32>
      tpu.vector_store %arg12[%swap3A_2148, %swap3A_2149], %swap3A_2152 {strides = array<i32>} : memref<80x128xf32, #tpu.memory_space<vmem>>, vector<1x16xf32>,
      %get3A_2153 = arith.constant 976 : index
      %get3A_2154 = tpu.vector_load %arg15[%get3A_2153] {strides = array<i32>} : memref<1280xf32, #tpu.memory_space<vmem>>, vector<16xf32>,
      %get3A_2155 = vector.shape_cast %get3A_2154 : vector<16xf32> to vector<16xf32>
      %swap3A_2156 = arith.constant 61 : i32
      %swap3A_2157 = arith.index_cast %swap3A_2156 : i32 to index
      %swap3A_2158 = arith.constant 0 : index
      %swap3A_2159 = tpu.vector_load %arg12[%swap3A_2157, %swap3A_2158] {strides = array<i32>} : memref<80x128xf32, #tpu.memory_space<vmem>>, vector<1x16xf32>,
      %swap3A_2160 = vector.shape_cast %swap3A_2159 : vector<1x16xf32> to vector<16xf32>
      %swap3A_2161 = vector.shape_cast %get3A_2155 : vector<16xf32> to vector<1x16xf32>
      tpu.vector_store %arg12[%swap3A_2157, %swap3A_2158], %swap3A_2161 {strides = array<i32>} : memref<80x128xf32, #tpu.memory_space<vmem>>, vector<1x16xf32>,
      %get3A_2162 = arith.constant 992 : index
      %get3A_2163 = tpu.vector_load %arg15[%get3A_2162] {strides = array<i32>} : memref<1280xf32, #tpu.memory_space<vmem>>, vector<16xf32>,
      %get3A_2164 = vector.shape_cast %get3A_2163 : vector<16xf32> to vector<16xf32>
      %swap3A_2165 = arith.constant 62 : i32
      %swap3A_2166 = arith.index_cast %swap3A_2165 : i32 to index
      %swap3A_2167 = arith.constant 0 : index
      %swap3A_2168 = tpu.vector_load %arg12[%swap3A_2166, %swap3A_2167] {strides = array<i32>} : memref<80x128xf32, #tpu.memory_space<vmem>>, vector<1x16xf32>,
      %swap3A_2169 = vector.shape_cast %swap3A_2168 : vector<1x16xf32> to vector<16xf32>
      %swap3A_2170 = vector.shape_cast %get3A_2164 : vector<16xf32> to vector<1x16xf32>
      tpu.vector_store %arg12[%swap3A_2166, %swap3A_2167], %swap3A_2170 {strides = array<i32>} : memref<80x128xf32, #tpu.memory_space<vmem>>, vector<1x16xf32>,
      %get3A_2171 = arith.constant 1008 : index
      %get3A_2172 = tpu.vector_load %arg15[%get3A_2171] {strides = array<i32>} : memref<1280xf32, #tpu.memory_space<vmem>>, vector<16xf32>,
      %get3A_2173 = vector.shape_cast %get3A_2172 : vector<16xf32> to vector<16xf32>
      %swap3A_2174 = arith.constant 63 : i32
      %swap3A_2175 = arith.index_cast %swap3A_2174 : i32 to index
      %swap3A_2176 = arith.constant 0 : index
      %swap3A_2177 = tpu.vector_load %arg12[%swap3A_2175, %swap3A_2176] {strides = array<i32>} : memref<80x128xf32, #tpu.memory_space<vmem>>, vector<1x16xf32>,
      %swap3A_2178 = vector.shape_cast %swap3A_2177 : vector<1x16xf32> to vector<16xf32>
      %swap3A_2179 = vector.shape_cast %get3A_2173 : vector<16xf32> to vector<1x16xf32>
      tpu.vector_store %arg12[%swap3A_2175, %swap3A_2176], %swap3A_2179 {strides = array<i32>} : memref<80x128xf32, #tpu.memory_space<vmem>>, vector<1x16xf32>,
      %get3A_2180 = arith.constant 1024 : index
      %get3A_2181 = tpu.vector_load %arg15[%get3A_2180] {strides = array<i32>} : memref<1280xf32, #tpu.memory_space<vmem>>, vector<16xf32>,
      %get3A_2182 = vector.shape_cast %get3A_2181 : vector<16xf32> to vector<16xf32>
      %swap3A_2183 = arith.constant 64 : i32
      %swap3A_2184 = arith.index_cast %swap3A_2183 : i32 to index
      %swap3A_2185 = arith.constant 0 : index
      %swap3A_2186 = tpu.vector_load %arg12[%swap3A_2184, %swap3A_2185] {strides = array<i32>} : memref<80x128xf32, #tpu.memory_space<vmem>>, vector<1x16xf32>,
      %swap3A_2187 = vector.shape_cast %swap3A_2186 : vector<1x16xf32> to vector<16xf32>
      %swap3A_2188 = vector.shape_cast %get3A_2182 : vector<16xf32> to vector<1x16xf32>
      tpu.vector_store %arg12[%swap3A_2184, %swap3A_2185], %swap3A_2188 {strides = array<i32>} : memref<80x128xf32, #tpu.memory_space<vmem>>, vector<1x16xf32>,
      %get3A_2189 = arith.constant 1040 : index
      %get3A_2190 = tpu.vector_load %arg15[%get3A_2189] {strides = array<i32>} : memref<1280xf32, #tpu.memory_space<vmem>>, vector<16xf32>,
      %get3A_2191 = vector.shape_cast %get3A_2190 : vector<16xf32> to vector<16xf32>
      %swap3A_2192 = arith.constant 65 : i32
      %swap3A_2193 = arith.index_cast %swap3A_2192 : i32 to index
      %swap3A_2194 = arith.constant 0 : index
      %swap3A_2195 = tpu.vector_load %arg12[%swap3A_2193, %swap3A_2194] {strides = array<i32>} : memref<80x128xf32, #tpu.memory_space<vmem>>, vector<1x16xf32>,
      %swap3A_2196 = vector.shape_cast %swap3A_2195 : vector<1x16xf32> to vector<16xf32>
      %swap3A_2197 = vector.shape_cast %get3A_2191 : vector<16xf32> to vector<1x16xf32>
      tpu.vector_store %arg12[%swap3A_2193, %swap3A_2194], %swap3A_2197 {strides = array<i32>} : memref<80x128xf32, #tpu.memory_space<vmem>>, vector<1x16xf32>,
      %get3A_2198 = arith.constant 1056 : index
      %get3A_2199 = tpu.vector_load %arg15[%get3A_2198] {strides = array<i32>} : memref<1280xf32, #tpu.memory_space<vmem>>, vector<16xf32>,
      %get3A_2200 = vector.shape_cast %get3A_2199 : vector<16xf32> to vector<16xf32>
      %swap3A_2201 = arith.constant 66 : i32
      %swap3A_2202 = arith.index_cast %swap3A_2201 : i32 to index
      %swap3A_2203 = arith.constant 0 : index
      %swap3A_2204 = tpu.vector_load %arg12[%swap3A_2202, %swap3A_2203] {strides = array<i32>} : memref<80x128xf32, #tpu.memory_space<vmem>>, vector<1x16xf32>,
      %swap3A_2205 = vector.shape_cast %swap3A_2204 : vector<1x16xf32> to vector<16xf32>
      %swap3A_2206 = vector.shape_cast %get3A_2200 : vector<16xf32> to vector<1x16xf32>
      tpu.vector_store %arg12[%swap3A_2202, %swap3A_2203], %swap3A_2206 {strides = array<i32>} : memref<80x128xf32, #tpu.memory_space<vmem>>, vector<1x16xf32>,
      %get3A_2207 = arith.constant 1072 : index
      %get3A_2208 = tpu.vector_load %arg15[%get3A_2207] {strides = array<i32>} : memref<1280xf32, #tpu.memory_space<vmem>>, vector<16xf32>,
      %get3A_2209 = vector.shape_cast %get3A_2208 : vector<16xf32> to vector<16xf32>
      %swap3A_2210 = arith.constant 67 : i32
      %swap3A_2211 = arith.index_cast %swap3A_2210 : i32 to index
      %swap3A_2212 = arith.constant 0 : index
      %swap3A_2213 = tpu.vector_load %arg12[%swap3A_2211, %swap3A_2212] {strides = array<i32>} : memref<80x128xf32, #tpu.memory_space<vmem>>, vector<1x16xf32>,
      %swap3A_2214 = vector.shape_cast %swap3A_2213 : vector<1x16xf32> to vector<16xf32>
      %swap3A_2215 = vector.shape_cast %get3A_2209 : vector<16xf32> to vector<1x16xf32>
      tpu.vector_store %arg12[%swap3A_2211, %swap3A_2212], %swap3A_2215 {strides = array<i32>} : memref<80x128xf32, #tpu.memory_space<vmem>>, vector<1x16xf32>,
      %get3A_2216 = arith.constant 1088 : index
      %get3A_2217 = tpu.vector_load %arg15[%get3A_2216] {strides = array<i32>} : memref<1280xf32, #tpu.memory_space<vmem>>, vector<16xf32>,
      %get3A_2218 = vector.shape_cast %get3A_2217 : vector<16xf32> to vector<16xf32>
      %swap3A_2219 = arith.constant 68 : i32
      %swap3A_2220 = arith.index_cast %swap3A_2219 : i32 to index
      %swap3A_2221 = arith.constant 0 : index
      %swap3A_2222 = tpu.vector_load %arg12[%swap3A_2220, %swap3A_2221] {strides = array<i32>} : memref<80x128xf32, #tpu.memory_space<vmem>>, vector<1x16xf32>,
      %swap3A_2223 = vector.shape_cast %swap3A_2222 : vector<1x16xf32> to vector<16xf32>
      %swap3A_2224 = vector.shape_cast %get3A_2218 : vector<16xf32> to vector<1x16xf32>
      tpu.vector_store %arg12[%swap3A_2220, %swap3A_2221], %swap3A_2224 {strides = array<i32>} : memref<80x128xf32, #tpu.memory_space<vmem>>, vector<1x16xf32>,
      %get3A_2225 = arith.constant 1104 : index
      %get3A_2226 = tpu.vector_load %arg15[%get3A_2225] {strides = array<i32>} : memref<1280xf32, #tpu.memory_space<vmem>>, vector<16xf32>,
      %get3A_2227 = vector.shape_cast %get3A_2226 : vector<16xf32> to vector<16xf32>
      %swap3A_2228 = arith.constant 69 : i32
      %swap3A_2229 = arith.index_cast %swap3A_2228 : i32 to index
      %swap3A_2230 = arith.constant 0 : index
      %swap3A_2231 = tpu.vector_load %arg12[%swap3A_2229, %swap3A_2230] {strides = array<i32>} : memref<80x128xf32, #tpu.memory_space<vmem>>, vector<1x16xf32>,
      %swap3A_2232 = vector.shape_cast %swap3A_2231 : vector<1x16xf32> to vector<16xf32>
      %swap3A_2233 = vector.shape_cast %get3A_2227 : vector<16xf32> to vector<1x16xf32>
      tpu.vector_store %arg12[%swap3A_2229, %swap3A_2230], %swap3A_2233 {strides = array<i32>} : memref<80x128xf32, #tpu.memory_space<vmem>>, vector<1x16xf32>,
      %get3A_2234 = arith.constant 1120 : index
      %get3A_2235 = tpu.vector_load %arg15[%get3A_2234] {strides = array<i32>} : memref<1280xf32, #tpu.memory_space<vmem>>, vector<16xf32>,
      %get3A_2236 = vector.shape_cast %get3A_2235 : vector<16xf32> to vector<16xf32>
      %swap3A_2237 = arith.constant 70 : i32
      %swap3A_2238 = arith.index_cast %swap3A_2237 : i32 to index
      %swap3A_2239 = arith.constant 0 : index
      %swap3A_2240 = tpu.vector_load %arg12[%swap3A_2238, %swap3A_2239] {strides = array<i32>} : memref<80x128xf32, #tpu.memory_space<vmem>>, vector<1x16xf32>,
      %swap3A_2241 = vector.shape_cast %swap3A_2240 : vector<1x16xf32> to vector<16xf32>
      %swap3A_2242 = vector.shape_cast %get3A_2236 : vector<16xf32> to vector<1x16xf32>
      tpu.vector_store %arg12[%swap3A_2238, %swap3A_2239], %swap3A_2242 {strides = array<i32>} : memref<80x128xf32, #tpu.memory_space<vmem>>, vector<1x16xf32>,
      %get3A_2243 = arith.constant 1136 : index
      %get3A_2244 = tpu.vector_load %arg15[%get3A_2243] {strides = array<i32>} : memref<1280xf32, #tpu.memory_space<vmem>>, vector<16xf32>,
      %get3A_2245 = vector.shape_cast %get3A_2244 : vector<16xf32> to vector<16xf32>
      %swap3A_2246 = arith.constant 71 : i32
      %swap3A_2247 = arith.index_cast %swap3A_2246 : i32 to index
      %swap3A_2248 = arith.constant 0 : index
      %swap3A_2249 = tpu.vector_load %arg12[%swap3A_2247, %swap3A_2248] {strides = array<i32>} : memref<80x128xf32, #tpu.memory_space<vmem>>, vector<1x16xf32>,
      %swap3A_2250 = vector.shape_cast %swap3A_2249 : vector<1x16xf32> to vector<16xf32>
      %swap3A_2251 = vector.shape_cast %get3A_2245 : vector<16xf32> to vector<1x16xf32>
      tpu.vector_store %arg12[%swap3A_2247, %swap3A_2248], %swap3A_2251 {strides = array<i32>} : memref<80x128xf32, #tpu.memory_space<vmem>>, vector<1x16xf32>,
      %get3A_2252 = arith.constant 1152 : index
      %get3A_2253 = tpu.vector_load %arg15[%get3A_2252] {strides = array<i32>} : memref<1280xf32, #tpu.memory_space<vmem>>, vector<16xf32>,
      %get3A_2254 = vector.shape_cast %get3A_2253 : vector<16xf32> to vector<16xf32>
      %swap3A_2255 = arith.constant 72 : i32
      %swap3A_2256 = arith.index_cast %swap3A_2255 : i32 to index
      %swap3A_2257 = arith.constant 0 : index
      %swap3A_2258 = tpu.vector_load %arg12[%swap3A_2256, %swap3A_2257] {strides = array<i32>} : memref<80x128xf32, #tpu.memory_space<vmem>>, vector<1x16xf32>,
      %swap3A_2259 = vector.shape_cast %swap3A_2258 : vector<1x16xf32> to vector<16xf32>
      %swap3A_2260 = vector.shape_cast %get3A_2254 : vector<16xf32> to vector<1x16xf32>
      tpu.vector_store %arg12[%swap3A_2256, %swap3A_2257], %swap3A_2260 {strides = array<i32>} : memref<80x128xf32, #tpu.memory_space<vmem>>, vector<1x16xf32>,
      %get3A_2261 = arith.constant 1168 : index
      %get3A_2262 = tpu.vector_load %arg15[%get3A_2261] {strides = array<i32>} : memref<1280xf32, #tpu.memory_space<vmem>>, vector<16xf32>,
      %get3A_2263 = vector.shape_cast %get3A_2262 : vector<16xf32> to vector<16xf32>
      %swap3A_2264 = arith.constant 73 : i32
      %swap3A_2265 = arith.index_cast %swap3A_2264 : i32 to index
      %swap3A_2266 = arith.constant 0 : index
      %swap3A_2267 = tpu.vector_load %arg12[%swap3A_2265, %swap3A_2266] {strides = array<i32>} : memref<80x128xf32, #tpu.memory_space<vmem>>, vector<1x16xf32>,
      %swap3A_2268 = vector.shape_cast %swap3A_2267 : vector<1x16xf32> to vector<16xf32>
      %swap3A_2269 = vector.shape_cast %get3A_2263 : vector<16xf32> to vector<1x16xf32>
      tpu.vector_store %arg12[%swap3A_2265, %swap3A_2266], %swap3A_2269 {strides = array<i32>} : memref<80x128xf32, #tpu.memory_space<vmem>>, vector<1x16xf32>,
      %get3A_2270 = arith.constant 1184 : index
      %get3A_2271 = tpu.vector_load %arg15[%get3A_2270] {strides = array<i32>} : memref<1280xf32, #tpu.memory_space<vmem>>, vector<16xf32>,
      %get3A_2272 = vector.shape_cast %get3A_2271 : vector<16xf32> to vector<16xf32>
      %swap3A_2273 = arith.constant 74 : i32
      %swap3A_2274 = arith.index_cast %swap3A_2273 : i32 to index
      %swap3A_2275 = arith.constant 0 : index
      %swap3A_2276 = tpu.vector_load %arg12[%swap3A_2274, %swap3A_2275] {strides = array<i32>} : memref<80x128xf32, #tpu.memory_space<vmem>>, vector<1x16xf32>,
      %swap3A_2277 = vector.shape_cast %swap3A_2276 : vector<1x16xf32> to vector<16xf32>
      %swap3A_2278 = vector.shape_cast %get3A_2272 : vector<16xf32> to vector<1x16xf32>
      tpu.vector_store %arg12[%swap3A_2274, %swap3A_2275], %swap3A_2278 {strides = array<i32>} : memref<80x128xf32, #tpu.memory_space<vmem>>, vector<1x16xf32>,
      %get3A_2279 = arith.constant 1200 : index
      %get3A_2280 = tpu.vector_load %arg15[%get3A_2279] {strides = array<i32>} : memref<1280xf32, #tpu.memory_space<vmem>>, vector<16xf32>,
      %get3A_2281 = vector.shape_cast %get3A_2280 : vector<16xf32> to vector<16xf32>
      %swap3A_2282 = arith.constant 75 : i32
      %swap3A_2283 = arith.index_cast %swap3A_2282 : i32 to index
      %swap3A_2284 = arith.constant 0 : index
      %swap3A_2285 = tpu.vector_load %arg12[%swap3A_2283, %swap3A_2284] {strides = array<i32>} : memref<80x128xf32, #tpu.memory_space<vmem>>, vector<1x16xf32>,
      %swap3A_2286 = vector.shape_cast %swap3A_2285 : vector<1x16xf32> to vector<16xf32>
      %swap3A_2287 = vector.shape_cast %get3A_2281 : vector<16xf32> to vector<1x16xf32>
      tpu.vector_store %arg12[%swap3A_2283, %swap3A_2284], %swap3A_2287 {strides = array<i32>} : memref<80x128xf32, #tpu.memory_space<vmem>>, vector<1x16xf32>,
      %get3A_2288 = arith.constant 1216 : index
      %get3A_2289 = tpu.vector_load %arg15[%get3A_2288] {strides = array<i32>} : memref<1280xf32, #tpu.memory_space<vmem>>, vector<16xf32>,
      %get3A_2290 = vector.shape_cast %get3A_2289 : vector<16xf32> to vector<16xf32>
      %swap3A_2291 = arith.constant 76 : i32
      %swap3A_2292 = arith.index_cast %swap3A_2291 : i32 to index
      %swap3A_2293 = arith.constant 0 : index
      %swap3A_2294 = tpu.vector_load %arg12[%swap3A_2292, %swap3A_2293] {strides = array<i32>} : memref<80x128xf32, #tpu.memory_space<vmem>>, vector<1x16xf32>,
      %swap3A_2295 = vector.shape_cast %swap3A_2294 : vector<1x16xf32> to vector<16xf32>
      %swap3A_2296 = vector.shape_cast %get3A_2290 : vector<16xf32> to vector<1x16xf32>
      tpu.vector_store %arg12[%swap3A_2292, %swap3A_2293], %swap3A_2296 {strides = array<i32>} : memref<80x128xf32, #tpu.memory_space<vmem>>, vector<1x16xf32>,
      %get3A_2297 = arith.constant 1232 : index
      %get3A_2298 = tpu.vector_load %arg15[%get3A_2297] {strides = array<i32>} : memref<1280xf32, #tpu.memory_space<vmem>>, vector<16xf32>,
      %get3A_2299 = vector.shape_cast %get3A_2298 : vector<16xf32> to vector<16xf32>
      %swap3A_2300 = arith.constant 77 : i32
      %swap3A_2301 = arith.index_cast %swap3A_2300 : i32 to index
      %swap3A_2302 = arith.constant 0 : index
      %swap3A_2303 = tpu.vector_load %arg12[%swap3A_2301, %swap3A_2302] {strides = array<i32>} : memref<80x128xf32, #tpu.memory_space<vmem>>, vector<1x16xf32>,
      %swap3A_2304 = vector.shape_cast %swap3A_2303 : vector<1x16xf32> to vector<16xf32>
      %swap3A_2305 = vector.shape_cast %get3A_2299 : vector<16xf32> to vector<1x16xf32>
      tpu.vector_store %arg12[%swap3A_2301, %swap3A_2302], %swap3A_2305 {strides = array<i32>} : memref<80x128xf32, #tpu.memory_space<vmem>>, vector<1x16xf32>,
      %get3A_2306 = arith.constant 1248 : index
      %get3A_2307 = tpu.vector_load %arg15[%get3A_2306] {strides = array<i32>} : memref<1280xf32, #tpu.memory_space<vmem>>, vector<16xf32>,
      %get3A_2308 = vector.shape_cast %get3A_2307 : vector<16xf32> to vector<16xf32>
      %swap3A_2309 = arith.constant 78 : i32
      %swap3A_2310 = arith.index_cast %swap3A_2309 : i32 to index
      %swap3A_2311 = arith.constant 0 : index
      %swap3A_2312 = tpu.vector_load %arg12[%swap3A_2310, %swap3A_2311] {strides = array<i32>} : memref<80x128xf32, #tpu.memory_space<vmem>>, vector<1x16xf32>,
      %swap3A_2313 = vector.shape_cast %swap3A_2312 : vector<1x16xf32> to vector<16xf32>
      %swap3A_2314 = vector.shape_cast %get3A_2308 : vector<16xf32> to vector<1x16xf32>
      tpu.vector_store %arg12[%swap3A_2310, %swap3A_2311], %swap3A_2314 {strides = array<i32>} : memref<80x128xf32, #tpu.memory_space<vmem>>, vector<1x16xf32>,
      %get3A_2315 = arith.constant 1264 : index
      %get3A_2316 = tpu.vector_load %arg15[%get3A_2315] {strides = array<i32>} : memref<1280xf32, #tpu.memory_space<vmem>>, vector<16xf32>,
      %get3A_2317 = vector.shape_cast %get3A_2316 : vector<16xf32> to vector<16xf32>
      %swap3A_2318 = arith.constant 79 : i32
      %swap3A_2319 = arith.index_cast %swap3A_2318 : i32 to index
      %swap3A_2320 = arith.constant 0 : index
      %swap3A_2321 = tpu.vector_load %arg12[%swap3A_2319, %swap3A_2320] {strides = array<i32>} : memref<80x128xf32, #tpu.memory_space<vmem>>, vector<1x16xf32>,
      %swap3A_2322 = vector.shape_cast %swap3A_2321 : vector<1x16xf32> to vector<16xf32>
      %swap3A_2323 = vector.shape_cast %get3A_2317 : vector<16xf32> to vector<1x16xf32>
      tpu.vector_store %arg12[%swap3A_2319, %swap3A_2320], %swap3A_2323 {strides = array<i32>} : memref<80x128xf32, #tpu.memory_space<vmem>>, vector<1x16xf32>,
      "tpu.region"() ({
        %run_scoped3A = tpu.sem_alloc : memref<!tpu.dma_semaphore, #tpu.memory_space<semaphore_mem>>
        %dma_start3A_2325 = arith.constant 0 : i32
        %dma_start3A_2326 = arith.constant 0 : i32
        %dma_start3A_2327 = tpu.memref_slice %arg8[%dma_start3A_2325, %dma_start3A_2326] : memref<10240x128xf32, #tpu.memory_space<vmem_shared>> -> memref<10240x128xf32, #tpu.memory_space<vmem_shared>>
        tpu.enqueue_indirect_dma source(%arg12 : memref<80x128xf32, #tpu.memory_space<vmem>>) target(%dma_start3A_2327 : memref<10240x128xf32, #tpu.memory_space<vmem_shared>>) offsets(%arg11 : memref<80xi32, #tpu.memory_space<vmem>>) semaphore(%run_scoped3A : memref<!tpu.dma_semaphore, #tpu.memory_space<semaphore_mem>>) {add = true}
        %dma_wait3A_2328 = arith.constant 0 : i32
        %dma_wait3A_2329 = arith.constant 0 : i32
        %dma_wait3A_2330 = tpu.memref_slice %arg8[%dma_wait3A_2328, %dma_wait3A_2329] : memref<10240x128xf32, #tpu.memory_space<vmem_shared>> -> memref<10240x128xf32, #tpu.memory_space<vmem_shared>>
        tpu.wait_indirect_dma semaphore(%run_scoped3A : memref<!tpu.dma_semaphore, #tpu.memory_space<semaphore_mem>>) src(%arg12 : memref<80x128xf32, #tpu.memory_space<vmem>>) dst(%dma_wait3A_2330 : memref<10240x128xf32, #tpu.memory_space<vmem_shared>>)
        tpu.yield
      }) : () -> ()
      %scan3A_2324 = arith.constant 0 : i32
      scf.yield %scan3A_2324 : i32
    }
    %scan3A_98 = arith.constant 62 : i32
    %dma_wait3A_99 = arith.constant 0 : i32
    %dma_wait3A_100 = tpu.memref_slice %arg5[%dma_wait3A_99] : memref<320000xi32, #tpu.memory_space<hbm>> -> memref<80xi32, #tpu.memory_space<hbm>>
    %dma_wait3A_101 = arith.constant 0 : i32
    %dma_wait3A_102 = tpu.memref_slice %arg5[%dma_wait3A_101] : memref<320000xi32, #tpu.memory_space<hbm>> -> memref<80xi32, #tpu.memory_space<hbm>>
    tpu.wait_dma2 semaphore(%arg16 : memref<!tpu.dma_semaphore, #tpu.memory_space<semaphore_mem>>) src(%dma_wait3A_102 : memref<80xi32, #tpu.memory_space<hbm>>) dst(%arg10 : memref<80xi32, #tpu.memory_space<vmem>>)
    %dma_wait3A_103 = arith.constant 0 : i32
    %dma_wait3A_104 = tpu.memref_slice %arg3[%dma_wait3A_103] : memref<5120000xf32, #tpu.memory_space<hbm>> -> memref<1280xf32, #tpu.memory_space<hbm>>
    %dma_wait3A_105 = arith.constant 0 : i32
    %dma_wait3A_106 = tpu.memref_slice %arg3[%dma_wait3A_105] : memref<5120000xf32, #tpu.memory_space<hbm>> -> memref<1280xf32, #tpu.memory_space<hbm>>
    tpu.wait_dma2 semaphore(%arg18 : memref<!tpu.dma_semaphore, #tpu.memory_space<semaphore_mem>>) src(%dma_wait3A_106 : memref<1280xf32, #tpu.memory_space<hbm>>) dst(%arg14 : memref<1280xf32, #tpu.memory_space<vmem>>)
    %get3A = arith.constant 0 : index
    %get3A_107 = tpu.vector_load %arg14[%get3A] {strides = array<i32>} : memref<1280xf32, #tpu.memory_space<vmem>>, vector<16xf32>,
    %get3A_108 = vector.shape_cast %get3A_107 : vector<16xf32> to vector<16xf32>
    %swap3A = arith.constant 0 : i32
    %swap3A_109 = arith.index_cast %swap3A : i32 to index
    %swap3A_110 = arith.constant 0 : index
    %swap3A_111 = tpu.vector_load %arg12[%swap3A_109, %swap3A_110] {strides = array<i32>} : memref<80x128xf32, #tpu.memory_space<vmem>>, vector<1x16xf32>,
    %swap3A_112 = vector.shape_cast %swap3A_111 : vector<1x16xf32> to vector<16xf32>
    %swap3A_113 = vector.shape_cast %get3A_108 : vector<16xf32> to vector<1x16xf32>
    tpu.vector_store %arg12[%swap3A_109, %swap3A_110], %swap3A_113 {strides = array<i32>} : memref<80x128xf32, #tpu.memory_space<vmem>>, vector<1x16xf32>,
    %get3A_114 = arith.constant 16 : index
    %get3A_115 = tpu.vector_load %arg14[%get3A_114] {strides = array<i32>} : memref<1280xf32, #tpu.memory_space<vmem>>, vector<16xf32>,
    %get3A_116 = vector.shape_cast %get3A_115 : vector<16xf32> to vector<16xf32>
    %swap3A_117 = arith.constant 1 : i32
    %swap3A_118 = arith.index_cast %swap3A_117 : i32 to index
    %swap3A_119 = arith.constant 0 : index
    %swap3A_120 = tpu.vector_load %arg12[%swap3A_118, %swap3A_119] {strides = array<i32>} : memref<80x128xf32, #tpu.memory_space<vmem>>, vector<1x16xf32>,
    %swap3A_121 = vector.shape_cast %swap3A_120 : vector<1x16xf32> to vector<16xf32>
    %swap3A_122 = vector.shape_cast %get3A_116 : vector<16xf32> to vector<1x16xf32>
    tpu.vector_store %arg12[%swap3A_118, %swap3A_119], %swap3A_122 {strides = array<i32>} : memref<80x128xf32, #tpu.memory_space<vmem>>, vector<1x16xf32>,
    %get3A_123 = arith.constant 32 : index
    %get3A_124 = tpu.vector_load %arg14[%get3A_123] {strides = array<i32>} : memref<1280xf32, #tpu.memory_space<vmem>>, vector<16xf32>,
    %get3A_125 = vector.shape_cast %get3A_124 : vector<16xf32> to vector<16xf32>
    %swap3A_126 = arith.constant 2 : i32
    %swap3A_127 = arith.index_cast %swap3A_126 : i32 to index
    %swap3A_128 = arith.constant 0 : index
    %swap3A_129 = tpu.vector_load %arg12[%swap3A_127, %swap3A_128] {strides = array<i32>} : memref<80x128xf32, #tpu.memory_space<vmem>>, vector<1x16xf32>,
    %swap3A_130 = vector.shape_cast %swap3A_129 : vector<1x16xf32> to vector<16xf32>
    %swap3A_131 = vector.shape_cast %get3A_125 : vector<16xf32> to vector<1x16xf32>
    tpu.vector_store %arg12[%swap3A_127, %swap3A_128], %swap3A_131 {strides = array<i32>} : memref<80x128xf32, #tpu.memory_space<vmem>>, vector<1x16xf32>,
    %get3A_132 = arith.constant 48 : index
    %get3A_133 = tpu.vector_load %arg14[%get3A_132] {strides = array<i32>} : memref<1280xf32, #tpu.memory_space<vmem>>, vector<16xf32>,
    %get3A_134 = vector.shape_cast %get3A_133 : vector<16xf32> to vector<16xf32>
    %swap3A_135 = arith.constant 3 : i32
    %swap3A_136 = arith.index_cast %swap3A_135 : i32 to index
    %swap3A_137 = arith.constant 0 : index
    %swap3A_138 = tpu.vector_load %arg12[%swap3A_136, %swap3A_137] {strides = array<i32>} : memref<80x128xf32, #tpu.memory_space<vmem>>, vector<1x16xf32>,
    %swap3A_139 = vector.shape_cast %swap3A_138 : vector<1x16xf32> to vector<16xf32>
    %swap3A_140 = vector.shape_cast %get3A_134 : vector<16xf32> to vector<1x16xf32>
    tpu.vector_store %arg12[%swap3A_136, %swap3A_137], %swap3A_140 {strides = array<i32>} : memref<80x128xf32, #tpu.memory_space<vmem>>, vector<1x16xf32>,
    %get3A_141 = arith.constant 64 : index
    %get3A_142 = tpu.vector_load %arg14[%get3A_141] {strides = array<i32>} : memref<1280xf32, #tpu.memory_space<vmem>>, vector<16xf32>,
    %get3A_143 = vector.shape_cast %get3A_142 : vector<16xf32> to vector<16xf32>
    %swap3A_144 = arith.constant 4 : i32
    %swap3A_145 = arith.index_cast %swap3A_144 : i32 to index
    %swap3A_146 = arith.constant 0 : index
    %swap3A_147 = tpu.vector_load %arg12[%swap3A_145, %swap3A_146] {strides = array<i32>} : memref<80x128xf32, #tpu.memory_space<vmem>>, vector<1x16xf32>,
    %swap3A_148 = vector.shape_cast %swap3A_147 : vector<1x16xf32> to vector<16xf32>
    %swap3A_149 = vector.shape_cast %get3A_143 : vector<16xf32> to vector<1x16xf32>
    tpu.vector_store %arg12[%swap3A_145, %swap3A_146], %swap3A_149 {strides = array<i32>} : memref<80x128xf32, #tpu.memory_space<vmem>>, vector<1x16xf32>,
    %get3A_150 = arith.constant 80 : index
    %get3A_151 = tpu.vector_load %arg14[%get3A_150] {strides = array<i32>} : memref<1280xf32, #tpu.memory_space<vmem>>, vector<16xf32>,
    %get3A_152 = vector.shape_cast %get3A_151 : vector<16xf32> to vector<16xf32>
    %swap3A_153 = arith.constant 5 : i32
    %swap3A_154 = arith.index_cast %swap3A_153 : i32 to index
    %swap3A_155 = arith.constant 0 : index
    %swap3A_156 = tpu.vector_load %arg12[%swap3A_154, %swap3A_155] {strides = array<i32>} : memref<80x128xf32, #tpu.memory_space<vmem>>, vector<1x16xf32>,
    %swap3A_157 = vector.shape_cast %swap3A_156 : vector<1x16xf32> to vector<16xf32>
    %swap3A_158 = vector.shape_cast %get3A_152 : vector<16xf32> to vector<1x16xf32>
    tpu.vector_store %arg12[%swap3A_154, %swap3A_155], %swap3A_158 {strides = array<i32>} : memref<80x128xf32, #tpu.memory_space<vmem>>, vector<1x16xf32>,
    %get3A_159 = arith.constant 96 : index
    %get3A_160 = tpu.vector_load %arg14[%get3A_159] {strides = array<i32>} : memref<1280xf32, #tpu.memory_space<vmem>>, vector<16xf32>,
    %get3A_161 = vector.shape_cast %get3A_160 : vector<16xf32> to vector<16xf32>
    %swap3A_162 = arith.constant 6 : i32
    %swap3A_163 = arith.index_cast %swap3A_162 : i32 to index
    %swap3A_164 = arith.constant 0 : index
    %swap3A_165 = tpu.vector_load %arg12[%swap3A_163, %swap3A_164] {strides = array<i32>} : memref<80x128xf32, #tpu.memory_space<vmem>>, vector<1x16xf32>,
    %swap3A_166 = vector.shape_cast %swap3A_165 : vector<1x16xf32> to vector<16xf32>
    %swap3A_167 = vector.shape_cast %get3A_161 : vector<16xf32> to vector<1x16xf32>
    tpu.vector_store %arg12[%swap3A_163, %swap3A_164], %swap3A_167 {strides = array<i32>} : memref<80x128xf32, #tpu.memory_space<vmem>>, vector<1x16xf32>,
    %get3A_168 = arith.constant 112 : index
    %get3A_169 = tpu.vector_load %arg14[%get3A_168] {strides = array<i32>} : memref<1280xf32, #tpu.memory_space<vmem>>, vector<16xf32>,
    %get3A_170 = vector.shape_cast %get3A_169 : vector<16xf32> to vector<16xf32>
    %swap3A_171 = arith.constant 7 : i32
    %swap3A_172 = arith.index_cast %swap3A_171 : i32 to index
    %swap3A_173 = arith.constant 0 : index
    %swap3A_174 = tpu.vector_load %arg12[%swap3A_172, %swap3A_173] {strides = array<i32>} : memref<80x128xf32, #tpu.memory_space<vmem>>, vector<1x16xf32>,
    %swap3A_175 = vector.shape_cast %swap3A_174 : vector<1x16xf32> to vector<16xf32>
    %swap3A_176 = vector.shape_cast %get3A_170 : vector<16xf32> to vector<1x16xf32>
    tpu.vector_store %arg12[%swap3A_172, %swap3A_173], %swap3A_176 {strides = array<i32>} : memref<80x128xf32, #tpu.memory_space<vmem>>, vector<1x16xf32>,
    %get3A_177 = arith.constant 128 : index
    %get3A_178 = tpu.vector_load %arg14[%get3A_177] {strides = array<i32>} : memref<1280xf32, #tpu.memory_space<vmem>>, vector<16xf32>,
    %get3A_179 = vector.shape_cast %get3A_178 : vector<16xf32> to vector<16xf32>
    %swap3A_180 = arith.constant 8 : i32
    %swap3A_181 = arith.index_cast %swap3A_180 : i32 to index
    %swap3A_182 = arith.constant 0 : index
    %swap3A_183 = tpu.vector_load %arg12[%swap3A_181, %swap3A_182] {strides = array<i32>} : memref<80x128xf32, #tpu.memory_space<vmem>>, vector<1x16xf32>,
    %swap3A_184 = vector.shape_cast %swap3A_183 : vector<1x16xf32> to vector<16xf32>
    %swap3A_185 = vector.shape_cast %get3A_179 : vector<16xf32> to vector<1x16xf32>
    tpu.vector_store %arg12[%swap3A_181, %swap3A_182], %swap3A_185 {strides = array<i32>} : memref<80x128xf32, #tpu.memory_space<vmem>>, vector<1x16xf32>,
    %get3A_186 = arith.constant 144 : index
    %get3A_187 = tpu.vector_load %arg14[%get3A_186] {strides = array<i32>} : memref<1280xf32, #tpu.memory_space<vmem>>, vector<16xf32>,
    %get3A_188 = vector.shape_cast %get3A_187 : vector<16xf32> to vector<16xf32>
    %swap3A_189 = arith.constant 9 : i32
    %swap3A_190 = arith.index_cast %swap3A_189 : i32 to index
    %swap3A_191 = arith.constant 0 : index
    %swap3A_192 = tpu.vector_load %arg12[%swap3A_190, %swap3A_191] {strides = array<i32>} : memref<80x128xf32, #tpu.memory_space<vmem>>, vector<1x16xf32>,
    %swap3A_193 = vector.shape_cast %swap3A_192 : vector<1x16xf32> to vector<16xf32>
    %swap3A_194 = vector.shape_cast %get3A_188 : vector<16xf32> to vector<1x16xf32>
    tpu.vector_store %arg12[%swap3A_190, %swap3A_191], %swap3A_194 {strides = array<i32>} : memref<80x128xf32, #tpu.memory_space<vmem>>, vector<1x16xf32>,
    %get3A_195 = arith.constant 160 : index
    %get3A_196 = tpu.vector_load %arg14[%get3A_195] {strides = array<i32>} : memref<1280xf32, #tpu.memory_space<vmem>>, vector<16xf32>,
    %get3A_197 = vector.shape_cast %get3A_196 : vector<16xf32> to vector<16xf32>
    %swap3A_198 = arith.constant 10 : i32
    %swap3A_199 = arith.index_cast %swap3A_198 : i32 to index
    %swap3A_200 = arith.constant 0 : index
    %swap3A_201 = tpu.vector_load %arg12[%swap3A_199, %swap3A_200] {strides = array<i32>} : memref<80x128xf32, #tpu.memory_space<vmem>>, vector<1x16xf32>,
    %swap3A_202 = vector.shape_cast %swap3A_201 : vector<1x16xf32> to vector<16xf32>
    %swap3A_203 = vector.shape_cast %get3A_197 : vector<16xf32> to vector<1x16xf32>
    tpu.vector_store %arg12[%swap3A_199, %swap3A_200], %swap3A_203 {strides = array<i32>} : memref<80x128xf32, #tpu.memory_space<vmem>>, vector<1x16xf32>,
    %get3A_204 = arith.constant 176 : index
    %get3A_205 = tpu.vector_load %arg14[%get3A_204] {strides = array<i32>} : memref<1280xf32, #tpu.memory_space<vmem>>, vector<16xf32>,
    %get3A_206 = vector.shape_cast %get3A_205 : vector<16xf32> to vector<16xf32>
    %swap3A_207 = arith.constant 11 : i32
    %swap3A_208 = arith.index_cast %swap3A_207 : i32 to index
    %swap3A_209 = arith.constant 0 : index
    %swap3A_210 = tpu.vector_load %arg12[%swap3A_208, %swap3A_209] {strides = array<i32>} : memref<80x128xf32, #tpu.memory_space<vmem>>, vector<1x16xf32>,
    %swap3A_211 = vector.shape_cast %swap3A_210 : vector<1x16xf32> to vector<16xf32>
    %swap3A_212 = vector.shape_cast %get3A_206 : vector<16xf32> to vector<1x16xf32>
    tpu.vector_store %arg12[%swap3A_208, %swap3A_209], %swap3A_212 {strides = array<i32>} : memref<80x128xf32, #tpu.memory_space<vmem>>, vector<1x16xf32>,
    %get3A_213 = arith.constant 192 : index
    %get3A_214 = tpu.vector_load %arg14[%get3A_213] {strides = array<i32>} : memref<1280xf32, #tpu.memory_space<vmem>>, vector<16xf32>,
    %get3A_215 = vector.shape_cast %get3A_214 : vector<16xf32> to vector<16xf32>
    %swap3A_216 = arith.constant 12 : i32
    %swap3A_217 = arith.index_cast %swap3A_216 : i32 to index
    %swap3A_218 = arith.constant 0 : index
    %swap3A_219 = tpu.vector_load %arg12[%swap3A_217, %swap3A_218] {strides = array<i32>} : memref<80x128xf32, #tpu.memory_space<vmem>>, vector<1x16xf32>,
    %swap3A_220 = vector.shape_cast %swap3A_219 : vector<1x16xf32> to vector<16xf32>
    %swap3A_221 = vector.shape_cast %get3A_215 : vector<16xf32> to vector<1x16xf32>
    tpu.vector_store %arg12[%swap3A_217, %swap3A_218], %swap3A_221 {strides = array<i32>} : memref<80x128xf32, #tpu.memory_space<vmem>>, vector<1x16xf32>,
    %get3A_222 = arith.constant 208 : index
    %get3A_223 = tpu.vector_load %arg14[%get3A_222] {strides = array<i32>} : memref<1280xf32, #tpu.memory_space<vmem>>, vector<16xf32>,
    %get3A_224 = vector.shape_cast %get3A_223 : vector<16xf32> to vector<16xf32>
    %swap3A_225 = arith.constant 13 : i32
    %swap3A_226 = arith.index_cast %swap3A_225 : i32 to index
    %swap3A_227 = arith.constant 0 : index
    %swap3A_228 = tpu.vector_load %arg12[%swap3A_226, %swap3A_227] {strides = array<i32>} : memref<80x128xf32, #tpu.memory_space<vmem>>, vector<1x16xf32>,
    %swap3A_229 = vector.shape_cast %swap3A_228 : vector<1x16xf32> to vector<16xf32>
    %swap3A_230 = vector.shape_cast %get3A_224 : vector<16xf32> to vector<1x16xf32>
    tpu.vector_store %arg12[%swap3A_226, %swap3A_227], %swap3A_230 {strides = array<i32>} : memref<80x128xf32, #tpu.memory_space<vmem>>, vector<1x16xf32>,
    %get3A_231 = arith.constant 224 : index
    %get3A_232 = tpu.vector_load %arg14[%get3A_231] {strides = array<i32>} : memref<1280xf32, #tpu.memory_space<vmem>>, vector<16xf32>,
    %get3A_233 = vector.shape_cast %get3A_232 : vector<16xf32> to vector<16xf32>
    %swap3A_234 = arith.constant 14 : i32
    %swap3A_235 = arith.index_cast %swap3A_234 : i32 to index
    %swap3A_236 = arith.constant 0 : index
    %swap3A_237 = tpu.vector_load %arg12[%swap3A_235, %swap3A_236] {strides = array<i32>} : memref<80x128xf32, #tpu.memory_space<vmem>>, vector<1x16xf32>,
    %swap3A_238 = vector.shape_cast %swap3A_237 : vector<1x16xf32> to vector<16xf32>
    %swap3A_239 = vector.shape_cast %get3A_233 : vector<16xf32> to vector<1x16xf32>
    tpu.vector_store %arg12[%swap3A_235, %swap3A_236], %swap3A_239 {strides = array<i32>} : memref<80x128xf32, #tpu.memory_space<vmem>>, vector<1x16xf32>,
    %get3A_240 = arith.constant 240 : index
    %get3A_241 = tpu.vector_load %arg14[%get3A_240] {strides = array<i32>} : memref<1280xf32, #tpu.memory_space<vmem>>, vector<16xf32>,
    %get3A_242 = vector.shape_cast %get3A_241 : vector<16xf32> to vector<16xf32>
    %swap3A_243 = arith.constant 15 : i32
    %swap3A_244 = arith.index_cast %swap3A_243 : i32 to index
    %swap3A_245 = arith.constant 0 : index
    %swap3A_246 = tpu.vector_load %arg12[%swap3A_244, %swap3A_245] {strides = array<i32>} : memref<80x128xf32, #tpu.memory_space<vmem>>, vector<1x16xf32>,
    %swap3A_247 = vector.shape_cast %swap3A_246 : vector<1x16xf32> to vector<16xf32>
    %swap3A_248 = vector.shape_cast %get3A_242 : vector<16xf32> to vector<1x16xf32>
    tpu.vector_store %arg12[%swap3A_244, %swap3A_245], %swap3A_248 {strides = array<i32>} : memref<80x128xf32, #tpu.memory_space<vmem>>, vector<1x16xf32>,
    %get3A_249 = arith.constant 256 : index
    %get3A_250 = tpu.vector_load %arg14[%get3A_249] {strides = array<i32>} : memref<1280xf32, #tpu.memory_space<vmem>>, vector<16xf32>,
    %get3A_251 = vector.shape_cast %get3A_250 : vector<16xf32> to vector<16xf32>
    %swap3A_252 = arith.constant 16 : i32
    %swap3A_253 = arith.index_cast %swap3A_252 : i32 to index
    %swap3A_254 = arith.constant 0 : index
    %swap3A_255 = tpu.vector_load %arg12[%swap3A_253, %swap3A_254] {strides = array<i32>} : memref<80x128xf32, #tpu.memory_space<vmem>>, vector<1x16xf32>,
    %swap3A_256 = vector.shape_cast %swap3A_255 : vector<1x16xf32> to vector<16xf32>
    %swap3A_257 = vector.shape_cast %get3A_251 : vector<16xf32> to vector<1x16xf32>
    tpu.vector_store %arg12[%swap3A_253, %swap3A_254], %swap3A_257 {strides = array<i32>} : memref<80x128xf32, #tpu.memory_space<vmem>>, vector<1x16xf32>,
    %get3A_258 = arith.constant 272 : index
    %get3A_259 = tpu.vector_load %arg14[%get3A_258] {strides = array<i32>} : memref<1280xf32, #tpu.memory_space<vmem>>, vector<16xf32>,
    %get3A_260 = vector.shape_cast %get3A_259 : vector<16xf32> to vector<16xf32>
    %swap3A_261 = arith.constant 17 : i32
    %swap3A_262 = arith.index_cast %swap3A_261 : i32 to index
    %swap3A_263 = arith.constant 0 : index
    %swap3A_264 = tpu.vector_load %arg12[%swap3A_262, %swap3A_263] {strides = array<i32>} : memref<80x128xf32, #tpu.memory_space<vmem>>, vector<1x16xf32>,
    %swap3A_265 = vector.shape_cast %swap3A_264 : vector<1x16xf32> to vector<16xf32>
    %swap3A_266 = vector.shape_cast %get3A_260 : vector<16xf32> to vector<1x16xf32>
    tpu.vector_store %arg12[%swap3A_262, %swap3A_263], %swap3A_266 {strides = array<i32>} : memref<80x128xf32, #tpu.memory_space<vmem>>, vector<1x16xf32>,
    %get3A_267 = arith.constant 288 : index
    %get3A_268 = tpu.vector_load %arg14[%get3A_267] {strides = array<i32>} : memref<1280xf32, #tpu.memory_space<vmem>>, vector<16xf32>,
    %get3A_269 = vector.shape_cast %get3A_268 : vector<16xf32> to vector<16xf32>
    %swap3A_270 = arith.constant 18 : i32
    %swap3A_271 = arith.index_cast %swap3A_270 : i32 to index
    %swap3A_272 = arith.constant 0 : index
    %swap3A_273 = tpu.vector_load %arg12[%swap3A_271, %swap3A_272] {strides = array<i32>} : memref<80x128xf32, #tpu.memory_space<vmem>>, vector<1x16xf32>,
    %swap3A_274 = vector.shape_cast %swap3A_273 : vector<1x16xf32> to vector<16xf32>
    %swap3A_275 = vector.shape_cast %get3A_269 : vector<16xf32> to vector<1x16xf32>
    tpu.vector_store %arg12[%swap3A_271, %swap3A_272], %swap3A_275 {strides = array<i32>} : memref<80x128xf32, #tpu.memory_space<vmem>>, vector<1x16xf32>,
    %get3A_276 = arith.constant 304 : index
    %get3A_277 = tpu.vector_load %arg14[%get3A_276] {strides = array<i32>} : memref<1280xf32, #tpu.memory_space<vmem>>, vector<16xf32>,
    %get3A_278 = vector.shape_cast %get3A_277 : vector<16xf32> to vector<16xf32>
    %swap3A_279 = arith.constant 19 : i32
    %swap3A_280 = arith.index_cast %swap3A_279 : i32 to index
    %swap3A_281 = arith.constant 0 : index
    %swap3A_282 = tpu.vector_load %arg12[%swap3A_280, %swap3A_281] {strides = array<i32>} : memref<80x128xf32, #tpu.memory_space<vmem>>, vector<1x16xf32>,
    %swap3A_283 = vector.shape_cast %swap3A_282 : vector<1x16xf32> to vector<16xf32>
    %swap3A_284 = vector.shape_cast %get3A_278 : vector<16xf32> to vector<1x16xf32>
    tpu.vector_store %arg12[%swap3A_280, %swap3A_281], %swap3A_284 {strides = array<i32>} : memref<80x128xf32, #tpu.memory_space<vmem>>, vector<1x16xf32>,
    %get3A_285 = arith.constant 320 : index
    %get3A_286 = tpu.vector_load %arg14[%get3A_285] {strides = array<i32>} : memref<1280xf32, #tpu.memory_space<vmem>>, vector<16xf32>,
    %get3A_287 = vector.shape_cast %get3A_286 : vector<16xf32> to vector<16xf32>
    %swap3A_288 = arith.constant 20 : i32
    %swap3A_289 = arith.index_cast %swap3A_288 : i32 to index
    %swap3A_290 = arith.constant 0 : index
    %swap3A_291 = tpu.vector_load %arg12[%swap3A_289, %swap3A_290] {strides = array<i32>} : memref<80x128xf32, #tpu.memory_space<vmem>>, vector<1x16xf32>,
    %swap3A_292 = vector.shape_cast %swap3A_291 : vector<1x16xf32> to vector<16xf32>
    %swap3A_293 = vector.shape_cast %get3A_287 : vector<16xf32> to vector<1x16xf32>
    tpu.vector_store %arg12[%swap3A_289, %swap3A_290], %swap3A_293 {strides = array<i32>} : memref<80x128xf32, #tpu.memory_space<vmem>>, vector<1x16xf32>,
    %get3A_294 = arith.constant 336 : index
    %get3A_295 = tpu.vector_load %arg14[%get3A_294] {strides = array<i32>} : memref<1280xf32, #tpu.memory_space<vmem>>, vector<16xf32>,
    %get3A_296 = vector.shape_cast %get3A_295 : vector<16xf32> to vector<16xf32>
    %swap3A_297 = arith.constant 21 : i32
    %swap3A_298 = arith.index_cast %swap3A_297 : i32 to index
    %swap3A_299 = arith.constant 0 : index
    %swap3A_300 = tpu.vector_load %arg12[%swap3A_298, %swap3A_299] {strides = array<i32>} : memref<80x128xf32, #tpu.memory_space<vmem>>, vector<1x16xf32>,
    %swap3A_301 = vector.shape_cast %swap3A_300 : vector<1x16xf32> to vector<16xf32>
    %swap3A_302 = vector.shape_cast %get3A_296 : vector<16xf32> to vector<1x16xf32>
    tpu.vector_store %arg12[%swap3A_298, %swap3A_299], %swap3A_302 {strides = array<i32>} : memref<80x128xf32, #tpu.memory_space<vmem>>, vector<1x16xf32>,
    %get3A_303 = arith.constant 352 : index
    %get3A_304 = tpu.vector_load %arg14[%get3A_303] {strides = array<i32>} : memref<1280xf32, #tpu.memory_space<vmem>>, vector<16xf32>,
    %get3A_305 = vector.shape_cast %get3A_304 : vector<16xf32> to vector<16xf32>
    %swap3A_306 = arith.constant 22 : i32
    %swap3A_307 = arith.index_cast %swap3A_306 : i32 to index
    %swap3A_308 = arith.constant 0 : index
    %swap3A_309 = tpu.vector_load %arg12[%swap3A_307, %swap3A_308] {strides = array<i32>} : memref<80x128xf32, #tpu.memory_space<vmem>>, vector<1x16xf32>,
    %swap3A_310 = vector.shape_cast %swap3A_309 : vector<1x16xf32> to vector<16xf32>
    %swap3A_311 = vector.shape_cast %get3A_305 : vector<16xf32> to vector<1x16xf32>
    tpu.vector_store %arg12[%swap3A_307, %swap3A_308], %swap3A_311 {strides = array<i32>} : memref<80x128xf32, #tpu.memory_space<vmem>>, vector<1x16xf32>,
    %get3A_312 = arith.constant 368 : index
    %get3A_313 = tpu.vector_load %arg14[%get3A_312] {strides = array<i32>} : memref<1280xf32, #tpu.memory_space<vmem>>, vector<16xf32>,
    %get3A_314 = vector.shape_cast %get3A_313 : vector<16xf32> to vector<16xf32>
    %swap3A_315 = arith.constant 23 : i32
    %swap3A_316 = arith.index_cast %swap3A_315 : i32 to index
    %swap3A_317 = arith.constant 0 : index
    %swap3A_318 = tpu.vector_load %arg12[%swap3A_316, %swap3A_317] {strides = array<i32>} : memref<80x128xf32, #tpu.memory_space<vmem>>, vector<1x16xf32>,
    %swap3A_319 = vector.shape_cast %swap3A_318 : vector<1x16xf32> to vector<16xf32>
    %swap3A_320 = vector.shape_cast %get3A_314 : vector<16xf32> to vector<1x16xf32>
    tpu.vector_store %arg12[%swap3A_316, %swap3A_317], %swap3A_320 {strides = array<i32>} : memref<80x128xf32, #tpu.memory_space<vmem>>, vector<1x16xf32>,
    %get3A_321 = arith.constant 384 : index
    %get3A_322 = tpu.vector_load %arg14[%get3A_321] {strides = array<i32>} : memref<1280xf32, #tpu.memory_space<vmem>>, vector<16xf32>,
    %get3A_323 = vector.shape_cast %get3A_322 : vector<16xf32> to vector<16xf32>
    %swap3A_324 = arith.constant 24 : i32
    %swap3A_325 = arith.index_cast %swap3A_324 : i32 to index
    %swap3A_326 = arith.constant 0 : index
    %swap3A_327 = tpu.vector_load %arg12[%swap3A_325, %swap3A_326] {strides = array<i32>} : memref<80x128xf32, #tpu.memory_space<vmem>>, vector<1x16xf32>,
    %swap3A_328 = vector.shape_cast %swap3A_327 : vector<1x16xf32> to vector<16xf32>
    %swap3A_329 = vector.shape_cast %get3A_323 : vector<16xf32> to vector<1x16xf32>
    tpu.vector_store %arg12[%swap3A_325, %swap3A_326], %swap3A_329 {strides = array<i32>} : memref<80x128xf32, #tpu.memory_space<vmem>>, vector<1x16xf32>,
    %get3A_330 = arith.constant 400 : index
    %get3A_331 = tpu.vector_load %arg14[%get3A_330] {strides = array<i32>} : memref<1280xf32, #tpu.memory_space<vmem>>, vector<16xf32>,
    %get3A_332 = vector.shape_cast %get3A_331 : vector<16xf32> to vector<16xf32>
    %swap3A_333 = arith.constant 25 : i32
    %swap3A_334 = arith.index_cast %swap3A_333 : i32 to index
    %swap3A_335 = arith.constant 0 : index
    %swap3A_336 = tpu.vector_load %arg12[%swap3A_334, %swap3A_335] {strides = array<i32>} : memref<80x128xf32, #tpu.memory_space<vmem>>, vector<1x16xf32>,
    %swap3A_337 = vector.shape_cast %swap3A_336 : vector<1x16xf32> to vector<16xf32>
    %swap3A_338 = vector.shape_cast %get3A_332 : vector<16xf32> to vector<1x16xf32>
    tpu.vector_store %arg12[%swap3A_334, %swap3A_335], %swap3A_338 {strides = array<i32>} : memref<80x128xf32, #tpu.memory_space<vmem>>, vector<1x16xf32>,
    %get3A_339 = arith.constant 416 : index
    %get3A_340 = tpu.vector_load %arg14[%get3A_339] {strides = array<i32>} : memref<1280xf32, #tpu.memory_space<vmem>>, vector<16xf32>,
    %get3A_341 = vector.shape_cast %get3A_340 : vector<16xf32> to vector<16xf32>
    %swap3A_342 = arith.constant 26 : i32
    %swap3A_343 = arith.index_cast %swap3A_342 : i32 to index
    %swap3A_344 = arith.constant 0 : index
    %swap3A_345 = tpu.vector_load %arg12[%swap3A_343, %swap3A_344] {strides = array<i32>} : memref<80x128xf32, #tpu.memory_space<vmem>>, vector<1x16xf32>,
    %swap3A_346 = vector.shape_cast %swap3A_345 : vector<1x16xf32> to vector<16xf32>
    %swap3A_347 = vector.shape_cast %get3A_341 : vector<16xf32> to vector<1x16xf32>
    tpu.vector_store %arg12[%swap3A_343, %swap3A_344], %swap3A_347 {strides = array<i32>} : memref<80x128xf32, #tpu.memory_space<vmem>>, vector<1x16xf32>,
    %get3A_348 = arith.constant 432 : index
    %get3A_349 = tpu.vector_load %arg14[%get3A_348] {strides = array<i32>} : memref<1280xf32, #tpu.memory_space<vmem>>, vector<16xf32>,
    %get3A_350 = vector.shape_cast %get3A_349 : vector<16xf32> to vector<16xf32>
    %swap3A_351 = arith.constant 27 : i32
    %swap3A_352 = arith.index_cast %swap3A_351 : i32 to index
    %swap3A_353 = arith.constant 0 : index
    %swap3A_354 = tpu.vector_load %arg12[%swap3A_352, %swap3A_353] {strides = array<i32>} : memref<80x128xf32, #tpu.memory_space<vmem>>, vector<1x16xf32>,
    %swap3A_355 = vector.shape_cast %swap3A_354 : vector<1x16xf32> to vector<16xf32>
    %swap3A_356 = vector.shape_cast %get3A_350 : vector<16xf32> to vector<1x16xf32>
    tpu.vector_store %arg12[%swap3A_352, %swap3A_353], %swap3A_356 {strides = array<i32>} : memref<80x128xf32, #tpu.memory_space<vmem>>, vector<1x16xf32>,
    %get3A_357 = arith.constant 448 : index
    %get3A_358 = tpu.vector_load %arg14[%get3A_357] {strides = array<i32>} : memref<1280xf32, #tpu.memory_space<vmem>>, vector<16xf32>,
    %get3A_359 = vector.shape_cast %get3A_358 : vector<16xf32> to vector<16xf32>
    %swap3A_360 = arith.constant 28 : i32
    %swap3A_361 = arith.index_cast %swap3A_360 : i32 to index
    %swap3A_362 = arith.constant 0 : index
    %swap3A_363 = tpu.vector_load %arg12[%swap3A_361, %swap3A_362] {strides = array<i32>} : memref<80x128xf32, #tpu.memory_space<vmem>>, vector<1x16xf32>,
    %swap3A_364 = vector.shape_cast %swap3A_363 : vector<1x16xf32> to vector<16xf32>
    %swap3A_365 = vector.shape_cast %get3A_359 : vector<16xf32> to vector<1x16xf32>
    tpu.vector_store %arg12[%swap3A_361, %swap3A_362], %swap3A_365 {strides = array<i32>} : memref<80x128xf32, #tpu.memory_space<vmem>>, vector<1x16xf32>,
    %get3A_366 = arith.constant 464 : index
    %get3A_367 = tpu.vector_load %arg14[%get3A_366] {strides = array<i32>} : memref<1280xf32, #tpu.memory_space<vmem>>, vector<16xf32>,
    %get3A_368 = vector.shape_cast %get3A_367 : vector<16xf32> to vector<16xf32>
    %swap3A_369 = arith.constant 29 : i32
    %swap3A_370 = arith.index_cast %swap3A_369 : i32 to index
    %swap3A_371 = arith.constant 0 : index
    %swap3A_372 = tpu.vector_load %arg12[%swap3A_370, %swap3A_371] {strides = array<i32>} : memref<80x128xf32, #tpu.memory_space<vmem>>, vector<1x16xf32>,
    %swap3A_373 = vector.shape_cast %swap3A_372 : vector<1x16xf32> to vector<16xf32>
    %swap3A_374 = vector.shape_cast %get3A_368 : vector<16xf32> to vector<1x16xf32>
    tpu.vector_store %arg12[%swap3A_370, %swap3A_371], %swap3A_374 {strides = array<i32>} : memref<80x128xf32, #tpu.memory_space<vmem>>, vector<1x16xf32>,
    %get3A_375 = arith.constant 480 : index
    %get3A_376 = tpu.vector_load %arg14[%get3A_375] {strides = array<i32>} : memref<1280xf32, #tpu.memory_space<vmem>>, vector<16xf32>,
    %get3A_377 = vector.shape_cast %get3A_376 : vector<16xf32> to vector<16xf32>
    %swap3A_378 = arith.constant 30 : i32
    %swap3A_379 = arith.index_cast %swap3A_378 : i32 to index
    %swap3A_380 = arith.constant 0 : index
    %swap3A_381 = tpu.vector_load %arg12[%swap3A_379, %swap3A_380] {strides = array<i32>} : memref<80x128xf32, #tpu.memory_space<vmem>>, vector<1x16xf32>,
    %swap3A_382 = vector.shape_cast %swap3A_381 : vector<1x16xf32> to vector<16xf32>
    %swap3A_383 = vector.shape_cast %get3A_377 : vector<16xf32> to vector<1x16xf32>
    tpu.vector_store %arg12[%swap3A_379, %swap3A_380], %swap3A_383 {strides = array<i32>} : memref<80x128xf32, #tpu.memory_space<vmem>>, vector<1x16xf32>,
    %get3A_384 = arith.constant 496 : index
    %get3A_385 = tpu.vector_load %arg14[%get3A_384] {strides = array<i32>} : memref<1280xf32, #tpu.memory_space<vmem>>, vector<16xf32>,
    %get3A_386 = vector.shape_cast %get3A_385 : vector<16xf32> to vector<16xf32>
    %swap3A_387 = arith.constant 31 : i32
    %swap3A_388 = arith.index_cast %swap3A_387 : i32 to index
    %swap3A_389 = arith.constant 0 : index
    %swap3A_390 = tpu.vector_load %arg12[%swap3A_388, %swap3A_389] {strides = array<i32>} : memref<80x128xf32, #tpu.memory_space<vmem>>, vector<1x16xf32>,
    %swap3A_391 = vector.shape_cast %swap3A_390 : vector<1x16xf32> to vector<16xf32>
    %swap3A_392 = vector.shape_cast %get3A_386 : vector<16xf32> to vector<1x16xf32>
    tpu.vector_store %arg12[%swap3A_388, %swap3A_389], %swap3A_392 {strides = array<i32>} : memref<80x128xf32, #tpu.memory_space<vmem>>, vector<1x16xf32>,
    %get3A_393 = arith.constant 512 : index
    %get3A_394 = tpu.vector_load %arg14[%get3A_393] {strides = array<i32>} : memref<1280xf32, #tpu.memory_space<vmem>>, vector<16xf32>,
    %get3A_395 = vector.shape_cast %get3A_394 : vector<16xf32> to vector<16xf32>
    %swap3A_396 = arith.constant 32 : i32
    %swap3A_397 = arith.index_cast %swap3A_396 : i32 to index
    %swap3A_398 = arith.constant 0 : index
    %swap3A_399 = tpu.vector_load %arg12[%swap3A_397, %swap3A_398] {strides = array<i32>} : memref<80x128xf32, #tpu.memory_space<vmem>>, vector<1x16xf32>,
    %swap3A_400 = vector.shape_cast %swap3A_399 : vector<1x16xf32> to vector<16xf32>
    %swap3A_401 = vector.shape_cast %get3A_395 : vector<16xf32> to vector<1x16xf32>
    tpu.vector_store %arg12[%swap3A_397, %swap3A_398], %swap3A_401 {strides = array<i32>} : memref<80x128xf32, #tpu.memory_space<vmem>>, vector<1x16xf32>,
    %get3A_402 = arith.constant 528 : index
    %get3A_403 = tpu.vector_load %arg14[%get3A_402] {strides = array<i32>} : memref<1280xf32, #tpu.memory_space<vmem>>, vector<16xf32>,
    %get3A_404 = vector.shape_cast %get3A_403 : vector<16xf32> to vector<16xf32>
    %swap3A_405 = arith.constant 33 : i32
    %swap3A_406 = arith.index_cast %swap3A_405 : i32 to index
    %swap3A_407 = arith.constant 0 : index
    %swap3A_408 = tpu.vector_load %arg12[%swap3A_406, %swap3A_407] {strides = array<i32>} : memref<80x128xf32, #tpu.memory_space<vmem>>, vector<1x16xf32>,
    %swap3A_409 = vector.shape_cast %swap3A_408 : vector<1x16xf32> to vector<16xf32>
    %swap3A_410 = vector.shape_cast %get3A_404 : vector<16xf32> to vector<1x16xf32>
    tpu.vector_store %arg12[%swap3A_406, %swap3A_407], %swap3A_410 {strides = array<i32>} : memref<80x128xf32, #tpu.memory_space<vmem>>, vector<1x16xf32>,
    %get3A_411 = arith.constant 544 : index
    %get3A_412 = tpu.vector_load %arg14[%get3A_411] {strides = array<i32>} : memref<1280xf32, #tpu.memory_space<vmem>>, vector<16xf32>,
    %get3A_413 = vector.shape_cast %get3A_412 : vector<16xf32> to vector<16xf32>
    %swap3A_414 = arith.constant 34 : i32
    %swap3A_415 = arith.index_cast %swap3A_414 : i32 to index
    %swap3A_416 = arith.constant 0 : index
    %swap3A_417 = tpu.vector_load %arg12[%swap3A_415, %swap3A_416] {strides = array<i32>} : memref<80x128xf32, #tpu.memory_space<vmem>>, vector<1x16xf32>,
    %swap3A_418 = vector.shape_cast %swap3A_417 : vector<1x16xf32> to vector<16xf32>
    %swap3A_419 = vector.shape_cast %get3A_413 : vector<16xf32> to vector<1x16xf32>
    tpu.vector_store %arg12[%swap3A_415, %swap3A_416], %swap3A_419 {strides = array<i32>} : memref<80x128xf32, #tpu.memory_space<vmem>>, vector<1x16xf32>,
    %get3A_420 = arith.constant 560 : index
    %get3A_421 = tpu.vector_load %arg14[%get3A_420] {strides = array<i32>} : memref<1280xf32, #tpu.memory_space<vmem>>, vector<16xf32>,
    %get3A_422 = vector.shape_cast %get3A_421 : vector<16xf32> to vector<16xf32>
    %swap3A_423 = arith.constant 35 : i32
    %swap3A_424 = arith.index_cast %swap3A_423 : i32 to index
    %swap3A_425 = arith.constant 0 : index
    %swap3A_426 = tpu.vector_load %arg12[%swap3A_424, %swap3A_425] {strides = array<i32>} : memref<80x128xf32, #tpu.memory_space<vmem>>, vector<1x16xf32>,
    %swap3A_427 = vector.shape_cast %swap3A_426 : vector<1x16xf32> to vector<16xf32>
    %swap3A_428 = vector.shape_cast %get3A_422 : vector<16xf32> to vector<1x16xf32>
    tpu.vector_store %arg12[%swap3A_424, %swap3A_425], %swap3A_428 {strides = array<i32>} : memref<80x128xf32, #tpu.memory_space<vmem>>, vector<1x16xf32>,
    %get3A_429 = arith.constant 576 : index
    %get3A_430 = tpu.vector_load %arg14[%get3A_429] {strides = array<i32>} : memref<1280xf32, #tpu.memory_space<vmem>>, vector<16xf32>,
    %get3A_431 = vector.shape_cast %get3A_430 : vector<16xf32> to vector<16xf32>
    %swap3A_432 = arith.constant 36 : i32
    %swap3A_433 = arith.index_cast %swap3A_432 : i32 to index
    %swap3A_434 = arith.constant 0 : index
    %swap3A_435 = tpu.vector_load %arg12[%swap3A_433, %swap3A_434] {strides = array<i32>} : memref<80x128xf32, #tpu.memory_space<vmem>>, vector<1x16xf32>,
    %swap3A_436 = vector.shape_cast %swap3A_435 : vector<1x16xf32> to vector<16xf32>
    %swap3A_437 = vector.shape_cast %get3A_431 : vector<16xf32> to vector<1x16xf32>
    tpu.vector_store %arg12[%swap3A_433, %swap3A_434], %swap3A_437 {strides = array<i32>} : memref<80x128xf32, #tpu.memory_space<vmem>>, vector<1x16xf32>,
    %get3A_438 = arith.constant 592 : index
    %get3A_439 = tpu.vector_load %arg14[%get3A_438] {strides = array<i32>} : memref<1280xf32, #tpu.memory_space<vmem>>, vector<16xf32>,
    %get3A_440 = vector.shape_cast %get3A_439 : vector<16xf32> to vector<16xf32>
    %swap3A_441 = arith.constant 37 : i32
    %swap3A_442 = arith.index_cast %swap3A_441 : i32 to index
    %swap3A_443 = arith.constant 0 : index
    %swap3A_444 = tpu.vector_load %arg12[%swap3A_442, %swap3A_443] {strides = array<i32>} : memref<80x128xf32, #tpu.memory_space<vmem>>, vector<1x16xf32>,
    %swap3A_445 = vector.shape_cast %swap3A_444 : vector<1x16xf32> to vector<16xf32>
    %swap3A_446 = vector.shape_cast %get3A_440 : vector<16xf32> to vector<1x16xf32>
    tpu.vector_store %arg12[%swap3A_442, %swap3A_443], %swap3A_446 {strides = array<i32>} : memref<80x128xf32, #tpu.memory_space<vmem>>, vector<1x16xf32>,
    %get3A_447 = arith.constant 608 : index
    %get3A_448 = tpu.vector_load %arg14[%get3A_447] {strides = array<i32>} : memref<1280xf32, #tpu.memory_space<vmem>>, vector<16xf32>,
    %get3A_449 = vector.shape_cast %get3A_448 : vector<16xf32> to vector<16xf32>
    %swap3A_450 = arith.constant 38 : i32
    %swap3A_451 = arith.index_cast %swap3A_450 : i32 to index
    %swap3A_452 = arith.constant 0 : index
    %swap3A_453 = tpu.vector_load %arg12[%swap3A_451, %swap3A_452] {strides = array<i32>} : memref<80x128xf32, #tpu.memory_space<vmem>>, vector<1x16xf32>,
    %swap3A_454 = vector.shape_cast %swap3A_453 : vector<1x16xf32> to vector<16xf32>
    %swap3A_455 = vector.shape_cast %get3A_449 : vector<16xf32> to vector<1x16xf32>
    tpu.vector_store %arg12[%swap3A_451, %swap3A_452], %swap3A_455 {strides = array<i32>} : memref<80x128xf32, #tpu.memory_space<vmem>>, vector<1x16xf32>,
    %get3A_456 = arith.constant 624 : index
    %get3A_457 = tpu.vector_load %arg14[%get3A_456] {strides = array<i32>} : memref<1280xf32, #tpu.memory_space<vmem>>, vector<16xf32>,
    %get3A_458 = vector.shape_cast %get3A_457 : vector<16xf32> to vector<16xf32>
    %swap3A_459 = arith.constant 39 : i32
    %swap3A_460 = arith.index_cast %swap3A_459 : i32 to index
    %swap3A_461 = arith.constant 0 : index
    %swap3A_462 = tpu.vector_load %arg12[%swap3A_460, %swap3A_461] {strides = array<i32>} : memref<80x128xf32, #tpu.memory_space<vmem>>, vector<1x16xf32>,
    %swap3A_463 = vector.shape_cast %swap3A_462 : vector<1x16xf32> to vector<16xf32>
    %swap3A_464 = vector.shape_cast %get3A_458 : vector<16xf32> to vector<1x16xf32>
    tpu.vector_store %arg12[%swap3A_460, %swap3A_461], %swap3A_464 {strides = array<i32>} : memref<80x128xf32, #tpu.memory_space<vmem>>, vector<1x16xf32>,
    %get3A_465 = arith.constant 640 : index
    %get3A_466 = tpu.vector_load %arg14[%get3A_465] {strides = array<i32>} : memref<1280xf32, #tpu.memory_space<vmem>>, vector<16xf32>,
    %get3A_467 = vector.shape_cast %get3A_466 : vector<16xf32> to vector<16xf32>
    %swap3A_468 = arith.constant 40 : i32
    %swap3A_469 = arith.index_cast %swap3A_468 : i32 to index
    %swap3A_470 = arith.constant 0 : index
    %swap3A_471 = tpu.vector_load %arg12[%swap3A_469, %swap3A_470] {strides = array<i32>} : memref<80x128xf32, #tpu.memory_space<vmem>>, vector<1x16xf32>,
    %swap3A_472 = vector.shape_cast %swap3A_471 : vector<1x16xf32> to vector<16xf32>
    %swap3A_473 = vector.shape_cast %get3A_467 : vector<16xf32> to vector<1x16xf32>
    tpu.vector_store %arg12[%swap3A_469, %swap3A_470], %swap3A_473 {strides = array<i32>} : memref<80x128xf32, #tpu.memory_space<vmem>>, vector<1x16xf32>,
    %get3A_474 = arith.constant 656 : index
    %get3A_475 = tpu.vector_load %arg14[%get3A_474] {strides = array<i32>} : memref<1280xf32, #tpu.memory_space<vmem>>, vector<16xf32>,
    %get3A_476 = vector.shape_cast %get3A_475 : vector<16xf32> to vector<16xf32>
    %swap3A_477 = arith.constant 41 : i32
    %swap3A_478 = arith.index_cast %swap3A_477 : i32 to index
    %swap3A_479 = arith.constant 0 : index
    %swap3A_480 = tpu.vector_load %arg12[%swap3A_478, %swap3A_479] {strides = array<i32>} : memref<80x128xf32, #tpu.memory_space<vmem>>, vector<1x16xf32>,
    %swap3A_481 = vector.shape_cast %swap3A_480 : vector<1x16xf32> to vector<16xf32>
    %swap3A_482 = vector.shape_cast %get3A_476 : vector<16xf32> to vector<1x16xf32>
    tpu.vector_store %arg12[%swap3A_478, %swap3A_479], %swap3A_482 {strides = array<i32>} : memref<80x128xf32, #tpu.memory_space<vmem>>, vector<1x16xf32>,
    %get3A_483 = arith.constant 672 : index
    %get3A_484 = tpu.vector_load %arg14[%get3A_483] {strides = array<i32>} : memref<1280xf32, #tpu.memory_space<vmem>>, vector<16xf32>,
    %get3A_485 = vector.shape_cast %get3A_484 : vector<16xf32> to vector<16xf32>
    %swap3A_486 = arith.constant 42 : i32
    %swap3A_487 = arith.index_cast %swap3A_486 : i32 to index
    %swap3A_488 = arith.constant 0 : index
    %swap3A_489 = tpu.vector_load %arg12[%swap3A_487, %swap3A_488] {strides = array<i32>} : memref<80x128xf32, #tpu.memory_space<vmem>>, vector<1x16xf32>,
    %swap3A_490 = vector.shape_cast %swap3A_489 : vector<1x16xf32> to vector<16xf32>
    %swap3A_491 = vector.shape_cast %get3A_485 : vector<16xf32> to vector<1x16xf32>
    tpu.vector_store %arg12[%swap3A_487, %swap3A_488], %swap3A_491 {strides = array<i32>} : memref<80x128xf32, #tpu.memory_space<vmem>>, vector<1x16xf32>,
    %get3A_492 = arith.constant 688 : index
    %get3A_493 = tpu.vector_load %arg14[%get3A_492] {strides = array<i32>} : memref<1280xf32, #tpu.memory_space<vmem>>, vector<16xf32>,
    %get3A_494 = vector.shape_cast %get3A_493 : vector<16xf32> to vector<16xf32>
    %swap3A_495 = arith.constant 43 : i32
    %swap3A_496 = arith.index_cast %swap3A_495 : i32 to index
    %swap3A_497 = arith.constant 0 : index
    %swap3A_498 = tpu.vector_load %arg12[%swap3A_496, %swap3A_497] {strides = array<i32>} : memref<80x128xf32, #tpu.memory_space<vmem>>, vector<1x16xf32>,
    %swap3A_499 = vector.shape_cast %swap3A_498 : vector<1x16xf32> to vector<16xf32>
    %swap3A_500 = vector.shape_cast %get3A_494 : vector<16xf32> to vector<1x16xf32>
    tpu.vector_store %arg12[%swap3A_496, %swap3A_497], %swap3A_500 {strides = array<i32>} : memref<80x128xf32, #tpu.memory_space<vmem>>, vector<1x16xf32>,
    %get3A_501 = arith.constant 704 : index
    %get3A_502 = tpu.vector_load %arg14[%get3A_501] {strides = array<i32>} : memref<1280xf32, #tpu.memory_space<vmem>>, vector<16xf32>,
    %get3A_503 = vector.shape_cast %get3A_502 : vector<16xf32> to vector<16xf32>
    %swap3A_504 = arith.constant 44 : i32
    %swap3A_505 = arith.index_cast %swap3A_504 : i32 to index
    %swap3A_506 = arith.constant 0 : index
    %swap3A_507 = tpu.vector_load %arg12[%swap3A_505, %swap3A_506] {strides = array<i32>} : memref<80x128xf32, #tpu.memory_space<vmem>>, vector<1x16xf32>,
    %swap3A_508 = vector.shape_cast %swap3A_507 : vector<1x16xf32> to vector<16xf32>
    %swap3A_509 = vector.shape_cast %get3A_503 : vector<16xf32> to vector<1x16xf32>
    tpu.vector_store %arg12[%swap3A_505, %swap3A_506], %swap3A_509 {strides = array<i32>} : memref<80x128xf32, #tpu.memory_space<vmem>>, vector<1x16xf32>,
    %get3A_510 = arith.constant 720 : index
    %get3A_511 = tpu.vector_load %arg14[%get3A_510] {strides = array<i32>} : memref<1280xf32, #tpu.memory_space<vmem>>, vector<16xf32>,
    %get3A_512 = vector.shape_cast %get3A_511 : vector<16xf32> to vector<16xf32>
    %swap3A_513 = arith.constant 45 : i32
    %swap3A_514 = arith.index_cast %swap3A_513 : i32 to index
    %swap3A_515 = arith.constant 0 : index
    %swap3A_516 = tpu.vector_load %arg12[%swap3A_514, %swap3A_515] {strides = array<i32>} : memref<80x128xf32, #tpu.memory_space<vmem>>, vector<1x16xf32>,
    %swap3A_517 = vector.shape_cast %swap3A_516 : vector<1x16xf32> to vector<16xf32>
    %swap3A_518 = vector.shape_cast %get3A_512 : vector<16xf32> to vector<1x16xf32>
    tpu.vector_store %arg12[%swap3A_514, %swap3A_515], %swap3A_518 {strides = array<i32>} : memref<80x128xf32, #tpu.memory_space<vmem>>, vector<1x16xf32>,
    %get3A_519 = arith.constant 736 : index
    %get3A_520 = tpu.vector_load %arg14[%get3A_519] {strides = array<i32>} : memref<1280xf32, #tpu.memory_space<vmem>>, vector<16xf32>,
    %get3A_521 = vector.shape_cast %get3A_520 : vector<16xf32> to vector<16xf32>
    %swap3A_522 = arith.constant 46 : i32
    %swap3A_523 = arith.index_cast %swap3A_522 : i32 to index
    %swap3A_524 = arith.constant 0 : index
    %swap3A_525 = tpu.vector_load %arg12[%swap3A_523, %swap3A_524] {strides = array<i32>} : memref<80x128xf32, #tpu.memory_space<vmem>>, vector<1x16xf32>,
    %swap3A_526 = vector.shape_cast %swap3A_525 : vector<1x16xf32> to vector<16xf32>
    %swap3A_527 = vector.shape_cast %get3A_521 : vector<16xf32> to vector<1x16xf32>
    tpu.vector_store %arg12[%swap3A_523, %swap3A_524], %swap3A_527 {strides = array<i32>} : memref<80x128xf32, #tpu.memory_space<vmem>>, vector<1x16xf32>,
    %get3A_528 = arith.constant 752 : index
    %get3A_529 = tpu.vector_load %arg14[%get3A_528] {strides = array<i32>} : memref<1280xf32, #tpu.memory_space<vmem>>, vector<16xf32>,
    %get3A_530 = vector.shape_cast %get3A_529 : vector<16xf32> to vector<16xf32>
    %swap3A_531 = arith.constant 47 : i32
    %swap3A_532 = arith.index_cast %swap3A_531 : i32 to index
    %swap3A_533 = arith.constant 0 : index
    %swap3A_534 = tpu.vector_load %arg12[%swap3A_532, %swap3A_533] {strides = array<i32>} : memref<80x128xf32, #tpu.memory_space<vmem>>, vector<1x16xf32>,
    %swap3A_535 = vector.shape_cast %swap3A_534 : vector<1x16xf32> to vector<16xf32>
    %swap3A_536 = vector.shape_cast %get3A_530 : vector<16xf32> to vector<1x16xf32>
    tpu.vector_store %arg12[%swap3A_532, %swap3A_533], %swap3A_536 {strides = array<i32>} : memref<80x128xf32, #tpu.memory_space<vmem>>, vector<1x16xf32>,
    %get3A_537 = arith.constant 768 : index
    %get3A_538 = tpu.vector_load %arg14[%get3A_537] {strides = array<i32>} : memref<1280xf32, #tpu.memory_space<vmem>>, vector<16xf32>,
    %get3A_539 = vector.shape_cast %get3A_538 : vector<16xf32> to vector<16xf32>
    %swap3A_540 = arith.constant 48 : i32
    %swap3A_541 = arith.index_cast %swap3A_540 : i32 to index
    %swap3A_542 = arith.constant 0 : index
    %swap3A_543 = tpu.vector_load %arg12[%swap3A_541, %swap3A_542] {strides = array<i32>} : memref<80x128xf32, #tpu.memory_space<vmem>>, vector<1x16xf32>,
    %swap3A_544 = vector.shape_cast %swap3A_543 : vector<1x16xf32> to vector<16xf32>
    %swap3A_545 = vector.shape_cast %get3A_539 : vector<16xf32> to vector<1x16xf32>
    tpu.vector_store %arg12[%swap3A_541, %swap3A_542], %swap3A_545 {strides = array<i32>} : memref<80x128xf32, #tpu.memory_space<vmem>>, vector<1x16xf32>,
    %get3A_546 = arith.constant 784 : index
    %get3A_547 = tpu.vector_load %arg14[%get3A_546] {strides = array<i32>} : memref<1280xf32, #tpu.memory_space<vmem>>, vector<16xf32>,
    %get3A_548 = vector.shape_cast %get3A_547 : vector<16xf32> to vector<16xf32>
    %swap3A_549 = arith.constant 49 : i32
    %swap3A_550 = arith.index_cast %swap3A_549 : i32 to index
    %swap3A_551 = arith.constant 0 : index
    %swap3A_552 = tpu.vector_load %arg12[%swap3A_550, %swap3A_551] {strides = array<i32>} : memref<80x128xf32, #tpu.memory_space<vmem>>, vector<1x16xf32>,
    %swap3A_553 = vector.shape_cast %swap3A_552 : vector<1x16xf32> to vector<16xf32>
    %swap3A_554 = vector.shape_cast %get3A_548 : vector<16xf32> to vector<1x16xf32>
    tpu.vector_store %arg12[%swap3A_550, %swap3A_551], %swap3A_554 {strides = array<i32>} : memref<80x128xf32, #tpu.memory_space<vmem>>, vector<1x16xf32>,
    %get3A_555 = arith.constant 800 : index
    %get3A_556 = tpu.vector_load %arg14[%get3A_555] {strides = array<i32>} : memref<1280xf32, #tpu.memory_space<vmem>>, vector<16xf32>,
    %get3A_557 = vector.shape_cast %get3A_556 : vector<16xf32> to vector<16xf32>
    %swap3A_558 = arith.constant 50 : i32
    %swap3A_559 = arith.index_cast %swap3A_558 : i32 to index
    %swap3A_560 = arith.constant 0 : index
    %swap3A_561 = tpu.vector_load %arg12[%swap3A_559, %swap3A_560] {strides = array<i32>} : memref<80x128xf32, #tpu.memory_space<vmem>>, vector<1x16xf32>,
    %swap3A_562 = vector.shape_cast %swap3A_561 : vector<1x16xf32> to vector<16xf32>
    %swap3A_563 = vector.shape_cast %get3A_557 : vector<16xf32> to vector<1x16xf32>
    tpu.vector_store %arg12[%swap3A_559, %swap3A_560], %swap3A_563 {strides = array<i32>} : memref<80x128xf32, #tpu.memory_space<vmem>>, vector<1x16xf32>,
    %get3A_564 = arith.constant 816 : index
    %get3A_565 = tpu.vector_load %arg14[%get3A_564] {strides = array<i32>} : memref<1280xf32, #tpu.memory_space<vmem>>, vector<16xf32>,
    %get3A_566 = vector.shape_cast %get3A_565 : vector<16xf32> to vector<16xf32>
    %swap3A_567 = arith.constant 51 : i32
    %swap3A_568 = arith.index_cast %swap3A_567 : i32 to index
    %swap3A_569 = arith.constant 0 : index
    %swap3A_570 = tpu.vector_load %arg12[%swap3A_568, %swap3A_569] {strides = array<i32>} : memref<80x128xf32, #tpu.memory_space<vmem>>, vector<1x16xf32>,
    %swap3A_571 = vector.shape_cast %swap3A_570 : vector<1x16xf32> to vector<16xf32>
    %swap3A_572 = vector.shape_cast %get3A_566 : vector<16xf32> to vector<1x16xf32>
    tpu.vector_store %arg12[%swap3A_568, %swap3A_569], %swap3A_572 {strides = array<i32>} : memref<80x128xf32, #tpu.memory_space<vmem>>, vector<1x16xf32>,
    %get3A_573 = arith.constant 832 : index
    %get3A_574 = tpu.vector_load %arg14[%get3A_573] {strides = array<i32>} : memref<1280xf32, #tpu.memory_space<vmem>>, vector<16xf32>,
    %get3A_575 = vector.shape_cast %get3A_574 : vector<16xf32> to vector<16xf32>
    %swap3A_576 = arith.constant 52 : i32
    %swap3A_577 = arith.index_cast %swap3A_576 : i32 to index
    %swap3A_578 = arith.constant 0 : index
    %swap3A_579 = tpu.vector_load %arg12[%swap3A_577, %swap3A_578] {strides = array<i32>} : memref<80x128xf32, #tpu.memory_space<vmem>>, vector<1x16xf32>,
    %swap3A_580 = vector.shape_cast %swap3A_579 : vector<1x16xf32> to vector<16xf32>
    %swap3A_581 = vector.shape_cast %get3A_575 : vector<16xf32> to vector<1x16xf32>
    tpu.vector_store %arg12[%swap3A_577, %swap3A_578], %swap3A_581 {strides = array<i32>} : memref<80x128xf32, #tpu.memory_space<vmem>>, vector<1x16xf32>,
    %get3A_582 = arith.constant 848 : index
    %get3A_583 = tpu.vector_load %arg14[%get3A_582] {strides = array<i32>} : memref<1280xf32, #tpu.memory_space<vmem>>, vector<16xf32>,
    %get3A_584 = vector.shape_cast %get3A_583 : vector<16xf32> to vector<16xf32>
    %swap3A_585 = arith.constant 53 : i32
    %swap3A_586 = arith.index_cast %swap3A_585 : i32 to index
    %swap3A_587 = arith.constant 0 : index
    %swap3A_588 = tpu.vector_load %arg12[%swap3A_586, %swap3A_587] {strides = array<i32>} : memref<80x128xf32, #tpu.memory_space<vmem>>, vector<1x16xf32>,
    %swap3A_589 = vector.shape_cast %swap3A_588 : vector<1x16xf32> to vector<16xf32>
    %swap3A_590 = vector.shape_cast %get3A_584 : vector<16xf32> to vector<1x16xf32>
    tpu.vector_store %arg12[%swap3A_586, %swap3A_587], %swap3A_590 {strides = array<i32>} : memref<80x128xf32, #tpu.memory_space<vmem>>, vector<1x16xf32>,
    %get3A_591 = arith.constant 864 : index
    %get3A_592 = tpu.vector_load %arg14[%get3A_591] {strides = array<i32>} : memref<1280xf32, #tpu.memory_space<vmem>>, vector<16xf32>,
    %get3A_593 = vector.shape_cast %get3A_592 : vector<16xf32> to vector<16xf32>
    %swap3A_594 = arith.constant 54 : i32
    %swap3A_595 = arith.index_cast %swap3A_594 : i32 to index
    %swap3A_596 = arith.constant 0 : index
    %swap3A_597 = tpu.vector_load %arg12[%swap3A_595, %swap3A_596] {strides = array<i32>} : memref<80x128xf32, #tpu.memory_space<vmem>>, vector<1x16xf32>,
    %swap3A_598 = vector.shape_cast %swap3A_597 : vector<1x16xf32> to vector<16xf32>
    %swap3A_599 = vector.shape_cast %get3A_593 : vector<16xf32> to vector<1x16xf32>
    tpu.vector_store %arg12[%swap3A_595, %swap3A_596], %swap3A_599 {strides = array<i32>} : memref<80x128xf32, #tpu.memory_space<vmem>>, vector<1x16xf32>,
    %get3A_600 = arith.constant 880 : index
    %get3A_601 = tpu.vector_load %arg14[%get3A_600] {strides = array<i32>} : memref<1280xf32, #tpu.memory_space<vmem>>, vector<16xf32>,
    %get3A_602 = vector.shape_cast %get3A_601 : vector<16xf32> to vector<16xf32>
    %swap3A_603 = arith.constant 55 : i32
    %swap3A_604 = arith.index_cast %swap3A_603 : i32 to index
    %swap3A_605 = arith.constant 0 : index
    %swap3A_606 = tpu.vector_load %arg12[%swap3A_604, %swap3A_605] {strides = array<i32>} : memref<80x128xf32, #tpu.memory_space<vmem>>, vector<1x16xf32>,
    %swap3A_607 = vector.shape_cast %swap3A_606 : vector<1x16xf32> to vector<16xf32>
    %swap3A_608 = vector.shape_cast %get3A_602 : vector<16xf32> to vector<1x16xf32>
    tpu.vector_store %arg12[%swap3A_604, %swap3A_605], %swap3A_608 {strides = array<i32>} : memref<80x128xf32, #tpu.memory_space<vmem>>, vector<1x16xf32>,
    %get3A_609 = arith.constant 896 : index
    %get3A_610 = tpu.vector_load %arg14[%get3A_609] {strides = array<i32>} : memref<1280xf32, #tpu.memory_space<vmem>>, vector<16xf32>,
    %get3A_611 = vector.shape_cast %get3A_610 : vector<16xf32> to vector<16xf32>
    %swap3A_612 = arith.constant 56 : i32
    %swap3A_613 = arith.index_cast %swap3A_612 : i32 to index
    %swap3A_614 = arith.constant 0 : index
    %swap3A_615 = tpu.vector_load %arg12[%swap3A_613, %swap3A_614] {strides = array<i32>} : memref<80x128xf32, #tpu.memory_space<vmem>>, vector<1x16xf32>,
    %swap3A_616 = vector.shape_cast %swap3A_615 : vector<1x16xf32> to vector<16xf32>
    %swap3A_617 = vector.shape_cast %get3A_611 : vector<16xf32> to vector<1x16xf32>
    tpu.vector_store %arg12[%swap3A_613, %swap3A_614], %swap3A_617 {strides = array<i32>} : memref<80x128xf32, #tpu.memory_space<vmem>>, vector<1x16xf32>,
    %get3A_618 = arith.constant 912 : index
    %get3A_619 = tpu.vector_load %arg14[%get3A_618] {strides = array<i32>} : memref<1280xf32, #tpu.memory_space<vmem>>, vector<16xf32>,
    %get3A_620 = vector.shape_cast %get3A_619 : vector<16xf32> to vector<16xf32>
    %swap3A_621 = arith.constant 57 : i32
    %swap3A_622 = arith.index_cast %swap3A_621 : i32 to index
    %swap3A_623 = arith.constant 0 : index
    %swap3A_624 = tpu.vector_load %arg12[%swap3A_622, %swap3A_623] {strides = array<i32>} : memref<80x128xf32, #tpu.memory_space<vmem>>, vector<1x16xf32>,
    %swap3A_625 = vector.shape_cast %swap3A_624 : vector<1x16xf32> to vector<16xf32>
    %swap3A_626 = vector.shape_cast %get3A_620 : vector<16xf32> to vector<1x16xf32>
    tpu.vector_store %arg12[%swap3A_622, %swap3A_623], %swap3A_626 {strides = array<i32>} : memref<80x128xf32, #tpu.memory_space<vmem>>, vector<1x16xf32>,
    %get3A_627 = arith.constant 928 : index
    %get3A_628 = tpu.vector_load %arg14[%get3A_627] {strides = array<i32>} : memref<1280xf32, #tpu.memory_space<vmem>>, vector<16xf32>,
    %get3A_629 = vector.shape_cast %get3A_628 : vector<16xf32> to vector<16xf32>
    %swap3A_630 = arith.constant 58 : i32
    %swap3A_631 = arith.index_cast %swap3A_630 : i32 to index
    %swap3A_632 = arith.constant 0 : index
    %swap3A_633 = tpu.vector_load %arg12[%swap3A_631, %swap3A_632] {strides = array<i32>} : memref<80x128xf32, #tpu.memory_space<vmem>>, vector<1x16xf32>,
    %swap3A_634 = vector.shape_cast %swap3A_633 : vector<1x16xf32> to vector<16xf32>
    %swap3A_635 = vector.shape_cast %get3A_629 : vector<16xf32> to vector<1x16xf32>
    tpu.vector_store %arg12[%swap3A_631, %swap3A_632], %swap3A_635 {strides = array<i32>} : memref<80x128xf32, #tpu.memory_space<vmem>>, vector<1x16xf32>,
    %get3A_636 = arith.constant 944 : index
    %get3A_637 = tpu.vector_load %arg14[%get3A_636] {strides = array<i32>} : memref<1280xf32, #tpu.memory_space<vmem>>, vector<16xf32>,
    %get3A_638 = vector.shape_cast %get3A_637 : vector<16xf32> to vector<16xf32>
    %swap3A_639 = arith.constant 59 : i32
    %swap3A_640 = arith.index_cast %swap3A_639 : i32 to index
    %swap3A_641 = arith.constant 0 : index
    %swap3A_642 = tpu.vector_load %arg12[%swap3A_640, %swap3A_641] {strides = array<i32>} : memref<80x128xf32, #tpu.memory_space<vmem>>, vector<1x16xf32>,
    %swap3A_643 = vector.shape_cast %swap3A_642 : vector<1x16xf32> to vector<16xf32>
    %swap3A_644 = vector.shape_cast %get3A_638 : vector<16xf32> to vector<1x16xf32>
    tpu.vector_store %arg12[%swap3A_640, %swap3A_641], %swap3A_644 {strides = array<i32>} : memref<80x128xf32, #tpu.memory_space<vmem>>, vector<1x16xf32>,
    %get3A_645 = arith.constant 960 : index
    %get3A_646 = tpu.vector_load %arg14[%get3A_645] {strides = array<i32>} : memref<1280xf32, #tpu.memory_space<vmem>>, vector<16xf32>,
    %get3A_647 = vector.shape_cast %get3A_646 : vector<16xf32> to vector<16xf32>
    %swap3A_648 = arith.constant 60 : i32
    %swap3A_649 = arith.index_cast %swap3A_648 : i32 to index
    %swap3A_650 = arith.constant 0 : index
    %swap3A_651 = tpu.vector_load %arg12[%swap3A_649, %swap3A_650] {strides = array<i32>} : memref<80x128xf32, #tpu.memory_space<vmem>>, vector<1x16xf32>,
    %swap3A_652 = vector.shape_cast %swap3A_651 : vector<1x16xf32> to vector<16xf32>
    %swap3A_653 = vector.shape_cast %get3A_647 : vector<16xf32> to vector<1x16xf32>
    tpu.vector_store %arg12[%swap3A_649, %swap3A_650], %swap3A_653 {strides = array<i32>} : memref<80x128xf32, #tpu.memory_space<vmem>>, vector<1x16xf32>,
    %get3A_654 = arith.constant 976 : index
    %get3A_655 = tpu.vector_load %arg14[%get3A_654] {strides = array<i32>} : memref<1280xf32, #tpu.memory_space<vmem>>, vector<16xf32>,
    %get3A_656 = vector.shape_cast %get3A_655 : vector<16xf32> to vector<16xf32>
    %swap3A_657 = arith.constant 61 : i32
    %swap3A_658 = arith.index_cast %swap3A_657 : i32 to index
    %swap3A_659 = arith.constant 0 : index
    %swap3A_660 = tpu.vector_load %arg12[%swap3A_658, %swap3A_659] {strides = array<i32>} : memref<80x128xf32, #tpu.memory_space<vmem>>, vector<1x16xf32>,
    %swap3A_661 = vector.shape_cast %swap3A_660 : vector<1x16xf32> to vector<16xf32>
    %swap3A_662 = vector.shape_cast %get3A_656 : vector<16xf32> to vector<1x16xf32>
    tpu.vector_store %arg12[%swap3A_658, %swap3A_659], %swap3A_662 {strides = array<i32>} : memref<80x128xf32, #tpu.memory_space<vmem>>, vector<1x16xf32>,
    %get3A_663 = arith.constant 992 : index
    %get3A_664 = tpu.vector_load %arg14[%get3A_663] {strides = array<i32>} : memref<1280xf32, #tpu.memory_space<vmem>>, vector<16xf32>,
    %get3A_665 = vector.shape_cast %get3A_664 : vector<16xf32> to vector<16xf32>
    %swap3A_666 = arith.constant 62 : i32
    %swap3A_667 = arith.index_cast %swap3A_666 : i32 to index
    %swap3A_668 = arith.constant 0 : index
    %swap3A_669 = tpu.vector_load %arg12[%swap3A_667, %swap3A_668] {strides = array<i32>} : memref<80x128xf32, #tpu.memory_space<vmem>>, vector<1x16xf32>,
    %swap3A_670 = vector.shape_cast %swap3A_669 : vector<1x16xf32> to vector<16xf32>
    %swap3A_671 = vector.shape_cast %get3A_665 : vector<16xf32> to vector<1x16xf32>
    tpu.vector_store %arg12[%swap3A_667, %swap3A_668], %swap3A_671 {strides = array<i32>} : memref<80x128xf32, #tpu.memory_space<vmem>>, vector<1x16xf32>,
    %get3A_672 = arith.constant 1008 : index
    %get3A_673 = tpu.vector_load %arg14[%get3A_672] {strides = array<i32>} : memref<1280xf32, #tpu.memory_space<vmem>>, vector<16xf32>,
    %get3A_674 = vector.shape_cast %get3A_673 : vector<16xf32> to vector<16xf32>
    %swap3A_675 = arith.constant 63 : i32
    %swap3A_676 = arith.index_cast %swap3A_675 : i32 to index
    %swap3A_677 = arith.constant 0 : index
    %swap3A_678 = tpu.vector_load %arg12[%swap3A_676, %swap3A_677] {strides = array<i32>} : memref<80x128xf32, #tpu.memory_space<vmem>>, vector<1x16xf32>,
    %swap3A_679 = vector.shape_cast %swap3A_678 : vector<1x16xf32> to vector<16xf32>
    %swap3A_680 = vector.shape_cast %get3A_674 : vector<16xf32> to vector<1x16xf32>
    tpu.vector_store %arg12[%swap3A_676, %swap3A_677], %swap3A_680 {strides = array<i32>} : memref<80x128xf32, #tpu.memory_space<vmem>>, vector<1x16xf32>,
    %get3A_681 = arith.constant 1024 : index
    %get3A_682 = tpu.vector_load %arg14[%get3A_681] {strides = array<i32>} : memref<1280xf32, #tpu.memory_space<vmem>>, vector<16xf32>,
    %get3A_683 = vector.shape_cast %get3A_682 : vector<16xf32> to vector<16xf32>
    %swap3A_684 = arith.constant 64 : i32
    %swap3A_685 = arith.index_cast %swap3A_684 : i32 to index
    %swap3A_686 = arith.constant 0 : index
    %swap3A_687 = tpu.vector_load %arg12[%swap3A_685, %swap3A_686] {strides = array<i32>} : memref<80x128xf32, #tpu.memory_space<vmem>>, vector<1x16xf32>,
    %swap3A_688 = vector.shape_cast %swap3A_687 : vector<1x16xf32> to vector<16xf32>
    %swap3A_689 = vector.shape_cast %get3A_683 : vector<16xf32> to vector<1x16xf32>
    tpu.vector_store %arg12[%swap3A_685, %swap3A_686], %swap3A_689 {strides = array<i32>} : memref<80x128xf32, #tpu.memory_space<vmem>>, vector<1x16xf32>,
    %get3A_690 = arith.constant 1040 : index
    %get3A_691 = tpu.vector_load %arg14[%get3A_690] {strides = array<i32>} : memref<1280xf32, #tpu.memory_space<vmem>>, vector<16xf32>,
    %get3A_692 = vector.shape_cast %get3A_691 : vector<16xf32> to vector<16xf32>
    %swap3A_693 = arith.constant 65 : i32
    %swap3A_694 = arith.index_cast %swap3A_693 : i32 to index
    %swap3A_695 = arith.constant 0 : index
    %swap3A_696 = tpu.vector_load %arg12[%swap3A_694, %swap3A_695] {strides = array<i32>} : memref<80x128xf32, #tpu.memory_space<vmem>>, vector<1x16xf32>,
    %swap3A_697 = vector.shape_cast %swap3A_696 : vector<1x16xf32> to vector<16xf32>
    %swap3A_698 = vector.shape_cast %get3A_692 : vector<16xf32> to vector<1x16xf32>
    tpu.vector_store %arg12[%swap3A_694, %swap3A_695], %swap3A_698 {strides = array<i32>} : memref<80x128xf32, #tpu.memory_space<vmem>>, vector<1x16xf32>,
    %get3A_699 = arith.constant 1056 : index
    %get3A_700 = tpu.vector_load %arg14[%get3A_699] {strides = array<i32>} : memref<1280xf32, #tpu.memory_space<vmem>>, vector<16xf32>,
    %get3A_701 = vector.shape_cast %get3A_700 : vector<16xf32> to vector<16xf32>
    %swap3A_702 = arith.constant 66 : i32
    %swap3A_703 = arith.index_cast %swap3A_702 : i32 to index
    %swap3A_704 = arith.constant 0 : index
    %swap3A_705 = tpu.vector_load %arg12[%swap3A_703, %swap3A_704] {strides = array<i32>} : memref<80x128xf32, #tpu.memory_space<vmem>>, vector<1x16xf32>,
    %swap3A_706 = vector.shape_cast %swap3A_705 : vector<1x16xf32> to vector<16xf32>
    %swap3A_707 = vector.shape_cast %get3A_701 : vector<16xf32> to vector<1x16xf32>
    tpu.vector_store %arg12[%swap3A_703, %swap3A_704], %swap3A_707 {strides = array<i32>} : memref<80x128xf32, #tpu.memory_space<vmem>>, vector<1x16xf32>,
    %get3A_708 = arith.constant 1072 : index
    %get3A_709 = tpu.vector_load %arg14[%get3A_708] {strides = array<i32>} : memref<1280xf32, #tpu.memory_space<vmem>>, vector<16xf32>,
    %get3A_710 = vector.shape_cast %get3A_709 : vector<16xf32> to vector<16xf32>
    %swap3A_711 = arith.constant 67 : i32
    %swap3A_712 = arith.index_cast %swap3A_711 : i32 to index
    %swap3A_713 = arith.constant 0 : index
    %swap3A_714 = tpu.vector_load %arg12[%swap3A_712, %swap3A_713] {strides = array<i32>} : memref<80x128xf32, #tpu.memory_space<vmem>>, vector<1x16xf32>,
    %swap3A_715 = vector.shape_cast %swap3A_714 : vector<1x16xf32> to vector<16xf32>
    %swap3A_716 = vector.shape_cast %get3A_710 : vector<16xf32> to vector<1x16xf32>
    tpu.vector_store %arg12[%swap3A_712, %swap3A_713], %swap3A_716 {strides = array<i32>} : memref<80x128xf32, #tpu.memory_space<vmem>>, vector<1x16xf32>,
    %get3A_717 = arith.constant 1088 : index
    %get3A_718 = tpu.vector_load %arg14[%get3A_717] {strides = array<i32>} : memref<1280xf32, #tpu.memory_space<vmem>>, vector<16xf32>,
    %get3A_719 = vector.shape_cast %get3A_718 : vector<16xf32> to vector<16xf32>
    %swap3A_720 = arith.constant 68 : i32
    %swap3A_721 = arith.index_cast %swap3A_720 : i32 to index
    %swap3A_722 = arith.constant 0 : index
    %swap3A_723 = tpu.vector_load %arg12[%swap3A_721, %swap3A_722] {strides = array<i32>} : memref<80x128xf32, #tpu.memory_space<vmem>>, vector<1x16xf32>,
    %swap3A_724 = vector.shape_cast %swap3A_723 : vector<1x16xf32> to vector<16xf32>
    %swap3A_725 = vector.shape_cast %get3A_719 : vector<16xf32> to vector<1x16xf32>
    tpu.vector_store %arg12[%swap3A_721, %swap3A_722], %swap3A_725 {strides = array<i32>} : memref<80x128xf32, #tpu.memory_space<vmem>>, vector<1x16xf32>,
    %get3A_726 = arith.constant 1104 : index
    %get3A_727 = tpu.vector_load %arg14[%get3A_726] {strides = array<i32>} : memref<1280xf32, #tpu.memory_space<vmem>>, vector<16xf32>,
    %get3A_728 = vector.shape_cast %get3A_727 : vector<16xf32> to vector<16xf32>
    %swap3A_729 = arith.constant 69 : i32
    %swap3A_730 = arith.index_cast %swap3A_729 : i32 to index
    %swap3A_731 = arith.constant 0 : index
    %swap3A_732 = tpu.vector_load %arg12[%swap3A_730, %swap3A_731] {strides = array<i32>} : memref<80x128xf32, #tpu.memory_space<vmem>>, vector<1x16xf32>,
    %swap3A_733 = vector.shape_cast %swap3A_732 : vector<1x16xf32> to vector<16xf32>
    %swap3A_734 = vector.shape_cast %get3A_728 : vector<16xf32> to vector<1x16xf32>
    tpu.vector_store %arg12[%swap3A_730, %swap3A_731], %swap3A_734 {strides = array<i32>} : memref<80x128xf32, #tpu.memory_space<vmem>>, vector<1x16xf32>,
    %get3A_735 = arith.constant 1120 : index
    %get3A_736 = tpu.vector_load %arg14[%get3A_735] {strides = array<i32>} : memref<1280xf32, #tpu.memory_space<vmem>>, vector<16xf32>,
    %get3A_737 = vector.shape_cast %get3A_736 : vector<16xf32> to vector<16xf32>
    %swap3A_738 = arith.constant 70 : i32
    %swap3A_739 = arith.index_cast %swap3A_738 : i32 to index
    %swap3A_740 = arith.constant 0 : index
    %swap3A_741 = tpu.vector_load %arg12[%swap3A_739, %swap3A_740] {strides = array<i32>} : memref<80x128xf32, #tpu.memory_space<vmem>>, vector<1x16xf32>,
    %swap3A_742 = vector.shape_cast %swap3A_741 : vector<1x16xf32> to vector<16xf32>
    %swap3A_743 = vector.shape_cast %get3A_737 : vector<16xf32> to vector<1x16xf32>
    tpu.vector_store %arg12[%swap3A_739, %swap3A_740], %swap3A_743 {strides = array<i32>} : memref<80x128xf32, #tpu.memory_space<vmem>>, vector<1x16xf32>,
    %get3A_744 = arith.constant 1136 : index
    %get3A_745 = tpu.vector_load %arg14[%get3A_744] {strides = array<i32>} : memref<1280xf32, #tpu.memory_space<vmem>>, vector<16xf32>,
    %get3A_746 = vector.shape_cast %get3A_745 : vector<16xf32> to vector<16xf32>
    %swap3A_747 = arith.constant 71 : i32
    %swap3A_748 = arith.index_cast %swap3A_747 : i32 to index
    %swap3A_749 = arith.constant 0 : index
    %swap3A_750 = tpu.vector_load %arg12[%swap3A_748, %swap3A_749] {strides = array<i32>} : memref<80x128xf32, #tpu.memory_space<vmem>>, vector<1x16xf32>,
    %swap3A_751 = vector.shape_cast %swap3A_750 : vector<1x16xf32> to vector<16xf32>
    %swap3A_752 = vector.shape_cast %get3A_746 : vector<16xf32> to vector<1x16xf32>
    tpu.vector_store %arg12[%swap3A_748, %swap3A_749], %swap3A_752 {strides = array<i32>} : memref<80x128xf32, #tpu.memory_space<vmem>>, vector<1x16xf32>,
    %get3A_753 = arith.constant 1152 : index
    %get3A_754 = tpu.vector_load %arg14[%get3A_753] {strides = array<i32>} : memref<1280xf32, #tpu.memory_space<vmem>>, vector<16xf32>,
    %get3A_755 = vector.shape_cast %get3A_754 : vector<16xf32> to vector<16xf32>
    %swap3A_756 = arith.constant 72 : i32
    %swap3A_757 = arith.index_cast %swap3A_756 : i32 to index
    %swap3A_758 = arith.constant 0 : index
    %swap3A_759 = tpu.vector_load %arg12[%swap3A_757, %swap3A_758] {strides = array<i32>} : memref<80x128xf32, #tpu.memory_space<vmem>>, vector<1x16xf32>,
    %swap3A_760 = vector.shape_cast %swap3A_759 : vector<1x16xf32> to vector<16xf32>
    %swap3A_761 = vector.shape_cast %get3A_755 : vector<16xf32> to vector<1x16xf32>
    tpu.vector_store %arg12[%swap3A_757, %swap3A_758], %swap3A_761 {strides = array<i32>} : memref<80x128xf32, #tpu.memory_space<vmem>>, vector<1x16xf32>,
    %get3A_762 = arith.constant 1168 : index
    %get3A_763 = tpu.vector_load %arg14[%get3A_762] {strides = array<i32>} : memref<1280xf32, #tpu.memory_space<vmem>>, vector<16xf32>,
    %get3A_764 = vector.shape_cast %get3A_763 : vector<16xf32> to vector<16xf32>
    %swap3A_765 = arith.constant 73 : i32
    %swap3A_766 = arith.index_cast %swap3A_765 : i32 to index
    %swap3A_767 = arith.constant 0 : index
    %swap3A_768 = tpu.vector_load %arg12[%swap3A_766, %swap3A_767] {strides = array<i32>} : memref<80x128xf32, #tpu.memory_space<vmem>>, vector<1x16xf32>,
    %swap3A_769 = vector.shape_cast %swap3A_768 : vector<1x16xf32> to vector<16xf32>
    %swap3A_770 = vector.shape_cast %get3A_764 : vector<16xf32> to vector<1x16xf32>
    tpu.vector_store %arg12[%swap3A_766, %swap3A_767], %swap3A_770 {strides = array<i32>} : memref<80x128xf32, #tpu.memory_space<vmem>>, vector<1x16xf32>,
    %get3A_771 = arith.constant 1184 : index
    %get3A_772 = tpu.vector_load %arg14[%get3A_771] {strides = array<i32>} : memref<1280xf32, #tpu.memory_space<vmem>>, vector<16xf32>,
    %get3A_773 = vector.shape_cast %get3A_772 : vector<16xf32> to vector<16xf32>
    %swap3A_774 = arith.constant 74 : i32
    %swap3A_775 = arith.index_cast %swap3A_774 : i32 to index
    %swap3A_776 = arith.constant 0 : index
    %swap3A_777 = tpu.vector_load %arg12[%swap3A_775, %swap3A_776] {strides = array<i32>} : memref<80x128xf32, #tpu.memory_space<vmem>>, vector<1x16xf32>,
    %swap3A_778 = vector.shape_cast %swap3A_777 : vector<1x16xf32> to vector<16xf32>
    %swap3A_779 = vector.shape_cast %get3A_773 : vector<16xf32> to vector<1x16xf32>
    tpu.vector_store %arg12[%swap3A_775, %swap3A_776], %swap3A_779 {strides = array<i32>} : memref<80x128xf32, #tpu.memory_space<vmem>>, vector<1x16xf32>,
    %get3A_780 = arith.constant 1200 : index
    %get3A_781 = tpu.vector_load %arg14[%get3A_780] {strides = array<i32>} : memref<1280xf32, #tpu.memory_space<vmem>>, vector<16xf32>,
    %get3A_782 = vector.shape_cast %get3A_781 : vector<16xf32> to vector<16xf32>
    %swap3A_783 = arith.constant 75 : i32
    %swap3A_784 = arith.index_cast %swap3A_783 : i32 to index
    %swap3A_785 = arith.constant 0 : index
    %swap3A_786 = tpu.vector_load %arg12[%swap3A_784, %swap3A_785] {strides = array<i32>} : memref<80x128xf32, #tpu.memory_space<vmem>>, vector<1x16xf32>,
    %swap3A_787 = vector.shape_cast %swap3A_786 : vector<1x16xf32> to vector<16xf32>
    %swap3A_788 = vector.shape_cast %get3A_782 : vector<16xf32> to vector<1x16xf32>
    tpu.vector_store %arg12[%swap3A_784, %swap3A_785], %swap3A_788 {strides = array<i32>} : memref<80x128xf32, #tpu.memory_space<vmem>>, vector<1x16xf32>,
    %get3A_789 = arith.constant 1216 : index
    %get3A_790 = tpu.vector_load %arg14[%get3A_789] {strides = array<i32>} : memref<1280xf32, #tpu.memory_space<vmem>>, vector<16xf32>,
    %get3A_791 = vector.shape_cast %get3A_790 : vector<16xf32> to vector<16xf32>
    %swap3A_792 = arith.constant 76 : i32
    %swap3A_793 = arith.index_cast %swap3A_792 : i32 to index
    %swap3A_794 = arith.constant 0 : index
    %swap3A_795 = tpu.vector_load %arg12[%swap3A_793, %swap3A_794] {strides = array<i32>} : memref<80x128xf32, #tpu.memory_space<vmem>>, vector<1x16xf32>,
    %swap3A_796 = vector.shape_cast %swap3A_795 : vector<1x16xf32> to vector<16xf32>
    %swap3A_797 = vector.shape_cast %get3A_791 : vector<16xf32> to vector<1x16xf32>
    tpu.vector_store %arg12[%swap3A_793, %swap3A_794], %swap3A_797 {strides = array<i32>} : memref<80x128xf32, #tpu.memory_space<vmem>>, vector<1x16xf32>,
    %get3A_798 = arith.constant 1232 : index
    %get3A_799 = tpu.vector_load %arg14[%get3A_798] {strides = array<i32>} : memref<1280xf32, #tpu.memory_space<vmem>>, vector<16xf32>,
    %get3A_800 = vector.shape_cast %get3A_799 : vector<16xf32> to vector<16xf32>
    %swap3A_801 = arith.constant 77 : i32
    %swap3A_802 = arith.index_cast %swap3A_801 : i32 to index
    %swap3A_803 = arith.constant 0 : index
    %swap3A_804 = tpu.vector_load %arg12[%swap3A_802, %swap3A_803] {strides = array<i32>} : memref<80x128xf32, #tpu.memory_space<vmem>>, vector<1x16xf32>,
    %swap3A_805 = vector.shape_cast %swap3A_804 : vector<1x16xf32> to vector<16xf32>
    %swap3A_806 = vector.shape_cast %get3A_800 : vector<16xf32> to vector<1x16xf32>
    tpu.vector_store %arg12[%swap3A_802, %swap3A_803], %swap3A_806 {strides = array<i32>} : memref<80x128xf32, #tpu.memory_space<vmem>>, vector<1x16xf32>,
    %get3A_807 = arith.constant 1248 : index
    %get3A_808 = tpu.vector_load %arg14[%get3A_807] {strides = array<i32>} : memref<1280xf32, #tpu.memory_space<vmem>>, vector<16xf32>,
    %get3A_809 = vector.shape_cast %get3A_808 : vector<16xf32> to vector<16xf32>
    %swap3A_810 = arith.constant 78 : i32
    %swap3A_811 = arith.index_cast %swap3A_810 : i32 to index
    %swap3A_812 = arith.constant 0 : index
    %swap3A_813 = tpu.vector_load %arg12[%swap3A_811, %swap3A_812] {strides = array<i32>} : memref<80x128xf32, #tpu.memory_space<vmem>>, vector<1x16xf32>,
    %swap3A_814 = vector.shape_cast %swap3A_813 : vector<1x16xf32> to vector<16xf32>
    %swap3A_815 = vector.shape_cast %get3A_809 : vector<16xf32> to vector<1x16xf32>
    tpu.vector_store %arg12[%swap3A_811, %swap3A_812], %swap3A_815 {strides = array<i32>} : memref<80x128xf32, #tpu.memory_space<vmem>>, vector<1x16xf32>,
    %get3A_816 = arith.constant 1264 : index
    %get3A_817 = tpu.vector_load %arg14[%get3A_816] {strides = array<i32>} : memref<1280xf32, #tpu.memory_space<vmem>>, vector<16xf32>,
    %get3A_818 = vector.shape_cast %get3A_817 : vector<16xf32> to vector<16xf32>
    %swap3A_819 = arith.constant 79 : i32
    %swap3A_820 = arith.index_cast %swap3A_819 : i32 to index
    %swap3A_821 = arith.constant 0 : index
    %swap3A_822 = tpu.vector_load %arg12[%swap3A_820, %swap3A_821] {strides = array<i32>} : memref<80x128xf32, #tpu.memory_space<vmem>>, vector<1x16xf32>,
    %swap3A_823 = vector.shape_cast %swap3A_822 : vector<1x16xf32> to vector<16xf32>
    %swap3A_824 = vector.shape_cast %get3A_818 : vector<16xf32> to vector<1x16xf32>
    tpu.vector_store %arg12[%swap3A_820, %swap3A_821], %swap3A_824 {strides = array<i32>} : memref<80x128xf32, #tpu.memory_space<vmem>>, vector<1x16xf32>,
    "tpu.region"() ({
      %run_scoped3A = tpu.sem_alloc : memref<!tpu.dma_semaphore, #tpu.memory_space<semaphore_mem>>
      %dma_start3A_836 = arith.constant 0 : i32
      %dma_start3A_837 = arith.constant 0 : i32
      %dma_start3A_838 = tpu.memref_slice %arg8[%dma_start3A_836, %dma_start3A_837] : memref<10240x128xf32, #tpu.memory_space<vmem_shared>> -> memref<10240x128xf32, #tpu.memory_space<vmem_shared>>
      tpu.enqueue_indirect_dma source(%arg12 : memref<80x128xf32, #tpu.memory_space<vmem>>) target(%dma_start3A_838 : memref<10240x128xf32, #tpu.memory_space<vmem_shared>>) offsets(%arg10 : memref<80xi32, #tpu.memory_space<vmem>>) semaphore(%run_scoped3A : memref<!tpu.dma_semaphore, #tpu.memory_space<semaphore_mem>>) {add = true}
      %dma_wait3A_839 = arith.constant 0 : i32
      %dma_wait3A_840 = arith.constant 0 : i32
      %dma_wait3A_841 = tpu.memref_slice %arg8[%dma_wait3A_839, %dma_wait3A_840] : memref<10240x128xf32, #tpu.memory_space<vmem_shared>> -> memref<10240x128xf32, #tpu.memory_space<vmem_shared>>
      tpu.wait_indirect_dma semaphore(%run_scoped3A : memref<!tpu.dma_semaphore, #tpu.memory_space<semaphore_mem>>) src(%arg12 : memref<80x128xf32, #tpu.memory_space<vmem>>) dst(%dma_wait3A_841 : memref<10240x128xf32, #tpu.memory_space<vmem_shared>>)
      tpu.yield
    }) : () -> ()
    %barrier3A_825 = arith.constant 0 : index
    tpu.barrier barrier_id(%barrier3A_825)
    %add3A_826 = arith.constant 0 : i32
    %add3A_827 = arith.addi %mul3A_3, %add3A_826 : i32
    "tpu.region"() ({
      %run_scoped3A = tpu.sem_alloc : memref<!tpu.dma_semaphore, #tpu.memory_space<semaphore_mem>>
      %dma_start3A_836 = arith.constant 0 : i32
      %dma_start3A_837 = tpu.memref_slice %arg7[%arg0, %add3A_827, %dma_start3A_836] : memref<2x10240x128xf32, #tpu.memory_space<hbm>> -> memref<1x128x128xf32, #tpu.memory_space<hbm>>
      %dma_start3A_838 = tpu.memref_squeeze %dma_start3A_837 : memref<1x128x128xf32, #tpu.memory_space<hbm>> -> memref<128x128xf32, #tpu.memory_space<hbm>>
      %dma_start3A_839 = arith.constant 0 : i32
      %dma_start3A_840 = tpu.memref_slice %arg8[%add3A_827, %dma_start3A_839] : memref<10240x128xf32, #tpu.memory_space<vmem_shared>> -> memref<128x128xf32, #tpu.memory_space<vmem_shared>>
      tpu.enqueue_dma source(%dma_start3A_840 : memref<128x128xf32, #tpu.memory_space<vmem_shared>>) target(%dma_start3A_838 : memref<128x128xf32, #tpu.memory_space<hbm>>) target_semaphore(%run_scoped3A : memref<!tpu.dma_semaphore, #tpu.memory_space<semaphore_mem>>)
      %dma_wait3A_841 = arith.constant 0 : i32
      %dma_wait3A_842 = tpu.memref_slice %arg7[%arg0, %add3A_827, %dma_wait3A_841] : memref<2x10240x128xf32, #tpu.memory_space<hbm>> -> memref<1x128x128xf32, #tpu.memory_space<hbm>>
      %dma_wait3A_843 = tpu.memref_squeeze %dma_wait3A_842 : memref<1x128x128xf32, #tpu.memory_space<hbm>> -> memref<128x128xf32, #tpu.memory_space<hbm>>
      %dma_wait3A_844 = arith.constant 0 : i32
      %dma_wait3A_845 = tpu.memref_slice %arg8[%add3A_827, %dma_wait3A_844] : memref<10240x128xf32, #tpu.memory_space<vmem_shared>> -> memref<128x128xf32, #tpu.memory_space<vmem_shared>>
      tpu.wait_dma2 semaphore(%run_scoped3A : memref<!tpu.dma_semaphore, #tpu.memory_space<semaphore_mem>>) src(%dma_wait3A_845 : memref<128x128xf32, #tpu.memory_space<vmem_shared>>) dst(%dma_wait3A_843 : memref<128x128xf32, #tpu.memory_space<hbm>>)
      tpu.yield
    }) : () -> ()
    %add3A_828 = arith.constant 128 : i32
    %add3A_829 = arith.addi %mul3A_3, %add3A_828 : i32
    "tpu.region"() ({
      %run_scoped3A = tpu.sem_alloc : memref<!tpu.dma_semaphore, #tpu.memory_space<semaphore_mem>>
      %dma_start3A_836 = arith.constant 0 : i32
      %dma_start3A_837 = tpu.memref_slice %arg7[%arg0, %add3A_829, %dma_start3A_836] : memref<2x10240x128xf32, #tpu.memory_space<hbm>> -> memref<1x128x128xf32, #tpu.memory_space<hbm>>
      %dma_start3A_838 = tpu.memref_squeeze %dma_start3A_837 : memref<1x128x128xf32, #tpu.memory_space<hbm>> -> memref<128x128xf32, #tpu.memory_space<hbm>>
      %dma_start3A_839 = arith.constant 0 : i32
      %dma_start3A_840 = tpu.memref_slice %arg8[%add3A_829, %dma_start3A_839] : memref<10240x128xf32, #tpu.memory_space<vmem_shared>> -> memref<128x128xf32, #tpu.memory_space<vmem_shared>>
      tpu.enqueue_dma source(%dma_start3A_840 : memref<128x128xf32, #tpu.memory_space<vmem_shared>>) target(%dma_start3A_838 : memref<128x128xf32, #tpu.memory_space<hbm>>) target_semaphore(%run_scoped3A : memref<!tpu.dma_semaphore, #tpu.memory_space<semaphore_mem>>)
      %dma_wait3A_841 = arith.constant 0 : i32
      %dma_wait3A_842 = tpu.memref_slice %arg7[%arg0, %add3A_829, %dma_wait3A_841] : memref<2x10240x128xf32, #tpu.memory_space<hbm>> -> memref<1x128x128xf32, #tpu.memory_space<hbm>>
      %dma_wait3A_843 = tpu.memref_squeeze %dma_wait3A_842 : memref<1x128x128xf32, #tpu.memory_space<hbm>> -> memref<128x128xf32, #tpu.memory_space<hbm>>
      %dma_wait3A_844 = arith.constant 0 : i32
      %dma_wait3A_845 = tpu.memref_slice %arg8[%add3A_829, %dma_wait3A_844] : memref<10240x128xf32, #tpu.memory_space<vmem_shared>> -> memref<128x128xf32, #tpu.memory_space<vmem_shared>>
      tpu.wait_dma2 semaphore(%run_scoped3A : memref<!tpu.dma_semaphore, #tpu.memory_space<semaphore_mem>>) src(%dma_wait3A_845 : memref<128x128xf32, #tpu.memory_space<vmem_shared>>) dst(%dma_wait3A_843 : memref<128x128xf32, #tpu.memory_space<hbm>>)
      tpu.yield
    }) : () -> ()
    %add3A_830 = arith.constant 256 : i32
    %add3A_831 = arith.addi %mul3A_3, %add3A_830 : i32
    "tpu.region"() ({
      %run_scoped3A = tpu.sem_alloc : memref<!tpu.dma_semaphore, #tpu.memory_space<semaphore_mem>>
      %dma_start3A_836 = arith.constant 0 : i32
      %dma_start3A_837 = tpu.memref_slice %arg7[%arg0, %add3A_831, %dma_start3A_836] : memref<2x10240x128xf32, #tpu.memory_space<hbm>> -> memref<1x128x128xf32, #tpu.memory_space<hbm>>
      %dma_start3A_838 = tpu.memref_squeeze %dma_start3A_837 : memref<1x128x128xf32, #tpu.memory_space<hbm>> -> memref<128x128xf32, #tpu.memory_space<hbm>>
      %dma_start3A_839 = arith.constant 0 : i32
      %dma_start3A_840 = tpu.memref_slice %arg8[%add3A_831, %dma_start3A_839] : memref<10240x128xf32, #tpu.memory_space<vmem_shared>> -> memref<128x128xf32, #tpu.memory_space<vmem_shared>>
      tpu.enqueue_dma source(%dma_start3A_840 : memref<128x128xf32, #tpu.memory_space<vmem_shared>>) target(%dma_start3A_838 : memref<128x128xf32, #tpu.memory_space<hbm>>) target_semaphore(%run_scoped3A : memref<!tpu.dma_semaphore, #tpu.memory_space<semaphore_mem>>)
      %dma_wait3A_841 = arith.constant 0 : i32
      %dma_wait3A_842 = tpu.memref_slice %arg7[%arg0, %add3A_831, %dma_wait3A_841] : memref<2x10240x128xf32, #tpu.memory_space<hbm>> -> memref<1x128x128xf32, #tpu.memory_space<hbm>>
      %dma_wait3A_843 = tpu.memref_squeeze %dma_wait3A_842 : memref<1x128x128xf32, #tpu.memory_space<hbm>> -> memref<128x128xf32, #tpu.memory_space<hbm>>
      %dma_wait3A_844 = arith.constant 0 : i32
      %dma_wait3A_845 = tpu.memref_slice %arg8[%add3A_831, %dma_wait3A_844] : memref<10240x128xf32, #tpu.memory_space<vmem_shared>> -> memref<128x128xf32, #tpu.memory_space<vmem_shared>>
      tpu.wait_dma2 semaphore(%run_scoped3A : memref<!tpu.dma_semaphore, #tpu.memory_space<semaphore_mem>>) src(%dma_wait3A_845 : memref<128x128xf32, #tpu.memory_space<vmem_shared>>) dst(%dma_wait3A_843 : memref<128x128xf32, #tpu.memory_space<hbm>>)
      tpu.yield
    }) : () -> ()
    %add3A_832 = arith.constant 384 : i32
    %add3A_833 = arith.addi %mul3A_3, %add3A_832 : i32
    "tpu.region"() ({
      %run_scoped3A = tpu.sem_alloc : memref<!tpu.dma_semaphore, #tpu.memory_space<semaphore_mem>>
      %dma_start3A_836 = arith.constant 0 : i32
      %dma_start3A_837 = tpu.memref_slice %arg7[%arg0, %add3A_833, %dma_start3A_836] : memref<2x10240x128xf32, #tpu.memory_space<hbm>> -> memref<1x128x128xf32, #tpu.memory_space<hbm>>
      %dma_start3A_838 = tpu.memref_squeeze %dma_start3A_837 : memref<1x128x128xf32, #tpu.memory_space<hbm>> -> memref<128x128xf32, #tpu.memory_space<hbm>>
      %dma_start3A_839 = arith.constant 0 : i32
      %dma_start3A_840 = tpu.memref_slice %arg8[%add3A_833, %dma_start3A_839] : memref<10240x128xf32, #tpu.memory_space<vmem_shared>> -> memref<128x128xf32, #tpu.memory_space<vmem_shared>>
      tpu.enqueue_dma source(%dma_start3A_840 : memref<128x128xf32, #tpu.memory_space<vmem_shared>>) target(%dma_start3A_838 : memref<128x128xf32, #tpu.memory_space<hbm>>) target_semaphore(%run_scoped3A : memref<!tpu.dma_semaphore, #tpu.memory_space<semaphore_mem>>)
      %dma_wait3A_841 = arith.constant 0 : i32
      %dma_wait3A_842 = tpu.memref_slice %arg7[%arg0, %add3A_833, %dma_wait3A_841] : memref<2x10240x128xf32, #tpu.memory_space<hbm>> -> memref<1x128x128xf32, #tpu.memory_space<hbm>>
      %dma_wait3A_843 = tpu.memref_squeeze %dma_wait3A_842 : memref<1x128x128xf32, #tpu.memory_space<hbm>> -> memref<128x128xf32, #tpu.memory_space<hbm>>
      %dma_wait3A_844 = arith.constant 0 : i32
      %dma_wait3A_845 = tpu.memref_slice %arg8[%add3A_833, %dma_wait3A_844] : memref<10240x128xf32, #tpu.memory_space<vmem_shared>> -> memref<128x128xf32, #tpu.memory_space<vmem_shared>>
      tpu.wait_dma2 semaphore(%run_scoped3A : memref<!tpu.dma_semaphore, #tpu.memory_space<semaphore_mem>>) src(%dma_wait3A_845 : memref<128x128xf32, #tpu.memory_space<vmem_shared>>) dst(%dma_wait3A_843 : memref<128x128xf32, #tpu.memory_space<hbm>>)
      tpu.yield
    }) : () -> ()
    %add3A_834 = arith.constant 512 : i32
    %add3A_835 = arith.addi %mul3A_3, %add3A_834 : i32
    "tpu.region"() ({
      %run_scoped3A = tpu.sem_alloc : memref<!tpu.dma_semaphore, #tpu.memory_space<semaphore_mem>>
      %dma_start3A_836 = arith.constant 0 : i32
      %dma_start3A_837 = tpu.memref_slice %arg7[%arg0, %add3A_835, %dma_start3A_836] : memref<2x10240x128xf32, #tpu.memory_space<hbm>> -> memref<1x128x128xf32, #tpu.memory_space<hbm>>
      %dma_start3A_838 = tpu.memref_squeeze %dma_start3A_837 : memref<1x128x128xf32, #tpu.memory_space<hbm>> -> memref<128x128xf32, #tpu.memory_space<hbm>>
      %dma_start3A_839 = arith.constant 0 : i32
      %dma_start3A_840 = tpu.memref_slice %arg8[%add3A_835, %dma_start3A_839] : memref<10240x128xf32, #tpu.memory_space<vmem_shared>> -> memref<128x128xf32, #tpu.memory_space<vmem_shared>>
      tpu.enqueue_dma source(%dma_start3A_840 : memref<128x128xf32, #tpu.memory_space<vmem_shared>>) target(%dma_start3A_838 : memref<128x128xf32, #tpu.memory_space<hbm>>) target_semaphore(%run_scoped3A : memref<!tpu.dma_semaphore, #tpu.memory_space<semaphore_mem>>)
      %dma_wait3A_841 = arith.constant 0 : i32
      %dma_wait3A_842 = tpu.memref_slice %arg7[%arg0, %add3A_835, %dma_wait3A_841] : memref<2x10240x128xf32, #tpu.memory_space<hbm>> -> memref<1x128x128xf32, #tpu.memory_space<hbm>>
      %dma_wait3A_843 = tpu.memref_squeeze %dma_wait3A_842 : memref<1x128x128xf32, #tpu.memory_space<hbm>> -> memref<128x128xf32, #tpu.memory_space<hbm>>
      %dma_wait3A_844 = arith.constant 0 : i32
      %dma_wait3A_845 = tpu.memref_slice %arg8[%add3A_835, %dma_wait3A_844] : memref<10240x128xf32, #tpu.memory_space<vmem_shared>> -> memref<128x128xf32, #tpu.memory_space<vmem_shared>>
      tpu.wait_dma2 semaphore(%run_scoped3A : memref<!tpu.dma_semaphore, #tpu.memory_space<semaphore_mem>>) src(%dma_wait3A_845 : memref<128x128xf32, #tpu.memory_space<vmem_shared>>) dst(%dma_wait3A_843 : memref<128x128xf32, #tpu.memory_space<hbm>>)
      tpu.yield
    }) : () -> ()
    return
  }
}

module attributes {stable_mosaic.version = 14 : i64} {
  func.func @_prep_body(%arg0: memref<2x320000xi32, #tpu.memory_space<vmem>>, %arg1: memref<320000xi32, #tpu.memory_space<vmem>>, %arg2: memref<320000xi32, #tpu.memory_space<vmem>>) attributes {dimension_semantics = [], scalar_prefetch = 0 : i64, scratch_operands = 0 : i64, tpu.core_type = #tpu.core_type<tc>} {
    %get3A = arith.constant 0 : index
    %get3A_0 = arith.constant 0 : index
    %get3A_1 = vector.load %arg0[%get3A, %get3A_0] : memref<2x320000xi32, #tpu.memory_space<vmem>>, vector<1x320000xi32>
    %get3A_2 = vector.shape_cast %get3A_1 : vector<1x320000xi32> to vector<320000xi32>
    %swap3A = arith.constant 0 : index
    %swap3A_3 = vector.load %arg1[%swap3A] : memref<320000xi32, #tpu.memory_space<vmem>>, vector<320000xi32>
    tpu.vector_store %arg1[%swap3A], %get3A_2 {strides = array<i32>} : memref<320000xi32, #tpu.memory_space<vmem>>, vector<320000xi32>,
    %get3A_4 = arith.constant 1 : index
    %get3A_5 = arith.constant 0 : index
    %get3A_6 = vector.load %arg0[%get3A_4, %get3A_5] : memref<2x320000xi32, #tpu.memory_space<vmem>>, vector<1x320000xi32>
    %get3A_7 = vector.shape_cast %get3A_6 : vector<1x320000xi32> to vector<320000xi32>
    %swap3A_8 = arith.constant 0 : index
    %swap3A_9 = vector.load %arg2[%swap3A_8] : memref<320000xi32, #tpu.memory_space<vmem>>, vector<320000xi32>
    tpu.vector_store %arg2[%swap3A_8], %get3A_7 {strides = array<i32>} : memref<320000xi32, #tpu.memory_space<vmem>>, vector<320000xi32>,
    return
  }
}

module attributes {stable_mosaic.version = 14 : i64} {
  func.func @_tc_body(%arg0: i32, %arg1: memref<1000x128xf32, #tpu.memory_space<vmem>>, %arg2: memref<2x1000x128xf32, #tpu.memory_space<vmem>>, %arg3: memref<2x1000x128xf32, #tpu.memory_space<vmem>>, %arg4: memref<128x128xf32, #tpu.memory_space<vmem>>, %arg5: memref<128x128xf32, #tpu.memory_space<vmem>>, %arg6: memref<128x128xf32, #tpu.memory_space<vmem>>, %arg7: memref<128x128xf32, #tpu.memory_space<vmem>>, %arg8: memref<1x128xf32, #tpu.memory_space<vmem>>, %arg9: memref<1000x128xf32, #tpu.memory_space<vmem>>) attributes {dimension_semantics = [#tpu.dimension_semantics<arbitrary>], iteration_bounds = array<i64: 10>, scalar_prefetch = 0 : i64, scratch_operands = 0 : i64, tpu.core_type = #tpu.core_type<tc>, window_params = [{transform_indices = @transform_0, window_bounds = array<i64: 1000, 128>}, {transform_indices = @transform_1, window_bounds = array<i64: 2, 1000, 128>}, {transform_indices = @transform_2, window_bounds = array<i64: 2, 1000, 128>}, {pipeline_mode = #tpu.pipeline_mode<synchronous>, transform_indices = @transform_3, window_bounds = array<i64: 128, 128>}, {pipeline_mode = #tpu.pipeline_mode<synchronous>, transform_indices = @transform_4, window_bounds = array<i64: 128, 128>}, {pipeline_mode = #tpu.pipeline_mode<synchronous>, transform_indices = @transform_5, window_bounds = array<i64: 128, 128>}, {pipeline_mode = #tpu.pipeline_mode<synchronous>, transform_indices = @transform_6, window_bounds = array<i64: 128, 128>}, {pipeline_mode = #tpu.pipeline_mode<synchronous>, transform_indices = @transform_7, window_bounds = array<i64: 1, 128>}, {transform_indices = @transform_8, window_bounds = array<i64: 1000, 128>}]} {
    %get3A = arith.constant 0 : index
    %get3A_0 = arith.constant 0 : index
    %get3A_1 = arith.constant 0 : index
    %get3A_2 = vector.load %arg2[%get3A, %get3A_0, %get3A_1] : memref<2x1000x128xf32, #tpu.memory_space<vmem>>, vector<1x1000x128xf32>
    %get3A_3 = vector.shape_cast %get3A_2 : vector<1x1000x128xf32> to vector<1000x128xf32>
    %get3A_4 = arith.constant 1 : index
    %get3A_5 = arith.constant 0 : index
    %get3A_6 = arith.constant 0 : index
    %get3A_7 = vector.load %arg2[%get3A_4, %get3A_5, %get3A_6] : memref<2x1000x128xf32, #tpu.memory_space<vmem>>, vector<1x1000x128xf32>
    %get3A_8 = vector.shape_cast %get3A_7 : vector<1x1000x128xf32> to vector<1000x128xf32>
    %add3A = arith.addf %get3A_3, %get3A_8 : vector<1000x128xf32>
    %get3A_9 = arith.constant 0 : index
    %get3A_10 = arith.constant 0 : index
    %get3A_11 = arith.constant 0 : index
    %get3A_12 = vector.load %arg3[%get3A_9, %get3A_10, %get3A_11] : memref<2x1000x128xf32, #tpu.memory_space<vmem>>, vector<1x1000x128xf32>
    %get3A_13 = vector.shape_cast %get3A_12 : vector<1x1000x128xf32> to vector<1000x128xf32>
    %get3A_14 = arith.constant 1 : index
    %get3A_15 = arith.constant 0 : index
    %get3A_16 = arith.constant 0 : index
    %get3A_17 = vector.load %arg3[%get3A_14, %get3A_15, %get3A_16] : memref<2x1000x128xf32, #tpu.memory_space<vmem>>, vector<1x1000x128xf32>
    %get3A_18 = vector.shape_cast %get3A_17 : vector<1x1000x128xf32> to vector<1000x128xf32>
    %add3A_19 = arith.addf %get3A_13, %get3A_18 : vector<1000x128xf32>
    %sub3A = arith.subf %add3A_19, %add3A : vector<1000x128xf32>
    %get3A_20 = arith.constant 0 : index
    %get3A_21 = arith.constant 0 : index
    %get3A_22 = vector.load %arg4[%get3A_20, %get3A_21] : memref<128x128xf32, #tpu.memory_space<vmem>>, vector<128x128xf32>
    %dot_general3A = arith.constant dense<0.000000e+00> : vector<1000x128xf32>
    %dot_general3A_23 = tpu.matmul %add3A, %get3A_22, %dot_general3A {dimension_numbers = #tpu.dot_dimension_numbers<[1], [0], [0], [1], [0, 0, 1, 1], [], []>, transpose_lhs_hint = false} : vector<1000x128xf32>, vector<128x128xf32>, vector<1000x128xf32> -> vector<1000x128xf32>
    %get3A_24 = arith.constant 0 : index
    %get3A_25 = arith.constant 0 : index
    %get3A_26 = vector.load %arg5[%get3A_24, %get3A_25] : memref<128x128xf32, #tpu.memory_space<vmem>>, vector<128x128xf32>
    %dot_general3A_27 = arith.constant dense<0.000000e+00> : vector<1000x128xf32>
    %dot_general3A_28 = tpu.matmul %sub3A, %get3A_26, %dot_general3A_27 {dimension_numbers = #tpu.dot_dimension_numbers<[1], [0], [0], [1], [0, 0, 1, 1], [], []>, transpose_lhs_hint = false} : vector<1000x128xf32>, vector<128x128xf32>, vector<1000x128xf32> -> vector<1000x128xf32>
    %add3A_29 = arith.addf %dot_general3A_23, %dot_general3A_28 : vector<1000x128xf32>
    %slice3A = vector.extract_strided_slice %sub3A {offsets = [0, 16], sizes = [1000, 1], strides = [1, 1]} : vector<1000x128xf32> to vector<1000x1xf32>
    %max3A = arith.constant 1.000000e+00 : f32
    %max3A_30 = vector.broadcast %max3A : f32 to vector<1000x1xf32>
    %max3A_31 = arith.maximumf %slice3A, %max3A_30 : vector<1000x1xf32>
    %div3A = vector.broadcast %max3A_31 : vector<1000x1xf32> to vector<1000x128xf32>
    %div3A_32 = arith.divf %add3A_29, %div3A : vector<1000x128xf32>
    %get3A_33 = arith.constant 0 : index
    %get3A_34 = arith.constant 0 : index
    %get3A_35 = vector.load %arg1[%get3A_33, %get3A_34] : memref<1000x128xf32, #tpu.memory_space<vmem>>, vector<1000x128xf32>
    %get3A_36 = arith.constant 0 : index
    %get3A_37 = arith.constant 0 : index
    %get3A_38 = vector.load %arg6[%get3A_36, %get3A_37] : memref<128x128xf32, #tpu.memory_space<vmem>>, vector<128x128xf32>
    %dot_general3A_39 = arith.constant dense<0.000000e+00> : vector<1000x128xf32>
    %dot_general3A_40 = tpu.matmul %get3A_35, %get3A_38, %dot_general3A_39 {dimension_numbers = #tpu.dot_dimension_numbers<[1], [0], [0], [1], [0, 0, 1, 1], [], []>, transpose_lhs_hint = false} : vector<1000x128xf32>, vector<128x128xf32>, vector<1000x128xf32> -> vector<1000x128xf32>
    %get3A_41 = arith.constant 0 : index
    %get3A_42 = arith.constant 0 : index
    %get3A_43 = vector.load %arg7[%get3A_41, %get3A_42] : memref<128x128xf32, #tpu.memory_space<vmem>>, vector<128x128xf32>
    %dot_general3A_44 = arith.constant dense<0.000000e+00> : vector<1000x128xf32>
    %dot_general3A_45 = tpu.matmul %div3A_32, %get3A_43, %dot_general3A_44 {dimension_numbers = #tpu.dot_dimension_numbers<[1], [0], [0], [1], [0, 0, 1, 1], [], []>, transpose_lhs_hint = false} : vector<1000x128xf32>, vector<128x128xf32>, vector<1000x128xf32> -> vector<1000x128xf32>
    %add3A_46 = arith.addf %dot_general3A_40, %dot_general3A_45 : vector<1000x128xf32>
    %get3A_47 = arith.constant 0 : index
    %get3A_48 = arith.constant 0 : index
    %get3A_49 = vector.load %arg8[%get3A_47, %get3A_48] : memref<1x128xf32, #tpu.memory_space<vmem>>, vector<1x128xf32>
    %add3A_50 = vector.broadcast %get3A_49 : vector<1x128xf32> to vector<1000x128xf32>
    %add3A_51 = arith.addf %add3A_46, %add3A_50 : vector<1000x128xf32>
    %max3A_52 = arith.constant 0.000000e+00 : f32
    %max3A_53 = vector.broadcast %max3A_52 : f32 to vector<1000x128xf32>
    %max3A_54 = arith.maximumf %add3A_51, %max3A_53 : vector<1000x128xf32>
    %swap3A = arith.constant 0 : index
    %swap3A_55 = arith.constant 0 : index
    %swap3A_56 = vector.load %arg9[%swap3A, %swap3A_55] : memref<1000x128xf32, #tpu.memory_space<vmem>>, vector<1000x128xf32>
    tpu.vector_store %arg9[%swap3A, %swap3A_55], %max3A_54 {strides = array<i32>} : memref<1000x128xf32, #tpu.memory_space<vmem>>, vector<1000x128xf32>,
    return
  }
  func.func @transform_0(%arg0: i32) -> (i32, i32) {
    %c0_i32 = arith.constant 0 : i32
    %c0_i32_0 = arith.constant 0 : i32
    return %arg0, %c0_i32 : i32, i32
  }
  func.func @transform_1(%arg0: i32) -> (i32, i32, i32) {
    %c0_i32 = arith.constant 0 : i32
    %c0_i32_0 = arith.constant 0 : i32
    %c0_i32_1 = arith.constant 0 : i32
    return %c0_i32, %arg0, %c0_i32_0 : i32, i32, i32
  }
  func.func @transform_2(%arg0: i32) -> (i32, i32, i32) {
    %c0_i32 = arith.constant 0 : i32
    %c0_i32_0 = arith.constant 0 : i32
    %c0_i32_1 = arith.constant 0 : i32
    return %c0_i32, %arg0, %c0_i32_0 : i32, i32, i32
  }
  func.func @transform_3(%arg0: i32) -> (i32, i32) {
    %c0_i32 = arith.constant 0 : i32
    %c0_i32_0 = arith.constant 0 : i32
    %c0_i32_1 = arith.constant 0 : i32
    return %c0_i32, %c0_i32_0 : i32, i32
  }
  func.func @transform_4(%arg0: i32) -> (i32, i32) {
    %c0_i32 = arith.constant 0 : i32
    %c0_i32_0 = arith.constant 0 : i32
    %c0_i32_1 = arith.constant 0 : i32
    return %c0_i32, %c0_i32_0 : i32, i32
  }
  func.func @transform_5(%arg0: i32) -> (i32, i32) {
    %c0_i32 = arith.constant 0 : i32
    %c0_i32_0 = arith.constant 0 : i32
    %c0_i32_1 = arith.constant 0 : i32
    return %c0_i32, %c0_i32_0 : i32, i32
  }
  func.func @transform_6(%arg0: i32) -> (i32, i32) {
    %c0_i32 = arith.constant 0 : i32
    %c0_i32_0 = arith.constant 0 : i32
    %c0_i32_1 = arith.constant 0 : i32
    return %c0_i32, %c0_i32_0 : i32, i32
  }
  func.func @transform_7(%arg0: i32) -> (i32, i32) {
    %c0_i32 = arith.constant 0 : i32
    %c0_i32_0 = arith.constant 0 : i32
    %c0_i32_1 = arith.constant 0 : i32
    return %c0_i32, %c0_i32_0 : i32, i32
  }
  func.func @transform_8(%arg0: i32) -> (i32, i32) {
    %c0_i32 = arith.constant 0 : i32
    %c0_i32_0 = arith.constant 0 : i32
    return %arg0, %c0_i32 : i32, i32
  }
}

</mosaic_0001>

<sc_bundles>
// kernel: kernel.5.cloned.1.call-start
scs
__scs_entry_jumppad:
0x0: {  	(pc) =	sbr.rel $0x88, $3  }
0x1: {  	(tag) =	ssettag $0x0;
	lr =	simm.s32 $0x1  }
0x2: {  	[smem:$0x3F9A] =	sst lr;
	_ =	strace $0xD0000000  }
0x3: {  	_ = 	snop  }
0x4: {  	_ = 	snop  }
0x5: {  	_ = 	snop  }
0x6: {  	_ = 	snop  }
0x7: {  	_ = 	snop  }
__scs_overlays_trampoline_lowered:
0x8: {  	[smem:$0x3FA9] =	sst s0  }
0x9: {  	[smem:$0x3FAA] =	sst s1  }
0xa: {  	[smem:$0x3FAB] =	sst s2  }
0xb: {  	[smem:$0x3FAC] =	sst s3  }
0xc: {  	[smem:$0x3FAD] =	sst s4  }
0xd: {  	[smem:$0x3FAE] =	sst s5  }
0xe: {  	[smem:$0x3FAF] =	sst s6  }
0xf: {  	[smem:$0x3FB0] =	sst s7  }
0x10: {  	[smem:$0x3FB1] =	sst s8  }
0x11: {  	[smem:$0x3FB2] =	sst s9;
	s0 =	simm.s32 @!p0 $0x0  }
0x12: {  	s1 =	sld [smem:$0x3F98];
	s0 =	simm.s32 @p0 $0x1  }
0x13: {  	[smem:$0x3FB3] =	sst s0;
	s0 =	simm.s32 @!p1 $0x0  }
0x14: {  	s2 =	sld [smem:$0x3F97];
	s0 =	simm.s32 @p1 $0x1  }
0x15: {  	[smem:$0x3FB4] =	sst s0;
	s0 =	simm.s32 @!p2 $0x0  }
0x16: {  	s3 =	sld [smem:$0x3FDB];
	s0 =	simm.s32 @p2 $0x1  }
0x17: {  	s4 =	simm.s32 $0x1BF5;
	[smem:$0x3FB6] =	sst s0  }
0x18: {  	s0 =	sld [smem:$0x3F99];
	_ =	swait.ge [sflag:s4], $0x0  }
0x19: {  	s7 =	sld [smem:$0x3F9A]  }
0x1a: {  	s8 =	sadd.s32 $0xFFFFE003, lr  }
0x1b: {  	s9 =	sadd.s32 $0xFFFFFEF7, lr;
	s5 =	simm.s32 $0xFFFFFFFF;
	p2 =	slt.u32 s8, $0xFFFFF086  }
0x1c: {  	p1 =	slt.u32 s9, $0xF7A;
	s5 =	simm.s32 @!p2 $0x0  }
0x1d: {  	s5 =	simm.s32 @p1 $0x1;
	p0 =	seq.s32 s7, s2  }
0x1e: {  	s7 =	smul.u32 @!p0 $0xF7A, s2;
	p2 =	seq.s32 @!p0 s5, $0x0  }
0x1f: {  	s9 =	smul.u32 $0xF7A, s1;
	s8 =	simm.s32 @!p0 $0x1BF5;
	p2 =	por !p2, p0  }
0x20: {  	[sflag:s8] =	ssyncset.s32 @!p0 $0xFFFFF086;
	s6 =	sadd.s32 @!p0 s3, s7;
	s7 =	simm.s32 @!p0 $0x108  }
0x21: {  	s3 =	sadd.s32 s3, s9;
	s6 =	sadd.s32 @!p0 $0x88, s6;
	s7 =	simm.s32 @p2 $0x1082  }
0x22: {  	[simem:s7], [sflag:s8] =	dma.local @!p0 [hbm:s6], $0xF7A  }
0x23: {  	s9 =	sor.u32 $0xD0000000, s2;
	s6 =	simm.s32 $0x108;
	_ =	swait.ge @!p0 [sflag:s8], $0x0  }
0x24: {  	s3 =	sadd.s32 $0x88, s3;
	s6 =	simm.s32 @!p1 $0x1082;
	[sflag:s4] =	ssyncset.s32 $0xFFFFF086  }
0x25: {  	[simem:s6], [sflag:s4] =	dma.local [hbm:s3], $0xF7A  }
0x26: {  	[smem:$0x3F9A] =	sst s1;
	(tag) =	ssettag s2;
	_ =	strace s9  }
0x27: {  	s1 =	sld [smem:$0x3FAA]  }
0x28: {  	s2 =	sld [smem:$0x3FAB]  }
0x29: {  	s4 =	sld [smem:$0x3FAD]  }
0x2a: {  	p0 =	seq.s32 s5, $0x0;
	s5 =	sld [smem:$0x3FAE]  }
0x2b: {  	s6 =	sld [smem:$0x3FAF]  }
0x2c: {  	s7 =	sld [smem:$0x3FB0]  }
0x2d: {  	s3 =	simm.s32 $0x108;
	s8 =	sld [smem:$0x3FB1]  }
0x2e: {  	s3 =	simm.s32 @!p0 $0x1082;
	s9 =	sld [smem:$0x3FB2]  }
0x2f: {  	lr =	sadd.s32 s0, s3;
	s0 =	sld [smem:$0x3FA9]  }
0x30: {  	s3 =	sld [smem:$0x3FAC]  }
0x31: {  	[smem:$0x3FB5] =	sst s10  }
0x32: {  	s10 =	sld [smem:$0x3FB3];
	_ =	sdelay $0x3  }
0x33: {  	p0 =	seq.s32 s10, $0x1;
	s10 =	sld [smem:$0x3FB5];
	_ =	sdelay $0x3  }
0x34: {  	[smem:$0x3FB5] =	sst s10  }
0x35: {  	s10 =	sld [smem:$0x3FB4];
	_ =	sdelay $0x3  }
0x36: {  	p1 =	seq.s32 s10, $0x1;
	s10 =	sld [smem:$0x3FB5];
	_ =	sdelay $0x3  }
0x37: {  	[smem:$0x3FB5] =	sst s10  }
0x38: {  	s10 =	sld [smem:$0x3FB6]  }
0x39: {  	_ = 	snop;
	(pc) =	sbr.ind lr, $3  }
0x3a: {  	_ = 	snop  }
0x3b: {  	_ = 	snop  }
0x3c: {  	p2 =	seq.s32 s10, $0x1;
	s10 =	sld [smem:$0x3FB5]  }
0x3d: {  	_ =	shalt  }
0x3e: {  	_ =	shalt  }
0x3f: {  	_ =	shalt  }
0x40: {  	_ =	shalt  }
0x41: {  	_ =	shalt  }
0x42: {  	_ =	shalt  }
0x43: {  	_ =	shalt  }
0x44: {  	_ =	shalt  }
0x45: {  	_ =	shalt  }
0x46: {  	_ =	shalt  }
0x47: {  	_ =	shalt  }
0x48: {  	_ =	shalt  }
0x49: {  	_ =	shalt  }
0x4a: {  	_ =	shalt  }
0x4b: {  	_ =	shalt  }
0x4c: {  	_ =	shalt  }
0x4d: {  	_ =	shalt  }
0x4e: {  	_ =	shalt  }
0x4f: {  	_ =	shalt  }
0x50: {  	_ =	shalt  }
0x51: {  	_ =	shalt  }
0x52: {  	_ =	shalt  }
0x53: {  	_ =	shalt  }
0x54: {  	_ =	shalt  }
0x55: {  	_ =	shalt  }
0x56: {  	_ =	shalt  }
0x57: {  	_ =	shalt  }
0x58: {  	_ =	shalt  }
0x59: {  	_ =	shalt  }
0x5a: {  	_ =	shalt  }
0x5b: {  	_ =	shalt  }
0x5c: {  	_ =	shalt  }
0x5d: {  	_ =	shalt  }
0x5e: {  	_ =	shalt  }
0x5f: {  	_ =	shalt  }
0x60: {  	_ =	shalt  }
0x61: {  	_ =	shalt  }
0x62: {  	_ =	shalt  }
0x63: {  	_ =	shalt  }
0x64: {  	_ =	shalt  }
0x65: {  	_ =	shalt  }
0x66: {  	_ =	shalt  }
0x67: {  	_ =	shalt  }
0x68: {  	_ =	shalt  }
0x69: {  	_ =	shalt  }
0x6a: {  	_ =	shalt  }
0x6b: {  	_ =	shalt  }
0x6c: {  	_ =	shalt  }
0x6d: {  	_ =	shalt  }
0x6e: {  	_ =	shalt  }
0x6f: {  	_ =	shalt  }
0x70: {  	_ =	shalt  }
0x71: {  	_ =	shalt  }
0x72: {  	_ =	shalt  }
0x73: {  	_ =	shalt  }
0x74: {  	_ =	shalt  }
0x75: {  	_ =	shalt  }
0x76: {  	_ =	shalt  }
0x77: {  	_ =	shalt  }
0x78: {  	_ =	shalt  }
0x79: {  	_ =	shalt  }
0x7a: {  	_ =	shalt  }
0x7b: {  	_ =	shalt  }
0x7c: {  	_ =	shalt  }
0x7d: {  	_ =	shalt  }
0x7e: {  	_ =	shalt  }
0x7f: {  	_ =	shalt  }
0x80: {  	_ =	shalt  }
0x81: {  	_ =	shalt  }
0x82: {  	_ =	shalt  }
0x83: {  	_ =	shalt  }
0x84: {  	_ =	shalt  }
0x85: {  	_ =	shalt  }
0x86: {  	_ =	shalt  }
0x87: {  	_ =	shalt  }
.Lfunc_end0:
.L_simem_size_0:
called_computation_lowered:
.L_overlay_start_0:
0x88: {  	s2 =	sld [smem:$0x3FD9]  }
0x89: {  	s3 =	sld [smem:$0x3FFE];
	_ =	sdelay $0x1  }
0x8a: {  	s1 =	srdreg.scid  }
0x8b: {  	s0 =	sand.u32 $0x1, s1  }
0x8c: {  	s17 =	sshll.u32 s0, $0xA;
	s2 =	sadd.s32 s3, s2  }
0x8d: {  	s2 =	sadd.s32 s2, s17  }
0x8e: {  	[smem:$0x3FC1] =	sst s2  }
0x8f: {  	_ = 	snop  }
0x90: {  	s2 =	sld [smem:$0x3FC9]  }
0x91: {  	s18 =	sld [smem:$0x3FD0];
	(tm) =	ssettm $0x1  }
0x92: {  	s4 =	sld [smem:$0x3FFB];
	_ =	sdelay $0x3  }
0x93: {  	_ =	strace s4  }
0x94: {  	s4 =	sld [smem:$0x3FFC];
	_ =	sdelay $0x3  }
0x95: {  	_ =	strace s4  }
0x96: {  	s4 =	sld [smem:$0x3FFD];
	_ =	sdelay $0x3  }
0x97: {  	_ =	strace s4  }
0x98: {  	_ =	strace $0x8FFFFFFF  }
0x99: {  	s19 =	sld [smem:$0x3FDB];
	_ =	sdelay $0x1  }
0x9a: {  	s5 =	simm.s32 $_scs_section_size  }
0x9b: {  	s6 =	simm.s32 $_size__tile_overlayer_lowered;
	s7 =	simm.s32 $_tile_overlayer_lowered  }
0x9c: {  	s22 =	simm.s32 $0x1BFF;
	s21 =	sshll.u32 s7, $0x1;
	s4 =	sadd.s32 s5, s19  }
0x9d: {  	s8 =	simm.s32 $0x0;
	s20 =	sshll.u32 s6, $0x1;
	s6 =	sadd.s32 s21, s4  }
0x9e: {  	[timem:s8], [sflag:s22] =	dma.local [hbm:s6], s20  }
0x9f: {  	_ =	swait.ge [sflag:s22], s20  }
0xa0: {  	s5 =	ssub.s32 $0x0, s20;
	[sflag:s22] =	ssyncset.done $0x0  }
0xa1: {  	[sflag:s22] =	ssyncadd.s32 s5;
	_ =	sdelay $0x1  }
0xa2: {  	s23 =	simm.s32 $0x1B8B  }
0xa3: {  	_ =	swait.ge [sflag:s23], $0x1  }
0xa4: {  	[sflag:s23] =	ssyncset.done $0x0  }
0xa5: {  	s25 =	simm.s32 $0x1B8E;
	s24 =	sld [smem:$0x3FFE];
	[sflag:s23] =	ssyncadd.s32 $0xFFFFFFFF  }
0xa6: {  	s26 =	simm.s32 $execute0_lowered;
	[smem:$0x3FD2] =	sst s25  }
0xa7: {  	s6 =	sshll.u32 s26, $0x1;
	_ =	strace $0x80000046;
	[dreg:$0x1] =	wrdreg $0xFFFFFFFF  }
0xa8: {  	s28 =	simm.s32 $_size_execute0_lowered;
	s4 =	sadd.s32 s4, s6;
	[dreg:$0x0] =	wrdreg $0x0  }
0xa9: {  	s6 =	sshll.u32 s28, $0x1;
	[dreg:$0x2] =	wrdreg s4  }
0xaa: {  	[dreg:$0x3] =	wrdreg s6  }
0xab: {  	[dreg:$0x4] =	wrdreg $0xC0  }
0xac: {  	_ =	task [dreg:s8], $0x5FFFF  }
0xad: {  	[dreg:$0x1] =	wrdreg $0xFFFFFFFF  }
0xae: {  	[dreg:$0x0] =	wrdreg $0x60  }
0xaf: {  	[dreg:$0x2] =	wrdreg s2  }
0xb0: {  	[dreg:$0x3] =	wrdreg s24  }
0xb1: {  	[dreg:$0x4] =	wrdreg s18  }
0xb2: {  	[dreg:$0x5] =	wrdreg $0x0  }
0xb3: {  	[dreg:$0x6] =	wrdreg $0x9  }
0xb4: {  	_ =	task.clear_ibuf [dreg:s8], $0x7FFFF;
	_ =	strace $0x90000046  }
0xb5: {  	s29 =	simm.s32 $0x9;
	_ =	strace $0x80000048  }
0xb6: {  	_ =	swait.ge [sflag:s29], $0x1  }
0xb7: {  	[sflag:s29] =	ssyncadd.s32 $0xFFFFFFFF  }
0xb8: {  	_ =	strace $0x90000048  }
0xb9: {  	_ =	sfence  }
0xba: {  	s30 =	sld [smem:$0x0];
	_ =	sdelay $0x2  }
0xbb: {  	s31 =	sshll.u32 s1, $0xD;
	s1 =	sshrl.u32 s1, $0x2  }
0xbc: {  	s3 =	sand.u32 $0x4000, s31;
	s1 =	sadd.s32 s1, s30  }
0xbd: {  	s0 =	sor.u32 s3, s0;
	s1 =	sshll.u32 s1, $0x11  }
0xbe: {  	s0 =	sor.u32 s1, s0  }
0xbf: {  	s0 =	sadd.s32 $0x8F2B, s0  }
0xc0: {  	[sflag:s0] =	ssyncadd.remote.s32 $0x1  }
0xc1: {  	_ =	sfence.sel $0xFFFF  }
0xc2: {  	[dreg:$0x0] =	wrdreg $0xFFFFFFFF;
	(pc) =	sbr.abs _section_cstart, $3  }
0xc3: {  	[dreg:$0x1] =	wrdreg $0xFFFFFFFF  }
0xc4: {  	_ =	task.clear_ibuf [dreg:s8], $0x2FFFF;
	_ =	strace $0x9FFFFFFF  }
0xc5: {  	(tm) =	ssettm $0x7FFFFFFF  }
tec
execute0_lowered:
.L_overlay_start_1:
0x0: {  	(tag) =	ssettag $0x1  }
0x1: {  	s0 =	srdreg.scid;
	s1 =	rddreg [dreg:$0x0]  }
0x2: {  	s18 =	stileid.u32;
	s4 =	rddreg [dreg:$0x1]  }
0x3: {  	s3 =	rddreg [dreg:$0x2];
	s0 =	sand.u32 $0x1, s0;
	s11 =	smul.u32 $0x14000, s18  }
0x4: {  	s6 =	sadd.s32 $0x2400, s4;
	s9 =	sadd.s32 $0xC200, s4;
	s8 =	smul.u32 $0x140000, s0  }
0x5: {  	s12 =	sadd.s32 $0x5C200, s4;
	s4 =	sadd.s32 $0x4E4400, s4;
	s26 =	smul.u32 $0x4E20, s0  }
0x6: {  	s2 =	sshll.u32 s0, $0x4;
	s7 =	ssub.s32 $0x2, s0;
	s0 =	smul.u32 $0x4E200, s0  }
0x7: {  	s2 =	sor.u32 s18, s2;
	s10 =	sshrl.u32 s7, $0x1;
	s15 =	sadd.s32 $0x4000, s11  }
0x8: {  	s16 =	sadd.s32 $0x8000, s11;
	s20 =	sadd.s32 $0xC000, s11;
	s5 =	smul.u32 $0x4E2, s2  }
0x9: {  	s7 =	ssub.s32 s7, s10;
	s13 =	sadd.s32 s11, s8;
	s22 =	sadd.s32 s8, s15  }
0xa: {  	s17 =	sadd.s32 s8, s20;
	s21 =	sshrl.u32 s13, $0x3;
	s3 =	sadd.s32 s3, s5  }
0xb: {  	s13 =	sshrl.u32 s22, $0x3;
	s14 =	sadd.s32 s9, s21;
	[dreg:$0x5] =	wrdreg s3  }
0xc: {  	s17 =	sshrl.u32 s17, $0x3;
	s23 =	sadd.s32 s9, s13;
	[dreg:$0x6] =	wrdreg s14  }
0xd: {  	s24 =	sadd.s32 s8, s16;
	s25 =	sadd.s32 s9, s17;
	[dreg:$0x7] =	wrdreg s23  }
0xe: {  	s2 =	smul.u32 $0x4E20, s2;
	s28 =	sadd.s32 s12, s13;
	[dreg:$0x9] =	wrdreg s25  }
0xf: {  	s11 =	sadd.s32 $0x10000, s11;
	s30 =	sadd.s32 s12, s17;
	[dreg:$0xc] =	wrdreg s28  }
0x10: {  	s8 =	sadd.s32 s8, s11;
	s2 =	sadd.s32 s4, s2;
	[dreg:$0xe] =	wrdreg s30  }
0x11: {  	s3 =	sadd.s32 s6, s5;
	s5 =	sadd.s32 s12, s21;
	[dreg:$0x10] =	wrdreg s2  }
0x12: {  	s8 =	sshrl.u32 s8, $0x3;
	s14 =	sshrl.u32 s24, $0x3;
	[dreg:$0xb] =	wrdreg s5  }
0x13: {  	s19 =	sadd.s32 s9, s14;
	s29 =	sadd.s32 s12, s14;
	s14 =	rddreg [dreg:$0x3]  }
0x14: {  	s10 =	smul.u32 $0x50000, s18;
	s9 =	sadd.s32 s9, s8;
	[dreg:$0x8] =	wrdreg s19  }
0x15: {  	s0 =	sadd.s32 s0, s4;
	s22 =	smax.u32 s7, $0x1;
	[dreg:$0xa] =	wrdreg s9  }
0x16: {  	s8 =	sadd.s32 s12, s8;
	s12 =	smul.u32 $0x4E20, s18;
	[dreg:$0xd] =	wrdreg s29  }
0x17: {  	[dreg:$0xf] =	wrdreg s8;
	s9 =	smul.u32 $0x4E2, s18;
	s18 =	simm.s32 $0x0  }
0x18: {  	s7 =	simm.s32 $0x16780;
	s15 =	sadd.s32 s15, s14;
	[smem:$0x7FF] =	sst s18  }
0x19: {  	s16 =	sadd.s32 s16, s14;
	_ =	strace $0x80000047;
	[dreg:$0x11] =	wrdreg s15  }
0x1a: {  	s13 =	sshrl.u32 s10, $0x2;
	s20 =	sadd.s32 s20, s14;
	[dreg:$0x12] =	wrdreg s16  }
0x1b: {  	s4 =	simm.s32 $0x16880;
	s21 =	sadd.s32 s11, s14;
	[dreg:$0x13] =	wrdreg s20  }
0x1c: {  	s10 =	simm.s32 $0x19080;
	s19 =	sadd.s32 s13, s14;
	[dreg:$0x14] =	wrdreg s21  }
0x1d: {  	s5 =	sadd.s32 s26, s6;
	s23 =	sadd.s32 $0x2800, s19;
	[dreg:$0x15] =	wrdreg s22  }
0x1e: {  	s8 =	simm.s32 $0x50;
	s24 =	sadd.s32 $0x5000, s19;
	[dreg:$0x16] =	wrdreg s23  }
0x1f: {  	s11 =	simm.s32 $0x3;
	s25 =	sadd.s32 $0x7800, s19;
	[dreg:$0x17] =	wrdreg s24  }
0x20: {  	s13 =	simm.s32 $0x4;
	s26 =	sadd.s32 $0xA000, s19;
	[dreg:$0x18] =	wrdreg s25  }
0x21: {  	s0 =	sadd.s32 s12, s0;
	s28 =	sadd.s32 $0xC800, s19;
	[dreg:$0x19] =	wrdreg s26  }
0x22: {  	s29 =	sadd.s32 $0xF000, s19;
	s30 =	sadd.s32 $0x11800, s19;
	[dreg:$0x1a] =	wrdreg s28  }
0x23: {  	s12 =	simm.s32 $0x1;
	s17 =	sadd.s32 s9, s5;
	[dreg:$0x1b] =	wrdreg s29  }
0x24: {  	s31 =	sadd.s32 $0x140, s0;
	[dreg:$0x1c] =	wrdreg s30;
	s5 =	simm.s32 $0x5  }
0x25: {  	v0 =	vimm.f32 $0.0e+00;
	vm0 =	vcmask $0x300;
	s9 =	simm.s32 $0x16800;
	s16 =	simm.s32 $0x2;
	s20 =	simm.s32 $0x1B880  }
0x26: {  	v1 =	vsel vm0, $0x3F800000, v0;
	s21 =	simm.s32 $0x1BD80;
	s22 =	simm.s32 $0x0;
	s2 =	sadd.s32 $0xA, s17  }
.LBB2_1:
0x27: {  	s6 =	simm.s32 $0x0;
	s15 =	simm.s32 $0x200  }
.LBB2_2:
0x28: {  	p0 =	sne.s32 s15, $0x9E00;
	[tilespmem:s6+$0x168F0] =	vst v0  }
0x29: {  	[tilespmem:s6+$0x16880] =	vst v0  }
0x2a: {  	[tilespmem:s6+$0x16890] =	vst v0  }
.Ltmp0:
0x2b: {  	[tilespmem:s6+$0x168A0] =	vst v0;
	(pc) =	sbr.rel @p0 .LBB2_2-.Ltmp0, $4  }
0x2c: {  	[tilespmem:s6+$0x168B0] =	vst v0  }
0x2d: {  	[tilespmem:s6+$0x168C0] =	vst v0  }
0x2e: {  	[tilespmem:s6+$0x168D0] =	vst v0  }
0x2f: {  	[tilespmem:s6+$0x168E0] =	vst v0;
	s6 =	sshra.s32 s15, $0x2;
	s15 =	sadd.s32 $0x200, s15  }
0x30: {  	[tilespmem:s6+$0x168F0] =	vst v0  }
0x31: {  	[tilespmem:s6+$0x16880] =	vst v0  }
0x32: {  	[tilespmem:s6+$0x16890] =	vst v0  }
0x33: {  	[tilespmem:s6+$0x168A0] =	vst v0  }
0x34: {  	[tilespmem:s6+$0x168B0] =	vst v0  }
0x35: {  	[tilespmem:s6+$0x168C0] =	vst v0  }
0x36: {  	[tilespmem:s6+$0x168D0] =	vst v0  }
0x37: {  	[tilespmem:s6+$0x168E0] =	vst v0  }
0x38: {  	[spmem:s19] =	stream.linear.scatter [tilespmem:s4], [sflag:$0x5], $0x2800, $0x38;
	[tilespmem:$0x1C280] =	vst v63  }
0x39: {  	_ =	swait.ge [sflag:s5], $0x2800  }
0x3a: {  	[sflag:s5] =	ssyncset.done $0x0  }
0x3b: {  	s0 =	rddreg [dreg:$0x16];
	[sflag:s5] =	ssyncadd.s32 $0xFFFFD800  }
0x3c: {  	[spmem:s0] =	stream.linear.scatter [tilespmem:s4], [sflag:$0x5], $0x2800, $0x38;
	[tilespmem:$0x1C280] =	vst v63  }
0x3d: {  	_ =	swait.ge [sflag:s5], $0x2800  }
0x3e: {  	[sflag:s5] =	ssyncset.done $0x0  }
0x3f: {  	s29 =	rddreg [dreg:$0x17];
	[sflag:s5] =	ssyncadd.s32 $0xFFFFD800  }
0x40: {  	[spmem:s29] =	stream.linear.scatter [tilespmem:s4], [sflag:$0x5], $0x2800, $0x38;
	[tilespmem:$0x1C280] =	vst v63  }
0x41: {  	_ =	swait.ge [sflag:s5], $0x2800  }
0x42: {  	[sflag:s5] =	ssyncset.done $0x0  }
0x43: {  	s30 =	rddreg [dreg:$0x18];
	[sflag:s5] =	ssyncadd.s32 $0xFFFFD800  }
0x44: {  	[spmem:s30] =	stream.linear.scatter [tilespmem:s4], [sflag:$0x5], $0x2800, $0x38;
	[tilespmem:$0x1C280] =	vst v63  }
0x45: {  	_ =	swait.ge [sflag:s5], $0x2800  }
0x46: {  	[sflag:s5] =	ssyncset.done $0x0  }
0x47: {  	s6 =	rddreg [dreg:$0x19];
	[sflag:s5] =	ssyncadd.s32 $0xFFFFD800  }
0x48: {  	[spmem:s6] =	stream.linear.scatter [tilespmem:s4], [sflag:$0x5], $0x2800, $0x38;
	[tilespmem:$0x1C280] =	vst v63  }
0x49: {  	_ =	swait.ge [sflag:s5], $0x2800  }
0x4a: {  	[sflag:s5] =	ssyncset.done $0x0  }
0x4b: {  	s15 =	rddreg [dreg:$0x1a];
	[sflag:s5] =	ssyncadd.s32 $0xFFFFD800  }
0x4c: {  	[spmem:s15] =	stream.linear.scatter [tilespmem:s4], [sflag:$0x5], $0x2800, $0x38;
	[tilespmem:$0x1C280] =	vst v63  }
0x4d: {  	_ =	swait.ge [sflag:s5], $0x2800  }
0x4e: {  	[sflag:s5] =	ssyncset.done $0x0  }
0x4f: {  	s23 =	rddreg [dreg:$0x1b];
	[sflag:s5] =	ssyncadd.s32 $0xFFFFD800  }
0x50: {  	[spmem:s23] =	stream.linear.scatter [tilespmem:s4], [sflag:$0x5], $0x2800, $0x38;
	[tilespmem:$0x1C280] =	vst v63  }
0x51: {  	_ =	swait.ge [sflag:s5], $0x2800  }
0x52: {  	[sflag:s5] =	ssyncset.done $0x0  }
0x53: {  	s24 =	rddreg [dreg:$0x1c];
	[sflag:s5] =	ssyncadd.s32 $0xFFFFD800  }
0x54: {  	[spmem:s24] =	stream.linear.scatter [tilespmem:s4], [sflag:$0x5], $0x2800, $0x38;
	[tilespmem:$0x1C280] =	vst v63  }
0x55: {  	_ =	swait.ge [sflag:s5], $0x2800  }
0x56: {  	s25 =	simm.s32 $0x0;
	[sflag:s5] =	ssyncset.done $0x0  }
0x57: {  	s15 =	simm.s32 $0x14000;
	s26 =	rddreg [dreg:$0x5];
	[sflag:s5] =	ssyncadd.s32 $0xFFFFD800  }
0x58: {  	[tilespmem:s15], [sflag:$0x5] =	stream.linear.gather [hbm4b:s26+s25], $0x2710, $0x38;
	[tilespmem:$0x1C280] =	vst v63  }
0x59: {  	_ =	swait.ge [sflag:s5], $0x2710  }
0x5a: {  	[sflag:s5] =	ssyncset.done $0x0  }
0x5b: {  	[sflag:s5] =	ssyncadd.s32 $0xFFFFD8F0  }
0x5c: {  	[bflag:$0x0] =	sbarrier.arrive $0xFFFF  }
0x5d: {  	[tilespmem:s7], [sflag:$0x3] =	stream.linear.gather [hbm4b:s3+s25], $0x50, $0x38;
	[tilespmem:$0x1C280] =	vst v63  }
0x5e: {  	_ = 	snop  }
0x5f: {  	[tilespmem:s4], [sflag:$0x1] =	stream.indirect.gather [hbm4b:s1+s8], $0x80, s15, s8, $0xb8;
	[tilespmem:$0x1C280] =	vst v63  }
0x60: {  	_ = 	snop  }
0x61: {  	[tilespmem:s9], [sflag:$0x4] =	stream.linear.gather [hbm4b:s2+s18], $0x50, $0x38;
	[tilespmem:$0x1C280] =	vst v63  }
0x62: {  	s28 =	simm.s32 $0x14050  }
0x63: {  	[tilespmem:s10], [sflag:$0x2] =	stream.indirect.gather [hbm4b:s1+s8], $0x80, s28, s8, $0xb8;
	[tilespmem:$0x1C280] =	vst v63  }
0x64: {  	_ =	swait.ge [sflag:s11], $0x50  }
0x65: {  	[sflag:s11] =	ssyncset.done $0x0  }
0x66: {  	[sflag:s11] =	ssyncadd.s32 $0xFFFFFFB0  }
0x67: {  	_ =	swait.ge [sflag:s12], $0x2800  }
0x68: {  	[sflag:s12] =	ssyncset.done $0x0  }
0x69: {  	[sflag:s12] =	ssyncadd.s32 $0xFFFFD800  }
0x6a: {  	[spmem:s14] =	stream.indirect.scatter.add.f32 [tilespmem:s4], [sflag:$0x5], $0x80, s7, s8, $0xb8;
	[tilespmem:$0x1C280] =	vst v63  }
0x6b: {  	_ =	swait.ge [sflag:s5], $0x2800  }
0x6c: {  	[sflag:s5] =	ssyncset.done $0x0  }
0x6d: {  	s29 =	sadd.s32 $0xA, s2;
	[sflag:s5] =	ssyncadd.s32 $0xFFFFD800  }
0x6e: {  	[tilespmem:s7], [sflag:$0x3] =	stream.linear.gather [hbm4b:s29+s18], $0x50, $0x38;
	[tilespmem:$0x1C280] =	vst v63  }
0x6f: {  	s30 =	simm.s32 $0x140A0  }
0x70: {  	[tilespmem:s4], [sflag:$0x1] =	stream.indirect.gather [hbm4b:s1+s8], $0x80, s30, s8, $0xb8;
	[tilespmem:$0x1C280] =	vst v63  }
0x71: {  	_ =	swait.ge [sflag:s13], $0x50  }
0x72: {  	[sflag:s13] =	ssyncset.done $0x0  }
0x73: {  	[sflag:s13] =	ssyncadd.s32 $0xFFFFFFB0  }
0x74: {  	_ =	swait.ge [sflag:s16], $0x2800  }
0x75: {  	[sflag:s16] =	ssyncset.done $0x0  }
0x76: {  	[sflag:s16] =	ssyncadd.s32 $0xFFFFD800  }
0x77: {  	[spmem:s14] =	stream.indirect.scatter.add.f32 [tilespmem:s10], [sflag:$0x5], $0x80, s9, s8, $0xb8;
	[tilespmem:$0x1C280] =	vst v63  }
0x78: {  	_ =	swait.ge [sflag:s5], $0x2800  }
0x79: {  	s6 =	sadd.s32 $0x14, s2;
	s15 =	simm.s32 $0x280;
	[sflag:s5] =	ssyncset.done $0x0  }
.LBB2_4:
0x7a: {  	s24 =	smov.u32 s15  }
0x7b: {  	s23 =	sshra.s32 s15, $0x2;
	[sflag:s5] =	ssyncadd.s32 $0xFFFFD800;
	s24 =	sadd.s32 $0x280, s15  }
0x7c: {  	[tilespmem:s9], [sflag:$0x4] =	stream.linear.gather [hbm4b:s6+s18], $0x50, $0x38;
	[tilespmem:$0x1C280] =	vst v63  }
0x7d: {  	p0 =	sne.s32 s15, $0x9880;
	s25 =	sadd.s32 $0x14050, s23  }
0x7e: {  	[tilespmem:s10], [sflag:$0x2] =	stream.indirect.gather [hbm4b:s1+s8], $0x80, s25, s8, $0xb8;
	[tilespmem:$0x1C280] =	vst v63  }
0x7f: {  	_ =	swait.ge [sflag:s11], $0x50  }
0x80: {  	[sflag:s11] =	ssyncset.done $0x0  }
0x81: {  	[sflag:s11] =	ssyncadd.s32 $0xFFFFFFB0  }
0x82: {  	_ =	swait.ge [sflag:s12], $0x2800  }
0x83: {  	[sflag:s12] =	ssyncset.done $0x0  }
0x84: {  	[sflag:s12] =	ssyncadd.s32 $0xFFFFD800  }
0x85: {  	[spmem:s14] =	stream.indirect.scatter.add.f32 [tilespmem:s4], [sflag:$0x5], $0x80, s7, s8, $0xb8;
	[tilespmem:$0x1C280] =	vst v63  }
0x86: {  	_ =	swait.ge [sflag:s5], $0x2800  }
0x87: {  	[sflag:s5] =	ssyncset.done $0x0  }
0x88: {  	s15 =	sadd.s32 $0xA, s6;
	[sflag:s5] =	ssyncadd.s32 $0xFFFFD800  }
0x89: {  	[tilespmem:s7], [sflag:$0x3] =	stream.linear.gather [hbm4b:s15+s18], $0x50, $0x38;
	[tilespmem:$0x1C280] =	vst v63  }
0x8a: {  	s15 =	sadd.s32 $0x140A0, s23  }
0x8b: {  	[tilespmem:s4], [sflag:$0x1] =	stream.indirect.gather [hbm4b:s1+s8], $0x80, s15, s8, $0xb8;
	[tilespmem:$0x1C280] =	vst v63  }
0x8c: {  	_ =	swait.ge [sflag:s13], $0x50  }
0x8d: {  	[sflag:s13] =	ssyncset.done $0x0  }
0x8e: {  	[sflag:s13] =	ssyncadd.s32 $0xFFFFFFB0  }
0x8f: {  	_ =	swait.ge [sflag:s16], $0x2800  }
.Ltmp1:
0x90: {  	[sflag:s16] =	ssyncset.done $0x0;
	(pc) =	sbr.rel @p0 .LBB2_4-.Ltmp1, $4  }
0x91: {  	[sflag:s16] =	ssyncadd.s32 $0xFFFFD800  }
0x92: {  	[spmem:s14] =	stream.indirect.scatter.add.f32 [tilespmem:s10], [sflag:$0x5], $0x80, s9, s8, $0xb8;
	[tilespmem:$0x1C280] =	vst v63  }
0x93: {  	_ =	swait.ge [sflag:s5], $0x2800  }
0x94: {  	s6 =	sadd.s32 $0x14, s6;
	s15 =	smov.u32 s24;
	[sflag:s5] =	ssyncset.done $0x0  }
0x95: {  	[sflag:s5] =	ssyncadd.s32 $0xFFFFD800  }
0x96: {  	_ =	swait.ge [sflag:s11], $0x50  }
0x97: {  	[sflag:s11] =	ssyncset.done $0x0  }
0x98: {  	[sflag:s11] =	ssyncadd.s32 $0xFFFFFFB0  }
0x99: {  	_ =	swait.ge [sflag:s12], $0x2800  }
0x9a: {  	[sflag:s12] =	ssyncset.done $0x0  }
0x9b: {  	[sflag:s12] =	ssyncadd.s32 $0xFFFFD800  }
0x9c: {  	[spmem:s14] =	stream.indirect.scatter.add.f32 [tilespmem:s4], [sflag:$0x5], $0x80, s7, s8, $0xb8;
	[tilespmem:$0x1C280] =	vst v63  }
0x9d: {  	_ =	swait.ge [sflag:s5], $0x2800  }
0x9e: {  	[sflag:s5] =	ssyncset.done $0x0  }
0x9f: {  	s0 =	stileid.u32;
	[sflag:s5] =	ssyncadd.s32 $0xFFFFD800  }
0xa0: {  	s6 =	sshll.u32 s0, $0x6;
	[bflag:$0x0] =	sbarrier.arrive $0xFFFF  }
0xa1: {  	s23 =	sor.u32 $0x1C05, s6;
	s6 =	sshrl.u32 s19, $0x3;
	s25 =	rddreg [dreg:$0x6]  }
0xa2: {  	[hbm:s25], [sflag:s23] =	dma.local [spmem:s6], $0x800  }
0xa3: {  	_ =	swait.ge [sflag:s5], $0x800  }
0xa4: {  	[sflag:s5] =	ssyncset.done $0x0;
	s26 =	rddreg [dreg:$0x11]  }
0xa5: {  	s30 =	rddreg [dreg:$0x7];
	[sflag:s5] =	ssyncadd.s32 $0xFFFFF800;
	s24 =	sshrl.u32 s26, $0x3  }
0xa6: {  	[hbm:s30], [sflag:s23] =	dma.local [spmem:s24], $0x800  }
0xa7: {  	_ =	swait.ge [sflag:s5], $0x800  }
0xa8: {  	[sflag:s5] =	ssyncset.done $0x0;
	s15 =	rddreg [dreg:$0x12]  }
0xa9: {  	s25 =	rddreg [dreg:$0x8];
	[sflag:s5] =	ssyncadd.s32 $0xFFFFF800;
	s26 =	sshrl.u32 s15, $0x3  }
0xaa: {  	[hbm:s25], [sflag:s23] =	dma.local [spmem:s26], $0x800  }
0xab: {  	_ =	swait.ge [sflag:s5], $0x800  }
0xac: {  	[sflag:s5] =	ssyncset.done $0x0;
	s30 =	rddreg [dreg:$0x13]  }
0xad: {  	s15 =	rddreg [dreg:$0x9];
	[sflag:s5] =	ssyncadd.s32 $0xFFFFF800;
	s28 =	sshrl.u32 s30, $0x3  }
0xae: {  	[hbm:s15], [sflag:s23] =	dma.local [spmem:s28], $0x800  }
0xaf: {  	_ =	swait.ge [sflag:s5], $0x800  }
0xb0: {  	[sflag:s5] =	ssyncset.done $0x0;
	s25 =	rddreg [dreg:$0x14]  }
0xb1: {  	s30 =	rddreg [dreg:$0xa];
	[sflag:s5] =	ssyncadd.s32 $0xFFFFF800;
	s29 =	sshrl.u32 s25, $0x3  }
0xb2: {  	[hbm:s30], [sflag:s23] =	dma.local [spmem:s29], $0x800  }
0xb3: {  	_ =	swait.ge [sflag:s5], $0x800  }
0xb4: {  	[sflag:s5] =	ssyncset.done $0x0  }
0xb5: {  	[sflag:s5] =	ssyncadd.s32 $0xFFFFF800  }
0xb6: {  	s15 =	simm.s32 $0x0;
	s25 =	simm.s32 $0x200;
	[bflag:$0x0] =	sbarrier.arrive $0xFFFF  }
.LBB2_6:
0xb7: {  	p0 =	sne.s32 s25, $0x9E00;
	[tilespmem:s15+$0x168F0] =	vst v0  }
0xb8: {  	[tilespmem:s15+$0x16890] =	vst v1  }
.Ltmp2:
0xb9: {  	[tilespmem:s15+$0x168A0] =	vst v0;
	(pc) =	sbr.rel @p0 .LBB2_6-.Ltmp2, $4  }
0xba: {  	[tilespmem:s15+$0x168B0] =	vst v0  }
0xbb: {  	[tilespmem:s15+$0x168C0] =	vst v0  }
0xbc: {  	[tilespmem:s15+$0x168D0] =	vst v0  }
0xbd: {  	[tilespmem:s15+$0x168E0] =	vst v0;
	s15 =	sshra.s32 s25, $0x2;
	s25 =	sadd.s32 $0x200, s25  }
0xbe: {  	[tilespmem:s15+$0x168F0] =	vst v0  }
0xbf: {  	[tilespmem:s15+$0x16890] =	vst v1  }
0xc0: {  	[tilespmem:s15+$0x168A0] =	vst v0  }
0xc1: {  	[tilespmem:s15+$0x168B0] =	vst v0  }
0xc2: {  	[tilespmem:s15+$0x168C0] =	vst v0  }
0xc3: {  	[tilespmem:s15+$0x168D0] =	vst v0  }
0xc4: {  	[tilespmem:s15+$0x168E0] =	vst v0;
	s30 =	simm.s32 $0x0;
	s0 =	rddreg [dreg:$0x10]  }
0xc5: {  	[tilespmem:s20], [sflag:$0x3] =	stream.linear.gather [hbm4b:s0+s30], $0x500, $0x38;
	[tilespmem:$0x1C280] =	vst v63  }
0xc6: {  	s25 =	smov.u32 s31  }
0xc7: {  	[tilespmem:s7], [sflag:$0x1] =	stream.linear.gather [hbm4b:s3+s30], $0x50, $0x38;
	[tilespmem:$0x1C280] =	vst v63  }
.LBB2_8:
0xc8: {  	s15 =	sadd.s32 $0xFFFFFF60, s25  }
0xc9: {  	[tilespmem:s21], [sflag:$0x4] =	stream.linear.gather [hbm4b:s15+s18], $0x500, $0x38;
	[tilespmem:$0x1C280] =	vst v63  }
0xca: {  	s15 =	sadd.s32 s30, s17  }
0xcb: {  	s0 =	sadd.s32 $0xA, s15  }
0xcc: {  	[tilespmem:s9], [sflag:$0x2] =	stream.linear.gather [hbm4b:s0+s18], $0x50, $0x38;
	[tilespmem:$0x1C280] =	vst v63  }
0xcd: {  	_ =	swait.ge [sflag:s12], $0x50  }
0xce: {  	[sflag:s12] =	ssyncset.done $0x0  }
0xcf: {  	[sflag:s12] =	ssyncadd.s32 $0xFFFFFFB0  }
0xd0: {  	_ =	swait.ge [sflag:s11], $0x500  }
0xd1: {  	[sflag:s11] =	ssyncset.done $0x0  }
0xd2: {  	[sflag:s11] =	ssyncadd.s32 $0xFFFFFB00  }
0xd3: {  	v2 =	vld [tilespmem:$0x1B880]  }
0xd4: {  	v3 =	vld [tilespmem:$0x1B890]  }
0xd5: {  	v4 =	vld [tilespmem:$0x1B8A0]  }
0xd6: {  	v5 =	vld [tilespmem:$0x1B8B0]  }
0xd7: {  	v6 =	vld [tilespmem:$0x1B8C0]  }
0xd8: {  	v26 =	vld [tilespmem:$0x1B8F0];
	[tilespmem:$0x16880] =	vst v2  }
0xd9: {  	v27 =	vld [tilespmem:$0x1B900];
	[tilespmem:$0x16900] =	vst v3  }
0xda: {  	v28 =	vld [tilespmem:$0x1B910];
	[tilespmem:$0x16980] =	vst v4  }
0xdb: {  	v2 =	vld [tilespmem:$0x1B8D0];
	[tilespmem:$0x16A00] =	vst v5  }
0xdc: {  	v3 =	vld [tilespmem:$0x1B8E0];
	[tilespmem:$0x16A80] =	vst v6  }
0xdd: {  	v29 =	vld [tilespmem:$0x1B940];
	[tilespmem:$0x16C00] =	vst v26  }
0xde: {  	v30 =	vld [tilespmem:$0x1B950];
	[tilespmem:$0x16C80] =	vst v27  }
0xdf: {  	v31 =	vld [tilespmem:$0x1B960];
	[tilespmem:$0x16D00] =	vst v28  }
0xe0: {  	[tilespmem:$0x16B00] =	vst v2;
	v2 =	vld [tilespmem:$0x1B920]  }
0xe1: {  	[tilespmem:$0x16B80] =	vst v3;
	v3 =	vld [tilespmem:$0x1B930]  }
0xe2: {  	v32 =	vld [tilespmem:$0x1B990];
	[tilespmem:$0x16E80] =	vst v29  }
0xe3: {  	v33 =	vld [tilespmem:$0x1B9A0];
	[tilespmem:$0x16F00] =	vst v30  }
0xe4: {  	v34 =	vld [tilespmem:$0x1B9B0];
	[tilespmem:$0x16F80] =	vst v31  }
0xe5: {  	[tilespmem:$0x16D80] =	vst v2;
	v2 =	vld [tilespmem:$0x1B970]  }
0xe6: {  	[tilespmem:$0x16E00] =	vst v3;
	v3 =	vld [tilespmem:$0x1B980]  }
0xe7: {  	v35 =	vld [tilespmem:$0x1B9E0];
	[tilespmem:$0x17100] =	vst v32  }
0xe8: {  	v36 =	vld [tilespmem:$0x1B9F0];
	[tilespmem:$0x17180] =	vst v33  }
0xe9: {  	v37 =	vld [tilespmem:$0x1BA00];
	[tilespmem:$0x17200] =	vst v34  }
0xea: {  	[tilespmem:$0x17000] =	vst v2;
	v2 =	vld [tilespmem:$0x1B9C0]  }
0xeb: {  	[tilespmem:$0x17080] =	vst v3;
	v3 =	vld [tilespmem:$0x1B9D0]  }
0xec: {  	v38 =	vld [tilespmem:$0x1BA30];
	[tilespmem:$0x17380] =	vst v35  }
0xed: {  	v39 =	vld [tilespmem:$0x1BA40];
	[tilespmem:$0x17400] =	vst v36  }
0xee: {  	v40 =	vld [tilespmem:$0x1BA50];
	[tilespmem:$0x17480] =	vst v37  }
0xef: {  	[tilespmem:$0x17280] =	vst v2;
	v2 =	vld [tilespmem:$0x1BA10]  }
0xf0: {  	[tilespmem:$0x17300] =	vst v3;
	v3 =	vld [tilespmem:$0x1BA20]  }
0xf1: {  	v41 =	vld [tilespmem:$0x1BA80];
	[tilespmem:$0x17600] =	vst v38  }
0xf2: {  	v42 =	vld [tilespmem:$0x1BA90];
	[tilespmem:$0x17680] =	vst v39  }
0xf3: {  	v43 =	vld [tilespmem:$0x1BAA0];
	[tilespmem:$0x17700] =	vst v40  }
0xf4: {  	[tilespmem:$0x17500] =	vst v2;
	v2 =	vld [tilespmem:$0x1BA60]  }
0xf5: {  	[tilespmem:$0x17580] =	vst v3;
	v3 =	vld [tilespmem:$0x1BA70]  }
0xf6: {  	v44 =	vld [tilespmem:$0x1BAD0];
	[tilespmem:$0x17880] =	vst v41  }
0xf7: {  	v45 =	vld [tilespmem:$0x1BAE0];
	[tilespmem:$0x17900] =	vst v42  }
0xf8: {  	v46 =	vld [tilespmem:$0x1BAF0];
	[tilespmem:$0x17980] =	vst v43  }
0xf9: {  	[tilespmem:$0x17780] =	vst v2;
	v2 =	vld [tilespmem:$0x1BAB0]  }
0xfa: {  	[tilespmem:$0x17800] =	vst v3;
	v3 =	vld [tilespmem:$0x1BAC0]  }
0xfb: {  	v47 =	vld [tilespmem:$0x1BB20];
	[tilespmem:$0x17B00] =	vst v44  }
0xfc: {  	v48 =	vld [tilespmem:$0x1BB30];
	[tilespmem:$0x17B80] =	vst v45  }
0xfd: {  	v49 =	vld [tilespmem:$0x1BB40];
	[tilespmem:$0x17C00] =	vst v46  }
0xfe: {  	[tilespmem:$0x17A00] =	vst v2;
	v2 =	vld [tilespmem:$0x1BB00]  }
0xff: {  	[tilespmem:$0x17A80] =	vst v3;
	v3 =	vld [tilespmem:$0x1BB10]  }
0x100: {  	v50 =	vld [tilespmem:$0x1BB70];
	[tilespmem:$0x17D80] =	vst v47  }
0x101: {  	v51 =	vld [tilespmem:$0x1BB80];
	[tilespmem:$0x17E00] =	vst v48  }
0x102: {  	v52 =	vld [tilespmem:$0x1BB90];
	[tilespmem:$0x17E80] =	vst v49  }
0x103: {  	[tilespmem:$0x17C80] =	vst v2;
	v2 =	vld [tilespmem:$0x1BB50]  }
0x104: {  	[tilespmem:$0x17D00] =	vst v3;
	v3 =	vld [tilespmem:$0x1BB60]  }
0x105: {  	v53 =	vld [tilespmem:$0x1BBC0];
	[tilespmem:$0x18000] =	vst v50  }
0x106: {  	v54 =	vld [tilespmem:$0x1BBD0];
	[tilespmem:$0x18080] =	vst v51  }
0x107: {  	v55 =	vld [tilespmem:$0x1BBE0];
	[tilespmem:$0x18100] =	vst v52  }
0x108: {  	[tilespmem:$0x17F00] =	vst v2;
	v2 =	vld [tilespmem:$0x1BBA0]  }
0x109: {  	[tilespmem:$0x17F80] =	vst v3;
	v3 =	vld [tilespmem:$0x1BBB0]  }
0x10a: {  	v56 =	vld [tilespmem:$0x1BC10];
	[tilespmem:$0x18280] =	vst v53  }
0x10b: {  	v57 =	vld [tilespmem:$0x1BC20];
	[tilespmem:$0x18300] =	vst v54  }
0x10c: {  	v58 =	vld [tilespmem:$0x1BC30];
	[tilespmem:$0x18380] =	vst v55  }
0x10d: {  	[tilespmem:$0x18180] =	vst v2;
	v2 =	vld [tilespmem:$0x1BBF0]  }
0x10e: {  	[tilespmem:$0x18200] =	vst v3;
	v3 =	vld [tilespmem:$0x1BC00]  }
0x10f: {  	v59 =	vld [tilespmem:$0x1BC60];
	[tilespmem:$0x18500] =	vst v56  }
0x110: {  	v60 =	vld [tilespmem:$0x1BC70];
	[tilespmem:$0x18580] =	vst v57  }
0x111: {  	v61 =	vld [tilespmem:$0x1BC80];
	[tilespmem:$0x18600] =	vst v58  }
0x112: {  	[tilespmem:$0x18400] =	vst v2;
	v2 =	vld [tilespmem:$0x1BC40]  }
0x113: {  	[tilespmem:$0x18480] =	vst v3;
	v3 =	vld [tilespmem:$0x1BC50]  }
0x114: {  	v62 =	vld [tilespmem:$0x1BCB0];
	[tilespmem:$0x18780] =	vst v59  }
0x115: {  	v63 =	vld [tilespmem:$0x1BCC0];
	[tilespmem:$0x18800] =	vst v60  }
0x116: {  	v9 =	vld [tilespmem:$0x1BCD0];
	[tilespmem:$0x18880] =	vst v61  }
0x117: {  	[tilespmem:$0x18680] =	vst v2;
	v2 =	vld [tilespmem:$0x1BC90]  }
0x118: {  	[tilespmem:$0x18700] =	vst v3;
	v3 =	vld [tilespmem:$0x1BCA0]  }
0x119: {  	v10 =	vld [tilespmem:$0x1BD00];
	[tilespmem:$0x18A00] =	vst v62  }
0x11a: {  	v11 =	vld [tilespmem:$0x1BD10];
	[tilespmem:$0x18A80] =	vst v63  }
0x11b: {  	v12 =	vld [tilespmem:$0x1BD20];
	[tilespmem:$0x18B00] =	vst v9  }
0x11c: {  	[tilespmem:$0x18900] =	vst v2;
	v2 =	vld [tilespmem:$0x1BCE0]  }
0x11d: {  	[tilespmem:$0x18980] =	vst v3;
	v3 =	vld [tilespmem:$0x1BCF0]  }
0x11e: {  	v13 =	vld [tilespmem:$0x1BD50];
	[tilespmem:$0x18C80] =	vst v10  }
0x11f: {  	v14 =	vld [tilespmem:$0x1BD60];
	[tilespmem:$0x18D00] =	vst v11  }
0x120: {  	v15 =	vld [tilespmem:$0x1BD70];
	[tilespmem:$0x18D80] =	vst v12  }
0x121: {  	[tilespmem:$0x18B80] =	vst v2;
	v2 =	vld [tilespmem:$0x1BD30]  }
0x122: {  	[tilespmem:$0x18C00] =	vst v3;
	v3 =	vld [tilespmem:$0x1BD40]  }
0x123: {  	[tilespmem:$0x18F00] =	vst v13  }
0x124: {  	[tilespmem:$0x18F80] =	vst v14  }
0x125: {  	[tilespmem:$0x19000] =	vst v15  }
0x126: {  	[tilespmem:$0x18E00] =	vst v2  }
0x127: {  	[tilespmem:$0x18E80] =	vst v3  }
0x128: {  	[spmem:s14] =	stream.indirect.scatter.add.f32 [tilespmem:s4], [sflag:$0x5], $0x80, s7, s8, $0xb8;
	[tilespmem:$0x1C280] =	vst v63  }
0x129: {  	_ =	swait.ge [sflag:s5], $0x2800  }
0x12a: {  	[sflag:s5] =	ssyncset.done $0x0  }
0x12b: {  	[sflag:s5] =	ssyncadd.s32 $0xFFFFD800  }
0x12c: {  	[tilespmem:s20], [sflag:$0x3] =	stream.linear.gather [hbm4b:s25+s18], $0x500, $0x38;
	[tilespmem:$0x1C280] =	vst v63  }
0x12d: {  	s15 =	sadd.s32 $0x14, s15  }
0x12e: {  	[tilespmem:s7], [sflag:$0x1] =	stream.linear.gather [hbm4b:s15+s18], $0x50, $0x38;
	[tilespmem:$0x1C280] =	vst v63  }
0x12f: {  	_ =	swait.ge [sflag:s16], $0x50  }
0x130: {  	[sflag:s16] =	ssyncset.done $0x0  }
0x131: {  	[sflag:s16] =	ssyncadd.s32 $0xFFFFFFB0  }
0x132: {  	_ =	swait.ge [sflag:s13], $0x500  }
0x133: {  	[sflag:s13] =	ssyncset.done $0x0  }
0x134: {  	[sflag:s13] =	ssyncadd.s32 $0xFFFFFB00  }
0x135: {  	v2 =	vld [tilespmem:$0x1BD80]  }
0x136: {  	v3 =	vld [tilespmem:$0x1BD90]  }
0x137: {  	v16 =	vld [tilespmem:$0x1BDA0]  }
0x138: {  	v17 =	vld [tilespmem:$0x1BDB0]  }
0x139: {  	v18 =	vld [tilespmem:$0x1BDC0]  }
0x13a: {  	v19 =	vld [tilespmem:$0x1BDF0];
	[tilespmem:$0x16880] =	vst v2  }
0x13b: {  	v20 =	vld [tilespmem:$0x1BE00];
	[tilespmem:$0x16900] =	vst v3  }
0x13c: {  	v21 =	vld [tilespmem:$0x1BE10];
	[tilespmem:$0x16980] =	vst v16  }
0x13d: {  	v2 =	vld [tilespmem:$0x1BDD0];
	[tilespmem:$0x16A00] =	vst v17  }
0x13e: {  	v3 =	vld [tilespmem:$0x1BDE0];
	[tilespmem:$0x16A80] =	vst v18  }
0x13f: {  	v22 =	vld [tilespmem:$0x1BE40];
	[tilespmem:$0x16C00] =	vst v19  }
0x140: {  	v23 =	vld [tilespmem:$0x1BE50];
	[tilespmem:$0x16C80] =	vst v20  }
0x141: {  	v24 =	vld [tilespmem:$0x1BE60];
	[tilespmem:$0x16D00] =	vst v21  }
0x142: {  	[tilespmem:$0x16B00] =	vst v2;
	v2 =	vld [tilespmem:$0x1BE20]  }
0x143: {  	[tilespmem:$0x16B80] =	vst v3;
	v3 =	vld [tilespmem:$0x1BE30]  }
0x144: {  	v25 =	vld [tilespmem:$0x1BE90];
	[tilespmem:$0x16E80] =	vst v22  }
0x145: {  	v26 =	vld [tilespmem:$0x1BEA0];
	[tilespmem:$0x16F00] =	vst v23  }
0x146: {  	v27 =	vld [tilespmem:$0x1BEB0];
	[tilespmem:$0x16F80] =	vst v24  }
0x147: {  	[tilespmem:$0x16D80] =	vst v2;
	v2 =	vld [tilespmem:$0x1BE70]  }
0x148: {  	[tilespmem:$0x16E00] =	vst v3;
	v3 =	vld [tilespmem:$0x1BE80]  }
0x149: {  	v28 =	vld [tilespmem:$0x1BEE0];
	[tilespmem:$0x17100] =	vst v25  }
0x14a: {  	v29 =	vld [tilespmem:$0x1BEF0];
	[tilespmem:$0x17180] =	vst v26  }
0x14b: {  	v30 =	vld [tilespmem:$0x1BF00];
	[tilespmem:$0x17200] =	vst v27  }
0x14c: {  	[tilespmem:$0x17000] =	vst v2;
	v2 =	vld [tilespmem:$0x1BEC0]  }
0x14d: {  	[tilespmem:$0x17080] =	vst v3;
	v3 =	vld [tilespmem:$0x1BED0]  }
0x14e: {  	v31 =	vld [tilespmem:$0x1BF30];
	[tilespmem:$0x17380] =	vst v28  }
0x14f: {  	v32 =	vld [tilespmem:$0x1BF40];
	[tilespmem:$0x17400] =	vst v29  }
0x150: {  	v33 =	vld [tilespmem:$0x1BF50];
	[tilespmem:$0x17480] =	vst v30  }
0x151: {  	[tilespmem:$0x17280] =	vst v2;
	v2 =	vld [tilespmem:$0x1BF10]  }
0x152: {  	[tilespmem:$0x17300] =	vst v3;
	v3 =	vld [tilespmem:$0x1BF20]  }
0x153: {  	v34 =	vld [tilespmem:$0x1BF80];
	[tilespmem:$0x17600] =	vst v31  }
0x154: {  	v35 =	vld [tilespmem:$0x1BF90];
	[tilespmem:$0x17680] =	vst v32  }
0x155: {  	v36 =	vld [tilespmem:$0x1BFA0];
	[tilespmem:$0x17700] =	vst v33  }
0x156: {  	[tilespmem:$0x17500] =	vst v2;
	v2 =	vld [tilespmem:$0x1BF60]  }
0x157: {  	[tilespmem:$0x17580] =	vst v3;
	v3 =	vld [tilespmem:$0x1BF70]  }
0x158: {  	v37 =	vld [tilespmem:$0x1BFD0];
	[tilespmem:$0x17880] =	vst v34  }
0x159: {  	v38 =	vld [tilespmem:$0x1BFE0];
	[tilespmem:$0x17900] =	vst v35  }
0x15a: {  	v39 =	vld [tilespmem:$0x1BFF0];
	[tilespmem:$0x17980] =	vst v36  }
0x15b: {  	[tilespmem:$0x17780] =	vst v2;
	v2 =	vld [tilespmem:$0x1BFB0]  }
0x15c: {  	[tilespmem:$0x17800] =	vst v3;
	v3 =	vld [tilespmem:$0x1BFC0]  }
0x15d: {  	v40 =	vld [tilespmem:$0x1C020];
	[tilespmem:$0x17B00] =	vst v37  }
0x15e: {  	v41 =	vld [tilespmem:$0x1C030];
	[tilespmem:$0x17B80] =	vst v38  }
0x15f: {  	v42 =	vld [tilespmem:$0x1C040];
	[tilespmem:$0x17C00] =	vst v39  }
0x160: {  	[tilespmem:$0x17A00] =	vst v2;
	v2 =	vld [tilespmem:$0x1C000]  }
0x161: {  	[tilespmem:$0x17A80] =	vst v3;
	v3 =	vld [tilespmem:$0x1C010]  }
0x162: {  	v43 =	vld [tilespmem:$0x1C070];
	[tilespmem:$0x17D80] =	vst v40  }
0x163: {  	v44 =	vld [tilespmem:$0x1C080];
	[tilespmem:$0x17E00] =	vst v41  }
0x164: {  	v45 =	vld [tilespmem:$0x1C090];
	[tilespmem:$0x17E80] =	vst v42  }
0x165: {  	[tilespmem:$0x17C80] =	vst v2;
	v2 =	vld [tilespmem:$0x1C050]  }
0x166: {  	[tilespmem:$0x17D00] =	vst v3;
	v3 =	vld [tilespmem:$0x1C060]  }
0x167: {  	v46 =	vld [tilespmem:$0x1C0C0];
	[tilespmem:$0x18000] =	vst v43  }
0x168: {  	v47 =	vld [tilespmem:$0x1C0D0];
	[tilespmem:$0x18080] =	vst v44  }
0x169: {  	v48 =	vld [tilespmem:$0x1C0E0];
	[tilespmem:$0x18100] =	vst v45  }
0x16a: {  	[tilespmem:$0x17F00] =	vst v2;
	v2 =	vld [tilespmem:$0x1C0A0]  }
0x16b: {  	[tilespmem:$0x17F80] =	vst v3;
	v3 =	vld [tilespmem:$0x1C0B0]  }
0x16c: {  	v49 =	vld [tilespmem:$0x1C110];
	[tilespmem:$0x18280] =	vst v46  }
0x16d: {  	v50 =	vld [tilespmem:$0x1C120];
	[tilespmem:$0x18300] =	vst v47  }
0x16e: {  	v51 =	vld [tilespmem:$0x1C130];
	[tilespmem:$0x18380] =	vst v48  }
0x16f: {  	[tilespmem:$0x18180] =	vst v2;
	v2 =	vld [tilespmem:$0x1C0F0]  }
0x170: {  	[tilespmem:$0x18200] =	vst v3;
	v3 =	vld [tilespmem:$0x1C100]  }
0x171: {  	v52 =	vld [tilespmem:$0x1C160];
	[tilespmem:$0x18500] =	vst v49  }
0x172: {  	v53 =	vld [tilespmem:$0x1C170];
	[tilespmem:$0x18580] =	vst v50  }
0x173: {  	v54 =	vld [tilespmem:$0x1C180];
	[tilespmem:$0x18600] =	vst v51  }
0x174: {  	[tilespmem:$0x18400] =	vst v2;
	v2 =	vld [tilespmem:$0x1C140]  }
0x175: {  	[tilespmem:$0x18480] =	vst v3;
	v3 =	vld [tilespmem:$0x1C150]  }
0x176: {  	v55 =	vld [tilespmem:$0x1C1B0];
	[tilespmem:$0x18780] =	vst v52  }
0x177: {  	v56 =	vld [tilespmem:$0x1C1C0];
	[tilespmem:$0x18800] =	vst v53  }
0x178: {  	v57 =	vld [tilespmem:$0x1C1D0];
	[tilespmem:$0x18880] =	vst v54  }
0x179: {  	[tilespmem:$0x18680] =	vst v2;
	v2 =	vld [tilespmem:$0x1C190]  }
0x17a: {  	[tilespmem:$0x18700] =	vst v3;
	v3 =	vld [tilespmem:$0x1C1A0]  }
0x17b: {  	v58 =	vld [tilespmem:$0x1C200];
	[tilespmem:$0x18A00] =	vst v55  }
0x17c: {  	v59 =	vld [tilespmem:$0x1C210];
	[tilespmem:$0x18A80] =	vst v56  }
0x17d: {  	v60 =	vld [tilespmem:$0x1C220];
	[tilespmem:$0x18B00] =	vst v57  }
0x17e: {  	[tilespmem:$0x18900] =	vst v2;
	v2 =	vld [tilespmem:$0x1C1E0]  }
0x17f: {  	[tilespmem:$0x18980] =	vst v3;
	v3 =	vld [tilespmem:$0x1C1F0]  }
0x180: {  	v61 =	vld [tilespmem:$0x1C250];
	[tilespmem:$0x18C80] =	vst v58  }
0x181: {  	v62 =	vld [tilespmem:$0x1C260];
	[tilespmem:$0x18D00] =	vst v59  }
0x182: {  	v63 =	vld [tilespmem:$0x1C270];
	[tilespmem:$0x18D80] =	vst v60  }
0x183: {  	[tilespmem:$0x18B80] =	vst v2;
	v2 =	vld [tilespmem:$0x1C230]  }
0x184: {  	[tilespmem:$0x18C00] =	vst v3;
	v3 =	vld [tilespmem:$0x1C240]  }
0x185: {  	[tilespmem:$0x18F00] =	vst v61  }
0x186: {  	[tilespmem:$0x18F80] =	vst v62  }
0x187: {  	[tilespmem:$0x19000] =	vst v63  }
0x188: {  	p0 =	sne.s32 s30, $0x4C4;
	[tilespmem:$0x18E00] =	vst v2  }
.Ltmp3:
0x189: {  	[tilespmem:$0x18E80] =	vst v3;
	(pc) =	sbr.rel @p0 .LBB2_8-.Ltmp3, $4  }
0x18a: {  	[spmem:s14] =	stream.indirect.scatter.add.f32 [tilespmem:s4], [sflag:$0x5], $0x80, s9, s8, $0xb8;
	[tilespmem:$0x1C280] =	vst v63  }
0x18b: {  	_ =	swait.ge [sflag:s5], $0x2800  }
0x18c: {  	[sflag:s5] =	ssyncset.done $0x0  }
0x18d: {  	s30 =	sadd.s32 $0x14, s30;
	s25 =	sadd.s32 $0x140, s25;
	[sflag:s5] =	ssyncadd.s32 $0xFFFFD800  }
0x18e: {  	_ =	swait.ge [sflag:s12], $0x50  }
0x18f: {  	[sflag:s12] =	ssyncset.done $0x0  }
0x190: {  	[sflag:s12] =	ssyncadd.s32 $0xFFFFFFB0  }
0x191: {  	_ =	swait.ge [sflag:s11], $0x500  }
0x192: {  	[sflag:s11] =	ssyncset.done $0x0  }
0x193: {  	[sflag:s11] =	ssyncadd.s32 $0xFFFFFB00  }
0x194: {  	v2 =	vld [tilespmem:$0x1B880]  }
0x195: {  	v3 =	vld [tilespmem:$0x1B890]  }
0x196: {  	v4 =	vld [tilespmem:$0x1B8A0]  }
0x197: {  	v5 =	vld [tilespmem:$0x1B8B0]  }
0x198: {  	v6 =	vld [tilespmem:$0x1B8C0]  }
0x199: {  	v19 =	vld [tilespmem:$0x1B8F0];
	[tilespmem:$0x16880] =	vst v2  }
0x19a: {  	v20 =	vld [tilespmem:$0x1B900];
	[tilespmem:$0x16900] =	vst v3  }
0x19b: {  	v21 =	vld [tilespmem:$0x1B910];
	[tilespmem:$0x16980] =	vst v4  }
0x19c: {  	v2 =	vld [tilespmem:$0x1B8D0];
	[tilespmem:$0x16A00] =	vst v5  }
0x19d: {  	v3 =	vld [tilespmem:$0x1B8E0];
	[tilespmem:$0x16A80] =	vst v6  }
0x19e: {  	v22 =	vld [tilespmem:$0x1B940];
	[tilespmem:$0x16C00] =	vst v19  }
0x19f: {  	v23 =	vld [tilespmem:$0x1B950];
	[tilespmem:$0x16C80] =	vst v20  }
0x1a0: {  	v24 =	vld [tilespmem:$0x1B960];
	[tilespmem:$0x16D00] =	vst v21  }
0x1a1: {  	[tilespmem:$0x16B00] =	vst v2;
	v2 =	vld [tilespmem:$0x1B920]  }
0x1a2: {  	[tilespmem:$0x16B80] =	vst v3;
	v3 =	vld [tilespmem:$0x1B930]  }
0x1a3: {  	v25 =	vld [tilespmem:$0x1B990];
	[tilespmem:$0x16E80] =	vst v22  }
0x1a4: {  	v26 =	vld [tilespmem:$0x1B9A0];
	[tilespmem:$0x16F00] =	vst v23  }
0x1a5: {  	v27 =	vld [tilespmem:$0x1B9B0];
	[tilespmem:$0x16F80] =	vst v24  }
0x1a6: {  	[tilespmem:$0x16D80] =	vst v2;
	v2 =	vld [tilespmem:$0x1B970]  }
0x1a7: {  	[tilespmem:$0x16E00] =	vst v3;
	v3 =	vld [tilespmem:$0x1B980]  }
0x1a8: {  	v28 =	vld [tilespmem:$0x1B9E0];
	[tilespmem:$0x17100] =	vst v25  }
0x1a9: {  	v29 =	vld [tilespmem:$0x1B9F0];
	[tilespmem:$0x17180] =	vst v26  }
0x1aa: {  	v30 =	vld [tilespmem:$0x1BA00];
	[tilespmem:$0x17200] =	vst v27  }
0x1ab: {  	[tilespmem:$0x17000] =	vst v2;
	v2 =	vld [tilespmem:$0x1B9C0]  }
0x1ac: {  	[tilespmem:$0x17080] =	vst v3;
	v3 =	vld [tilespmem:$0x1B9D0]  }
0x1ad: {  	v31 =	vld [tilespmem:$0x1BA30];
	[tilespmem:$0x17380] =	vst v28  }
0x1ae: {  	v32 =	vld [tilespmem:$0x1BA40];
	[tilespmem:$0x17400] =	vst v29  }
0x1af: {  	v33 =	vld [tilespmem:$0x1BA50];
	[tilespmem:$0x17480] =	vst v30  }
0x1b0: {  	[tilespmem:$0x17280] =	vst v2;
	v2 =	vld [tilespmem:$0x1BA10]  }
0x1b1: {  	[tilespmem:$0x17300] =	vst v3;
	v3 =	vld [tilespmem:$0x1BA20]  }
0x1b2: {  	v34 =	vld [tilespmem:$0x1BA80];
	[tilespmem:$0x17600] =	vst v31  }
0x1b3: {  	v35 =	vld [tilespmem:$0x1BA90];
	[tilespmem:$0x17680] =	vst v32  }
0x1b4: {  	v36 =	vld [tilespmem:$0x1BAA0];
	[tilespmem:$0x17700] =	vst v33  }
0x1b5: {  	[tilespmem:$0x17500] =	vst v2;
	v2 =	vld [tilespmem:$0x1BA60]  }
0x1b6: {  	[tilespmem:$0x17580] =	vst v3;
	v3 =	vld [tilespmem:$0x1BA70]  }
0x1b7: {  	v37 =	vld [tilespmem:$0x1BAD0];
	[tilespmem:$0x17880] =	vst v34  }
0x1b8: {  	v38 =	vld [tilespmem:$0x1BAE0];
	[tilespmem:$0x17900] =	vst v35  }
0x1b9: {  	v39 =	vld [tilespmem:$0x1BAF0];
	[tilespmem:$0x17980] =	vst v36  }
0x1ba: {  	[tilespmem:$0x17780] =	vst v2;
	v2 =	vld [tilespmem:$0x1BAB0]  }
0x1bb: {  	[tilespmem:$0x17800] =	vst v3;
	v3 =	vld [tilespmem:$0x1BAC0]  }
0x1bc: {  	v40 =	vld [tilespmem:$0x1BB20];
	[tilespmem:$0x17B00] =	vst v37  }
0x1bd: {  	v41 =	vld [tilespmem:$0x1BB30];
	[tilespmem:$0x17B80] =	vst v38  }
0x1be: {  	v42 =	vld [tilespmem:$0x1BB40];
	[tilespmem:$0x17C00] =	vst v39  }
0x1bf: {  	[tilespmem:$0x17A00] =	vst v2;
	v2 =	vld [tilespmem:$0x1BB00]  }
0x1c0: {  	[tilespmem:$0x17A80] =	vst v3;
	v3 =	vld [tilespmem:$0x1BB10]  }
0x1c1: {  	v43 =	vld [tilespmem:$0x1BB70];
	[tilespmem:$0x17D80] =	vst v40  }
0x1c2: {  	v44 =	vld [tilespmem:$0x1BB80];
	[tilespmem:$0x17E00] =	vst v41  }
0x1c3: {  	v45 =	vld [tilespmem:$0x1BB90];
	[tilespmem:$0x17E80] =	vst v42  }
0x1c4: {  	[tilespmem:$0x17C80] =	vst v2;
	v2 =	vld [tilespmem:$0x1BB50]  }
0x1c5: {  	[tilespmem:$0x17D00] =	vst v3;
	v3 =	vld [tilespmem:$0x1BB60]  }
0x1c6: {  	v46 =	vld [tilespmem:$0x1BBC0];
	[tilespmem:$0x18000] =	vst v43  }
0x1c7: {  	v47 =	vld [tilespmem:$0x1BBD0];
	[tilespmem:$0x18080] =	vst v44  }
0x1c8: {  	v48 =	vld [tilespmem:$0x1BBE0];
	[tilespmem:$0x18100] =	vst v45  }
0x1c9: {  	[tilespmem:$0x17F00] =	vst v2;
	v2 =	vld [tilespmem:$0x1BBA0]  }
0x1ca: {  	[tilespmem:$0x17F80] =	vst v3;
	v3 =	vld [tilespmem:$0x1BBB0]  }
0x1cb: {  	v49 =	vld [tilespmem:$0x1BC10];
	[tilespmem:$0x18280] =	vst v46  }
0x1cc: {  	v50 =	vld [tilespmem:$0x1BC20];
	[tilespmem:$0x18300] =	vst v47  }
0x1cd: {  	v51 =	vld [tilespmem:$0x1BC30];
	[tilespmem:$0x18380] =	vst v48  }
0x1ce: {  	[tilespmem:$0x18180] =	vst v2;
	v2 =	vld [tilespmem:$0x1BBF0]  }
0x1cf: {  	[tilespmem:$0x18200] =	vst v3;
	v3 =	vld [tilespmem:$0x1BC00]  }
0x1d0: {  	v52 =	vld [tilespmem:$0x1BC60];
	[tilespmem:$0x18500] =	vst v49  }
0x1d1: {  	v53 =	vld [tilespmem:$0x1BC70];
	[tilespmem:$0x18580] =	vst v50  }
0x1d2: {  	v54 =	vld [tilespmem:$0x1BC80];
	[tilespmem:$0x18600] =	vst v51  }
0x1d3: {  	[tilespmem:$0x18400] =	vst v2;
	v2 =	vld [tilespmem:$0x1BC40]  }
0x1d4: {  	[tilespmem:$0x18480] =	vst v3;
	v3 =	vld [tilespmem:$0x1BC50]  }
0x1d5: {  	v55 =	vld [tilespmem:$0x1BCB0];
	[tilespmem:$0x18780] =	vst v52  }
0x1d6: {  	v56 =	vld [tilespmem:$0x1BCC0];
	[tilespmem:$0x18800] =	vst v53  }
0x1d7: {  	v57 =	vld [tilespmem:$0x1BCD0];
	[tilespmem:$0x18880] =	vst v54  }
0x1d8: {  	[tilespmem:$0x18680] =	vst v2;
	v2 =	vld [tilespmem:$0x1BC90]  }
0x1d9: {  	[tilespmem:$0x18700] =	vst v3;
	v3 =	vld [tilespmem:$0x1BCA0]  }
0x1da: {  	v58 =	vld [tilespmem:$0x1BD00];
	[tilespmem:$0x18A00] =	vst v55  }
0x1db: {  	v59 =	vld [tilespmem:$0x1BD10];
	[tilespmem:$0x18A80] =	vst v56  }
0x1dc: {  	v60 =	vld [tilespmem:$0x1BD20];
	[tilespmem:$0x18B00] =	vst v57  }
0x1dd: {  	[tilespmem:$0x18900] =	vst v2;
	v2 =	vld [tilespmem:$0x1BCE0]  }
0x1de: {  	[tilespmem:$0x18980] =	vst v3;
	v3 =	vld [tilespmem:$0x1BCF0]  }
0x1df: {  	v61 =	vld [tilespmem:$0x1BD50];
	[tilespmem:$0x18C80] =	vst v58  }
0x1e0: {  	v62 =	vld [tilespmem:$0x1BD60];
	[tilespmem:$0x18D00] =	vst v59  }
0x1e1: {  	v63 =	vld [tilespmem:$0x1BD70];
	[tilespmem:$0x18D80] =	vst v60  }
0x1e2: {  	[tilespmem:$0x18B80] =	vst v2;
	v2 =	vld [tilespmem:$0x1BD30]  }
0x1e3: {  	[tilespmem:$0x18C00] =	vst v3;
	v3 =	vld [tilespmem:$0x1BD40]  }
0x1e4: {  	[tilespmem:$0x18F00] =	vst v61  }
0x1e5: {  	[tilespmem:$0x18F80] =	vst v62  }
0x1e6: {  	[tilespmem:$0x19000] =	vst v63  }
0x1e7: {  	[tilespmem:$0x18E00] =	vst v2  }
0x1e8: {  	[tilespmem:$0x18E80] =	vst v3  }
0x1e9: {  	[spmem:s14] =	stream.indirect.scatter.add.f32 [tilespmem:s4], [sflag:$0x5], $0x80, s7, s8, $0xb8;
	[tilespmem:$0x1C280] =	vst v63  }
0x1ea: {  	_ =	swait.ge [sflag:s5], $0x2800  }
0x1eb: {  	[sflag:s5] =	ssyncset.done $0x0  }
0x1ec: {  	[sflag:s5] =	ssyncadd.s32 $0xFFFFD800  }
0x1ed: {  	[bflag:$0x0] =	sbarrier.arrive $0xFFFF  }
0x1ee: {  	s0 =	rddreg [dreg:$0xb]  }
0x1ef: {  	[hbm:s0], [sflag:s23] =	dma.local [spmem:s6], $0x800  }
0x1f0: {  	_ =	swait.ge [sflag:s5], $0x800  }
0x1f1: {  	[sflag:s5] =	ssyncset.done $0x0  }
0x1f2: {  	s15 =	rddreg [dreg:$0xc];
	[sflag:s5] =	ssyncadd.s32 $0xFFFFF800  }
0x1f3: {  	[hbm:s15], [sflag:s23] =	dma.local [spmem:s24], $0x800  }
0x1f4: {  	_ =	swait.ge [sflag:s5], $0x800  }
0x1f5: {  	[sflag:s5] =	ssyncset.done $0x0  }
0x1f6: {  	s25 =	rddreg [dreg:$0xd];
	[sflag:s5] =	ssyncadd.s32 $0xFFFFF800  }
0x1f7: {  	[hbm:s25], [sflag:s23] =	dma.local [spmem:s26], $0x800  }
0x1f8: {  	_ =	swait.ge [sflag:s5], $0x800  }
0x1f9: {  	[sflag:s5] =	ssyncset.done $0x0  }
0x1fa: {  	s26 =	rddreg [dreg:$0xe];
	[sflag:s5] =	ssyncadd.s32 $0xFFFFF800  }
0x1fb: {  	[hbm:s26], [sflag:s23] =	dma.local [spmem:s28], $0x800  }
0x1fc: {  	_ =	swait.ge [sflag:s5], $0x800  }
0x1fd: {  	[sflag:s5] =	ssyncset.done $0x0  }
0x1fe: {  	s28 =	rddreg [dreg:$0xf];
	[sflag:s5] =	ssyncadd.s32 $0xFFFFF800  }
0x1ff: {  	[hbm:s28], [sflag:s23] =	dma.local [spmem:s29], $0x800  }
0x200: {  	_ =	swait.ge [sflag:s5], $0x800  }
0x201: {  	s22 =	sadd.s32 $0x1, s22;
	s30 =	rddreg [dreg:$0x15]  }
0x202: {  	p0 =	sne.s32 s22, s30  }
.Ltmp4:
0x203: {  	_ = 	snop;
	(pc) =	sbr.rel @p0 .LBB2_1-.Ltmp4, $3  }
0x204: {  	_ =	sdelay $0x1  }
0x205: {  	[sflag:s5] =	ssyncset.done $0x0  }
0x206: {  	[sflag:s5] =	ssyncadd.s32 $0xFFFFF800  }
0x207: {  	_ =	sfence.sel $0x180000  }
0x208: {  	[bflag:$0x0] =	sbarrier.arrive $0xFFFF  }
0x209: {  	_ =	strace $0x90000047  }
0x20a: {  	s0 =	stileid.u32;
	[bflag:$0x2] =	sbarrier.arrive $0xFFFF  }
0x20b: {  	p0 =	sne.s32 s0, $0x0;
	s0 =	rddreg [dreg:$0x4]  }
0x20c: {  	s0 =	sadd.s32 @!p0 $0x100000, s0  }
0x20d: {  	[sflag:s0] =	ssyncadd.tile.s32 @!p0 $0x1;
	_ =	shalt  }
.Lfunc_end2:
_tile_overlayer_lowered:
.L_overlay_start_2:
0x20e: {  	(tag) =	ssettag $0x2  }
0x20f: {  	s0 =	rddreg [dreg:$0x0];
	s2 =	stileid.u32  }
0x210: {  	s1 =	rddreg [dreg:$0x1];
	p0 =	sne.s32 s2, $0x0  }
0x211: {  	s3 =	rddreg [dreg:$0x2];
	[bflag:$0x3] =	sbarrier.arrive $0xFFFF;
	s2 =	simm.s32 @!p0 $0x1C05  }
0x212: {  	[timem:s3], [sflag:s2] =	dma.local @!p0 [hbm:s0], s1  }
0x213: {  	s0 =	simm.s32 @!p0 $0x5  }
0x214: {  	_ =	swait.ge @!p0 [sflag:s0], s1  }
0x215: {  	s1 =	ssub.s32 @!p0 $0x0, s1;
	[sflag:s0] =	ssyncset.done @!p0 $0x0  }
0x216: {  	[sflag:s0] =	ssyncadd.s32 @!p0 s1  }
0x217: {  	[bflag:$0x3] =	sbarrier.arrive $0xFFFF  }
0x218: {  	_ =	shalt  }

</sc_bundles>
